<compile_context>
chip_gen: v7x
topology: tpu7x:2x2x1
jax: 0.10.2.dev20260603
libtpu: 0.0.44.dev20260713+nightly
codegen_flags: <defaults>
</compile_context>

<pallas_src>
import functools

import jax
import jax.numpy as jnp
from jax import lax
from jax.experimental import pallas as pl
from jax.experimental.pallas import tpu as pltpu
from jax.experimental.pallas import tpu_sc as plsc

NC = 2
NS = 16
NW = NC * NS
BC = 128
L = 4
TC_BLK = 512


def _sc_pool_kernel(n_units, n_idx_pairs, emb):
    upw = n_units // NW
    n_pairs = upw // 2
    assert n_pairs % 2 == 0
    owpu = BC * emb // 128
    mesh = plsc.VectorSubcoreMesh(
        core_axis_name="c", subcore_axis_name="s", num_cores=NC, num_subcores=NS
    )

    @functools.partial(
        pl.kernel,
        out_type=jax.ShapeDtypeStruct((n_units * owpu, 128), jnp.float32),
        mesh=mesh,
        scratch_types=[
            pltpu.VMEM((2 * L, BC), jnp.int32),
            pltpu.VMEM((2 * L, BC), jnp.int32),
            pltpu.VMEM((L, BC, emb), jnp.float32),
            pltpu.VMEM((L, BC, emb), jnp.float32),
            pltpu.VMEM((2, owpu, 128), jnp.float32),
            pltpu.VMEM((2, owpu, 128), jnp.float32),
            pltpu.SemaphoreType.DMA,
            pltpu.SemaphoreType.DMA,
            pltpu.SemaphoreType.DMA,
            pltpu.SemaphoreType.DMA,
            pltpu.SemaphoreType.DMA,
            pltpu.SemaphoreType.DMA,
            pltpu.SemaphoreType.DMA,
            pltpu.SemaphoreType.DMA,
        ],
        compiler_params=pltpu.CompilerParams(use_tc_tiling_on_sc=False),
    )
    def sc_kernel(idx_hbm, table_hbm, pooled_hbm,
                  idx_0, idx_1, r_a, r_b, out_a, out_b,
                  sem_a, sem_b, sem_i0, sem_i1,
                  sem_wa0, sem_wa1, sem_wb0, sem_wb1):
        wid = lax.axis_index("s") * NC + lax.axis_index("c")
        p_base = wid * n_pairs
        idx_sems = (sem_i0, sem_i1)
        w_sems = ((sem_wa0, sem_wa1), (sem_wb0, sem_wb1))
        outs = (out_a, out_b)

        def fire(idx_v, half, r_v, sem):
            for l in range(L):
                pltpu.async_copy(
                    table_hbm.at[idx_v.at[half * L + l]], r_v.at[l], sem)

        def drain(idx_v, half, r_v, sem):
            for l in range(L):
                pltpu.make_async_copy(
                    table_hbm.at[idx_v.at[half * L + l]], r_v.at[l], sem).wait()

        def wait_write(half, par, p):
            out_v = outs[half].at[par]
            u = (p_base + p) * 2 + half
            pltpu.make_async_copy(
                out_v, pooled_hbm.at[pl.ds(u * owpu, owpu)], w_sems[half][par]
            ).wait()

        def pool_write(r_v, half, par, p):
            out_v = outs[half].at[par]

            @plsc.parallel_loop(0, owpu, unroll=4)
            def _(jw):
                for q in range(4):
                    for h in range(emb // 16):
                        s = pl.ds(h * 16, 16)
                        j = 4 * jw + q
                        out_v[jw, pl.ds(32 * q + 16 * h, 16)] = (
                            (r_v[0, j, s] + r_v[1, j, s])
                            + (r_v[2, j, s] + r_v[3, j, s]))
            u = (p_base + p) * 2 + half
            pltpu.async_copy(
                out_v, pooled_hbm.at[pl.ds(u * owpu, owpu)], w_sems[half][par])

        pltpu.async_copy(idx_hbm.at[p_base], idx_0, sem_i0)

        def super_pair(t, carry):
            for s, idx_c, idx_n in ((0, idx_0, idx_1), (1, idx_1, idx_0)):
                p = 2 * t + s
                pltpu.make_async_copy(
                    idx_hbm.at[p_base + p], idx_c, idx_sems[s]).wait()
                pltpu.async_copy(
                    idx_hbm.at[p_base + p + 1], idx_n, idx_sems[1 - s])
                fire(idx_c, 0, r_a, sem_a)
                drain(idx_c, 0, r_a, sem_a)

                @pl.when(t > 0)
                def _():
                    wait_write(0, s, p - 2)

                fire(idx_c, 1, r_b, sem_b)
                pool_write(r_a, 0, s, p)
                drain(idx_c, 1, r_b, sem_b)

                @pl.when(t > 0)
                def _():
                    wait_write(1, s, p - 2)

                pool_write(r_b, 1, s, p)
            return carry

        lax.fori_loop(0, n_pairs // 2, super_pair, 0)
        pltpu.make_async_copy(idx_hbm.at[p_base + n_pairs], idx_0,
                              idx_sems[0]).wait()
        for half in (0, 1):
            for par in (0, 1):
                wait_write(half, par, n_pairs - 2 + par)

    return sc_kernel


def _tc_proj_kernel(x_ref, w_ref, o_ref):
    res = jnp.dot(x_ref[...], w_ref[...], preferred_element_type=jnp.float32)
    o_ref[...] = res.reshape(o_ref.shape)


def _block_diag4(w_t):
    emb, hid = w_t.shape
    eye = jnp.eye(4, dtype=w_t.dtype)
    return (eye[:, None, :, None] * w_t[None, :, None, :]).reshape(4 * emb, 4 * hid)


def kernel(fields, cells, W_emb, W_fields, W_cells):
    B, K, Lf = fields.shape
    _, N, _, Lc = cells.shape
    assert Lf == L and Lc == L and B % BC == 0
    emb = W_emb.shape[1]
    hid = W_fields.shape[0]
    chunks = B // BC

    g_cells = N * K
    g_fields = K
    g_real = g_cells + g_fields
    g_unit = (4 * NW) // chunks if (4 * NW) % chunks == 0 else 4 * NW
    g_pad = ((g_real + g_unit - 1) // g_unit) * g_unit
    n_units = g_pad * chunks
    n_idx_pairs = n_units // 2 + 8
    g_idx = (2 * n_idx_pairs) // chunks

    cells_t = cells.astype(jnp.int32).transpose(1, 2, 3, 0)
    fields_t = fields.astype(jnp.int32).transpose(1, 2, 0)
    idx4 = jnp.concatenate([
        cells_t.reshape(g_cells, L, chunks, BC),
        fields_t.reshape(g_fields, L, chunks, BC),
        jnp.zeros((g_idx - g_real, L, chunks, BC), jnp.int32),
    ], axis=0)
    idx_pairs = idx4.transpose(0, 2, 1, 3).reshape(n_idx_pairs, 2 * L, BC)

    pooled = _sc_pool_kernel(n_units, n_idx_pairs, emb)(idx_pairs, W_emb)

    wc_big = _block_diag4((W_cells.T * (1.0 / L)).astype(jnp.float32))
    wf_big = _block_diag4((W_fields.T * (1.0 / L)).astype(jnp.float32))

    wide = 128 // emb
    gpb = TC_BLK * wide // B
    assert K % gpb == 0 and (g_cells * B // wide) % TC_BLK == 0

    out_c = pl.pallas_call(
        _tc_proj_kernel,
        grid=(g_cells // gpb,),
        in_specs=[
            pl.BlockSpec((TC_BLK, 128), lambda b: (b, 0)),
            pl.BlockSpec((128, wide * hid), lambda b: (0, 0)),
        ],
        out_specs=pl.BlockSpec((1, gpb, B, hid),
                               lambda b: (b // (K // gpb), b % (K // gpb), 0, 0)),
        out_shape=jax.ShapeDtypeStruct((N, K, B, hid), jnp.float32),
        compiler_params=pltpu.CompilerParams(
            dimension_semantics=("parallel",),
        ),
    )(pooled, wc_big)

    cells_blocks = g_cells // gpb

    out_f = pl.pallas_call(
        _tc_proj_kernel,
        grid=(g_fields // gpb,),
        in_specs=[
            pl.BlockSpec((TC_BLK, 128), lambda b: (b + cells_blocks, 0)),
            pl.BlockSpec((128, wide * hid), lambda b: (0, 0)),
        ],
        out_specs=pl.BlockSpec((gpb, B, hid), lambda b: (b, 0, 0)),
        out_shape=jax.ShapeDtypeStruct((K, B, hid), jnp.float32),
        compiler_params=pltpu.CompilerParams(
            dimension_semantics=("parallel",),
        ),
    )(pooled, wf_big)

    db_cells_out = out_c.transpose(2, 0, 1, 3)
    db_fields_out = out_f.transpose(1, 0, 2)
    return (db_fields_out, db_cells_out)

# --- scband reference (transcript-rebuilt; emitter-appended) ---
"""Pipeline reference for scband-encoder-knowledge-32684701123246 (READ-ONLY COPY).

The authoritative reference and input builder live on the scoring server;
editing this copy changes nothing except your own understanding.
"""

import jax, jax.numpy as jnp
import numpy as np

VOCAB = 100000
EMB = 32
HID = 128


def setup_inputs(seed: int = 0) -> dict:
    key = jax.random.key(seed)
    k1, k2, k3, k4, k5 = jax.random.split(key, 5)
    fields = jax.random.randint(k1, (1024, 26, 4), 0, VOCAB, dtype=jnp.int64) if jax.config.jax_enable_x64 else jax.random.randint(k1, (1024, 26, 4), 0, VOCAB).astype(jnp.int32)
    cells = jax.random.randint(k2, (1024, 20, 26, 4), 0, VOCAB).astype(fields.dtype)
    W_emb = jax.random.normal(k3, (VOCAB, EMB), dtype=jnp.float32)
    W_emb = W_emb.at[0].set(0.0)  # padding_idx=0
    W_fields = jax.random.normal(k4, (HID, EMB), dtype=jnp.float32) * (1.0 / np.sqrt(EMB))
    W_cells = jax.random.normal(k5, (HID, EMB), dtype=jnp.float32) * (1.0 / np.sqrt(EMB))
    return {"fields": fields, "cells": cells, "W_emb": W_emb, "W_fields": W_fields, "W_cells": W_cells}


def reference(fields, cells, W_emb, W_fields, W_cells):
    B, K, Lf = fields.shape
    _, N, _, Lc = cells.shape
    # encode: average word embeddings
    f_emb = jnp.take(W_emb, fields.reshape(-1, Lf), axis=0)          # (B*K, Lf, EMB)
    db_fields_vec = jnp.mean(f_emb, axis=1).reshape(B, K, -1)         # (B, K, EMB)
    c_emb = jnp.take(W_emb, cells.reshape(-1, Lc), axis=0)           # (B*N*K, Lc, EMB)
    db_cells_vec = jnp.mean(c_emb, axis=1).reshape(B, N, K, -1)       # (B, N, K, EMB)
    # dropout is None -> no-op
    db_cells_out = jnp.einsum('bnke,he->bnkh', db_cells_vec, W_cells)
    db_fields_out = jnp.einsum('bke,he->bkh', db_fields_vec, W_fields)
    return (db_fields_out, db_cells_out)

if __name__ == "__main__":
    import jax
    _d = setup_inputs()
    print(jax.jit(kernel)(*tuple(_d.values())))

</pallas_src>

<mosaic_0001>
#map = affine_map<(d0, d1) -> (0, 0, 0)>
#map1 = affine_map<(d0, d1) -> (0, 0)>
module attributes {stable_mosaic.version = 14 : i64} {
  func.func @sc_kernel(%arg0: i32, %arg1: i32, %arg2: memref<2248x8x128xi32, #tpu.memory_space<hbm>>, %arg3: memref<100000x32xf32, #tpu.memory_space<hbm>>, %arg4: memref<143360x128xf32, #tpu.memory_space<hbm>>, %arg5: memref<8x128xi32, #tpu.memory_space<vmem>>, %arg6: memref<8x128xi32, #tpu.memory_space<vmem>>, %arg7: memref<4x128x32xf32, #tpu.memory_space<vmem>>, %arg8: memref<4x128x32xf32, #tpu.memory_space<vmem>>, %arg9: memref<2x32x128xf32, #tpu.memory_space<vmem>>, %arg10: memref<2x32x128xf32, #tpu.memory_space<vmem>>, %arg11: memref<!tpu.dma_semaphore, #tpu.memory_space<semaphore_mem>>, %arg12: memref<!tpu.dma_semaphore, #tpu.memory_space<semaphore_mem>>, %arg13: memref<!tpu.dma_semaphore, #tpu.memory_space<semaphore_mem>>, %arg14: memref<!tpu.dma_semaphore, #tpu.memory_space<semaphore_mem>>, %arg15: memref<!tpu.dma_semaphore, #tpu.memory_space<semaphore_mem>>, %arg16: memref<!tpu.dma_semaphore, #tpu.memory_space<semaphore_mem>>, %arg17: memref<!tpu.dma_semaphore, #tpu.memory_space<semaphore_mem>>, %arg18: memref<!tpu.dma_semaphore, #tpu.memory_space<semaphore_mem>>) attributes {dimension_semantics = [#tpu.dimension_semantics<core_parallel>, #tpu.dimension_semantics<subcore_parallel>], iteration_bounds = array<i64: 2, 16>, scalar_prefetch = 0 : i64, scratch_operands = 14 : i64, tpu.core_type = #tpu.core_type<sc_vector_subcore>, window_params = [{transform_indices = #map}, {transform_indices = #map1}, {transform_indices = #map1}]} {
    %mul3A = arith.constant 2 : i32
    %mul3A_0 = arith.muli %arg1, %mul3A : i32
    %add3A = arith.addi %mul3A_0, %arg0 : i32
    %mul3A_1 = arith.constant 70 : i32
    %mul3A_2 = arith.muli %add3A, %mul3A_1 : i32
    %dma_start3A = arith.constant 0 : i32
    %dma_start3A_3 = arith.constant 0 : i32
    %dma_start3A_4 = tpu.memref_slice %arg2[%mul3A_2, %dma_start3A, %dma_start3A_3] : memref<2248x8x128xi32, #tpu.memory_space<hbm>> -> memref<1x8x128xi32, #tpu.memory_space<hbm>>
    %dma_start3A_5 = tpu.memref_squeeze %dma_start3A_4 : memref<1x8x128xi32, #tpu.memory_space<hbm>> -> memref<8x128xi32, #tpu.memory_space<hbm>>
    %dma_start3A_6 = arith.constant 0 : i32
    %dma_start3A_7 = arith.constant 0 : i32
    %dma_start3A_8 = tpu.memref_slice %arg2[%mul3A_2, %dma_start3A_6, %dma_start3A_7] : memref<2248x8x128xi32, #tpu.memory_space<hbm>> -> memref<1x8x128xi32, #tpu.memory_space<hbm>>
    %dma_start3A_9 = tpu.memref_squeeze %dma_start3A_8 : memref<1x8x128xi32, #tpu.memory_space<hbm>> -> memref<8x128xi32, #tpu.memory_space<hbm>>
    tpu.enqueue_dma source(%dma_start3A_9 : memref<8x128xi32, #tpu.memory_space<hbm>>) target(%arg5 : memref<8x128xi32, #tpu.memory_space<vmem>>) target_semaphore(%arg13 : memref<!tpu.dma_semaphore, #tpu.memory_space<semaphore_mem>>)
    %scan3A = arith.constant 0 : i32
    %scan3A_10 = arith.constant 0 : i32
    %scan3A_11 = arith.constant 35 : i32
    %scan3A_12 = arith.addi %scan3A_10, %scan3A_11 : i32
    %scan3A_13 = arith.constant 1 : i32
    scf.for %scan3A_108 = %scan3A_10 to %scan3A_12 step %scan3A_13  : i32 {
      %mul3A_109 = arith.constant 2 : i32
      %mul3A_110 = arith.muli %mul3A_109, %scan3A_108 : i32
      %add3A_111 = arith.constant 0 : i32
      %add3A_112 = arith.addi %mul3A_110, %add3A_111 : i32
      %add3A_113 = arith.addi %mul3A_2, %add3A_112 : i32
      %dma_wait3A_114 = arith.constant 0 : i32
      %dma_wait3A_115 = arith.constant 0 : i32
      %dma_wait3A_116 = tpu.memref_slice %arg2[%add3A_113, %dma_wait3A_114, %dma_wait3A_115] : memref<2248x8x128xi32, #tpu.memory_space<hbm>> -> memref<1x8x128xi32, #tpu.memory_space<hbm>>
      %dma_wait3A_117 = tpu.memref_squeeze %dma_wait3A_116 : memref<1x8x128xi32, #tpu.memory_space<hbm>> -> memref<8x128xi32, #tpu.memory_space<hbm>>
      %dma_wait3A_118 = arith.constant 0 : i32
      %dma_wait3A_119 = arith.constant 0 : i32
      %dma_wait3A_120 = tpu.memref_slice %arg2[%add3A_113, %dma_wait3A_118, %dma_wait3A_119] : memref<2248x8x128xi32, #tpu.memory_space<hbm>> -> memref<1x8x128xi32, #tpu.memory_space<hbm>>
      %dma_wait3A_121 = tpu.memref_squeeze %dma_wait3A_120 : memref<1x8x128xi32, #tpu.memory_space<hbm>> -> memref<8x128xi32, #tpu.memory_space<hbm>>
      tpu.wait_dma2 semaphore(%arg13 : memref<!tpu.dma_semaphore, #tpu.memory_space<semaphore_mem>>) src(%dma_wait3A_121 : memref<8x128xi32, #tpu.memory_space<hbm>>) dst(%arg5 : memref<8x128xi32, #tpu.memory_space<vmem>>)
      %add3A_122 = arith.addi %mul3A_2, %add3A_112 : i32
      %add3A_123 = arith.constant 1 : i32
      %add3A_124 = arith.addi %add3A_122, %add3A_123 : i32
      %dma_start3A_125 = arith.constant 0 : i32
      %dma_start3A_126 = arith.constant 0 : i32
      %dma_start3A_127 = tpu.memref_slice %arg2[%add3A_124, %dma_start3A_125, %dma_start3A_126] : memref<2248x8x128xi32, #tpu.memory_space<hbm>> -> memref<1x8x128xi32, #tpu.memory_space<hbm>>
      %dma_start3A_128 = tpu.memref_squeeze %dma_start3A_127 : memref<1x8x128xi32, #tpu.memory_space<hbm>> -> memref<8x128xi32, #tpu.memory_space<hbm>>
      %dma_start3A_129 = arith.constant 0 : i32
      %dma_start3A_130 = arith.constant 0 : i32
      %dma_start3A_131 = tpu.memref_slice %arg2[%add3A_124, %dma_start3A_129, %dma_start3A_130] : memref<2248x8x128xi32, #tpu.memory_space<hbm>> -> memref<1x8x128xi32, #tpu.memory_space<hbm>>
      %dma_start3A_132 = tpu.memref_squeeze %dma_start3A_131 : memref<1x8x128xi32, #tpu.memory_space<hbm>> -> memref<8x128xi32, #tpu.memory_space<hbm>>
      tpu.enqueue_dma source(%dma_start3A_132 : memref<8x128xi32, #tpu.memory_space<hbm>>) target(%arg6 : memref<8x128xi32, #tpu.memory_space<vmem>>) target_semaphore(%arg14 : memref<!tpu.dma_semaphore, #tpu.memory_space<semaphore_mem>>)
      %dma_start3A_133 = arith.constant 0 : i32
      %dma_start3A_134 = arith.constant 0 : i32
      %dma_start3A_135 = arith.constant 0 : i32
      %dma_start3A_136 = arith.constant 0 : i32
      %dma_start3A_137 = tpu.memref_slice %arg7[%dma_start3A_134, %dma_start3A_135, %dma_start3A_136] : memref<4x128x32xf32, #tpu.memory_space<vmem>> -> memref<1x128x32xf32, #tpu.memory_space<vmem>>
      %dma_start3A_138 = tpu.memref_squeeze %dma_start3A_137 : memref<1x128x32xf32, #tpu.memory_space<vmem>> -> memref<128x32xf32, #tpu.memory_space<vmem>>
      %dma_start3A_139 = arith.constant 0 : i32
      %dma_start3A_140 = tpu.memref_slice %arg5[%dma_start3A_133, %dma_start3A_139] : memref<8x128xi32, #tpu.memory_space<vmem>> -> memref<1x128xi32, #tpu.memory_space<vmem>>
      %dma_start3A_141 = tpu.memref_squeeze %dma_start3A_140 : memref<1x128xi32, #tpu.memory_space<vmem>> -> memref<128xi32, #tpu.memory_space<vmem>>
      %dma_start3A_142 = arith.constant 0 : i32
      %dma_start3A_143 = arith.constant 0 : i32
      %dma_start3A_144 = tpu.memref_slice %arg3[%dma_start3A_142, %dma_start3A_143] : memref<100000x32xf32, #tpu.memory_space<hbm>> -> memref<100000x32xf32, #tpu.memory_space<hbm>>
      tpu.enqueue_indirect_dma source(%dma_start3A_144 : memref<100000x32xf32, #tpu.memory_space<hbm>>) target(%dma_start3A_138 : memref<128x32xf32, #tpu.memory_space<vmem>>) offsets(%dma_start3A_141 : memref<128xi32, #tpu.memory_space<vmem>>) semaphore(%arg11 : memref<!tpu.dma_semaphore, #tpu.memory_space<semaphore_mem>>)
      %dma_start3A_145 = arith.constant 1 : i32
      %dma_start3A_146 = arith.constant 1 : i32
      %dma_start3A_147 = arith.constant 0 : i32
      %dma_start3A_148 = arith.constant 0 : i32
      %dma_start3A_149 = tpu.memref_slice %arg7[%dma_start3A_146, %dma_start3A_147, %dma_start3A_148] : memref<4x128x32xf32, #tpu.memory_space<vmem>> -> memref<1x128x32xf32, #tpu.memory_space<vmem>>
      %dma_start3A_150 = tpu.memref_squeeze %dma_start3A_149 : memref<1x128x32xf32, #tpu.memory_space<vmem>> -> memref<128x32xf32, #tpu.memory_space<vmem>>
      %dma_start3A_151 = arith.constant 0 : i32
      %dma_start3A_152 = tpu.memref_slice %arg5[%dma_start3A_145, %dma_start3A_151] : memref<8x128xi32, #tpu.memory_space<vmem>> -> memref<1x128xi32, #tpu.memory_space<vmem>>
      %dma_start3A_153 = tpu.memref_squeeze %dma_start3A_152 : memref<1x128xi32, #tpu.memory_space<vmem>> -> memref<128xi32, #tpu.memory_space<vmem>>
      %dma_start3A_154 = arith.constant 0 : i32
      %dma_start3A_155 = arith.constant 0 : i32
      %dma_start3A_156 = tpu.memref_slice %arg3[%dma_start3A_154, %dma_start3A_155] : memref<100000x32xf32, #tpu.memory_space<hbm>> -> memref<100000x32xf32, #tpu.memory_space<hbm>>
      tpu.enqueue_indirect_dma source(%dma_start3A_156 : memref<100000x32xf32, #tpu.memory_space<hbm>>) target(%dma_start3A_150 : memref<128x32xf32, #tpu.memory_space<vmem>>) offsets(%dma_start3A_153 : memref<128xi32, #tpu.memory_space<vmem>>) semaphore(%arg11 : memref<!tpu.dma_semaphore, #tpu.memory_space<semaphore_mem>>)
      %dma_start3A_157 = arith.constant 2 : i32
      %dma_start3A_158 = arith.constant 2 : i32
      %dma_start3A_159 = arith.constant 0 : i32
      %dma_start3A_160 = arith.constant 0 : i32
      %dma_start3A_161 = tpu.memref_slice %arg7[%dma_start3A_158, %dma_start3A_159, %dma_start3A_160] : memref<4x128x32xf32, #tpu.memory_space<vmem>> -> memref<1x128x32xf32, #tpu.memory_space<vmem>>
      %dma_start3A_162 = tpu.memref_squeeze %dma_start3A_161 : memref<1x128x32xf32, #tpu.memory_space<vmem>> -> memref<128x32xf32, #tpu.memory_space<vmem>>
      %dma_start3A_163 = arith.constant 0 : i32
      %dma_start3A_164 = tpu.memref_slice %arg5[%dma_start3A_157, %dma_start3A_163] : memref<8x128xi32, #tpu.memory_space<vmem>> -> memref<1x128xi32, #tpu.memory_space<vmem>>
      %dma_start3A_165 = tpu.memref_squeeze %dma_start3A_164 : memref<1x128xi32, #tpu.memory_space<vmem>> -> memref<128xi32, #tpu.memory_space<vmem>>
      %dma_start3A_166 = arith.constant 0 : i32
      %dma_start3A_167 = arith.constant 0 : i32
      %dma_start3A_168 = tpu.memref_slice %arg3[%dma_start3A_166, %dma_start3A_167] : memref<100000x32xf32, #tpu.memory_space<hbm>> -> memref<100000x32xf32, #tpu.memory_space<hbm>>
      tpu.enqueue_indirect_dma source(%dma_start3A_168 : memref<100000x32xf32, #tpu.memory_space<hbm>>) target(%dma_start3A_162 : memref<128x32xf32, #tpu.memory_space<vmem>>) offsets(%dma_start3A_165 : memref<128xi32, #tpu.memory_space<vmem>>) semaphore(%arg11 : memref<!tpu.dma_semaphore, #tpu.memory_space<semaphore_mem>>)
      %dma_start3A_169 = arith.constant 3 : i32
      %dma_start3A_170 = arith.constant 3 : i32
      %dma_start3A_171 = arith.constant 0 : i32
      %dma_start3A_172 = arith.constant 0 : i32
      %dma_start3A_173 = tpu.memref_slice %arg7[%dma_start3A_170, %dma_start3A_171, %dma_start3A_172] : memref<4x128x32xf32, #tpu.memory_space<vmem>> -> memref<1x128x32xf32, #tpu.memory_space<vmem>>
      %dma_start3A_174 = tpu.memref_squeeze %dma_start3A_173 : memref<1x128x32xf32, #tpu.memory_space<vmem>> -> memref<128x32xf32, #tpu.memory_space<vmem>>
      %dma_start3A_175 = arith.constant 0 : i32
      %dma_start3A_176 = tpu.memref_slice %arg5[%dma_start3A_169, %dma_start3A_175] : memref<8x128xi32, #tpu.memory_space<vmem>> -> memref<1x128xi32, #tpu.memory_space<vmem>>
      %dma_start3A_177 = tpu.memref_squeeze %dma_start3A_176 : memref<1x128xi32, #tpu.memory_space<vmem>> -> memref<128xi32, #tpu.memory_space<vmem>>
      %dma_start3A_178 = arith.constant 0 : i32
      %dma_start3A_179 = arith.constant 0 : i32
      %dma_start3A_180 = tpu.memref_slice %arg3[%dma_start3A_178, %dma_start3A_179] : memref<100000x32xf32, #tpu.memory_space<hbm>> -> memref<100000x32xf32, #tpu.memory_space<hbm>>
      tpu.enqueue_indirect_dma source(%dma_start3A_180 : memref<100000x32xf32, #tpu.memory_space<hbm>>) target(%dma_start3A_174 : memref<128x32xf32, #tpu.memory_space<vmem>>) offsets(%dma_start3A_177 : memref<128xi32, #tpu.memory_space<vmem>>) semaphore(%arg11 : memref<!tpu.dma_semaphore, #tpu.memory_space<semaphore_mem>>)
      %dma_wait3A_181 = arith.constant 0 : i32
      %dma_wait3A_182 = arith.constant 0 : i32
      %dma_wait3A_183 = arith.constant 0 : i32
      %dma_wait3A_184 = arith.constant 0 : i32
      %dma_wait3A_185 = tpu.memref_slice %arg7[%dma_wait3A_182, %dma_wait3A_183, %dma_wait3A_184] : memref<4x128x32xf32, #tpu.memory_space<vmem>> -> memref<1x128x32xf32, #tpu.memory_space<vmem>>
      %dma_wait3A_186 = tpu.memref_squeeze %dma_wait3A_185 : memref<1x128x32xf32, #tpu.memory_space<vmem>> -> memref<128x32xf32, #tpu.memory_space<vmem>>
      %dma_wait3A_187 = arith.constant 0 : i32
      %dma_wait3A_188 = tpu.memref_slice %arg5[%dma_wait3A_181, %dma_wait3A_187] : memref<8x128xi32, #tpu.memory_space<vmem>> -> memref<1x128xi32, #tpu.memory_space<vmem>>
      %dma_wait3A_189 = tpu.memref_squeeze %dma_wait3A_188 : memref<1x128xi32, #tpu.memory_space<vmem>> -> memref<128xi32, #tpu.memory_space<vmem>>
      %dma_wait3A_190 = arith.constant 0 : i32
      %dma_wait3A_191 = arith.constant 0 : i32
      %dma_wait3A_192 = tpu.memref_slice %arg3[%dma_wait3A_190, %dma_wait3A_191] : memref<100000x32xf32, #tpu.memory_space<hbm>> -> memref<100000x32xf32, #tpu.memory_space<hbm>>
      tpu.wait_indirect_dma semaphore(%arg11 : memref<!tpu.dma_semaphore, #tpu.memory_space<semaphore_mem>>) src(%dma_wait3A_192 : memref<100000x32xf32, #tpu.memory_space<hbm>>) dst(%dma_wait3A_186 : memref<128x32xf32, #tpu.memory_space<vmem>>)
      %dma_wait3A_193 = arith.constant 1 : i32
      %dma_wait3A_194 = arith.constant 1 : i32
      %dma_wait3A_195 = arith.constant 0 : i32
      %dma_wait3A_196 = arith.constant 0 : i32
      %dma_wait3A_197 = tpu.memref_slice %arg7[%dma_wait3A_194, %dma_wait3A_195, %dma_wait3A_196] : memref<4x128x32xf32, #tpu.memory_space<vmem>> -> memref<1x128x32xf32, #tpu.memory_space<vmem>>
      %dma_wait3A_198 = tpu.memref_squeeze %dma_wait3A_197 : memref<1x128x32xf32, #tpu.memory_space<vmem>> -> memref<128x32xf32, #tpu.memory_space<vmem>>
      %dma_wait3A_199 = arith.constant 0 : i32
      %dma_wait3A_200 = tpu.memref_slice %arg5[%dma_wait3A_193, %dma_wait3A_199] : memref<8x128xi32, #tpu.memory_space<vmem>> -> memref<1x128xi32, #tpu.memory_space<vmem>>
      %dma_wait3A_201 = tpu.memref_squeeze %dma_wait3A_200 : memref<1x128xi32, #tpu.memory_space<vmem>> -> memref<128xi32, #tpu.memory_space<vmem>>
      %dma_wait3A_202 = arith.constant 0 : i32
      %dma_wait3A_203 = arith.constant 0 : i32
      %dma_wait3A_204 = tpu.memref_slice %arg3[%dma_wait3A_202, %dma_wait3A_203] : memref<100000x32xf32, #tpu.memory_space<hbm>> -> memref<100000x32xf32, #tpu.memory_space<hbm>>
      tpu.wait_indirect_dma semaphore(%arg11 : memref<!tpu.dma_semaphore, #tpu.memory_space<semaphore_mem>>) src(%dma_wait3A_204 : memref<100000x32xf32, #tpu.memory_space<hbm>>) dst(%dma_wait3A_198 : memref<128x32xf32, #tpu.memory_space<vmem>>)
      %dma_wait3A_205 = arith.constant 2 : i32
      %dma_wait3A_206 = arith.constant 2 : i32
      %dma_wait3A_207 = arith.constant 0 : i32
      %dma_wait3A_208 = arith.constant 0 : i32
      %dma_wait3A_209 = tpu.memref_slice %arg7[%dma_wait3A_206, %dma_wait3A_207, %dma_wait3A_208] : memref<4x128x32xf32, #tpu.memory_space<vmem>> -> memref<1x128x32xf32, #tpu.memory_space<vmem>>
      %dma_wait3A_210 = tpu.memref_squeeze %dma_wait3A_209 : memref<1x128x32xf32, #tpu.memory_space<vmem>> -> memref<128x32xf32, #tpu.memory_space<vmem>>
      %dma_wait3A_211 = arith.constant 0 : i32
      %dma_wait3A_212 = tpu.memref_slice %arg5[%dma_wait3A_205, %dma_wait3A_211] : memref<8x128xi32, #tpu.memory_space<vmem>> -> memref<1x128xi32, #tpu.memory_space<vmem>>
      %dma_wait3A_213 = tpu.memref_squeeze %dma_wait3A_212 : memref<1x128xi32, #tpu.memory_space<vmem>> -> memref<128xi32, #tpu.memory_space<vmem>>
      %dma_wait3A_214 = arith.constant 0 : i32
      %dma_wait3A_215 = arith.constant 0 : i32
      %dma_wait3A_216 = tpu.memref_slice %arg3[%dma_wait3A_214, %dma_wait3A_215] : memref<100000x32xf32, #tpu.memory_space<hbm>> -> memref<100000x32xf32, #tpu.memory_space<hbm>>
      tpu.wait_indirect_dma semaphore(%arg11 : memref<!tpu.dma_semaphore, #tpu.memory_space<semaphore_mem>>) src(%dma_wait3A_216 : memref<100000x32xf32, #tpu.memory_space<hbm>>) dst(%dma_wait3A_210 : memref<128x32xf32, #tpu.memory_space<vmem>>)
      %dma_wait3A_217 = arith.constant 3 : i32
      %dma_wait3A_218 = arith.constant 3 : i32
      %dma_wait3A_219 = arith.constant 0 : i32
      %dma_wait3A_220 = arith.constant 0 : i32
      %dma_wait3A_221 = tpu.memref_slice %arg7[%dma_wait3A_218, %dma_wait3A_219, %dma_wait3A_220] : memref<4x128x32xf32, #tpu.memory_space<vmem>> -> memref<1x128x32xf32, #tpu.memory_space<vmem>>
      %dma_wait3A_222 = tpu.memref_squeeze %dma_wait3A_221 : memref<1x128x32xf32, #tpu.memory_space<vmem>> -> memref<128x32xf32, #tpu.memory_space<vmem>>
      %dma_wait3A_223 = arith.constant 0 : i32
      %dma_wait3A_224 = tpu.memref_slice %arg5[%dma_wait3A_217, %dma_wait3A_223] : memref<8x128xi32, #tpu.memory_space<vmem>> -> memref<1x128xi32, #tpu.memory_space<vmem>>
      %dma_wait3A_225 = tpu.memref_squeeze %dma_wait3A_224 : memref<1x128xi32, #tpu.memory_space<vmem>> -> memref<128xi32, #tpu.memory_space<vmem>>
      %dma_wait3A_226 = arith.constant 0 : i32
      %dma_wait3A_227 = arith.constant 0 : i32
      %dma_wait3A_228 = tpu.memref_slice %arg3[%dma_wait3A_226, %dma_wait3A_227] : memref<100000x32xf32, #tpu.memory_space<hbm>> -> memref<100000x32xf32, #tpu.memory_space<hbm>>
      tpu.wait_indirect_dma semaphore(%arg11 : memref<!tpu.dma_semaphore, #tpu.memory_space<semaphore_mem>>) src(%dma_wait3A_228 : memref<100000x32xf32, #tpu.memory_space<hbm>>) dst(%dma_wait3A_222 : memref<128x32xf32, #tpu.memory_space<vmem>>)
      %gt3A = arith.constant 0 : i32
      %gt3A_229 = arith.cmpi sgt, %scan3A_108, %gt3A : i32
      %convert_element_type3A = arith.extui %gt3A_229 : i1 to i32
      %cond3A = arith.constant 0 : i32
      %cond3A_230 = arith.cmpi ne, %convert_element_type3A, %cond3A : i32
      scf.if %cond3A_230 {
        %sub3A = arith.constant 2 : i32
        %sub3A_653 = arith.subi %add3A_112, %sub3A : i32
        %add3A_654 = arith.addi %mul3A_2, %sub3A_653 : i32
        %mul3A_655 = arith.constant 2 : i32
        %mul3A_656 = arith.muli %add3A_654, %mul3A_655 : i32
        %add3A_657 = arith.constant 0 : i32
        %add3A_658 = arith.addi %mul3A_656, %add3A_657 : i32
        %mul3A_659 = arith.constant 32 : i32
        %mul3A_660 = arith.muli %add3A_658, %mul3A_659 : i32
        %dma_wait3A_661 = arith.constant 0 : i32
        %dma_wait3A_662 = arith.constant 0 : i32
        %dma_wait3A_663 = arith.constant 0 : i32
        %dma_wait3A_664 = tpu.memref_slice %arg9[%dma_wait3A_661, %dma_wait3A_662, %dma_wait3A_663] : memref<2x32x128xf32, #tpu.memory_space<vmem>> -> memref<1x32x128xf32, #tpu.memory_space<vmem>>
        %dma_wait3A_665 = tpu.memref_squeeze %dma_wait3A_664 : memref<1x32x128xf32, #tpu.memory_space<vmem>> -> memref<32x128xf32, #tpu.memory_space<vmem>>
        %dma_wait3A_666 = arith.constant 0 : i32
        %dma_wait3A_667 = tpu.memref_slice %arg4[%mul3A_660, %dma_wait3A_666] : memref<143360x128xf32, #tpu.memory_space<hbm>> -> memref<32x128xf32, #tpu.memory_space<hbm>>
        %dma_wait3A_668 = arith.constant 0 : i32
        %dma_wait3A_669 = tpu.memref_slice %arg4[%mul3A_660, %dma_wait3A_668] : memref<143360x128xf32, #tpu.memory_space<hbm>> -> memref<32x128xf32, #tpu.memory_space<hbm>>
        %dma_wait3A_670 = arith.constant 0 : i32
        %dma_wait3A_671 = arith.constant 0 : i32
        %dma_wait3A_672 = tpu.memref_slice %arg9[%dma_wait3A_661, %dma_wait3A_670, %dma_wait3A_671] : memref<2x32x128xf32, #tpu.memory_space<vmem>> -> memref<1x32x128xf32, #tpu.memory_space<vmem>>
        %dma_wait3A_673 = tpu.memref_squeeze %dma_wait3A_672 : memref<1x32x128xf32, #tpu.memory_space<vmem>> -> memref<32x128xf32, #tpu.memory_space<vmem>>
        tpu.wait_dma2 semaphore(%arg15 : memref<!tpu.dma_semaphore, #tpu.memory_space<semaphore_mem>>) src(%dma_wait3A_673 : memref<32x128xf32, #tpu.memory_space<vmem>>) dst(%dma_wait3A_669 : memref<32x128xf32, #tpu.memory_space<hbm>>)
      } else {
      }
      %dma_start3A_231 = arith.constant 4 : i32
      %dma_start3A_232 = arith.constant 0 : i32
      %dma_start3A_233 = arith.constant 0 : i32
      %dma_start3A_234 = arith.constant 0 : i32
      %dma_start3A_235 = tpu.memref_slice %arg8[%dma_start3A_232, %dma_start3A_233, %dma_start3A_234] : memref<4x128x32xf32, #tpu.memory_space<vmem>> -> memref<1x128x32xf32, #tpu.memory_space<vmem>>
      %dma_start3A_236 = tpu.memref_squeeze %dma_start3A_235 : memref<1x128x32xf32, #tpu.memory_space<vmem>> -> memref<128x32xf32, #tpu.memory_space<vmem>>
      %dma_start3A_237 = arith.constant 0 : i32
      %dma_start3A_238 = tpu.memref_slice %arg5[%dma_start3A_231, %dma_start3A_237] : memref<8x128xi32, #tpu.memory_space<vmem>> -> memref<1x128xi32, #tpu.memory_space<vmem>>
      %dma_start3A_239 = tpu.memref_squeeze %dma_start3A_238 : memref<1x128xi32, #tpu.memory_space<vmem>> -> memref<128xi32, #tpu.memory_space<vmem>>
      %dma_start3A_240 = arith.constant 0 : i32
      %dma_start3A_241 = arith.constant 0 : i32
      %dma_start3A_242 = tpu.memref_slice %arg3[%dma_start3A_240, %dma_start3A_241] : memref<100000x32xf32, #tpu.memory_space<hbm>> -> memref<100000x32xf32, #tpu.memory_space<hbm>>
      tpu.enqueue_indirect_dma source(%dma_start3A_242 : memref<100000x32xf32, #tpu.memory_space<hbm>>) target(%dma_start3A_236 : memref<128x32xf32, #tpu.memory_space<vmem>>) offsets(%dma_start3A_239 : memref<128xi32, #tpu.memory_space<vmem>>) semaphore(%arg12 : memref<!tpu.dma_semaphore, #tpu.memory_space<semaphore_mem>>)
      %dma_start3A_243 = arith.constant 5 : i32
      %dma_start3A_244 = arith.constant 1 : i32
      %dma_start3A_245 = arith.constant 0 : i32
      %dma_start3A_246 = arith.constant 0 : i32
      %dma_start3A_247 = tpu.memref_slice %arg8[%dma_start3A_244, %dma_start3A_245, %dma_start3A_246] : memref<4x128x32xf32, #tpu.memory_space<vmem>> -> memref<1x128x32xf32, #tpu.memory_space<vmem>>
      %dma_start3A_248 = tpu.memref_squeeze %dma_start3A_247 : memref<1x128x32xf32, #tpu.memory_space<vmem>> -> memref<128x32xf32, #tpu.memory_space<vmem>>
      %dma_start3A_249 = arith.constant 0 : i32
      %dma_start3A_250 = tpu.memref_slice %arg5[%dma_start3A_243, %dma_start3A_249] : memref<8x128xi32, #tpu.memory_space<vmem>> -> memref<1x128xi32, #tpu.memory_space<vmem>>
      %dma_start3A_251 = tpu.memref_squeeze %dma_start3A_250 : memref<1x128xi32, #tpu.memory_space<vmem>> -> memref<128xi32, #tpu.memory_space<vmem>>
      %dma_start3A_252 = arith.constant 0 : i32
      %dma_start3A_253 = arith.constant 0 : i32
      %dma_start3A_254 = tpu.memref_slice %arg3[%dma_start3A_252, %dma_start3A_253] : memref<100000x32xf32, #tpu.memory_space<hbm>> -> memref<100000x32xf32, #tpu.memory_space<hbm>>
      tpu.enqueue_indirect_dma source(%dma_start3A_254 : memref<100000x32xf32, #tpu.memory_space<hbm>>) target(%dma_start3A_248 : memref<128x32xf32, #tpu.memory_space<vmem>>) offsets(%dma_start3A_251 : memref<128xi32, #tpu.memory_space<vmem>>) semaphore(%arg12 : memref<!tpu.dma_semaphore, #tpu.memory_space<semaphore_mem>>)
      %dma_start3A_255 = arith.constant 6 : i32
      %dma_start3A_256 = arith.constant 2 : i32
      %dma_start3A_257 = arith.constant 0 : i32
      %dma_start3A_258 = arith.constant 0 : i32
      %dma_start3A_259 = tpu.memref_slice %arg8[%dma_start3A_256, %dma_start3A_257, %dma_start3A_258] : memref<4x128x32xf32, #tpu.memory_space<vmem>> -> memref<1x128x32xf32, #tpu.memory_space<vmem>>
      %dma_start3A_260 = tpu.memref_squeeze %dma_start3A_259 : memref<1x128x32xf32, #tpu.memory_space<vmem>> -> memref<128x32xf32, #tpu.memory_space<vmem>>
      %dma_start3A_261 = arith.constant 0 : i32
      %dma_start3A_262 = tpu.memref_slice %arg5[%dma_start3A_255, %dma_start3A_261] : memref<8x128xi32, #tpu.memory_space<vmem>> -> memref<1x128xi32, #tpu.memory_space<vmem>>
      %dma_start3A_263 = tpu.memref_squeeze %dma_start3A_262 : memref<1x128xi32, #tpu.memory_space<vmem>> -> memref<128xi32, #tpu.memory_space<vmem>>
      %dma_start3A_264 = arith.constant 0 : i32
      %dma_start3A_265 = arith.constant 0 : i32
      %dma_start3A_266 = tpu.memref_slice %arg3[%dma_start3A_264, %dma_start3A_265] : memref<100000x32xf32, #tpu.memory_space<hbm>> -> memref<100000x32xf32, #tpu.memory_space<hbm>>
      tpu.enqueue_indirect_dma source(%dma_start3A_266 : memref<100000x32xf32, #tpu.memory_space<hbm>>) target(%dma_start3A_260 : memref<128x32xf32, #tpu.memory_space<vmem>>) offsets(%dma_start3A_263 : memref<128xi32, #tpu.memory_space<vmem>>) semaphore(%arg12 : memref<!tpu.dma_semaphore, #tpu.memory_space<semaphore_mem>>)
      %dma_start3A_267 = arith.constant 7 : i32
      %dma_start3A_268 = arith.constant 3 : i32
      %dma_start3A_269 = arith.constant 0 : i32
      %dma_start3A_270 = arith.constant 0 : i32
      %dma_start3A_271 = tpu.memref_slice %arg8[%dma_start3A_268, %dma_start3A_269, %dma_start3A_270] : memref<4x128x32xf32, #tpu.memory_space<vmem>> -> memref<1x128x32xf32, #tpu.memory_space<vmem>>
      %dma_start3A_272 = tpu.memref_squeeze %dma_start3A_271 : memref<1x128x32xf32, #tpu.memory_space<vmem>> -> memref<128x32xf32, #tpu.memory_space<vmem>>
      %dma_start3A_273 = arith.constant 0 : i32
      %dma_start3A_274 = tpu.memref_slice %arg5[%dma_start3A_267, %dma_start3A_273] : memref<8x128xi32, #tpu.memory_space<vmem>> -> memref<1x128xi32, #tpu.memory_space<vmem>>
      %dma_start3A_275 = tpu.memref_squeeze %dma_start3A_274 : memref<1x128xi32, #tpu.memory_space<vmem>> -> memref<128xi32, #tpu.memory_space<vmem>>
      %dma_start3A_276 = arith.constant 0 : i32
      %dma_start3A_277 = arith.constant 0 : i32
      %dma_start3A_278 = tpu.memref_slice %arg3[%dma_start3A_276, %dma_start3A_277] : memref<100000x32xf32, #tpu.memory_space<hbm>> -> memref<100000x32xf32, #tpu.memory_space<hbm>>
      tpu.enqueue_indirect_dma source(%dma_start3A_278 : memref<100000x32xf32, #tpu.memory_space<hbm>>) target(%dma_start3A_272 : memref<128x32xf32, #tpu.memory_space<vmem>>) offsets(%dma_start3A_275 : memref<128xi32, #tpu.memory_space<vmem>>) semaphore(%arg12 : memref<!tpu.dma_semaphore, #tpu.memory_space<semaphore_mem>>)
      %parallel_loop3A = arith.constant 0 : i32
      %parallel_loop3A_279 = arith.constant 32 : i32
      %parallel_loop3A_280 = arith.constant 1 : i32
      %parallel_loop3A_281 = arith.constant 0 : i32
      scf.for %parallel_loop3A_653 = %parallel_loop3A to %parallel_loop3A_279 step %parallel_loop3A_280  : i32 {
        %parallel_loop3A_654 = arith.constant 4 : i32
        %parallel_loop3A_655 = arith.muli %parallel_loop3A_654, %parallel_loop3A_653 : i32
        %parallel_loop3A_656 = arith.constant 0 : i32
        %parallel_loop3A_657 = arith.addi %parallel_loop3A_655, %parallel_loop3A_656 : i32
        %parallel_loop3A_658 = arith.constant 0 : i32
        %parallel_loop3A_659 = arith.index_cast %parallel_loop3A_658 : i32 to index
        %parallel_loop3A_660 = arith.index_cast %parallel_loop3A_657 : i32 to index
        %parallel_loop3A_661 = arith.constant 0 : index
        %parallel_loop3A_662 = tpu.vector_load %arg7[%parallel_loop3A_659, %parallel_loop3A_660, %parallel_loop3A_661] {strides = array<i32>} : memref<4x128x32xf32, #tpu.memory_space<vmem>>, vector<1x1x16xf32>,
        %parallel_loop3A_663 = vector.shape_cast %parallel_loop3A_662 : vector<1x1x16xf32> to vector<16xf32>
        %parallel_loop3A_664 = arith.constant 1 : i32
        %parallel_loop3A_665 = arith.index_cast %parallel_loop3A_664 : i32 to index
        %parallel_loop3A_666 = arith.index_cast %parallel_loop3A_657 : i32 to index
        %parallel_loop3A_667 = arith.constant 0 : index
        %parallel_loop3A_668 = tpu.vector_load %arg7[%parallel_loop3A_665, %parallel_loop3A_666, %parallel_loop3A_667] {strides = array<i32>} : memref<4x128x32xf32, #tpu.memory_space<vmem>>, vector<1x1x16xf32>,
        %parallel_loop3A_669 = vector.shape_cast %parallel_loop3A_668 : vector<1x1x16xf32> to vector<16xf32>
        %parallel_loop3A_670 = arith.addf %parallel_loop3A_663, %parallel_loop3A_669 : vector<16xf32>
        %parallel_loop3A_671 = arith.constant 2 : i32
        %parallel_loop3A_672 = arith.index_cast %parallel_loop3A_671 : i32 to index
        %parallel_loop3A_673 = arith.index_cast %parallel_loop3A_657 : i32 to index
        %parallel_loop3A_674 = arith.constant 0 : index
        %parallel_loop3A_675 = tpu.vector_load %arg7[%parallel_loop3A_672, %parallel_loop3A_673, %parallel_loop3A_674] {strides = array<i32>} : memref<4x128x32xf32, #tpu.memory_space<vmem>>, vector<1x1x16xf32>,
        %parallel_loop3A_676 = vector.shape_cast %parallel_loop3A_675 : vector<1x1x16xf32> to vector<16xf32>
        %parallel_loop3A_677 = arith.constant 3 : i32
        %parallel_loop3A_678 = arith.index_cast %parallel_loop3A_677 : i32 to index
        %parallel_loop3A_679 = arith.index_cast %parallel_loop3A_657 : i32 to index
        %parallel_loop3A_680 = arith.constant 0 : index
        %parallel_loop3A_681 = tpu.vector_load %arg7[%parallel_loop3A_678, %parallel_loop3A_679, %parallel_loop3A_680] {strides = array<i32>} : memref<4x128x32xf32, #tpu.memory_space<vmem>>, vector<1x1x16xf32>,
        %parallel_loop3A_682 = vector.shape_cast %parallel_loop3A_681 : vector<1x1x16xf32> to vector<16xf32>
        %parallel_loop3A_683 = arith.addf %parallel_loop3A_676, %parallel_loop3A_682 : vector<16xf32>
        %parallel_loop3A_684 = arith.addf %parallel_loop3A_670, %parallel_loop3A_683 : vector<16xf32>
        %parallel_loop3A_685 = arith.constant 0 : i32
        %parallel_loop3A_686 = arith.constant 0 : i32
        %parallel_loop3A_687 = tpu.memref_slice %arg9[%parallel_loop3A_281, %parallel_loop3A_685, %parallel_loop3A_686] : memref<2x32x128xf32, #tpu.memory_space<vmem>> -> memref<1x32x128xf32, #tpu.memory_space<vmem>>
        %parallel_loop3A_688 = tpu.memref_squeeze %parallel_loop3A_687 : memref<1x32x128xf32, #tpu.memory_space<vmem>> -> memref<32x128xf32, #tpu.memory_space<vmem>>
        %parallel_loop3A_689 = arith.index_cast %parallel_loop3A_653 : i32 to index
        %parallel_loop3A_690 = arith.constant 0 : index
        %parallel_loop3A_691 = tpu.vector_load %parallel_loop3A_688[%parallel_loop3A_689, %parallel_loop3A_690] {strides = array<i32>} : memref<32x128xf32, #tpu.memory_space<vmem>>, vector<1x16xf32>,
        %parallel_loop3A_692 = vector.shape_cast %parallel_loop3A_691 : vector<1x16xf32> to vector<16xf32>
        %parallel_loop3A_693 = vector.shape_cast %parallel_loop3A_684 : vector<16xf32> to vector<1x16xf32>
        tpu.vector_store %parallel_loop3A_688[%parallel_loop3A_689, %parallel_loop3A_690], %parallel_loop3A_693 {strides = array<i32>} : memref<32x128xf32, #tpu.memory_space<vmem>>, vector<1x16xf32>,
        %parallel_loop3A_694 = arith.constant 4 : i32
        %parallel_loop3A_695 = arith.muli %parallel_loop3A_694, %parallel_loop3A_653 : i32
        %parallel_loop3A_696 = arith.constant 0 : i32
        %parallel_loop3A_697 = arith.addi %parallel_loop3A_695, %parallel_loop3A_696 : i32
        %parallel_loop3A_698 = arith.constant 0 : i32
        %parallel_loop3A_699 = arith.index_cast %parallel_loop3A_698 : i32 to index
        %parallel_loop3A_700 = arith.index_cast %parallel_loop3A_697 : i32 to index
        %parallel_loop3A_701 = arith.constant 16 : index
        %parallel_loop3A_702 = tpu.vector_load %arg7[%parallel_loop3A_699, %parallel_loop3A_700, %parallel_loop3A_701] {strides = array<i32>} : memref<4x128x32xf32, #tpu.memory_space<vmem>>, vector<1x1x16xf32>,
        %parallel_loop3A_703 = vector.shape_cast %parallel_loop3A_702 : vector<1x1x16xf32> to vector<16xf32>
        %parallel_loop3A_704 = arith.constant 1 : i32
        %parallel_loop3A_705 = arith.index_cast %parallel_loop3A_704 : i32 to index
        %parallel_loop3A_706 = arith.index_cast %parallel_loop3A_697 : i32 to index
        %parallel_loop3A_707 = arith.constant 16 : index
        %parallel_loop3A_708 = tpu.vector_load %arg7[%parallel_loop3A_705, %parallel_loop3A_706, %parallel_loop3A_707] {strides = array<i32>} : memref<4x128x32xf32, #tpu.memory_space<vmem>>, vector<1x1x16xf32>,
        %parallel_loop3A_709 = vector.shape_cast %parallel_loop3A_708 : vector<1x1x16xf32> to vector<16xf32>
        %parallel_loop3A_710 = arith.addf %parallel_loop3A_703, %parallel_loop3A_709 : vector<16xf32>
        %parallel_loop3A_711 = arith.constant 2 : i32
        %parallel_loop3A_712 = arith.index_cast %parallel_loop3A_711 : i32 to index
        %parallel_loop3A_713 = arith.index_cast %parallel_loop3A_697 : i32 to index
        %parallel_loop3A_714 = arith.constant 16 : index
        %parallel_loop3A_715 = tpu.vector_load %arg7[%parallel_loop3A_712, %parallel_loop3A_713, %parallel_loop3A_714] {strides = array<i32>} : memref<4x128x32xf32, #tpu.memory_space<vmem>>, vector<1x1x16xf32>,
        %parallel_loop3A_716 = vector.shape_cast %parallel_loop3A_715 : vector<1x1x16xf32> to vector<16xf32>
        %parallel_loop3A_717 = arith.constant 3 : i32
        %parallel_loop3A_718 = arith.index_cast %parallel_loop3A_717 : i32 to index
        %parallel_loop3A_719 = arith.index_cast %parallel_loop3A_697 : i32 to index
        %parallel_loop3A_720 = arith.constant 16 : index
        %parallel_loop3A_721 = tpu.vector_load %arg7[%parallel_loop3A_718, %parallel_loop3A_719, %parallel_loop3A_720] {strides = array<i32>} : memref<4x128x32xf32, #tpu.memory_space<vmem>>, vector<1x1x16xf32>,
        %parallel_loop3A_722 = vector.shape_cast %parallel_loop3A_721 : vector<1x1x16xf32> to vector<16xf32>
        %parallel_loop3A_723 = arith.addf %parallel_loop3A_716, %parallel_loop3A_722 : vector<16xf32>
        %parallel_loop3A_724 = arith.addf %parallel_loop3A_710, %parallel_loop3A_723 : vector<16xf32>
        %parallel_loop3A_725 = arith.constant 0 : i32
        %parallel_loop3A_726 = arith.constant 0 : i32
        %parallel_loop3A_727 = tpu.memref_slice %arg9[%parallel_loop3A_281, %parallel_loop3A_725, %parallel_loop3A_726] : memref<2x32x128xf32, #tpu.memory_space<vmem>> -> memref<1x32x128xf32, #tpu.memory_space<vmem>>
        %parallel_loop3A_728 = tpu.memref_squeeze %parallel_loop3A_727 : memref<1x32x128xf32, #tpu.memory_space<vmem>> -> memref<32x128xf32, #tpu.memory_space<vmem>>
        %parallel_loop3A_729 = arith.index_cast %parallel_loop3A_653 : i32 to index
        %parallel_loop3A_730 = arith.constant 16 : index
        %parallel_loop3A_731 = tpu.vector_load %parallel_loop3A_728[%parallel_loop3A_729, %parallel_loop3A_730] {strides = array<i32>} : memref<32x128xf32, #tpu.memory_space<vmem>>, vector<1x16xf32>,
        %parallel_loop3A_732 = vector.shape_cast %parallel_loop3A_731 : vector<1x16xf32> to vector<16xf32>
        %parallel_loop3A_733 = vector.shape_cast %parallel_loop3A_724 : vector<16xf32> to vector<1x16xf32>
        tpu.vector_store %parallel_loop3A_728[%parallel_loop3A_729, %parallel_loop3A_730], %parallel_loop3A_733 {strides = array<i32>} : memref<32x128xf32, #tpu.memory_space<vmem>>, vector<1x16xf32>,
        %parallel_loop3A_734 = arith.constant 4 : i32
        %parallel_loop3A_735 = arith.muli %parallel_loop3A_734, %parallel_loop3A_653 : i32
        %parallel_loop3A_736 = arith.constant 1 : i32
        %parallel_loop3A_737 = arith.addi %parallel_loop3A_735, %parallel_loop3A_736 : i32
        %parallel_loop3A_738 = arith.constant 0 : i32
        %parallel_loop3A_739 = arith.index_cast %parallel_loop3A_738 : i32 to index
        %parallel_loop3A_740 = arith.index_cast %parallel_loop3A_737 : i32 to index
        %parallel_loop3A_741 = arith.constant 0 : index
        %parallel_loop3A_742 = tpu.vector_load %arg7[%parallel_loop3A_739, %parallel_loop3A_740, %parallel_loop3A_741] {strides = array<i32>} : memref<4x128x32xf32, #tpu.memory_space<vmem>>, vector<1x1x16xf32>,
        %parallel_loop3A_743 = vector.shape_cast %parallel_loop3A_742 : vector<1x1x16xf32> to vector<16xf32>
        %parallel_loop3A_744 = arith.constant 1 : i32
        %parallel_loop3A_745 = arith.index_cast %parallel_loop3A_744 : i32 to index
        %parallel_loop3A_746 = arith.index_cast %parallel_loop3A_737 : i32 to index
        %parallel_loop3A_747 = arith.constant 0 : index
        %parallel_loop3A_748 = tpu.vector_load %arg7[%parallel_loop3A_745, %parallel_loop3A_746, %parallel_loop3A_747] {strides = array<i32>} : memref<4x128x32xf32, #tpu.memory_space<vmem>>, vector<1x1x16xf32>,
        %parallel_loop3A_749 = vector.shape_cast %parallel_loop3A_748 : vector<1x1x16xf32> to vector<16xf32>
        %parallel_loop3A_750 = arith.addf %parallel_loop3A_743, %parallel_loop3A_749 : vector<16xf32>
        %parallel_loop3A_751 = arith.constant 2 : i32
        %parallel_loop3A_752 = arith.index_cast %parallel_loop3A_751 : i32 to index
        %parallel_loop3A_753 = arith.index_cast %parallel_loop3A_737 : i32 to index
        %parallel_loop3A_754 = arith.constant 0 : index
        %parallel_loop3A_755 = tpu.vector_load %arg7[%parallel_loop3A_752, %parallel_loop3A_753, %parallel_loop3A_754] {strides = array<i32>} : memref<4x128x32xf32, #tpu.memory_space<vmem>>, vector<1x1x16xf32>,
        %parallel_loop3A_756 = vector.shape_cast %parallel_loop3A_755 : vector<1x1x16xf32> to vector<16xf32>
        %parallel_loop3A_757 = arith.constant 3 : i32
        %parallel_loop3A_758 = arith.index_cast %parallel_loop3A_757 : i32 to index
        %parallel_loop3A_759 = arith.index_cast %parallel_loop3A_737 : i32 to index
        %parallel_loop3A_760 = arith.constant 0 : index
        %parallel_loop3A_761 = tpu.vector_load %arg7[%parallel_loop3A_758, %parallel_loop3A_759, %parallel_loop3A_760] {strides = array<i32>} : memref<4x128x32xf32, #tpu.memory_space<vmem>>, vector<1x1x16xf32>,
        %parallel_loop3A_762 = vector.shape_cast %parallel_loop3A_761 : vector<1x1x16xf32> to vector<16xf32>
        %parallel_loop3A_763 = arith.addf %parallel_loop3A_756, %parallel_loop3A_762 : vector<16xf32>
        %parallel_loop3A_764 = arith.addf %parallel_loop3A_750, %parallel_loop3A_763 : vector<16xf32>
        %parallel_loop3A_765 = arith.constant 0 : i32
        %parallel_loop3A_766 = arith.constant 0 : i32
        %parallel_loop3A_767 = tpu.memref_slice %arg9[%parallel_loop3A_281, %parallel_loop3A_765, %parallel_loop3A_766] : memref<2x32x128xf32, #tpu.memory_space<vmem>> -> memref<1x32x128xf32, #tpu.memory_space<vmem>>
        %parallel_loop3A_768 = tpu.memref_squeeze %parallel_loop3A_767 : memref<1x32x128xf32, #tpu.memory_space<vmem>> -> memref<32x128xf32, #tpu.memory_space<vmem>>
        %parallel_loop3A_769 = arith.index_cast %parallel_loop3A_653 : i32 to index
        %parallel_loop3A_770 = arith.constant 32 : index
        %parallel_loop3A_771 = tpu.vector_load %parallel_loop3A_768[%parallel_loop3A_769, %parallel_loop3A_770] {strides = array<i32>} : memref<32x128xf32, #tpu.memory_space<vmem>>, vector<1x16xf32>,
        %parallel_loop3A_772 = vector.shape_cast %parallel_loop3A_771 : vector<1x16xf32> to vector<16xf32>
        %parallel_loop3A_773 = vector.shape_cast %parallel_loop3A_764 : vector<16xf32> to vector<1x16xf32>
        tpu.vector_store %parallel_loop3A_768[%parallel_loop3A_769, %parallel_loop3A_770], %parallel_loop3A_773 {strides = array<i32>} : memref<32x128xf32, #tpu.memory_space<vmem>>, vector<1x16xf32>,
        %parallel_loop3A_774 = arith.constant 4 : i32
        %parallel_loop3A_775 = arith.muli %parallel_loop3A_774, %parallel_loop3A_653 : i32
        %parallel_loop3A_776 = arith.constant 1 : i32
        %parallel_loop3A_777 = arith.addi %parallel_loop3A_775, %parallel_loop3A_776 : i32
        %parallel_loop3A_778 = arith.constant 0 : i32
        %parallel_loop3A_779 = arith.index_cast %parallel_loop3A_778 : i32 to index
        %parallel_loop3A_780 = arith.index_cast %parallel_loop3A_777 : i32 to index
        %parallel_loop3A_781 = arith.constant 16 : index
        %parallel_loop3A_782 = tpu.vector_load %arg7[%parallel_loop3A_779, %parallel_loop3A_780, %parallel_loop3A_781] {strides = array<i32>} : memref<4x128x32xf32, #tpu.memory_space<vmem>>, vector<1x1x16xf32>,
        %parallel_loop3A_783 = vector.shape_cast %parallel_loop3A_782 : vector<1x1x16xf32> to vector<16xf32>
        %parallel_loop3A_784 = arith.constant 1 : i32
        %parallel_loop3A_785 = arith.index_cast %parallel_loop3A_784 : i32 to index
        %parallel_loop3A_786 = arith.index_cast %parallel_loop3A_777 : i32 to index
        %parallel_loop3A_787 = arith.constant 16 : index
        %parallel_loop3A_788 = tpu.vector_load %arg7[%parallel_loop3A_785, %parallel_loop3A_786, %parallel_loop3A_787] {strides = array<i32>} : memref<4x128x32xf32, #tpu.memory_space<vmem>>, vector<1x1x16xf32>,
        %parallel_loop3A_789 = vector.shape_cast %parallel_loop3A_788 : vector<1x1x16xf32> to vector<16xf32>
        %parallel_loop3A_790 = arith.addf %parallel_loop3A_783, %parallel_loop3A_789 : vector<16xf32>
        %parallel_loop3A_791 = arith.constant 2 : i32
        %parallel_loop3A_792 = arith.index_cast %parallel_loop3A_791 : i32 to index
        %parallel_loop3A_793 = arith.index_cast %parallel_loop3A_777 : i32 to index
        %parallel_loop3A_794 = arith.constant 16 : index
        %parallel_loop3A_795 = tpu.vector_load %arg7[%parallel_loop3A_792, %parallel_loop3A_793, %parallel_loop3A_794] {strides = array<i32>} : memref<4x128x32xf32, #tpu.memory_space<vmem>>, vector<1x1x16xf32>,
        %parallel_loop3A_796 = vector.shape_cast %parallel_loop3A_795 : vector<1x1x16xf32> to vector<16xf32>
        %parallel_loop3A_797 = arith.constant 3 : i32
        %parallel_loop3A_798 = arith.index_cast %parallel_loop3A_797 : i32 to index
        %parallel_loop3A_799 = arith.index_cast %parallel_loop3A_777 : i32 to index
        %parallel_loop3A_800 = arith.constant 16 : index
        %parallel_loop3A_801 = tpu.vector_load %arg7[%parallel_loop3A_798, %parallel_loop3A_799, %parallel_loop3A_800] {strides = array<i32>} : memref<4x128x32xf32, #tpu.memory_space<vmem>>, vector<1x1x16xf32>,
        %parallel_loop3A_802 = vector.shape_cast %parallel_loop3A_801 : vector<1x1x16xf32> to vector<16xf32>
        %parallel_loop3A_803 = arith.addf %parallel_loop3A_796, %parallel_loop3A_802 : vector<16xf32>
        %parallel_loop3A_804 = arith.addf %parallel_loop3A_790, %parallel_loop3A_803 : vector<16xf32>
        %parallel_loop3A_805 = arith.constant 0 : i32
        %parallel_loop3A_806 = arith.constant 0 : i32
        %parallel_loop3A_807 = tpu.memref_slice %arg9[%parallel_loop3A_281, %parallel_loop3A_805, %parallel_loop3A_806] : memref<2x32x128xf32, #tpu.memory_space<vmem>> -> memref<1x32x128xf32, #tpu.memory_space<vmem>>
        %parallel_loop3A_808 = tpu.memref_squeeze %parallel_loop3A_807 : memref<1x32x128xf32, #tpu.memory_space<vmem>> -> memref<32x128xf32, #tpu.memory_space<vmem>>
        %parallel_loop3A_809 = arith.index_cast %parallel_loop3A_653 : i32 to index
        %parallel_loop3A_810 = arith.constant 48 : index
        %parallel_loop3A_811 = tpu.vector_load %parallel_loop3A_808[%parallel_loop3A_809, %parallel_loop3A_810] {strides = array<i32>} : memref<32x128xf32, #tpu.memory_space<vmem>>, vector<1x16xf32>,
        %parallel_loop3A_812 = vector.shape_cast %parallel_loop3A_811 : vector<1x16xf32> to vector<16xf32>
        %parallel_loop3A_813 = vector.shape_cast %parallel_loop3A_804 : vector<16xf32> to vector<1x16xf32>
        tpu.vector_store %parallel_loop3A_808[%parallel_loop3A_809, %parallel_loop3A_810], %parallel_loop3A_813 {strides = array<i32>} : memref<32x128xf32, #tpu.memory_space<vmem>>, vector<1x16xf32>,
        %parallel_loop3A_814 = arith.constant 4 : i32
        %parallel_loop3A_815 = arith.muli %parallel_loop3A_814, %parallel_loop3A_653 : i32
        %parallel_loop3A_816 = arith.constant 2 : i32
        %parallel_loop3A_817 = arith.addi %parallel_loop3A_815, %parallel_loop3A_816 : i32
        %parallel_loop3A_818 = arith.constant 0 : i32
        %parallel_loop3A_819 = arith.index_cast %parallel_loop3A_818 : i32 to index
        %parallel_loop3A_820 = arith.index_cast %parallel_loop3A_817 : i32 to index
        %parallel_loop3A_821 = arith.constant 0 : index
        %parallel_loop3A_822 = tpu.vector_load %arg7[%parallel_loop3A_819, %parallel_loop3A_820, %parallel_loop3A_821] {strides = array<i32>} : memref<4x128x32xf32, #tpu.memory_space<vmem>>, vector<1x1x16xf32>,
        %parallel_loop3A_823 = vector.shape_cast %parallel_loop3A_822 : vector<1x1x16xf32> to vector<16xf32>
        %parallel_loop3A_824 = arith.constant 1 : i32
        %parallel_loop3A_825 = arith.index_cast %parallel_loop3A_824 : i32 to index
        %parallel_loop3A_826 = arith.index_cast %parallel_loop3A_817 : i32 to index
        %parallel_loop3A_827 = arith.constant 0 : index
        %parallel_loop3A_828 = tpu.vector_load %arg7[%parallel_loop3A_825, %parallel_loop3A_826, %parallel_loop3A_827] {strides = array<i32>} : memref<4x128x32xf32, #tpu.memory_space<vmem>>, vector<1x1x16xf32>,
        %parallel_loop3A_829 = vector.shape_cast %parallel_loop3A_828 : vector<1x1x16xf32> to vector<16xf32>
        %parallel_loop3A_830 = arith.addf %parallel_loop3A_823, %parallel_loop3A_829 : vector<16xf32>
        %parallel_loop3A_831 = arith.constant 2 : i32
        %parallel_loop3A_832 = arith.index_cast %parallel_loop3A_831 : i32 to index
        %parallel_loop3A_833 = arith.index_cast %parallel_loop3A_817 : i32 to index
        %parallel_loop3A_834 = arith.constant 0 : index
        %parallel_loop3A_835 = tpu.vector_load %arg7[%parallel_loop3A_832, %parallel_loop3A_833, %parallel_loop3A_834] {strides = array<i32>} : memref<4x128x32xf32, #tpu.memory_space<vmem>>, vector<1x1x16xf32>,
        %parallel_loop3A_836 = vector.shape_cast %parallel_loop3A_835 : vector<1x1x16xf32> to vector<16xf32>
        %parallel_loop3A_837 = arith.constant 3 : i32
        %parallel_loop3A_838 = arith.index_cast %parallel_loop3A_837 : i32 to index
        %parallel_loop3A_839 = arith.index_cast %parallel_loop3A_817 : i32 to index
        %parallel_loop3A_840 = arith.constant 0 : index
        %parallel_loop3A_841 = tpu.vector_load %arg7[%parallel_loop3A_838, %parallel_loop3A_839, %parallel_loop3A_840] {strides = array<i32>} : memref<4x128x32xf32, #tpu.memory_space<vmem>>, vector<1x1x16xf32>,
        %parallel_loop3A_842 = vector.shape_cast %parallel_loop3A_841 : vector<1x1x16xf32> to vector<16xf32>
        %parallel_loop3A_843 = arith.addf %parallel_loop3A_836, %parallel_loop3A_842 : vector<16xf32>
        %parallel_loop3A_844 = arith.addf %parallel_loop3A_830, %parallel_loop3A_843 : vector<16xf32>
        %parallel_loop3A_845 = arith.constant 0 : i32
        %parallel_loop3A_846 = arith.constant 0 : i32
        %parallel_loop3A_847 = tpu.memref_slice %arg9[%parallel_loop3A_281, %parallel_loop3A_845, %parallel_loop3A_846] : memref<2x32x128xf32, #tpu.memory_space<vmem>> -> memref<1x32x128xf32, #tpu.memory_space<vmem>>
        %parallel_loop3A_848 = tpu.memref_squeeze %parallel_loop3A_847 : memref<1x32x128xf32, #tpu.memory_space<vmem>> -> memref<32x128xf32, #tpu.memory_space<vmem>>
        %parallel_loop3A_849 = arith.index_cast %parallel_loop3A_653 : i32 to index
        %parallel_loop3A_850 = arith.constant 64 : index
        %parallel_loop3A_851 = tpu.vector_load %parallel_loop3A_848[%parallel_loop3A_849, %parallel_loop3A_850] {strides = array<i32>} : memref<32x128xf32, #tpu.memory_space<vmem>>, vector<1x16xf32>,
        %parallel_loop3A_852 = vector.shape_cast %parallel_loop3A_851 : vector<1x16xf32> to vector<16xf32>
        %parallel_loop3A_853 = vector.shape_cast %parallel_loop3A_844 : vector<16xf32> to vector<1x16xf32>
        tpu.vector_store %parallel_loop3A_848[%parallel_loop3A_849, %parallel_loop3A_850], %parallel_loop3A_853 {strides = array<i32>} : memref<32x128xf32, #tpu.memory_space<vmem>>, vector<1x16xf32>,
        %parallel_loop3A_854 = arith.constant 4 : i32
        %parallel_loop3A_855 = arith.muli %parallel_loop3A_854, %parallel_loop3A_653 : i32
        %parallel_loop3A_856 = arith.constant 2 : i32
        %parallel_loop3A_857 = arith.addi %parallel_loop3A_855, %parallel_loop3A_856 : i32
        %parallel_loop3A_858 = arith.constant 0 : i32
        %parallel_loop3A_859 = arith.index_cast %parallel_loop3A_858 : i32 to index
        %parallel_loop3A_860 = arith.index_cast %parallel_loop3A_857 : i32 to index
        %parallel_loop3A_861 = arith.constant 16 : index
        %parallel_loop3A_862 = tpu.vector_load %arg7[%parallel_loop3A_859, %parallel_loop3A_860, %parallel_loop3A_861] {strides = array<i32>} : memref<4x128x32xf32, #tpu.memory_space<vmem>>, vector<1x1x16xf32>,
        %parallel_loop3A_863 = vector.shape_cast %parallel_loop3A_862 : vector<1x1x16xf32> to vector<16xf32>
        %parallel_loop3A_864 = arith.constant 1 : i32
        %parallel_loop3A_865 = arith.index_cast %parallel_loop3A_864 : i32 to index
        %parallel_loop3A_866 = arith.index_cast %parallel_loop3A_857 : i32 to index
        %parallel_loop3A_867 = arith.constant 16 : index
        %parallel_loop3A_868 = tpu.vector_load %arg7[%parallel_loop3A_865, %parallel_loop3A_866, %parallel_loop3A_867] {strides = array<i32>} : memref<4x128x32xf32, #tpu.memory_space<vmem>>, vector<1x1x16xf32>,
        %parallel_loop3A_869 = vector.shape_cast %parallel_loop3A_868 : vector<1x1x16xf32> to vector<16xf32>
        %parallel_loop3A_870 = arith.addf %parallel_loop3A_863, %parallel_loop3A_869 : vector<16xf32>
        %parallel_loop3A_871 = arith.constant 2 : i32
        %parallel_loop3A_872 = arith.index_cast %parallel_loop3A_871 : i32 to index
        %parallel_loop3A_873 = arith.index_cast %parallel_loop3A_857 : i32 to index
        %parallel_loop3A_874 = arith.constant 16 : index
        %parallel_loop3A_875 = tpu.vector_load %arg7[%parallel_loop3A_872, %parallel_loop3A_873, %parallel_loop3A_874] {strides = array<i32>} : memref<4x128x32xf32, #tpu.memory_space<vmem>>, vector<1x1x16xf32>,
        %parallel_loop3A_876 = vector.shape_cast %parallel_loop3A_875 : vector<1x1x16xf32> to vector<16xf32>
        %parallel_loop3A_877 = arith.constant 3 : i32
        %parallel_loop3A_878 = arith.index_cast %parallel_loop3A_877 : i32 to index
        %parallel_loop3A_879 = arith.index_cast %parallel_loop3A_857 : i32 to index
        %parallel_loop3A_880 = arith.constant 16 : index
        %parallel_loop3A_881 = tpu.vector_load %arg7[%parallel_loop3A_878, %parallel_loop3A_879, %parallel_loop3A_880] {strides = array<i32>} : memref<4x128x32xf32, #tpu.memory_space<vmem>>, vector<1x1x16xf32>,
        %parallel_loop3A_882 = vector.shape_cast %parallel_loop3A_881 : vector<1x1x16xf32> to vector<16xf32>
        %parallel_loop3A_883 = arith.addf %parallel_loop3A_876, %parallel_loop3A_882 : vector<16xf32>
        %parallel_loop3A_884 = arith.addf %parallel_loop3A_870, %parallel_loop3A_883 : vector<16xf32>
        %parallel_loop3A_885 = arith.constant 0 : i32
        %parallel_loop3A_886 = arith.constant 0 : i32
        %parallel_loop3A_887 = tpu.memref_slice %arg9[%parallel_loop3A_281, %parallel_loop3A_885, %parallel_loop3A_886] : memref<2x32x128xf32, #tpu.memory_space<vmem>> -> memref<1x32x128xf32, #tpu.memory_space<vmem>>
        %parallel_loop3A_888 = tpu.memref_squeeze %parallel_loop3A_887 : memref<1x32x128xf32, #tpu.memory_space<vmem>> -> memref<32x128xf32, #tpu.memory_space<vmem>>
        %parallel_loop3A_889 = arith.index_cast %parallel_loop3A_653 : i32 to index
        %parallel_loop3A_890 = arith.constant 80 : index
        %parallel_loop3A_891 = tpu.vector_load %parallel_loop3A_888[%parallel_loop3A_889, %parallel_loop3A_890] {strides = array<i32>} : memref<32x128xf32, #tpu.memory_space<vmem>>, vector<1x16xf32>,
        %parallel_loop3A_892 = vector.shape_cast %parallel_loop3A_891 : vector<1x16xf32> to vector<16xf32>
        %parallel_loop3A_893 = vector.shape_cast %parallel_loop3A_884 : vector<16xf32> to vector<1x16xf32>
        tpu.vector_store %parallel_loop3A_888[%parallel_loop3A_889, %parallel_loop3A_890], %parallel_loop3A_893 {strides = array<i32>} : memref<32x128xf32, #tpu.memory_space<vmem>>, vector<1x16xf32>,
        %parallel_loop3A_894 = arith.constant 4 : i32
        %parallel_loop3A_895 = arith.muli %parallel_loop3A_894, %parallel_loop3A_653 : i32
        %parallel_loop3A_896 = arith.constant 3 : i32
        %parallel_loop3A_897 = arith.addi %parallel_loop3A_895, %parallel_loop3A_896 : i32
        %parallel_loop3A_898 = arith.constant 0 : i32
        %parallel_loop3A_899 = arith.index_cast %parallel_loop3A_898 : i32 to index
        %parallel_loop3A_900 = arith.index_cast %parallel_loop3A_897 : i32 to index
        %parallel_loop3A_901 = arith.constant 0 : index
        %parallel_loop3A_902 = tpu.vector_load %arg7[%parallel_loop3A_899, %parallel_loop3A_900, %parallel_loop3A_901] {strides = array<i32>} : memref<4x128x32xf32, #tpu.memory_space<vmem>>, vector<1x1x16xf32>,
        %parallel_loop3A_903 = vector.shape_cast %parallel_loop3A_902 : vector<1x1x16xf32> to vector<16xf32>
        %parallel_loop3A_904 = arith.constant 1 : i32
        %parallel_loop3A_905 = arith.index_cast %parallel_loop3A_904 : i32 to index
        %parallel_loop3A_906 = arith.index_cast %parallel_loop3A_897 : i32 to index
        %parallel_loop3A_907 = arith.constant 0 : index
        %parallel_loop3A_908 = tpu.vector_load %arg7[%parallel_loop3A_905, %parallel_loop3A_906, %parallel_loop3A_907] {strides = array<i32>} : memref<4x128x32xf32, #tpu.memory_space<vmem>>, vector<1x1x16xf32>,
        %parallel_loop3A_909 = vector.shape_cast %parallel_loop3A_908 : vector<1x1x16xf32> to vector<16xf32>
        %parallel_loop3A_910 = arith.addf %parallel_loop3A_903, %parallel_loop3A_909 : vector<16xf32>
        %parallel_loop3A_911 = arith.constant 2 : i32
        %parallel_loop3A_912 = arith.index_cast %parallel_loop3A_911 : i32 to index
        %parallel_loop3A_913 = arith.index_cast %parallel_loop3A_897 : i32 to index
        %parallel_loop3A_914 = arith.constant 0 : index
        %parallel_loop3A_915 = tpu.vector_load %arg7[%parallel_loop3A_912, %parallel_loop3A_913, %parallel_loop3A_914] {strides = array<i32>} : memref<4x128x32xf32, #tpu.memory_space<vmem>>, vector<1x1x16xf32>,
        %parallel_loop3A_916 = vector.shape_cast %parallel_loop3A_915 : vector<1x1x16xf32> to vector<16xf32>
        %parallel_loop3A_917 = arith.constant 3 : i32
        %parallel_loop3A_918 = arith.index_cast %parallel_loop3A_917 : i32 to index
        %parallel_loop3A_919 = arith.index_cast %parallel_loop3A_897 : i32 to index
        %parallel_loop3A_920 = arith.constant 0 : index
        %parallel_loop3A_921 = tpu.vector_load %arg7[%parallel_loop3A_918, %parallel_loop3A_919, %parallel_loop3A_920] {strides = array<i32>} : memref<4x128x32xf32, #tpu.memory_space<vmem>>, vector<1x1x16xf32>,
        %parallel_loop3A_922 = vector.shape_cast %parallel_loop3A_921 : vector<1x1x16xf32> to vector<16xf32>
        %parallel_loop3A_923 = arith.addf %parallel_loop3A_916, %parallel_loop3A_922 : vector<16xf32>
        %parallel_loop3A_924 = arith.addf %parallel_loop3A_910, %parallel_loop3A_923 : vector<16xf32>
        %parallel_loop3A_925 = arith.constant 0 : i32
        %parallel_loop3A_926 = arith.constant 0 : i32
        %parallel_loop3A_927 = tpu.memref_slice %arg9[%parallel_loop3A_281, %parallel_loop3A_925, %parallel_loop3A_926] : memref<2x32x128xf32, #tpu.memory_space<vmem>> -> memref<1x32x128xf32, #tpu.memory_space<vmem>>
        %parallel_loop3A_928 = tpu.memref_squeeze %parallel_loop3A_927 : memref<1x32x128xf32, #tpu.memory_space<vmem>> -> memref<32x128xf32, #tpu.memory_space<vmem>>
        %parallel_loop3A_929 = arith.index_cast %parallel_loop3A_653 : i32 to index
        %parallel_loop3A_930 = arith.constant 96 : index
        %parallel_loop3A_931 = tpu.vector_load %parallel_loop3A_928[%parallel_loop3A_929, %parallel_loop3A_930] {strides = array<i32>} : memref<32x128xf32, #tpu.memory_space<vmem>>, vector<1x16xf32>,
        %parallel_loop3A_932 = vector.shape_cast %parallel_loop3A_931 : vector<1x16xf32> to vector<16xf32>
        %parallel_loop3A_933 = vector.shape_cast %parallel_loop3A_924 : vector<16xf32> to vector<1x16xf32>
        tpu.vector_store %parallel_loop3A_928[%parallel_loop3A_929, %parallel_loop3A_930], %parallel_loop3A_933 {strides = array<i32>} : memref<32x128xf32, #tpu.memory_space<vmem>>, vector<1x16xf32>,
        %parallel_loop3A_934 = arith.constant 4 : i32
        %parallel_loop3A_935 = arith.muli %parallel_loop3A_934, %parallel_loop3A_653 : i32
        %parallel_loop3A_936 = arith.constant 3 : i32
        %parallel_loop3A_937 = arith.addi %parallel_loop3A_935, %parallel_loop3A_936 : i32
        %parallel_loop3A_938 = arith.constant 0 : i32
        %parallel_loop3A_939 = arith.index_cast %parallel_loop3A_938 : i32 to index
        %parallel_loop3A_940 = arith.index_cast %parallel_loop3A_937 : i32 to index
        %parallel_loop3A_941 = arith.constant 16 : index
        %parallel_loop3A_942 = tpu.vector_load %arg7[%parallel_loop3A_939, %parallel_loop3A_940, %parallel_loop3A_941] {strides = array<i32>} : memref<4x128x32xf32, #tpu.memory_space<vmem>>, vector<1x1x16xf32>,
        %parallel_loop3A_943 = vector.shape_cast %parallel_loop3A_942 : vector<1x1x16xf32> to vector<16xf32>
        %parallel_loop3A_944 = arith.constant 1 : i32
        %parallel_loop3A_945 = arith.index_cast %parallel_loop3A_944 : i32 to index
        %parallel_loop3A_946 = arith.index_cast %parallel_loop3A_937 : i32 to index
        %parallel_loop3A_947 = arith.constant 16 : index
        %parallel_loop3A_948 = tpu.vector_load %arg7[%parallel_loop3A_945, %parallel_loop3A_946, %parallel_loop3A_947] {strides = array<i32>} : memref<4x128x32xf32, #tpu.memory_space<vmem>>, vector<1x1x16xf32>,
        %parallel_loop3A_949 = vector.shape_cast %parallel_loop3A_948 : vector<1x1x16xf32> to vector<16xf32>
        %parallel_loop3A_950 = arith.addf %parallel_loop3A_943, %parallel_loop3A_949 : vector<16xf32>
        %parallel_loop3A_951 = arith.constant 2 : i32
        %parallel_loop3A_952 = arith.index_cast %parallel_loop3A_951 : i32 to index
        %parallel_loop3A_953 = arith.index_cast %parallel_loop3A_937 : i32 to index
        %parallel_loop3A_954 = arith.constant 16 : index
        %parallel_loop3A_955 = tpu.vector_load %arg7[%parallel_loop3A_952, %parallel_loop3A_953, %parallel_loop3A_954] {strides = array<i32>} : memref<4x128x32xf32, #tpu.memory_space<vmem>>, vector<1x1x16xf32>,
        %parallel_loop3A_956 = vector.shape_cast %parallel_loop3A_955 : vector<1x1x16xf32> to vector<16xf32>
        %parallel_loop3A_957 = arith.constant 3 : i32
        %parallel_loop3A_958 = arith.index_cast %parallel_loop3A_957 : i32 to index
        %parallel_loop3A_959 = arith.index_cast %parallel_loop3A_937 : i32 to index
        %parallel_loop3A_960 = arith.constant 16 : index
        %parallel_loop3A_961 = tpu.vector_load %arg7[%parallel_loop3A_958, %parallel_loop3A_959, %parallel_loop3A_960] {strides = array<i32>} : memref<4x128x32xf32, #tpu.memory_space<vmem>>, vector<1x1x16xf32>,
        %parallel_loop3A_962 = vector.shape_cast %parallel_loop3A_961 : vector<1x1x16xf32> to vector<16xf32>
        %parallel_loop3A_963 = arith.addf %parallel_loop3A_956, %parallel_loop3A_962 : vector<16xf32>
        %parallel_loop3A_964 = arith.addf %parallel_loop3A_950, %parallel_loop3A_963 : vector<16xf32>
        %parallel_loop3A_965 = arith.constant 0 : i32
        %parallel_loop3A_966 = arith.constant 0 : i32
        %parallel_loop3A_967 = tpu.memref_slice %arg9[%parallel_loop3A_281, %parallel_loop3A_965, %parallel_loop3A_966] : memref<2x32x128xf32, #tpu.memory_space<vmem>> -> memref<1x32x128xf32, #tpu.memory_space<vmem>>
        %parallel_loop3A_968 = tpu.memref_squeeze %parallel_loop3A_967 : memref<1x32x128xf32, #tpu.memory_space<vmem>> -> memref<32x128xf32, #tpu.memory_space<vmem>>
        %parallel_loop3A_969 = arith.index_cast %parallel_loop3A_653 : i32 to index
        %parallel_loop3A_970 = arith.constant 112 : index
        %parallel_loop3A_971 = tpu.vector_load %parallel_loop3A_968[%parallel_loop3A_969, %parallel_loop3A_970] {strides = array<i32>} : memref<32x128xf32, #tpu.memory_space<vmem>>, vector<1x16xf32>,
        %parallel_loop3A_972 = vector.shape_cast %parallel_loop3A_971 : vector<1x16xf32> to vector<16xf32>
        %parallel_loop3A_973 = vector.shape_cast %parallel_loop3A_964 : vector<16xf32> to vector<1x16xf32>
        tpu.vector_store %parallel_loop3A_968[%parallel_loop3A_969, %parallel_loop3A_970], %parallel_loop3A_973 {strides = array<i32>} : memref<32x128xf32, #tpu.memory_space<vmem>>, vector<1x16xf32>,
      } {sc.loop_unroll_factor = 4 : i64, sc.parallel_access}
      %add3A_282 = arith.addi %mul3A_2, %add3A_112 : i32
      %mul3A_283 = arith.constant 2 : i32
      %mul3A_284 = arith.muli %add3A_282, %mul3A_283 : i32
      %add3A_285 = arith.constant 0 : i32
      %add3A_286 = arith.addi %mul3A_284, %add3A_285 : i32
      %mul3A_287 = arith.constant 32 : i32
      %mul3A_288 = arith.muli %add3A_286, %mul3A_287 : i32
      %dma_start3A_289 = arith.constant 0 : i32
      %dma_start3A_290 = arith.constant 0 : i32
      %dma_start3A_291 = arith.constant 0 : i32
      %dma_start3A_292 = tpu.memref_slice %arg9[%dma_start3A_289, %dma_start3A_290, %dma_start3A_291] : memref<2x32x128xf32, #tpu.memory_space<vmem>> -> memref<1x32x128xf32, #tpu.memory_space<vmem>>
      %dma_start3A_293 = tpu.memref_squeeze %dma_start3A_292 : memref<1x32x128xf32, #tpu.memory_space<vmem>> -> memref<32x128xf32, #tpu.memory_space<vmem>>
      %dma_start3A_294 = arith.constant 0 : i32
      %dma_start3A_295 = tpu.memref_slice %arg4[%mul3A_288, %dma_start3A_294] : memref<143360x128xf32, #tpu.memory_space<hbm>> -> memref<32x128xf32, #tpu.memory_space<hbm>>
      %dma_start3A_296 = arith.constant 0 : i32
      %dma_start3A_297 = tpu.memref_slice %arg4[%mul3A_288, %dma_start3A_296] : memref<143360x128xf32, #tpu.memory_space<hbm>> -> memref<32x128xf32, #tpu.memory_space<hbm>>
      %dma_start3A_298 = arith.constant 0 : i32
      %dma_start3A_299 = arith.constant 0 : i32
      %dma_start3A_300 = tpu.memref_slice %arg9[%dma_start3A_289, %dma_start3A_298, %dma_start3A_299] : memref<2x32x128xf32, #tpu.memory_space<vmem>> -> memref<1x32x128xf32, #tpu.memory_space<vmem>>
      %dma_start3A_301 = tpu.memref_squeeze %dma_start3A_300 : memref<1x32x128xf32, #tpu.memory_space<vmem>> -> memref<32x128xf32, #tpu.memory_space<vmem>>
      tpu.enqueue_dma source(%dma_start3A_301 : memref<32x128xf32, #tpu.memory_space<vmem>>) target(%dma_start3A_297 : memref<32x128xf32, #tpu.memory_space<hbm>>) target_semaphore(%arg15 : memref<!tpu.dma_semaphore, #tpu.memory_space<semaphore_mem>>)
      %dma_wait3A_302 = arith.constant 4 : i32
      %dma_wait3A_303 = arith.constant 0 : i32
      %dma_wait3A_304 = arith.constant 0 : i32
      %dma_wait3A_305 = arith.constant 0 : i32
      %dma_wait3A_306 = tpu.memref_slice %arg8[%dma_wait3A_303, %dma_wait3A_304, %dma_wait3A_305] : memref<4x128x32xf32, #tpu.memory_space<vmem>> -> memref<1x128x32xf32, #tpu.memory_space<vmem>>
      %dma_wait3A_307 = tpu.memref_squeeze %dma_wait3A_306 : memref<1x128x32xf32, #tpu.memory_space<vmem>> -> memref<128x32xf32, #tpu.memory_space<vmem>>
      %dma_wait3A_308 = arith.constant 0 : i32
      %dma_wait3A_309 = tpu.memref_slice %arg5[%dma_wait3A_302, %dma_wait3A_308] : memref<8x128xi32, #tpu.memory_space<vmem>> -> memref<1x128xi32, #tpu.memory_space<vmem>>
      %dma_wait3A_310 = tpu.memref_squeeze %dma_wait3A_309 : memref<1x128xi32, #tpu.memory_space<vmem>> -> memref<128xi32, #tpu.memory_space<vmem>>
      %dma_wait3A_311 = arith.constant 0 : i32
      %dma_wait3A_312 = arith.constant 0 : i32
      %dma_wait3A_313 = tpu.memref_slice %arg3[%dma_wait3A_311, %dma_wait3A_312] : memref<100000x32xf32, #tpu.memory_space<hbm>> -> memref<100000x32xf32, #tpu.memory_space<hbm>>
      tpu.wait_indirect_dma semaphore(%arg12 : memref<!tpu.dma_semaphore, #tpu.memory_space<semaphore_mem>>) src(%dma_wait3A_313 : memref<100000x32xf32, #tpu.memory_space<hbm>>) dst(%dma_wait3A_307 : memref<128x32xf32, #tpu.memory_space<vmem>>)
      %dma_wait3A_314 = arith.constant 5 : i32
      %dma_wait3A_315 = arith.constant 1 : i32
      %dma_wait3A_316 = arith.constant 0 : i32
      %dma_wait3A_317 = arith.constant 0 : i32
      %dma_wait3A_318 = tpu.memref_slice %arg8[%dma_wait3A_315, %dma_wait3A_316, %dma_wait3A_317] : memref<4x128x32xf32, #tpu.memory_space<vmem>> -> memref<1x128x32xf32, #tpu.memory_space<vmem>>
      %dma_wait3A_319 = tpu.memref_squeeze %dma_wait3A_318 : memref<1x128x32xf32, #tpu.memory_space<vmem>> -> memref<128x32xf32, #tpu.memory_space<vmem>>
      %dma_wait3A_320 = arith.constant 0 : i32
      %dma_wait3A_321 = tpu.memref_slice %arg5[%dma_wait3A_314, %dma_wait3A_320] : memref<8x128xi32, #tpu.memory_space<vmem>> -> memref<1x128xi32, #tpu.memory_space<vmem>>
      %dma_wait3A_322 = tpu.memref_squeeze %dma_wait3A_321 : memref<1x128xi32, #tpu.memory_space<vmem>> -> memref<128xi32, #tpu.memory_space<vmem>>
      %dma_wait3A_323 = arith.constant 0 : i32
      %dma_wait3A_324 = arith.constant 0 : i32
      %dma_wait3A_325 = tpu.memref_slice %arg3[%dma_wait3A_323, %dma_wait3A_324] : memref<100000x32xf32, #tpu.memory_space<hbm>> -> memref<100000x32xf32, #tpu.memory_space<hbm>>
      tpu.wait_indirect_dma semaphore(%arg12 : memref<!tpu.dma_semaphore, #tpu.memory_space<semaphore_mem>>) src(%dma_wait3A_325 : memref<100000x32xf32, #tpu.memory_space<hbm>>) dst(%dma_wait3A_319 : memref<128x32xf32, #tpu.memory_space<vmem>>)
      %dma_wait3A_326 = arith.constant 6 : i32
      %dma_wait3A_327 = arith.constant 2 : i32
      %dma_wait3A_328 = arith.constant 0 : i32
      %dma_wait3A_329 = arith.constant 0 : i32
      %dma_wait3A_330 = tpu.memref_slice %arg8[%dma_wait3A_327, %dma_wait3A_328, %dma_wait3A_329] : memref<4x128x32xf32, #tpu.memory_space<vmem>> -> memref<1x128x32xf32, #tpu.memory_space<vmem>>
      %dma_wait3A_331 = tpu.memref_squeeze %dma_wait3A_330 : memref<1x128x32xf32, #tpu.memory_space<vmem>> -> memref<128x32xf32, #tpu.memory_space<vmem>>
      %dma_wait3A_332 = arith.constant 0 : i32
      %dma_wait3A_333 = tpu.memref_slice %arg5[%dma_wait3A_326, %dma_wait3A_332] : memref<8x128xi32, #tpu.memory_space<vmem>> -> memref<1x128xi32, #tpu.memory_space<vmem>>
      %dma_wait3A_334 = tpu.memref_squeeze %dma_wait3A_333 : memref<1x128xi32, #tpu.memory_space<vmem>> -> memref<128xi32, #tpu.memory_space<vmem>>
      %dma_wait3A_335 = arith.constant 0 : i32
      %dma_wait3A_336 = arith.constant 0 : i32
      %dma_wait3A_337 = tpu.memref_slice %arg3[%dma_wait3A_335, %dma_wait3A_336] : memref<100000x32xf32, #tpu.memory_space<hbm>> -> memref<100000x32xf32, #tpu.memory_space<hbm>>
      tpu.wait_indirect_dma semaphore(%arg12 : memref<!tpu.dma_semaphore, #tpu.memory_space<semaphore_mem>>) src(%dma_wait3A_337 : memref<100000x32xf32, #tpu.memory_space<hbm>>) dst(%dma_wait3A_331 : memref<128x32xf32, #tpu.memory_space<vmem>>)
      %dma_wait3A_338 = arith.constant 7 : i32
      %dma_wait3A_339 = arith.constant 3 : i32
      %dma_wait3A_340 = arith.constant 0 : i32
      %dma_wait3A_341 = arith.constant 0 : i32
      %dma_wait3A_342 = tpu.memref_slice %arg8[%dma_wait3A_339, %dma_wait3A_340, %dma_wait3A_341] : memref<4x128x32xf32, #tpu.memory_space<vmem>> -> memref<1x128x32xf32, #tpu.memory_space<vmem>>
      %dma_wait3A_343 = tpu.memref_squeeze %dma_wait3A_342 : memref<1x128x32xf32, #tpu.memory_space<vmem>> -> memref<128x32xf32, #tpu.memory_space<vmem>>
      %dma_wait3A_344 = arith.constant 0 : i32
      %dma_wait3A_345 = tpu.memref_slice %arg5[%dma_wait3A_338, %dma_wait3A_344] : memref<8x128xi32, #tpu.memory_space<vmem>> -> memref<1x128xi32, #tpu.memory_space<vmem>>
      %dma_wait3A_346 = tpu.memref_squeeze %dma_wait3A_345 : memref<1x128xi32, #tpu.memory_space<vmem>> -> memref<128xi32, #tpu.memory_space<vmem>>
      %dma_wait3A_347 = arith.constant 0 : i32
      %dma_wait3A_348 = arith.constant 0 : i32
      %dma_wait3A_349 = tpu.memref_slice %arg3[%dma_wait3A_347, %dma_wait3A_348] : memref<100000x32xf32, #tpu.memory_space<hbm>> -> memref<100000x32xf32, #tpu.memory_space<hbm>>
      tpu.wait_indirect_dma semaphore(%arg12 : memref<!tpu.dma_semaphore, #tpu.memory_space<semaphore_mem>>) src(%dma_wait3A_349 : memref<100000x32xf32, #tpu.memory_space<hbm>>) dst(%dma_wait3A_343 : memref<128x32xf32, #tpu.memory_space<vmem>>)
      %gt3A_350 = arith.constant 0 : i32
      %gt3A_351 = arith.cmpi sgt, %scan3A_108, %gt3A_350 : i32
      %convert_element_type3A_352 = arith.extui %gt3A_351 : i1 to i32
      %cond3A_353 = arith.constant 0 : i32
      %cond3A_354 = arith.cmpi ne, %convert_element_type3A_352, %cond3A_353 : i32
      scf.if %cond3A_354 {
        %sub3A = arith.constant 2 : i32
        %sub3A_653 = arith.subi %add3A_112, %sub3A : i32
        %add3A_654 = arith.addi %mul3A_2, %sub3A_653 : i32
        %mul3A_655 = arith.constant 2 : i32
        %mul3A_656 = arith.muli %add3A_654, %mul3A_655 : i32
        %add3A_657 = arith.constant 1 : i32
        %add3A_658 = arith.addi %mul3A_656, %add3A_657 : i32
        %mul3A_659 = arith.constant 32 : i32
        %mul3A_660 = arith.muli %add3A_658, %mul3A_659 : i32
        %dma_wait3A_661 = arith.constant 0 : i32
        %dma_wait3A_662 = arith.constant 0 : i32
        %dma_wait3A_663 = arith.constant 0 : i32
        %dma_wait3A_664 = tpu.memref_slice %arg10[%dma_wait3A_661, %dma_wait3A_662, %dma_wait3A_663] : memref<2x32x128xf32, #tpu.memory_space<vmem>> -> memref<1x32x128xf32, #tpu.memory_space<vmem>>
        %dma_wait3A_665 = tpu.memref_squeeze %dma_wait3A_664 : memref<1x32x128xf32, #tpu.memory_space<vmem>> -> memref<32x128xf32, #tpu.memory_space<vmem>>
        %dma_wait3A_666 = arith.constant 0 : i32
        %dma_wait3A_667 = tpu.memref_slice %arg4[%mul3A_660, %dma_wait3A_666] : memref<143360x128xf32, #tpu.memory_space<hbm>> -> memref<32x128xf32, #tpu.memory_space<hbm>>
        %dma_wait3A_668 = arith.constant 0 : i32
        %dma_wait3A_669 = tpu.memref_slice %arg4[%mul3A_660, %dma_wait3A_668] : memref<143360x128xf32, #tpu.memory_space<hbm>> -> memref<32x128xf32, #tpu.memory_space<hbm>>
        %dma_wait3A_670 = arith.constant 0 : i32
        %dma_wait3A_671 = arith.constant 0 : i32
        %dma_wait3A_672 = tpu.memref_slice %arg10[%dma_wait3A_661, %dma_wait3A_670, %dma_wait3A_671] : memref<2x32x128xf32, #tpu.memory_space<vmem>> -> memref<1x32x128xf32, #tpu.memory_space<vmem>>
        %dma_wait3A_673 = tpu.memref_squeeze %dma_wait3A_672 : memref<1x32x128xf32, #tpu.memory_space<vmem>> -> memref<32x128xf32, #tpu.memory_space<vmem>>
        tpu.wait_dma2 semaphore(%arg17 : memref<!tpu.dma_semaphore, #tpu.memory_space<semaphore_mem>>) src(%dma_wait3A_673 : memref<32x128xf32, #tpu.memory_space<vmem>>) dst(%dma_wait3A_669 : memref<32x128xf32, #tpu.memory_space<hbm>>)
      } else {
      }
      %parallel_loop3A_355 = arith.constant 0 : i32
      %parallel_loop3A_356 = arith.constant 32 : i32
      %parallel_loop3A_357 = arith.constant 1 : i32
      %parallel_loop3A_358 = arith.constant 0 : i32
      scf.for %parallel_loop3A_653 = %parallel_loop3A_355 to %parallel_loop3A_356 step %parallel_loop3A_357  : i32 {
        %parallel_loop3A_654 = arith.constant 4 : i32
        %parallel_loop3A_655 = arith.muli %parallel_loop3A_654, %parallel_loop3A_653 : i32
        %parallel_loop3A_656 = arith.constant 0 : i32
        %parallel_loop3A_657 = arith.addi %parallel_loop3A_655, %parallel_loop3A_656 : i32
        %parallel_loop3A_658 = arith.constant 0 : i32
        %parallel_loop3A_659 = arith.index_cast %parallel_loop3A_658 : i32 to index
        %parallel_loop3A_660 = arith.index_cast %parallel_loop3A_657 : i32 to index
        %parallel_loop3A_661 = arith.constant 0 : index
        %parallel_loop3A_662 = tpu.vector_load %arg8[%parallel_loop3A_659, %parallel_loop3A_660, %parallel_loop3A_661] {strides = array<i32>} : memref<4x128x32xf32, #tpu.memory_space<vmem>>, vector<1x1x16xf32>,
        %parallel_loop3A_663 = vector.shape_cast %parallel_loop3A_662 : vector<1x1x16xf32> to vector<16xf32>
        %parallel_loop3A_664 = arith.constant 1 : i32
        %parallel_loop3A_665 = arith.index_cast %parallel_loop3A_664 : i32 to index
        %parallel_loop3A_666 = arith.index_cast %parallel_loop3A_657 : i32 to index
        %parallel_loop3A_667 = arith.constant 0 : index
        %parallel_loop3A_668 = tpu.vector_load %arg8[%parallel_loop3A_665, %parallel_loop3A_666, %parallel_loop3A_667] {strides = array<i32>} : memref<4x128x32xf32, #tpu.memory_space<vmem>>, vector<1x1x16xf32>,
        %parallel_loop3A_669 = vector.shape_cast %parallel_loop3A_668 : vector<1x1x16xf32> to vector<16xf32>
        %parallel_loop3A_670 = arith.addf %parallel_loop3A_663, %parallel_loop3A_669 : vector<16xf32>
        %parallel_loop3A_671 = arith.constant 2 : i32
        %parallel_loop3A_672 = arith.index_cast %parallel_loop3A_671 : i32 to index
        %parallel_loop3A_673 = arith.index_cast %parallel_loop3A_657 : i32 to index
        %parallel_loop3A_674 = arith.constant 0 : index
        %parallel_loop3A_675 = tpu.vector_load %arg8[%parallel_loop3A_672, %parallel_loop3A_673, %parallel_loop3A_674] {strides = array<i32>} : memref<4x128x32xf32, #tpu.memory_space<vmem>>, vector<1x1x16xf32>,
        %parallel_loop3A_676 = vector.shape_cast %parallel_loop3A_675 : vector<1x1x16xf32> to vector<16xf32>
        %parallel_loop3A_677 = arith.constant 3 : i32
        %parallel_loop3A_678 = arith.index_cast %parallel_loop3A_677 : i32 to index
        %parallel_loop3A_679 = arith.index_cast %parallel_loop3A_657 : i32 to index
        %parallel_loop3A_680 = arith.constant 0 : index
        %parallel_loop3A_681 = tpu.vector_load %arg8[%parallel_loop3A_678, %parallel_loop3A_679, %parallel_loop3A_680] {strides = array<i32>} : memref<4x128x32xf32, #tpu.memory_space<vmem>>, vector<1x1x16xf32>,
        %parallel_loop3A_682 = vector.shape_cast %parallel_loop3A_681 : vector<1x1x16xf32> to vector<16xf32>
        %parallel_loop3A_683 = arith.addf %parallel_loop3A_676, %parallel_loop3A_682 : vector<16xf32>
        %parallel_loop3A_684 = arith.addf %parallel_loop3A_670, %parallel_loop3A_683 : vector<16xf32>
        %parallel_loop3A_685 = arith.constant 0 : i32
        %parallel_loop3A_686 = arith.constant 0 : i32
        %parallel_loop3A_687 = tpu.memref_slice %arg10[%parallel_loop3A_358, %parallel_loop3A_685, %parallel_loop3A_686] : memref<2x32x128xf32, #tpu.memory_space<vmem>> -> memref<1x32x128xf32, #tpu.memory_space<vmem>>
        %parallel_loop3A_688 = tpu.memref_squeeze %parallel_loop3A_687 : memref<1x32x128xf32, #tpu.memory_space<vmem>> -> memref<32x128xf32, #tpu.memory_space<vmem>>
        %parallel_loop3A_689 = arith.index_cast %parallel_loop3A_653 : i32 to index
        %parallel_loop3A_690 = arith.constant 0 : index
        %parallel_loop3A_691 = tpu.vector_load %parallel_loop3A_688[%parallel_loop3A_689, %parallel_loop3A_690] {strides = array<i32>} : memref<32x128xf32, #tpu.memory_space<vmem>>, vector<1x16xf32>,
        %parallel_loop3A_692 = vector.shape_cast %parallel_loop3A_691 : vector<1x16xf32> to vector<16xf32>
        %parallel_loop3A_693 = vector.shape_cast %parallel_loop3A_684 : vector<16xf32> to vector<1x16xf32>
        tpu.vector_store %parallel_loop3A_688[%parallel_loop3A_689, %parallel_loop3A_690], %parallel_loop3A_693 {strides = array<i32>} : memref<32x128xf32, #tpu.memory_space<vmem>>, vector<1x16xf32>,
        %parallel_loop3A_694 = arith.constant 4 : i32
        %parallel_loop3A_695 = arith.muli %parallel_loop3A_694, %parallel_loop3A_653 : i32
        %parallel_loop3A_696 = arith.constant 0 : i32
        %parallel_loop3A_697 = arith.addi %parallel_loop3A_695, %parallel_loop3A_696 : i32
        %parallel_loop3A_698 = arith.constant 0 : i32
        %parallel_loop3A_699 = arith.index_cast %parallel_loop3A_698 : i32 to index
        %parallel_loop3A_700 = arith.index_cast %parallel_loop3A_697 : i32 to index
        %parallel_loop3A_701 = arith.constant 16 : index
        %parallel_loop3A_702 = tpu.vector_load %arg8[%parallel_loop3A_699, %parallel_loop3A_700, %parallel_loop3A_701] {strides = array<i32>} : memref<4x128x32xf32, #tpu.memory_space<vmem>>, vector<1x1x16xf32>,
        %parallel_loop3A_703 = vector.shape_cast %parallel_loop3A_702 : vector<1x1x16xf32> to vector<16xf32>
        %parallel_loop3A_704 = arith.constant 1 : i32
        %parallel_loop3A_705 = arith.index_cast %parallel_loop3A_704 : i32 to index
        %parallel_loop3A_706 = arith.index_cast %parallel_loop3A_697 : i32 to index
        %parallel_loop3A_707 = arith.constant 16 : index
        %parallel_loop3A_708 = tpu.vector_load %arg8[%parallel_loop3A_705, %parallel_loop3A_706, %parallel_loop3A_707] {strides = array<i32>} : memref<4x128x32xf32, #tpu.memory_space<vmem>>, vector<1x1x16xf32>,
        %parallel_loop3A_709 = vector.shape_cast %parallel_loop3A_708 : vector<1x1x16xf32> to vector<16xf32>
        %parallel_loop3A_710 = arith.addf %parallel_loop3A_703, %parallel_loop3A_709 : vector<16xf32>
        %parallel_loop3A_711 = arith.constant 2 : i32
        %parallel_loop3A_712 = arith.index_cast %parallel_loop3A_711 : i32 to index
        %parallel_loop3A_713 = arith.index_cast %parallel_loop3A_697 : i32 to index
        %parallel_loop3A_714 = arith.constant 16 : index
        %parallel_loop3A_715 = tpu.vector_load %arg8[%parallel_loop3A_712, %parallel_loop3A_713, %parallel_loop3A_714] {strides = array<i32>} : memref<4x128x32xf32, #tpu.memory_space<vmem>>, vector<1x1x16xf32>,
        %parallel_loop3A_716 = vector.shape_cast %parallel_loop3A_715 : vector<1x1x16xf32> to vector<16xf32>
        %parallel_loop3A_717 = arith.constant 3 : i32
        %parallel_loop3A_718 = arith.index_cast %parallel_loop3A_717 : i32 to index
        %parallel_loop3A_719 = arith.index_cast %parallel_loop3A_697 : i32 to index
        %parallel_loop3A_720 = arith.constant 16 : index
        %parallel_loop3A_721 = tpu.vector_load %arg8[%parallel_loop3A_718, %parallel_loop3A_719, %parallel_loop3A_720] {strides = array<i32>} : memref<4x128x32xf32, #tpu.memory_space<vmem>>, vector<1x1x16xf32>,
        %parallel_loop3A_722 = vector.shape_cast %parallel_loop3A_721 : vector<1x1x16xf32> to vector<16xf32>
        %parallel_loop3A_723 = arith.addf %parallel_loop3A_716, %parallel_loop3A_722 : vector<16xf32>
        %parallel_loop3A_724 = arith.addf %parallel_loop3A_710, %parallel_loop3A_723 : vector<16xf32>
        %parallel_loop3A_725 = arith.constant 0 : i32
        %parallel_loop3A_726 = arith.constant 0 : i32
        %parallel_loop3A_727 = tpu.memref_slice %arg10[%parallel_loop3A_358, %parallel_loop3A_725, %parallel_loop3A_726] : memref<2x32x128xf32, #tpu.memory_space<vmem>> -> memref<1x32x128xf32, #tpu.memory_space<vmem>>
        %parallel_loop3A_728 = tpu.memref_squeeze %parallel_loop3A_727 : memref<1x32x128xf32, #tpu.memory_space<vmem>> -> memref<32x128xf32, #tpu.memory_space<vmem>>
        %parallel_loop3A_729 = arith.index_cast %parallel_loop3A_653 : i32 to index
        %parallel_loop3A_730 = arith.constant 16 : index
        %parallel_loop3A_731 = tpu.vector_load %parallel_loop3A_728[%parallel_loop3A_729, %parallel_loop3A_730] {strides = array<i32>} : memref<32x128xf32, #tpu.memory_space<vmem>>, vector<1x16xf32>,
        %parallel_loop3A_732 = vector.shape_cast %parallel_loop3A_731 : vector<1x16xf32> to vector<16xf32>
        %parallel_loop3A_733 = vector.shape_cast %parallel_loop3A_724 : vector<16xf32> to vector<1x16xf32>
        tpu.vector_store %parallel_loop3A_728[%parallel_loop3A_729, %parallel_loop3A_730], %parallel_loop3A_733 {strides = array<i32>} : memref<32x128xf32, #tpu.memory_space<vmem>>, vector<1x16xf32>,
        %parallel_loop3A_734 = arith.constant 4 : i32
        %parallel_loop3A_735 = arith.muli %parallel_loop3A_734, %parallel_loop3A_653 : i32
        %parallel_loop3A_736 = arith.constant 1 : i32
        %parallel_loop3A_737 = arith.addi %parallel_loop3A_735, %parallel_loop3A_736 : i32
        %parallel_loop3A_738 = arith.constant 0 : i32
        %parallel_loop3A_739 = arith.index_cast %parallel_loop3A_738 : i32 to index
        %parallel_loop3A_740 = arith.index_cast %parallel_loop3A_737 : i32 to index
        %parallel_loop3A_741 = arith.constant 0 : index
        %parallel_loop3A_742 = tpu.vector_load %arg8[%parallel_loop3A_739, %parallel_loop3A_740, %parallel_loop3A_741] {strides = array<i32>} : memref<4x128x32xf32, #tpu.memory_space<vmem>>, vector<1x1x16xf32>,
        %parallel_loop3A_743 = vector.shape_cast %parallel_loop3A_742 : vector<1x1x16xf32> to vector<16xf32>
        %parallel_loop3A_744 = arith.constant 1 : i32
        %parallel_loop3A_745 = arith.index_cast %parallel_loop3A_744 : i32 to index
        %parallel_loop3A_746 = arith.index_cast %parallel_loop3A_737 : i32 to index
        %parallel_loop3A_747 = arith.constant 0 : index
        %parallel_loop3A_748 = tpu.vector_load %arg8[%parallel_loop3A_745, %parallel_loop3A_746, %parallel_loop3A_747] {strides = array<i32>} : memref<4x128x32xf32, #tpu.memory_space<vmem>>, vector<1x1x16xf32>,
        %parallel_loop3A_749 = vector.shape_cast %parallel_loop3A_748 : vector<1x1x16xf32> to vector<16xf32>
        %parallel_loop3A_750 = arith.addf %parallel_loop3A_743, %parallel_loop3A_749 : vector<16xf32>
        %parallel_loop3A_751 = arith.constant 2 : i32
        %parallel_loop3A_752 = arith.index_cast %parallel_loop3A_751 : i32 to index
        %parallel_loop3A_753 = arith.index_cast %parallel_loop3A_737 : i32 to index
        %parallel_loop3A_754 = arith.constant 0 : index
        %parallel_loop3A_755 = tpu.vector_load %arg8[%parallel_loop3A_752, %parallel_loop3A_753, %parallel_loop3A_754] {strides = array<i32>} : memref<4x128x32xf32, #tpu.memory_space<vmem>>, vector<1x1x16xf32>,
        %parallel_loop3A_756 = vector.shape_cast %parallel_loop3A_755 : vector<1x1x16xf32> to vector<16xf32>
        %parallel_loop3A_757 = arith.constant 3 : i32
        %parallel_loop3A_758 = arith.index_cast %parallel_loop3A_757 : i32 to index
        %parallel_loop3A_759 = arith.index_cast %parallel_loop3A_737 : i32 to index
        %parallel_loop3A_760 = arith.constant 0 : index
        %parallel_loop3A_761 = tpu.vector_load %arg8[%parallel_loop3A_758, %parallel_loop3A_759, %parallel_loop3A_760] {strides = array<i32>} : memref<4x128x32xf32, #tpu.memory_space<vmem>>, vector<1x1x16xf32>,
        %parallel_loop3A_762 = vector.shape_cast %parallel_loop3A_761 : vector<1x1x16xf32> to vector<16xf32>
        %parallel_loop3A_763 = arith.addf %parallel_loop3A_756, %parallel_loop3A_762 : vector<16xf32>
        %parallel_loop3A_764 = arith.addf %parallel_loop3A_750, %parallel_loop3A_763 : vector<16xf32>
        %parallel_loop3A_765 = arith.constant 0 : i32
        %parallel_loop3A_766 = arith.constant 0 : i32
        %parallel_loop3A_767 = tpu.memref_slice %arg10[%parallel_loop3A_358, %parallel_loop3A_765, %parallel_loop3A_766] : memref<2x32x128xf32, #tpu.memory_space<vmem>> -> memref<1x32x128xf32, #tpu.memory_space<vmem>>
        %parallel_loop3A_768 = tpu.memref_squeeze %parallel_loop3A_767 : memref<1x32x128xf32, #tpu.memory_space<vmem>> -> memref<32x128xf32, #tpu.memory_space<vmem>>
        %parallel_loop3A_769 = arith.index_cast %parallel_loop3A_653 : i32 to index
        %parallel_loop3A_770 = arith.constant 32 : index
        %parallel_loop3A_771 = tpu.vector_load %parallel_loop3A_768[%parallel_loop3A_769, %parallel_loop3A_770] {strides = array<i32>} : memref<32x128xf32, #tpu.memory_space<vmem>>, vector<1x16xf32>,
        %parallel_loop3A_772 = vector.shape_cast %parallel_loop3A_771 : vector<1x16xf32> to vector<16xf32>
        %parallel_loop3A_773 = vector.shape_cast %parallel_loop3A_764 : vector<16xf32> to vector<1x16xf32>
        tpu.vector_store %parallel_loop3A_768[%parallel_loop3A_769, %parallel_loop3A_770], %parallel_loop3A_773 {strides = array<i32>} : memref<32x128xf32, #tpu.memory_space<vmem>>, vector<1x16xf32>,
        %parallel_loop3A_774 = arith.constant 4 : i32
        %parallel_loop3A_775 = arith.muli %parallel_loop3A_774, %parallel_loop3A_653 : i32
        %parallel_loop3A_776 = arith.constant 1 : i32
        %parallel_loop3A_777 = arith.addi %parallel_loop3A_775, %parallel_loop3A_776 : i32
        %parallel_loop3A_778 = arith.constant 0 : i32
        %parallel_loop3A_779 = arith.index_cast %parallel_loop3A_778 : i32 to index
        %parallel_loop3A_780 = arith.index_cast %parallel_loop3A_777 : i32 to index
        %parallel_loop3A_781 = arith.constant 16 : index
        %parallel_loop3A_782 = tpu.vector_load %arg8[%parallel_loop3A_779, %parallel_loop3A_780, %parallel_loop3A_781] {strides = array<i32>} : memref<4x128x32xf32, #tpu.memory_space<vmem>>, vector<1x1x16xf32>,
        %parallel_loop3A_783 = vector.shape_cast %parallel_loop3A_782 : vector<1x1x16xf32> to vector<16xf32>
        %parallel_loop3A_784 = arith.constant 1 : i32
        %parallel_loop3A_785 = arith.index_cast %parallel_loop3A_784 : i32 to index
        %parallel_loop3A_786 = arith.index_cast %parallel_loop3A_777 : i32 to index
        %parallel_loop3A_787 = arith.constant 16 : index
        %parallel_loop3A_788 = tpu.vector_load %arg8[%parallel_loop3A_785, %parallel_loop3A_786, %parallel_loop3A_787] {strides = array<i32>} : memref<4x128x32xf32, #tpu.memory_space<vmem>>, vector<1x1x16xf32>,
        %parallel_loop3A_789 = vector.shape_cast %parallel_loop3A_788 : vector<1x1x16xf32> to vector<16xf32>
        %parallel_loop3A_790 = arith.addf %parallel_loop3A_783, %parallel_loop3A_789 : vector<16xf32>
        %parallel_loop3A_791 = arith.constant 2 : i32
        %parallel_loop3A_792 = arith.index_cast %parallel_loop3A_791 : i32 to index
        %parallel_loop3A_793 = arith.index_cast %parallel_loop3A_777 : i32 to index
        %parallel_loop3A_794 = arith.constant 16 : index
        %parallel_loop3A_795 = tpu.vector_load %arg8[%parallel_loop3A_792, %parallel_loop3A_793, %parallel_loop3A_794] {strides = array<i32>} : memref<4x128x32xf32, #tpu.memory_space<vmem>>, vector<1x1x16xf32>,
        %parallel_loop3A_796 = vector.shape_cast %parallel_loop3A_795 : vector<1x1x16xf32> to vector<16xf32>
        %parallel_loop3A_797 = arith.constant 3 : i32
        %parallel_loop3A_798 = arith.index_cast %parallel_loop3A_797 : i32 to index
        %parallel_loop3A_799 = arith.index_cast %parallel_loop3A_777 : i32 to index
        %parallel_loop3A_800 = arith.constant 16 : index
        %parallel_loop3A_801 = tpu.vector_load %arg8[%parallel_loop3A_798, %parallel_loop3A_799, %parallel_loop3A_800] {strides = array<i32>} : memref<4x128x32xf32, #tpu.memory_space<vmem>>, vector<1x1x16xf32>,
        %parallel_loop3A_802 = vector.shape_cast %parallel_loop3A_801 : vector<1x1x16xf32> to vector<16xf32>
        %parallel_loop3A_803 = arith.addf %parallel_loop3A_796, %parallel_loop3A_802 : vector<16xf32>
        %parallel_loop3A_804 = arith.addf %parallel_loop3A_790, %parallel_loop3A_803 : vector<16xf32>
        %parallel_loop3A_805 = arith.constant 0 : i32
        %parallel_loop3A_806 = arith.constant 0 : i32
        %parallel_loop3A_807 = tpu.memref_slice %arg10[%parallel_loop3A_358, %parallel_loop3A_805, %parallel_loop3A_806] : memref<2x32x128xf32, #tpu.memory_space<vmem>> -> memref<1x32x128xf32, #tpu.memory_space<vmem>>
        %parallel_loop3A_808 = tpu.memref_squeeze %parallel_loop3A_807 : memref<1x32x128xf32, #tpu.memory_space<vmem>> -> memref<32x128xf32, #tpu.memory_space<vmem>>
        %parallel_loop3A_809 = arith.index_cast %parallel_loop3A_653 : i32 to index
        %parallel_loop3A_810 = arith.constant 48 : index
        %parallel_loop3A_811 = tpu.vector_load %parallel_loop3A_808[%parallel_loop3A_809, %parallel_loop3A_810] {strides = array<i32>} : memref<32x128xf32, #tpu.memory_space<vmem>>, vector<1x16xf32>,
        %parallel_loop3A_812 = vector.shape_cast %parallel_loop3A_811 : vector<1x16xf32> to vector<16xf32>
        %parallel_loop3A_813 = vector.shape_cast %parallel_loop3A_804 : vector<16xf32> to vector<1x16xf32>
        tpu.vector_store %parallel_loop3A_808[%parallel_loop3A_809, %parallel_loop3A_810], %parallel_loop3A_813 {strides = array<i32>} : memref<32x128xf32, #tpu.memory_space<vmem>>, vector<1x16xf32>,
        %parallel_loop3A_814 = arith.constant 4 : i32
        %parallel_loop3A_815 = arith.muli %parallel_loop3A_814, %parallel_loop3A_653 : i32
        %parallel_loop3A_816 = arith.constant 2 : i32
        %parallel_loop3A_817 = arith.addi %parallel_loop3A_815, %parallel_loop3A_816 : i32
        %parallel_loop3A_818 = arith.constant 0 : i32
        %parallel_loop3A_819 = arith.index_cast %parallel_loop3A_818 : i32 to index
        %parallel_loop3A_820 = arith.index_cast %parallel_loop3A_817 : i32 to index
        %parallel_loop3A_821 = arith.constant 0 : index
        %parallel_loop3A_822 = tpu.vector_load %arg8[%parallel_loop3A_819, %parallel_loop3A_820, %parallel_loop3A_821] {strides = array<i32>} : memref<4x128x32xf32, #tpu.memory_space<vmem>>, vector<1x1x16xf32>,
        %parallel_loop3A_823 = vector.shape_cast %parallel_loop3A_822 : vector<1x1x16xf32> to vector<16xf32>
        %parallel_loop3A_824 = arith.constant 1 : i32
        %parallel_loop3A_825 = arith.index_cast %parallel_loop3A_824 : i32 to index
        %parallel_loop3A_826 = arith.index_cast %parallel_loop3A_817 : i32 to index
        %parallel_loop3A_827 = arith.constant 0 : index
        %parallel_loop3A_828 = tpu.vector_load %arg8[%parallel_loop3A_825, %parallel_loop3A_826, %parallel_loop3A_827] {strides = array<i32>} : memref<4x128x32xf32, #tpu.memory_space<vmem>>, vector<1x1x16xf32>,
        %parallel_loop3A_829 = vector.shape_cast %parallel_loop3A_828 : vector<1x1x16xf32> to vector<16xf32>
        %parallel_loop3A_830 = arith.addf %parallel_loop3A_823, %parallel_loop3A_829 : vector<16xf32>
        %parallel_loop3A_831 = arith.constant 2 : i32
        %parallel_loop3A_832 = arith.index_cast %parallel_loop3A_831 : i32 to index
        %parallel_loop3A_833 = arith.index_cast %parallel_loop3A_817 : i32 to index
        %parallel_loop3A_834 = arith.constant 0 : index
        %parallel_loop3A_835 = tpu.vector_load %arg8[%parallel_loop3A_832, %parallel_loop3A_833, %parallel_loop3A_834] {strides = array<i32>} : memref<4x128x32xf32, #tpu.memory_space<vmem>>, vector<1x1x16xf32>,
        %parallel_loop3A_836 = vector.shape_cast %parallel_loop3A_835 : vector<1x1x16xf32> to vector<16xf32>
        %parallel_loop3A_837 = arith.constant 3 : i32
        %parallel_loop3A_838 = arith.index_cast %parallel_loop3A_837 : i32 to index
        %parallel_loop3A_839 = arith.index_cast %parallel_loop3A_817 : i32 to index
        %parallel_loop3A_840 = arith.constant 0 : index
        %parallel_loop3A_841 = tpu.vector_load %arg8[%parallel_loop3A_838, %parallel_loop3A_839, %parallel_loop3A_840] {strides = array<i32>} : memref<4x128x32xf32, #tpu.memory_space<vmem>>, vector<1x1x16xf32>,
        %parallel_loop3A_842 = vector.shape_cast %parallel_loop3A_841 : vector<1x1x16xf32> to vector<16xf32>
        %parallel_loop3A_843 = arith.addf %parallel_loop3A_836, %parallel_loop3A_842 : vector<16xf32>
        %parallel_loop3A_844 = arith.addf %parallel_loop3A_830, %parallel_loop3A_843 : vector<16xf32>
        %parallel_loop3A_845 = arith.constant 0 : i32
        %parallel_loop3A_846 = arith.constant 0 : i32
        %parallel_loop3A_847 = tpu.memref_slice %arg10[%parallel_loop3A_358, %parallel_loop3A_845, %parallel_loop3A_846] : memref<2x32x128xf32, #tpu.memory_space<vmem>> -> memref<1x32x128xf32, #tpu.memory_space<vmem>>
        %parallel_loop3A_848 = tpu.memref_squeeze %parallel_loop3A_847 : memref<1x32x128xf32, #tpu.memory_space<vmem>> -> memref<32x128xf32, #tpu.memory_space<vmem>>
        %parallel_loop3A_849 = arith.index_cast %parallel_loop3A_653 : i32 to index
        %parallel_loop3A_850 = arith.constant 64 : index
        %parallel_loop3A_851 = tpu.vector_load %parallel_loop3A_848[%parallel_loop3A_849, %parallel_loop3A_850] {strides = array<i32>} : memref<32x128xf32, #tpu.memory_space<vmem>>, vector<1x16xf32>,
        %parallel_loop3A_852 = vector.shape_cast %parallel_loop3A_851 : vector<1x16xf32> to vector<16xf32>
        %parallel_loop3A_853 = vector.shape_cast %parallel_loop3A_844 : vector<16xf32> to vector<1x16xf32>
        tpu.vector_store %parallel_loop3A_848[%parallel_loop3A_849, %parallel_loop3A_850], %parallel_loop3A_853 {strides = array<i32>} : memref<32x128xf32, #tpu.memory_space<vmem>>, vector<1x16xf32>,
        %parallel_loop3A_854 = arith.constant 4 : i32
        %parallel_loop3A_855 = arith.muli %parallel_loop3A_854, %parallel_loop3A_653 : i32
        %parallel_loop3A_856 = arith.constant 2 : i32
        %parallel_loop3A_857 = arith.addi %parallel_loop3A_855, %parallel_loop3A_856 : i32
        %parallel_loop3A_858 = arith.constant 0 : i32
        %parallel_loop3A_859 = arith.index_cast %parallel_loop3A_858 : i32 to index
        %parallel_loop3A_860 = arith.index_cast %parallel_loop3A_857 : i32 to index
        %parallel_loop3A_861 = arith.constant 16 : index
        %parallel_loop3A_862 = tpu.vector_load %arg8[%parallel_loop3A_859, %parallel_loop3A_860, %parallel_loop3A_861] {strides = array<i32>} : memref<4x128x32xf32, #tpu.memory_space<vmem>>, vector<1x1x16xf32>,
        %parallel_loop3A_863 = vector.shape_cast %parallel_loop3A_862 : vector<1x1x16xf32> to vector<16xf32>
        %parallel_loop3A_864 = arith.constant 1 : i32
        %parallel_loop3A_865 = arith.index_cast %parallel_loop3A_864 : i32 to index
        %parallel_loop3A_866 = arith.index_cast %parallel_loop3A_857 : i32 to index
        %parallel_loop3A_867 = arith.constant 16 : index
        %parallel_loop3A_868 = tpu.vector_load %arg8[%parallel_loop3A_865, %parallel_loop3A_866, %parallel_loop3A_867] {strides = array<i32>} : memref<4x128x32xf32, #tpu.memory_space<vmem>>, vector<1x1x16xf32>,
        %parallel_loop3A_869 = vector.shape_cast %parallel_loop3A_868 : vector<1x1x16xf32> to vector<16xf32>
        %parallel_loop3A_870 = arith.addf %parallel_loop3A_863, %parallel_loop3A_869 : vector<16xf32>
        %parallel_loop3A_871 = arith.constant 2 : i32
        %parallel_loop3A_872 = arith.index_cast %parallel_loop3A_871 : i32 to index
        %parallel_loop3A_873 = arith.index_cast %parallel_loop3A_857 : i32 to index
        %parallel_loop3A_874 = arith.constant 16 : index
        %parallel_loop3A_875 = tpu.vector_load %arg8[%parallel_loop3A_872, %parallel_loop3A_873, %parallel_loop3A_874] {strides = array<i32>} : memref<4x128x32xf32, #tpu.memory_space<vmem>>, vector<1x1x16xf32>,
        %parallel_loop3A_876 = vector.shape_cast %parallel_loop3A_875 : vector<1x1x16xf32> to vector<16xf32>
        %parallel_loop3A_877 = arith.constant 3 : i32
        %parallel_loop3A_878 = arith.index_cast %parallel_loop3A_877 : i32 to index
        %parallel_loop3A_879 = arith.index_cast %parallel_loop3A_857 : i32 to index
        %parallel_loop3A_880 = arith.constant 16 : index
        %parallel_loop3A_881 = tpu.vector_load %arg8[%parallel_loop3A_878, %parallel_loop3A_879, %parallel_loop3A_880] {strides = array<i32>} : memref<4x128x32xf32, #tpu.memory_space<vmem>>, vector<1x1x16xf32>,
        %parallel_loop3A_882 = vector.shape_cast %parallel_loop3A_881 : vector<1x1x16xf32> to vector<16xf32>
        %parallel_loop3A_883 = arith.addf %parallel_loop3A_876, %parallel_loop3A_882 : vector<16xf32>
        %parallel_loop3A_884 = arith.addf %parallel_loop3A_870, %parallel_loop3A_883 : vector<16xf32>
        %parallel_loop3A_885 = arith.constant 0 : i32
        %parallel_loop3A_886 = arith.constant 0 : i32
        %parallel_loop3A_887 = tpu.memref_slice %arg10[%parallel_loop3A_358, %parallel_loop3A_885, %parallel_loop3A_886] : memref<2x32x128xf32, #tpu.memory_space<vmem>> -> memref<1x32x128xf32, #tpu.memory_space<vmem>>
        %parallel_loop3A_888 = tpu.memref_squeeze %parallel_loop3A_887 : memref<1x32x128xf32, #tpu.memory_space<vmem>> -> memref<32x128xf32, #tpu.memory_space<vmem>>
        %parallel_loop3A_889 = arith.index_cast %parallel_loop3A_653 : i32 to index
        %parallel_loop3A_890 = arith.constant 80 : index
        %parallel_loop3A_891 = tpu.vector_load %parallel_loop3A_888[%parallel_loop3A_889, %parallel_loop3A_890] {strides = array<i32>} : memref<32x128xf32, #tpu.memory_space<vmem>>, vector<1x16xf32>,
        %parallel_loop3A_892 = vector.shape_cast %parallel_loop3A_891 : vector<1x16xf32> to vector<16xf32>
        %parallel_loop3A_893 = vector.shape_cast %parallel_loop3A_884 : vector<16xf32> to vector<1x16xf32>
        tpu.vector_store %parallel_loop3A_888[%parallel_loop3A_889, %parallel_loop3A_890], %parallel_loop3A_893 {strides = array<i32>} : memref<32x128xf32, #tpu.memory_space<vmem>>, vector<1x16xf32>,
        %parallel_loop3A_894 = arith.constant 4 : i32
        %parallel_loop3A_895 = arith.muli %parallel_loop3A_894, %parallel_loop3A_653 : i32
        %parallel_loop3A_896 = arith.constant 3 : i32
        %parallel_loop3A_897 = arith.addi %parallel_loop3A_895, %parallel_loop3A_896 : i32
        %parallel_loop3A_898 = arith.constant 0 : i32
        %parallel_loop3A_899 = arith.index_cast %parallel_loop3A_898 : i32 to index
        %parallel_loop3A_900 = arith.index_cast %parallel_loop3A_897 : i32 to index
        %parallel_loop3A_901 = arith.constant 0 : index
        %parallel_loop3A_902 = tpu.vector_load %arg8[%parallel_loop3A_899, %parallel_loop3A_900, %parallel_loop3A_901] {strides = array<i32>} : memref<4x128x32xf32, #tpu.memory_space<vmem>>, vector<1x1x16xf32>,
        %parallel_loop3A_903 = vector.shape_cast %parallel_loop3A_902 : vector<1x1x16xf32> to vector<16xf32>
        %parallel_loop3A_904 = arith.constant 1 : i32
        %parallel_loop3A_905 = arith.index_cast %parallel_loop3A_904 : i32 to index
        %parallel_loop3A_906 = arith.index_cast %parallel_loop3A_897 : i32 to index
        %parallel_loop3A_907 = arith.constant 0 : index
        %parallel_loop3A_908 = tpu.vector_load %arg8[%parallel_loop3A_905, %parallel_loop3A_906, %parallel_loop3A_907] {strides = array<i32>} : memref<4x128x32xf32, #tpu.memory_space<vmem>>, vector<1x1x16xf32>,
        %parallel_loop3A_909 = vector.shape_cast %parallel_loop3A_908 : vector<1x1x16xf32> to vector<16xf32>
        %parallel_loop3A_910 = arith.addf %parallel_loop3A_903, %parallel_loop3A_909 : vector<16xf32>
        %parallel_loop3A_911 = arith.constant 2 : i32
        %parallel_loop3A_912 = arith.index_cast %parallel_loop3A_911 : i32 to index
        %parallel_loop3A_913 = arith.index_cast %parallel_loop3A_897 : i32 to index
        %parallel_loop3A_914 = arith.constant 0 : index
        %parallel_loop3A_915 = tpu.vector_load %arg8[%parallel_loop3A_912, %parallel_loop3A_913, %parallel_loop3A_914] {strides = array<i32>} : memref<4x128x32xf32, #tpu.memory_space<vmem>>, vector<1x1x16xf32>,
        %parallel_loop3A_916 = vector.shape_cast %parallel_loop3A_915 : vector<1x1x16xf32> to vector<16xf32>
        %parallel_loop3A_917 = arith.constant 3 : i32
        %parallel_loop3A_918 = arith.index_cast %parallel_loop3A_917 : i32 to index
        %parallel_loop3A_919 = arith.index_cast %parallel_loop3A_897 : i32 to index
        %parallel_loop3A_920 = arith.constant 0 : index
        %parallel_loop3A_921 = tpu.vector_load %arg8[%parallel_loop3A_918, %parallel_loop3A_919, %parallel_loop3A_920] {strides = array<i32>} : memref<4x128x32xf32, #tpu.memory_space<vmem>>, vector<1x1x16xf32>,
        %parallel_loop3A_922 = vector.shape_cast %parallel_loop3A_921 : vector<1x1x16xf32> to vector<16xf32>
        %parallel_loop3A_923 = arith.addf %parallel_loop3A_916, %parallel_loop3A_922 : vector<16xf32>
        %parallel_loop3A_924 = arith.addf %parallel_loop3A_910, %parallel_loop3A_923 : vector<16xf32>
        %parallel_loop3A_925 = arith.constant 0 : i32
        %parallel_loop3A_926 = arith.constant 0 : i32
        %parallel_loop3A_927 = tpu.memref_slice %arg10[%parallel_loop3A_358, %parallel_loop3A_925, %parallel_loop3A_926] : memref<2x32x128xf32, #tpu.memory_space<vmem>> -> memref<1x32x128xf32, #tpu.memory_space<vmem>>
        %parallel_loop3A_928 = tpu.memref_squeeze %parallel_loop3A_927 : memref<1x32x128xf32, #tpu.memory_space<vmem>> -> memref<32x128xf32, #tpu.memory_space<vmem>>
        %parallel_loop3A_929 = arith.index_cast %parallel_loop3A_653 : i32 to index
        %parallel_loop3A_930 = arith.constant 96 : index
        %parallel_loop3A_931 = tpu.vector_load %parallel_loop3A_928[%parallel_loop3A_929, %parallel_loop3A_930] {strides = array<i32>} : memref<32x128xf32, #tpu.memory_space<vmem>>, vector<1x16xf32>,
        %parallel_loop3A_932 = vector.shape_cast %parallel_loop3A_931 : vector<1x16xf32> to vector<16xf32>
        %parallel_loop3A_933 = vector.shape_cast %parallel_loop3A_924 : vector<16xf32> to vector<1x16xf32>
        tpu.vector_store %parallel_loop3A_928[%parallel_loop3A_929, %parallel_loop3A_930], %parallel_loop3A_933 {strides = array<i32>} : memref<32x128xf32, #tpu.memory_space<vmem>>, vector<1x16xf32>,
        %parallel_loop3A_934 = arith.constant 4 : i32
        %parallel_loop3A_935 = arith.muli %parallel_loop3A_934, %parallel_loop3A_653 : i32
        %parallel_loop3A_936 = arith.constant 3 : i32
        %parallel_loop3A_937 = arith.addi %parallel_loop3A_935, %parallel_loop3A_936 : i32
        %parallel_loop3A_938 = arith.constant 0 : i32
        %parallel_loop3A_939 = arith.index_cast %parallel_loop3A_938 : i32 to index
        %parallel_loop3A_940 = arith.index_cast %parallel_loop3A_937 : i32 to index
        %parallel_loop3A_941 = arith.constant 16 : index
        %parallel_loop3A_942 = tpu.vector_load %arg8[%parallel_loop3A_939, %parallel_loop3A_940, %parallel_loop3A_941] {strides = array<i32>} : memref<4x128x32xf32, #tpu.memory_space<vmem>>, vector<1x1x16xf32>,
        %parallel_loop3A_943 = vector.shape_cast %parallel_loop3A_942 : vector<1x1x16xf32> to vector<16xf32>
        %parallel_loop3A_944 = arith.constant 1 : i32
        %parallel_loop3A_945 = arith.index_cast %parallel_loop3A_944 : i32 to index
        %parallel_loop3A_946 = arith.index_cast %parallel_loop3A_937 : i32 to index
        %parallel_loop3A_947 = arith.constant 16 : index
        %parallel_loop3A_948 = tpu.vector_load %arg8[%parallel_loop3A_945, %parallel_loop3A_946, %parallel_loop3A_947] {strides = array<i32>} : memref<4x128x32xf32, #tpu.memory_space<vmem>>, vector<1x1x16xf32>,
        %parallel_loop3A_949 = vector.shape_cast %parallel_loop3A_948 : vector<1x1x16xf32> to vector<16xf32>
        %parallel_loop3A_950 = arith.addf %parallel_loop3A_943, %parallel_loop3A_949 : vector<16xf32>
        %parallel_loop3A_951 = arith.constant 2 : i32
        %parallel_loop3A_952 = arith.index_cast %parallel_loop3A_951 : i32 to index
        %parallel_loop3A_953 = arith.index_cast %parallel_loop3A_937 : i32 to index
        %parallel_loop3A_954 = arith.constant 16 : index
        %parallel_loop3A_955 = tpu.vector_load %arg8[%parallel_loop3A_952, %parallel_loop3A_953, %parallel_loop3A_954] {strides = array<i32>} : memref<4x128x32xf32, #tpu.memory_space<vmem>>, vector<1x1x16xf32>,
        %parallel_loop3A_956 = vector.shape_cast %parallel_loop3A_955 : vector<1x1x16xf32> to vector<16xf32>
        %parallel_loop3A_957 = arith.constant 3 : i32
        %parallel_loop3A_958 = arith.index_cast %parallel_loop3A_957 : i32 to index
        %parallel_loop3A_959 = arith.index_cast %parallel_loop3A_937 : i32 to index
        %parallel_loop3A_960 = arith.constant 16 : index
        %parallel_loop3A_961 = tpu.vector_load %arg8[%parallel_loop3A_958, %parallel_loop3A_959, %parallel_loop3A_960] {strides = array<i32>} : memref<4x128x32xf32, #tpu.memory_space<vmem>>, vector<1x1x16xf32>,
        %parallel_loop3A_962 = vector.shape_cast %parallel_loop3A_961 : vector<1x1x16xf32> to vector<16xf32>
        %parallel_loop3A_963 = arith.addf %parallel_loop3A_956, %parallel_loop3A_962 : vector<16xf32>
        %parallel_loop3A_964 = arith.addf %parallel_loop3A_950, %parallel_loop3A_963 : vector<16xf32>
        %parallel_loop3A_965 = arith.constant 0 : i32
        %parallel_loop3A_966 = arith.constant 0 : i32
        %parallel_loop3A_967 = tpu.memref_slice %arg10[%parallel_loop3A_358, %parallel_loop3A_965, %parallel_loop3A_966] : memref<2x32x128xf32, #tpu.memory_space<vmem>> -> memref<1x32x128xf32, #tpu.memory_space<vmem>>
        %parallel_loop3A_968 = tpu.memref_squeeze %parallel_loop3A_967 : memref<1x32x128xf32, #tpu.memory_space<vmem>> -> memref<32x128xf32, #tpu.memory_space<vmem>>
        %parallel_loop3A_969 = arith.index_cast %parallel_loop3A_653 : i32 to index
        %parallel_loop3A_970 = arith.constant 112 : index
        %parallel_loop3A_971 = tpu.vector_load %parallel_loop3A_968[%parallel_loop3A_969, %parallel_loop3A_970] {strides = array<i32>} : memref<32x128xf32, #tpu.memory_space<vmem>>, vector<1x16xf32>,
        %parallel_loop3A_972 = vector.shape_cast %parallel_loop3A_971 : vector<1x16xf32> to vector<16xf32>
        %parallel_loop3A_973 = vector.shape_cast %parallel_loop3A_964 : vector<16xf32> to vector<1x16xf32>
        tpu.vector_store %parallel_loop3A_968[%parallel_loop3A_969, %parallel_loop3A_970], %parallel_loop3A_973 {strides = array<i32>} : memref<32x128xf32, #tpu.memory_space<vmem>>, vector<1x16xf32>,
      } {sc.loop_unroll_factor = 4 : i64, sc.parallel_access}
      %add3A_359 = arith.addi %mul3A_2, %add3A_112 : i32
      %mul3A_360 = arith.constant 2 : i32
      %mul3A_361 = arith.muli %add3A_359, %mul3A_360 : i32
      %add3A_362 = arith.constant 1 : i32
      %add3A_363 = arith.addi %mul3A_361, %add3A_362 : i32
      %mul3A_364 = arith.constant 32 : i32
      %mul3A_365 = arith.muli %add3A_363, %mul3A_364 : i32
      %dma_start3A_366 = arith.constant 0 : i32
      %dma_start3A_367 = arith.constant 0 : i32
      %dma_start3A_368 = arith.constant 0 : i32
      %dma_start3A_369 = tpu.memref_slice %arg10[%dma_start3A_366, %dma_start3A_367, %dma_start3A_368] : memref<2x32x128xf32, #tpu.memory_space<vmem>> -> memref<1x32x128xf32, #tpu.memory_space<vmem>>
      %dma_start3A_370 = tpu.memref_squeeze %dma_start3A_369 : memref<1x32x128xf32, #tpu.memory_space<vmem>> -> memref<32x128xf32, #tpu.memory_space<vmem>>
      %dma_start3A_371 = arith.constant 0 : i32
      %dma_start3A_372 = tpu.memref_slice %arg4[%mul3A_365, %dma_start3A_371] : memref<143360x128xf32, #tpu.memory_space<hbm>> -> memref<32x128xf32, #tpu.memory_space<hbm>>
      %dma_start3A_373 = arith.constant 0 : i32
      %dma_start3A_374 = tpu.memref_slice %arg4[%mul3A_365, %dma_start3A_373] : memref<143360x128xf32, #tpu.memory_space<hbm>> -> memref<32x128xf32, #tpu.memory_space<hbm>>
      %dma_start3A_375 = arith.constant 0 : i32
      %dma_start3A_376 = arith.constant 0 : i32
      %dma_start3A_377 = tpu.memref_slice %arg10[%dma_start3A_366, %dma_start3A_375, %dma_start3A_376] : memref<2x32x128xf32, #tpu.memory_space<vmem>> -> memref<1x32x128xf32, #tpu.memory_space<vmem>>
      %dma_start3A_378 = tpu.memref_squeeze %dma_start3A_377 : memref<1x32x128xf32, #tpu.memory_space<vmem>> -> memref<32x128xf32, #tpu.memory_space<vmem>>
      tpu.enqueue_dma source(%dma_start3A_378 : memref<32x128xf32, #tpu.memory_space<vmem>>) target(%dma_start3A_374 : memref<32x128xf32, #tpu.memory_space<hbm>>) target_semaphore(%arg17 : memref<!tpu.dma_semaphore, #tpu.memory_space<semaphore_mem>>)
      %mul3A_379 = arith.constant 2 : i32
      %mul3A_380 = arith.muli %mul3A_379, %scan3A_108 : i32
      %add3A_381 = arith.constant 1 : i32
      %add3A_382 = arith.addi %mul3A_380, %add3A_381 : i32
      %add3A_383 = arith.addi %mul3A_2, %add3A_382 : i32
      %dma_wait3A_384 = arith.constant 0 : i32
      %dma_wait3A_385 = arith.constant 0 : i32
      %dma_wait3A_386 = tpu.memref_slice %arg2[%add3A_383, %dma_wait3A_384, %dma_wait3A_385] : memref<2248x8x128xi32, #tpu.memory_space<hbm>> -> memref<1x8x128xi32, #tpu.memory_space<hbm>>
      %dma_wait3A_387 = tpu.memref_squeeze %dma_wait3A_386 : memref<1x8x128xi32, #tpu.memory_space<hbm>> -> memref<8x128xi32, #tpu.memory_space<hbm>>
      %dma_wait3A_388 = arith.constant 0 : i32
      %dma_wait3A_389 = arith.constant 0 : i32
      %dma_wait3A_390 = tpu.memref_slice %arg2[%add3A_383, %dma_wait3A_388, %dma_wait3A_389] : memref<2248x8x128xi32, #tpu.memory_space<hbm>> -> memref<1x8x128xi32, #tpu.memory_space<hbm>>
      %dma_wait3A_391 = tpu.memref_squeeze %dma_wait3A_390 : memref<1x8x128xi32, #tpu.memory_space<hbm>> -> memref<8x128xi32, #tpu.memory_space<hbm>>
      tpu.wait_dma2 semaphore(%arg14 : memref<!tpu.dma_semaphore, #tpu.memory_space<semaphore_mem>>) src(%dma_wait3A_391 : memref<8x128xi32, #tpu.memory_space<hbm>>) dst(%arg6 : memref<8x128xi32, #tpu.memory_space<vmem>>)
      %add3A_392 = arith.addi %mul3A_2, %add3A_382 : i32
      %add3A_393 = arith.constant 1 : i32
      %add3A_394 = arith.addi %add3A_392, %add3A_393 : i32
      %dma_start3A_395 = arith.constant 0 : i32
      %dma_start3A_396 = arith.constant 0 : i32
      %dma_start3A_397 = tpu.memref_slice %arg2[%add3A_394, %dma_start3A_395, %dma_start3A_396] : memref<2248x8x128xi32, #tpu.memory_space<hbm>> -> memref<1x8x128xi32, #tpu.memory_space<hbm>>
      %dma_start3A_398 = tpu.memref_squeeze %dma_start3A_397 : memref<1x8x128xi32, #tpu.memory_space<hbm>> -> memref<8x128xi32, #tpu.memory_space<hbm>>
      %dma_start3A_399 = arith.constant 0 : i32
      %dma_start3A_400 = arith.constant 0 : i32
      %dma_start3A_401 = tpu.memref_slice %arg2[%add3A_394, %dma_start3A_399, %dma_start3A_400] : memref<2248x8x128xi32, #tpu.memory_space<hbm>> -> memref<1x8x128xi32, #tpu.memory_space<hbm>>
      %dma_start3A_402 = tpu.memref_squeeze %dma_start3A_401 : memref<1x8x128xi32, #tpu.memory_space<hbm>> -> memref<8x128xi32, #tpu.memory_space<hbm>>
      tpu.enqueue_dma source(%dma_start3A_402 : memref<8x128xi32, #tpu.memory_space<hbm>>) target(%arg5 : memref<8x128xi32, #tpu.memory_space<vmem>>) target_semaphore(%arg13 : memref<!tpu.dma_semaphore, #tpu.memory_space<semaphore_mem>>)
      %dma_start3A_403 = arith.constant 0 : i32
      %dma_start3A_404 = arith.constant 0 : i32
      %dma_start3A_405 = arith.constant 0 : i32
      %dma_start3A_406 = arith.constant 0 : i32
      %dma_start3A_407 = tpu.memref_slice %arg7[%dma_start3A_404, %dma_start3A_405, %dma_start3A_406] : memref<4x128x32xf32, #tpu.memory_space<vmem>> -> memref<1x128x32xf32, #tpu.memory_space<vmem>>
      %dma_start3A_408 = tpu.memref_squeeze %dma_start3A_407 : memref<1x128x32xf32, #tpu.memory_space<vmem>> -> memref<128x32xf32, #tpu.memory_space<vmem>>
      %dma_start3A_409 = arith.constant 0 : i32
      %dma_start3A_410 = tpu.memref_slice %arg6[%dma_start3A_403, %dma_start3A_409] : memref<8x128xi32, #tpu.memory_space<vmem>> -> memref<1x128xi32, #tpu.memory_space<vmem>>
      %dma_start3A_411 = tpu.memref_squeeze %dma_start3A_410 : memref<1x128xi32, #tpu.memory_space<vmem>> -> memref<128xi32, #tpu.memory_space<vmem>>
      %dma_start3A_412 = arith.constant 0 : i32
      %dma_start3A_413 = arith.constant 0 : i32
      %dma_start3A_414 = tpu.memref_slice %arg3[%dma_start3A_412, %dma_start3A_413] : memref<100000x32xf32, #tpu.memory_space<hbm>> -> memref<100000x32xf32, #tpu.memory_space<hbm>>
      tpu.enqueue_indirect_dma source(%dma_start3A_414 : memref<100000x32xf32, #tpu.memory_space<hbm>>) target(%dma_start3A_408 : memref<128x32xf32, #tpu.memory_space<vmem>>) offsets(%dma_start3A_411 : memref<128xi32, #tpu.memory_space<vmem>>) semaphore(%arg11 : memref<!tpu.dma_semaphore, #tpu.memory_space<semaphore_mem>>)
      %dma_start3A_415 = arith.constant 1 : i32
      %dma_start3A_416 = arith.constant 1 : i32
      %dma_start3A_417 = arith.constant 0 : i32
      %dma_start3A_418 = arith.constant 0 : i32
      %dma_start3A_419 = tpu.memref_slice %arg7[%dma_start3A_416, %dma_start3A_417, %dma_start3A_418] : memref<4x128x32xf32, #tpu.memory_space<vmem>> -> memref<1x128x32xf32, #tpu.memory_space<vmem>>
      %dma_start3A_420 = tpu.memref_squeeze %dma_start3A_419 : memref<1x128x32xf32, #tpu.memory_space<vmem>> -> memref<128x32xf32, #tpu.memory_space<vmem>>
      %dma_start3A_421 = arith.constant 0 : i32
      %dma_start3A_422 = tpu.memref_slice %arg6[%dma_start3A_415, %dma_start3A_421] : memref<8x128xi32, #tpu.memory_space<vmem>> -> memref<1x128xi32, #tpu.memory_space<vmem>>
      %dma_start3A_423 = tpu.memref_squeeze %dma_start3A_422 : memref<1x128xi32, #tpu.memory_space<vmem>> -> memref<128xi32, #tpu.memory_space<vmem>>
      %dma_start3A_424 = arith.constant 0 : i32
      %dma_start3A_425 = arith.constant 0 : i32
      %dma_start3A_426 = tpu.memref_slice %arg3[%dma_start3A_424, %dma_start3A_425] : memref<100000x32xf32, #tpu.memory_space<hbm>> -> memref<100000x32xf32, #tpu.memory_space<hbm>>
      tpu.enqueue_indirect_dma source(%dma_start3A_426 : memref<100000x32xf32, #tpu.memory_space<hbm>>) target(%dma_start3A_420 : memref<128x32xf32, #tpu.memory_space<vmem>>) offsets(%dma_start3A_423 : memref<128xi32, #tpu.memory_space<vmem>>) semaphore(%arg11 : memref<!tpu.dma_semaphore, #tpu.memory_space<semaphore_mem>>)
      %dma_start3A_427 = arith.constant 2 : i32
      %dma_start3A_428 = arith.constant 2 : i32
      %dma_start3A_429 = arith.constant 0 : i32
      %dma_start3A_430 = arith.constant 0 : i32
      %dma_start3A_431 = tpu.memref_slice %arg7[%dma_start3A_428, %dma_start3A_429, %dma_start3A_430] : memref<4x128x32xf32, #tpu.memory_space<vmem>> -> memref<1x128x32xf32, #tpu.memory_space<vmem>>
      %dma_start3A_432 = tpu.memref_squeeze %dma_start3A_431 : memref<1x128x32xf32, #tpu.memory_space<vmem>> -> memref<128x32xf32, #tpu.memory_space<vmem>>
      %dma_start3A_433 = arith.constant 0 : i32
      %dma_start3A_434 = tpu.memref_slice %arg6[%dma_start3A_427, %dma_start3A_433] : memref<8x128xi32, #tpu.memory_space<vmem>> -> memref<1x128xi32, #tpu.memory_space<vmem>>
      %dma_start3A_435 = tpu.memref_squeeze %dma_start3A_434 : memref<1x128xi32, #tpu.memory_space<vmem>> -> memref<128xi32, #tpu.memory_space<vmem>>
      %dma_start3A_436 = arith.constant 0 : i32
      %dma_start3A_437 = arith.constant 0 : i32
      %dma_start3A_438 = tpu.memref_slice %arg3[%dma_start3A_436, %dma_start3A_437] : memref<100000x32xf32, #tpu.memory_space<hbm>> -> memref<100000x32xf32, #tpu.memory_space<hbm>>
      tpu.enqueue_indirect_dma source(%dma_start3A_438 : memref<100000x32xf32, #tpu.memory_space<hbm>>) target(%dma_start3A_432 : memref<128x32xf32, #tpu.memory_space<vmem>>) offsets(%dma_start3A_435 : memref<128xi32, #tpu.memory_space<vmem>>) semaphore(%arg11 : memref<!tpu.dma_semaphore, #tpu.memory_space<semaphore_mem>>)
      %dma_start3A_439 = arith.constant 3 : i32
      %dma_start3A_440 = arith.constant 3 : i32
      %dma_start3A_441 = arith.constant 0 : i32
      %dma_start3A_442 = arith.constant 0 : i32
      %dma_start3A_443 = tpu.memref_slice %arg7[%dma_start3A_440, %dma_start3A_441, %dma_start3A_442] : memref<4x128x32xf32, #tpu.memory_space<vmem>> -> memref<1x128x32xf32, #tpu.memory_space<vmem>>
      %dma_start3A_444 = tpu.memref_squeeze %dma_start3A_443 : memref<1x128x32xf32, #tpu.memory_space<vmem>> -> memref<128x32xf32, #tpu.memory_space<vmem>>
      %dma_start3A_445 = arith.constant 0 : i32
      %dma_start3A_446 = tpu.memref_slice %arg6[%dma_start3A_439, %dma_start3A_445] : memref<8x128xi32, #tpu.memory_space<vmem>> -> memref<1x128xi32, #tpu.memory_space<vmem>>
      %dma_start3A_447 = tpu.memref_squeeze %dma_start3A_446 : memref<1x128xi32, #tpu.memory_space<vmem>> -> memref<128xi32, #tpu.memory_space<vmem>>
      %dma_start3A_448 = arith.constant 0 : i32
      %dma_start3A_449 = arith.constant 0 : i32
      %dma_start3A_450 = tpu.memref_slice %arg3[%dma_start3A_448, %dma_start3A_449] : memref<100000x32xf32, #tpu.memory_space<hbm>> -> memref<100000x32xf32, #tpu.memory_space<hbm>>
      tpu.enqueue_indirect_dma source(%dma_start3A_450 : memref<100000x32xf32, #tpu.memory_space<hbm>>) target(%dma_start3A_444 : memref<128x32xf32, #tpu.memory_space<vmem>>) offsets(%dma_start3A_447 : memref<128xi32, #tpu.memory_space<vmem>>) semaphore(%arg11 : memref<!tpu.dma_semaphore, #tpu.memory_space<semaphore_mem>>)
      %dma_wait3A_451 = arith.constant 0 : i32
      %dma_wait3A_452 = arith.constant 0 : i32
      %dma_wait3A_453 = arith.constant 0 : i32
      %dma_wait3A_454 = arith.constant 0 : i32
      %dma_wait3A_455 = tpu.memref_slice %arg7[%dma_wait3A_452, %dma_wait3A_453, %dma_wait3A_454] : memref<4x128x32xf32, #tpu.memory_space<vmem>> -> memref<1x128x32xf32, #tpu.memory_space<vmem>>
      %dma_wait3A_456 = tpu.memref_squeeze %dma_wait3A_455 : memref<1x128x32xf32, #tpu.memory_space<vmem>> -> memref<128x32xf32, #tpu.memory_space<vmem>>
      %dma_wait3A_457 = arith.constant 0 : i32
      %dma_wait3A_458 = tpu.memref_slice %arg6[%dma_wait3A_451, %dma_wait3A_457] : memref<8x128xi32, #tpu.memory_space<vmem>> -> memref<1x128xi32, #tpu.memory_space<vmem>>
      %dma_wait3A_459 = tpu.memref_squeeze %dma_wait3A_458 : memref<1x128xi32, #tpu.memory_space<vmem>> -> memref<128xi32, #tpu.memory_space<vmem>>
      %dma_wait3A_460 = arith.constant 0 : i32
      %dma_wait3A_461 = arith.constant 0 : i32
      %dma_wait3A_462 = tpu.memref_slice %arg3[%dma_wait3A_460, %dma_wait3A_461] : memref<100000x32xf32, #tpu.memory_space<hbm>> -> memref<100000x32xf32, #tpu.memory_space<hbm>>
      tpu.wait_indirect_dma semaphore(%arg11 : memref<!tpu.dma_semaphore, #tpu.memory_space<semaphore_mem>>) src(%dma_wait3A_462 : memref<100000x32xf32, #tpu.memory_space<hbm>>) dst(%dma_wait3A_456 : memref<128x32xf32, #tpu.memory_space<vmem>>)
      %dma_wait3A_463 = arith.constant 1 : i32
      %dma_wait3A_464 = arith.constant 1 : i32
      %dma_wait3A_465 = arith.constant 0 : i32
      %dma_wait3A_466 = arith.constant 0 : i32
      %dma_wait3A_467 = tpu.memref_slice %arg7[%dma_wait3A_464, %dma_wait3A_465, %dma_wait3A_466] : memref<4x128x32xf32, #tpu.memory_space<vmem>> -> memref<1x128x32xf32, #tpu.memory_space<vmem>>
      %dma_wait3A_468 = tpu.memref_squeeze %dma_wait3A_467 : memref<1x128x32xf32, #tpu.memory_space<vmem>> -> memref<128x32xf32, #tpu.memory_space<vmem>>
      %dma_wait3A_469 = arith.constant 0 : i32
      %dma_wait3A_470 = tpu.memref_slice %arg6[%dma_wait3A_463, %dma_wait3A_469] : memref<8x128xi32, #tpu.memory_space<vmem>> -> memref<1x128xi32, #tpu.memory_space<vmem>>
      %dma_wait3A_471 = tpu.memref_squeeze %dma_wait3A_470 : memref<1x128xi32, #tpu.memory_space<vmem>> -> memref<128xi32, #tpu.memory_space<vmem>>
      %dma_wait3A_472 = arith.constant 0 : i32
      %dma_wait3A_473 = arith.constant 0 : i32
      %dma_wait3A_474 = tpu.memref_slice %arg3[%dma_wait3A_472, %dma_wait3A_473] : memref<100000x32xf32, #tpu.memory_space<hbm>> -> memref<100000x32xf32, #tpu.memory_space<hbm>>
      tpu.wait_indirect_dma semaphore(%arg11 : memref<!tpu.dma_semaphore, #tpu.memory_space<semaphore_mem>>) src(%dma_wait3A_474 : memref<100000x32xf32, #tpu.memory_space<hbm>>) dst(%dma_wait3A_468 : memref<128x32xf32, #tpu.memory_space<vmem>>)
      %dma_wait3A_475 = arith.constant 2 : i32
      %dma_wait3A_476 = arith.constant 2 : i32
      %dma_wait3A_477 = arith.constant 0 : i32
      %dma_wait3A_478 = arith.constant 0 : i32
      %dma_wait3A_479 = tpu.memref_slice %arg7[%dma_wait3A_476, %dma_wait3A_477, %dma_wait3A_478] : memref<4x128x32xf32, #tpu.memory_space<vmem>> -> memref<1x128x32xf32, #tpu.memory_space<vmem>>
      %dma_wait3A_480 = tpu.memref_squeeze %dma_wait3A_479 : memref<1x128x32xf32, #tpu.memory_space<vmem>> -> memref<128x32xf32, #tpu.memory_space<vmem>>
      %dma_wait3A_481 = arith.constant 0 : i32
      %dma_wait3A_482 = tpu.memref_slice %arg6[%dma_wait3A_475, %dma_wait3A_481] : memref<8x128xi32, #tpu.memory_space<vmem>> -> memref<1x128xi32, #tpu.memory_space<vmem>>
      %dma_wait3A_483 = tpu.memref_squeeze %dma_wait3A_482 : memref<1x128xi32, #tpu.memory_space<vmem>> -> memref<128xi32, #tpu.memory_space<vmem>>
      %dma_wait3A_484 = arith.constant 0 : i32
      %dma_wait3A_485 = arith.constant 0 : i32
      %dma_wait3A_486 = tpu.memref_slice %arg3[%dma_wait3A_484, %dma_wait3A_485] : memref<100000x32xf32, #tpu.memory_space<hbm>> -> memref<100000x32xf32, #tpu.memory_space<hbm>>
      tpu.wait_indirect_dma semaphore(%arg11 : memref<!tpu.dma_semaphore, #tpu.memory_space<semaphore_mem>>) src(%dma_wait3A_486 : memref<100000x32xf32, #tpu.memory_space<hbm>>) dst(%dma_wait3A_480 : memref<128x32xf32, #tpu.memory_space<vmem>>)
      %dma_wait3A_487 = arith.constant 3 : i32
      %dma_wait3A_488 = arith.constant 3 : i32
      %dma_wait3A_489 = arith.constant 0 : i32
      %dma_wait3A_490 = arith.constant 0 : i32
      %dma_wait3A_491 = tpu.memref_slice %arg7[%dma_wait3A_488, %dma_wait3A_489, %dma_wait3A_490] : memref<4x128x32xf32, #tpu.memory_space<vmem>> -> memref<1x128x32xf32, #tpu.memory_space<vmem>>
      %dma_wait3A_492 = tpu.memref_squeeze %dma_wait3A_491 : memref<1x128x32xf32, #tpu.memory_space<vmem>> -> memref<128x32xf32, #tpu.memory_space<vmem>>
      %dma_wait3A_493 = arith.constant 0 : i32
      %dma_wait3A_494 = tpu.memref_slice %arg6[%dma_wait3A_487, %dma_wait3A_493] : memref<8x128xi32, #tpu.memory_space<vmem>> -> memref<1x128xi32, #tpu.memory_space<vmem>>
      %dma_wait3A_495 = tpu.memref_squeeze %dma_wait3A_494 : memref<1x128xi32, #tpu.memory_space<vmem>> -> memref<128xi32, #tpu.memory_space<vmem>>
      %dma_wait3A_496 = arith.constant 0 : i32
      %dma_wait3A_497 = arith.constant 0 : i32
      %dma_wait3A_498 = tpu.memref_slice %arg3[%dma_wait3A_496, %dma_wait3A_497] : memref<100000x32xf32, #tpu.memory_space<hbm>> -> memref<100000x32xf32, #tpu.memory_space<hbm>>
      tpu.wait_indirect_dma semaphore(%arg11 : memref<!tpu.dma_semaphore, #tpu.memory_space<semaphore_mem>>) src(%dma_wait3A_498 : memref<100000x32xf32, #tpu.memory_space<hbm>>) dst(%dma_wait3A_492 : memref<128x32xf32, #tpu.memory_space<vmem>>)
      %gt3A_499 = arith.constant 0 : i32
      %gt3A_500 = arith.cmpi sgt, %scan3A_108, %gt3A_499 : i32
      %convert_element_type3A_501 = arith.extui %gt3A_500 : i1 to i32
      %cond3A_502 = arith.constant 0 : i32
      %cond3A_503 = arith.cmpi ne, %convert_element_type3A_501, %cond3A_502 : i32
      scf.if %cond3A_503 {
        %sub3A = arith.constant 2 : i32
        %sub3A_653 = arith.subi %add3A_382, %sub3A : i32
        %add3A_654 = arith.addi %mul3A_2, %sub3A_653 : i32
        %mul3A_655 = arith.constant 2 : i32
        %mul3A_656 = arith.muli %add3A_654, %mul3A_655 : i32
        %add3A_657 = arith.constant 0 : i32
        %add3A_658 = arith.addi %mul3A_656, %add3A_657 : i32
        %mul3A_659 = arith.constant 32 : i32
        %mul3A_660 = arith.muli %add3A_658, %mul3A_659 : i32
        %dma_wait3A_661 = arith.constant 1 : i32
        %dma_wait3A_662 = arith.constant 0 : i32
        %dma_wait3A_663 = arith.constant 0 : i32
        %dma_wait3A_664 = tpu.memref_slice %arg9[%dma_wait3A_661, %dma_wait3A_662, %dma_wait3A_663] : memref<2x32x128xf32, #tpu.memory_space<vmem>> -> memref<1x32x128xf32, #tpu.memory_space<vmem>>
        %dma_wait3A_665 = tpu.memref_squeeze %dma_wait3A_664 : memref<1x32x128xf32, #tpu.memory_space<vmem>> -> memref<32x128xf32, #tpu.memory_space<vmem>>
        %dma_wait3A_666 = arith.constant 0 : i32
        %dma_wait3A_667 = tpu.memref_slice %arg4[%mul3A_660, %dma_wait3A_666] : memref<143360x128xf32, #tpu.memory_space<hbm>> -> memref<32x128xf32, #tpu.memory_space<hbm>>
        %dma_wait3A_668 = arith.constant 0 : i32
        %dma_wait3A_669 = tpu.memref_slice %arg4[%mul3A_660, %dma_wait3A_668] : memref<143360x128xf32, #tpu.memory_space<hbm>> -> memref<32x128xf32, #tpu.memory_space<hbm>>
        %dma_wait3A_670 = arith.constant 0 : i32
        %dma_wait3A_671 = arith.constant 0 : i32
        %dma_wait3A_672 = tpu.memref_slice %arg9[%dma_wait3A_661, %dma_wait3A_670, %dma_wait3A_671] : memref<2x32x128xf32, #tpu.memory_space<vmem>> -> memref<1x32x128xf32, #tpu.memory_space<vmem>>
        %dma_wait3A_673 = tpu.memref_squeeze %dma_wait3A_672 : memref<1x32x128xf32, #tpu.memory_space<vmem>> -> memref<32x128xf32, #tpu.memory_space<vmem>>
        tpu.wait_dma2 semaphore(%arg16 : memref<!tpu.dma_semaphore, #tpu.memory_space<semaphore_mem>>) src(%dma_wait3A_673 : memref<32x128xf32, #tpu.memory_space<vmem>>) dst(%dma_wait3A_669 : memref<32x128xf32, #tpu.memory_space<hbm>>)
      } else {
      }
      %dma_start3A_504 = arith.constant 4 : i32
      %dma_start3A_505 = arith.constant 0 : i32
      %dma_start3A_506 = arith.constant 0 : i32
      %dma_start3A_507 = arith.constant 0 : i32
      %dma_start3A_508 = tpu.memref_slice %arg8[%dma_start3A_505, %dma_start3A_506, %dma_start3A_507] : memref<4x128x32xf32, #tpu.memory_space<vmem>> -> memref<1x128x32xf32, #tpu.memory_space<vmem>>
      %dma_start3A_509 = tpu.memref_squeeze %dma_start3A_508 : memref<1x128x32xf32, #tpu.memory_space<vmem>> -> memref<128x32xf32, #tpu.memory_space<vmem>>
      %dma_start3A_510 = arith.constant 0 : i32
      %dma_start3A_511 = tpu.memref_slice %arg6[%dma_start3A_504, %dma_start3A_510] : memref<8x128xi32, #tpu.memory_space<vmem>> -> memref<1x128xi32, #tpu.memory_space<vmem>>
      %dma_start3A_512 = tpu.memref_squeeze %dma_start3A_511 : memref<1x128xi32, #tpu.memory_space<vmem>> -> memref<128xi32, #tpu.memory_space<vmem>>
      %dma_start3A_513 = arith.constant 0 : i32
      %dma_start3A_514 = arith.constant 0 : i32
      %dma_start3A_515 = tpu.memref_slice %arg3[%dma_start3A_513, %dma_start3A_514] : memref<100000x32xf32, #tpu.memory_space<hbm>> -> memref<100000x32xf32, #tpu.memory_space<hbm>>
      tpu.enqueue_indirect_dma source(%dma_start3A_515 : memref<100000x32xf32, #tpu.memory_space<hbm>>) target(%dma_start3A_509 : memref<128x32xf32, #tpu.memory_space<vmem>>) offsets(%dma_start3A_512 : memref<128xi32, #tpu.memory_space<vmem>>) semaphore(%arg12 : memref<!tpu.dma_semaphore, #tpu.memory_space<semaphore_mem>>)
      %dma_start3A_516 = arith.constant 5 : i32
      %dma_start3A_517 = arith.constant 1 : i32
      %dma_start3A_518 = arith.constant 0 : i32
      %dma_start3A_519 = arith.constant 0 : i32
      %dma_start3A_520 = tpu.memref_slice %arg8[%dma_start3A_517, %dma_start3A_518, %dma_start3A_519] : memref<4x128x32xf32, #tpu.memory_space<vmem>> -> memref<1x128x32xf32, #tpu.memory_space<vmem>>
      %dma_start3A_521 = tpu.memref_squeeze %dma_start3A_520 : memref<1x128x32xf32, #tpu.memory_space<vmem>> -> memref<128x32xf32, #tpu.memory_space<vmem>>
      %dma_start3A_522 = arith.constant 0 : i32
      %dma_start3A_523 = tpu.memref_slice %arg6[%dma_start3A_516, %dma_start3A_522] : memref<8x128xi32, #tpu.memory_space<vmem>> -> memref<1x128xi32, #tpu.memory_space<vmem>>
      %dma_start3A_524 = tpu.memref_squeeze %dma_start3A_523 : memref<1x128xi32, #tpu.memory_space<vmem>> -> memref<128xi32, #tpu.memory_space<vmem>>
      %dma_start3A_525 = arith.constant 0 : i32
      %dma_start3A_526 = arith.constant 0 : i32
      %dma_start3A_527 = tpu.memref_slice %arg3[%dma_start3A_525, %dma_start3A_526] : memref<100000x32xf32, #tpu.memory_space<hbm>> -> memref<100000x32xf32, #tpu.memory_space<hbm>>
      tpu.enqueue_indirect_dma source(%dma_start3A_527 : memref<100000x32xf32, #tpu.memory_space<hbm>>) target(%dma_start3A_521 : memref<128x32xf32, #tpu.memory_space<vmem>>) offsets(%dma_start3A_524 : memref<128xi32, #tpu.memory_space<vmem>>) semaphore(%arg12 : memref<!tpu.dma_semaphore, #tpu.memory_space<semaphore_mem>>)
      %dma_start3A_528 = arith.constant 6 : i32
      %dma_start3A_529 = arith.constant 2 : i32
      %dma_start3A_530 = arith.constant 0 : i32
      %dma_start3A_531 = arith.constant 0 : i32
      %dma_start3A_532 = tpu.memref_slice %arg8[%dma_start3A_529, %dma_start3A_530, %dma_start3A_531] : memref<4x128x32xf32, #tpu.memory_space<vmem>> -> memref<1x128x32xf32, #tpu.memory_space<vmem>>
      %dma_start3A_533 = tpu.memref_squeeze %dma_start3A_532 : memref<1x128x32xf32, #tpu.memory_space<vmem>> -> memref<128x32xf32, #tpu.memory_space<vmem>>
      %dma_start3A_534 = arith.constant 0 : i32
      %dma_start3A_535 = tpu.memref_slice %arg6[%dma_start3A_528, %dma_start3A_534] : memref<8x128xi32, #tpu.memory_space<vmem>> -> memref<1x128xi32, #tpu.memory_space<vmem>>
      %dma_start3A_536 = tpu.memref_squeeze %dma_start3A_535 : memref<1x128xi32, #tpu.memory_space<vmem>> -> memref<128xi32, #tpu.memory_space<vmem>>
      %dma_start3A_537 = arith.constant 0 : i32
      %dma_start3A_538 = arith.constant 0 : i32
      %dma_start3A_539 = tpu.memref_slice %arg3[%dma_start3A_537, %dma_start3A_538] : memref<100000x32xf32, #tpu.memory_space<hbm>> -> memref<100000x32xf32, #tpu.memory_space<hbm>>
      tpu.enqueue_indirect_dma source(%dma_start3A_539 : memref<100000x32xf32, #tpu.memory_space<hbm>>) target(%dma_start3A_533 : memref<128x32xf32, #tpu.memory_space<vmem>>) offsets(%dma_start3A_536 : memref<128xi32, #tpu.memory_space<vmem>>) semaphore(%arg12 : memref<!tpu.dma_semaphore, #tpu.memory_space<semaphore_mem>>)
      %dma_start3A_540 = arith.constant 7 : i32
      %dma_start3A_541 = arith.constant 3 : i32
      %dma_start3A_542 = arith.constant 0 : i32
      %dma_start3A_543 = arith.constant 0 : i32
      %dma_start3A_544 = tpu.memref_slice %arg8[%dma_start3A_541, %dma_start3A_542, %dma_start3A_543] : memref<4x128x32xf32, #tpu.memory_space<vmem>> -> memref<1x128x32xf32, #tpu.memory_space<vmem>>
      %dma_start3A_545 = tpu.memref_squeeze %dma_start3A_544 : memref<1x128x32xf32, #tpu.memory_space<vmem>> -> memref<128x32xf32, #tpu.memory_space<vmem>>
      %dma_start3A_546 = arith.constant 0 : i32
      %dma_start3A_547 = tpu.memref_slice %arg6[%dma_start3A_540, %dma_start3A_546] : memref<8x128xi32, #tpu.memory_space<vmem>> -> memref<1x128xi32, #tpu.memory_space<vmem>>
      %dma_start3A_548 = tpu.memref_squeeze %dma_start3A_547 : memref<1x128xi32, #tpu.memory_space<vmem>> -> memref<128xi32, #tpu.memory_space<vmem>>
      %dma_start3A_549 = arith.constant 0 : i32
      %dma_start3A_550 = arith.constant 0 : i32
      %dma_start3A_551 = tpu.memref_slice %arg3[%dma_start3A_549, %dma_start3A_550] : memref<100000x32xf32, #tpu.memory_space<hbm>> -> memref<100000x32xf32, #tpu.memory_space<hbm>>
      tpu.enqueue_indirect_dma source(%dma_start3A_551 : memref<100000x32xf32, #tpu.memory_space<hbm>>) target(%dma_start3A_545 : memref<128x32xf32, #tpu.memory_space<vmem>>) offsets(%dma_start3A_548 : memref<128xi32, #tpu.memory_space<vmem>>) semaphore(%arg12 : memref<!tpu.dma_semaphore, #tpu.memory_space<semaphore_mem>>)
      %parallel_loop3A_552 = arith.constant 0 : i32
      %parallel_loop3A_553 = arith.constant 32 : i32
      %parallel_loop3A_554 = arith.constant 1 : i32
      %parallel_loop3A_555 = arith.constant 1 : i32
      scf.for %parallel_loop3A_653 = %parallel_loop3A_552 to %parallel_loop3A_553 step %parallel_loop3A_554  : i32 {
        %parallel_loop3A_654 = arith.constant 4 : i32
        %parallel_loop3A_655 = arith.muli %parallel_loop3A_654, %parallel_loop3A_653 : i32
        %parallel_loop3A_656 = arith.constant 0 : i32
        %parallel_loop3A_657 = arith.addi %parallel_loop3A_655, %parallel_loop3A_656 : i32
        %parallel_loop3A_658 = arith.constant 0 : i32
        %parallel_loop3A_659 = arith.index_cast %parallel_loop3A_658 : i32 to index
        %parallel_loop3A_660 = arith.index_cast %parallel_loop3A_657 : i32 to index
        %parallel_loop3A_661 = arith.constant 0 : index
        %parallel_loop3A_662 = tpu.vector_load %arg7[%parallel_loop3A_659, %parallel_loop3A_660, %parallel_loop3A_661] {strides = array<i32>} : memref<4x128x32xf32, #tpu.memory_space<vmem>>, vector<1x1x16xf32>,
        %parallel_loop3A_663 = vector.shape_cast %parallel_loop3A_662 : vector<1x1x16xf32> to vector<16xf32>
        %parallel_loop3A_664 = arith.constant 1 : i32
        %parallel_loop3A_665 = arith.index_cast %parallel_loop3A_664 : i32 to index
        %parallel_loop3A_666 = arith.index_cast %parallel_loop3A_657 : i32 to index
        %parallel_loop3A_667 = arith.constant 0 : index
        %parallel_loop3A_668 = tpu.vector_load %arg7[%parallel_loop3A_665, %parallel_loop3A_666, %parallel_loop3A_667] {strides = array<i32>} : memref<4x128x32xf32, #tpu.memory_space<vmem>>, vector<1x1x16xf32>,
        %parallel_loop3A_669 = vector.shape_cast %parallel_loop3A_668 : vector<1x1x16xf32> to vector<16xf32>
        %parallel_loop3A_670 = arith.addf %parallel_loop3A_663, %parallel_loop3A_669 : vector<16xf32>
        %parallel_loop3A_671 = arith.constant 2 : i32
        %parallel_loop3A_672 = arith.index_cast %parallel_loop3A_671 : i32 to index
        %parallel_loop3A_673 = arith.index_cast %parallel_loop3A_657 : i32 to index
        %parallel_loop3A_674 = arith.constant 0 : index
        %parallel_loop3A_675 = tpu.vector_load %arg7[%parallel_loop3A_672, %parallel_loop3A_673, %parallel_loop3A_674] {strides = array<i32>} : memref<4x128x32xf32, #tpu.memory_space<vmem>>, vector<1x1x16xf32>,
        %parallel_loop3A_676 = vector.shape_cast %parallel_loop3A_675 : vector<1x1x16xf32> to vector<16xf32>
        %parallel_loop3A_677 = arith.constant 3 : i32
        %parallel_loop3A_678 = arith.index_cast %parallel_loop3A_677 : i32 to index
        %parallel_loop3A_679 = arith.index_cast %parallel_loop3A_657 : i32 to index
        %parallel_loop3A_680 = arith.constant 0 : index
        %parallel_loop3A_681 = tpu.vector_load %arg7[%parallel_loop3A_678, %parallel_loop3A_679, %parallel_loop3A_680] {strides = array<i32>} : memref<4x128x32xf32, #tpu.memory_space<vmem>>, vector<1x1x16xf32>,
        %parallel_loop3A_682 = vector.shape_cast %parallel_loop3A_681 : vector<1x1x16xf32> to vector<16xf32>
        %parallel_loop3A_683 = arith.addf %parallel_loop3A_676, %parallel_loop3A_682 : vector<16xf32>
        %parallel_loop3A_684 = arith.addf %parallel_loop3A_670, %parallel_loop3A_683 : vector<16xf32>
        %parallel_loop3A_685 = arith.constant 0 : i32
        %parallel_loop3A_686 = arith.constant 0 : i32
        %parallel_loop3A_687 = tpu.memref_slice %arg9[%parallel_loop3A_555, %parallel_loop3A_685, %parallel_loop3A_686] : memref<2x32x128xf32, #tpu.memory_space<vmem>> -> memref<1x32x128xf32, #tpu.memory_space<vmem>>
        %parallel_loop3A_688 = tpu.memref_squeeze %parallel_loop3A_687 : memref<1x32x128xf32, #tpu.memory_space<vmem>> -> memref<32x128xf32, #tpu.memory_space<vmem>>
        %parallel_loop3A_689 = arith.index_cast %parallel_loop3A_653 : i32 to index
        %parallel_loop3A_690 = arith.constant 0 : index
        %parallel_loop3A_691 = tpu.vector_load %parallel_loop3A_688[%parallel_loop3A_689, %parallel_loop3A_690] {strides = array<i32>} : memref<32x128xf32, #tpu.memory_space<vmem>>, vector<1x16xf32>,
        %parallel_loop3A_692 = vector.shape_cast %parallel_loop3A_691 : vector<1x16xf32> to vector<16xf32>
        %parallel_loop3A_693 = vector.shape_cast %parallel_loop3A_684 : vector<16xf32> to vector<1x16xf32>
        tpu.vector_store %parallel_loop3A_688[%parallel_loop3A_689, %parallel_loop3A_690], %parallel_loop3A_693 {strides = array<i32>} : memref<32x128xf32, #tpu.memory_space<vmem>>, vector<1x16xf32>,
        %parallel_loop3A_694 = arith.constant 4 : i32
        %parallel_loop3A_695 = arith.muli %parallel_loop3A_694, %parallel_loop3A_653 : i32
        %parallel_loop3A_696 = arith.constant 0 : i32
        %parallel_loop3A_697 = arith.addi %parallel_loop3A_695, %parallel_loop3A_696 : i32
        %parallel_loop3A_698 = arith.constant 0 : i32
        %parallel_loop3A_699 = arith.index_cast %parallel_loop3A_698 : i32 to index
        %parallel_loop3A_700 = arith.index_cast %parallel_loop3A_697 : i32 to index
        %parallel_loop3A_701 = arith.constant 16 : index
        %parallel_loop3A_702 = tpu.vector_load %arg7[%parallel_loop3A_699, %parallel_loop3A_700, %parallel_loop3A_701] {strides = array<i32>} : memref<4x128x32xf32, #tpu.memory_space<vmem>>, vector<1x1x16xf32>,
        %parallel_loop3A_703 = vector.shape_cast %parallel_loop3A_702 : vector<1x1x16xf32> to vector<16xf32>
        %parallel_loop3A_704 = arith.constant 1 : i32
        %parallel_loop3A_705 = arith.index_cast %parallel_loop3A_704 : i32 to index
        %parallel_loop3A_706 = arith.index_cast %parallel_loop3A_697 : i32 to index
        %parallel_loop3A_707 = arith.constant 16 : index
        %parallel_loop3A_708 = tpu.vector_load %arg7[%parallel_loop3A_705, %parallel_loop3A_706, %parallel_loop3A_707] {strides = array<i32>} : memref<4x128x32xf32, #tpu.memory_space<vmem>>, vector<1x1x16xf32>,
        %parallel_loop3A_709 = vector.shape_cast %parallel_loop3A_708 : vector<1x1x16xf32> to vector<16xf32>
        %parallel_loop3A_710 = arith.addf %parallel_loop3A_703, %parallel_loop3A_709 : vector<16xf32>
        %parallel_loop3A_711 = arith.constant 2 : i32
        %parallel_loop3A_712 = arith.index_cast %parallel_loop3A_711 : i32 to index
        %parallel_loop3A_713 = arith.index_cast %parallel_loop3A_697 : i32 to index
        %parallel_loop3A_714 = arith.constant 16 : index
        %parallel_loop3A_715 = tpu.vector_load %arg7[%parallel_loop3A_712, %parallel_loop3A_713, %parallel_loop3A_714] {strides = array<i32>} : memref<4x128x32xf32, #tpu.memory_space<vmem>>, vector<1x1x16xf32>,
        %parallel_loop3A_716 = vector.shape_cast %parallel_loop3A_715 : vector<1x1x16xf32> to vector<16xf32>
        %parallel_loop3A_717 = arith.constant 3 : i32
        %parallel_loop3A_718 = arith.index_cast %parallel_loop3A_717 : i32 to index
        %parallel_loop3A_719 = arith.index_cast %parallel_loop3A_697 : i32 to index
        %parallel_loop3A_720 = arith.constant 16 : index
        %parallel_loop3A_721 = tpu.vector_load %arg7[%parallel_loop3A_718, %parallel_loop3A_719, %parallel_loop3A_720] {strides = array<i32>} : memref<4x128x32xf32, #tpu.memory_space<vmem>>, vector<1x1x16xf32>,
        %parallel_loop3A_722 = vector.shape_cast %parallel_loop3A_721 : vector<1x1x16xf32> to vector<16xf32>
        %parallel_loop3A_723 = arith.addf %parallel_loop3A_716, %parallel_loop3A_722 : vector<16xf32>
        %parallel_loop3A_724 = arith.addf %parallel_loop3A_710, %parallel_loop3A_723 : vector<16xf32>
        %parallel_loop3A_725 = arith.constant 0 : i32
        %parallel_loop3A_726 = arith.constant 0 : i32
        %parallel_loop3A_727 = tpu.memref_slice %arg9[%parallel_loop3A_555, %parallel_loop3A_725, %parallel_loop3A_726] : memref<2x32x128xf32, #tpu.memory_space<vmem>> -> memref<1x32x128xf32, #tpu.memory_space<vmem>>
        %parallel_loop3A_728 = tpu.memref_squeeze %parallel_loop3A_727 : memref<1x32x128xf32, #tpu.memory_space<vmem>> -> memref<32x128xf32, #tpu.memory_space<vmem>>
        %parallel_loop3A_729 = arith.index_cast %parallel_loop3A_653 : i32 to index
        %parallel_loop3A_730 = arith.constant 16 : index
        %parallel_loop3A_731 = tpu.vector_load %parallel_loop3A_728[%parallel_loop3A_729, %parallel_loop3A_730] {strides = array<i32>} : memref<32x128xf32, #tpu.memory_space<vmem>>, vector<1x16xf32>,
        %parallel_loop3A_732 = vector.shape_cast %parallel_loop3A_731 : vector<1x16xf32> to vector<16xf32>
        %parallel_loop3A_733 = vector.shape_cast %parallel_loop3A_724 : vector<16xf32> to vector<1x16xf32>
        tpu.vector_store %parallel_loop3A_728[%parallel_loop3A_729, %parallel_loop3A_730], %parallel_loop3A_733 {strides = array<i32>} : memref<32x128xf32, #tpu.memory_space<vmem>>, vector<1x16xf32>,
        %parallel_loop3A_734 = arith.constant 4 : i32
        %parallel_loop3A_735 = arith.muli %parallel_loop3A_734, %parallel_loop3A_653 : i32
        %parallel_loop3A_736 = arith.constant 1 : i32
        %parallel_loop3A_737 = arith.addi %parallel_loop3A_735, %parallel_loop3A_736 : i32
        %parallel_loop3A_738 = arith.constant 0 : i32
        %parallel_loop3A_739 = arith.index_cast %parallel_loop3A_738 : i32 to index
        %parallel_loop3A_740 = arith.index_cast %parallel_loop3A_737 : i32 to index
        %parallel_loop3A_741 = arith.constant 0 : index
        %parallel_loop3A_742 = tpu.vector_load %arg7[%parallel_loop3A_739, %parallel_loop3A_740, %parallel_loop3A_741] {strides = array<i32>} : memref<4x128x32xf32, #tpu.memory_space<vmem>>, vector<1x1x16xf32>,
        %parallel_loop3A_743 = vector.shape_cast %parallel_loop3A_742 : vector<1x1x16xf32> to vector<16xf32>
        %parallel_loop3A_744 = arith.constant 1 : i32
        %parallel_loop3A_745 = arith.index_cast %parallel_loop3A_744 : i32 to index
        %parallel_loop3A_746 = arith.index_cast %parallel_loop3A_737 : i32 to index
        %parallel_loop3A_747 = arith.constant 0 : index
        %parallel_loop3A_748 = tpu.vector_load %arg7[%parallel_loop3A_745, %parallel_loop3A_746, %parallel_loop3A_747] {strides = array<i32>} : memref<4x128x32xf32, #tpu.memory_space<vmem>>, vector<1x1x16xf32>,
        %parallel_loop3A_749 = vector.shape_cast %parallel_loop3A_748 : vector<1x1x16xf32> to vector<16xf32>
        %parallel_loop3A_750 = arith.addf %parallel_loop3A_743, %parallel_loop3A_749 : vector<16xf32>
        %parallel_loop3A_751 = arith.constant 2 : i32
        %parallel_loop3A_752 = arith.index_cast %parallel_loop3A_751 : i32 to index
        %parallel_loop3A_753 = arith.index_cast %parallel_loop3A_737 : i32 to index
        %parallel_loop3A_754 = arith.constant 0 : index
        %parallel_loop3A_755 = tpu.vector_load %arg7[%parallel_loop3A_752, %parallel_loop3A_753, %parallel_loop3A_754] {strides = array<i32>} : memref<4x128x32xf32, #tpu.memory_space<vmem>>, vector<1x1x16xf32>,
        %parallel_loop3A_756 = vector.shape_cast %parallel_loop3A_755 : vector<1x1x16xf32> to vector<16xf32>
        %parallel_loop3A_757 = arith.constant 3 : i32
        %parallel_loop3A_758 = arith.index_cast %parallel_loop3A_757 : i32 to index
        %parallel_loop3A_759 = arith.index_cast %parallel_loop3A_737 : i32 to index
        %parallel_loop3A_760 = arith.constant 0 : index
        %parallel_loop3A_761 = tpu.vector_load %arg7[%parallel_loop3A_758, %parallel_loop3A_759, %parallel_loop3A_760] {strides = array<i32>} : memref<4x128x32xf32, #tpu.memory_space<vmem>>, vector<1x1x16xf32>,
        %parallel_loop3A_762 = vector.shape_cast %parallel_loop3A_761 : vector<1x1x16xf32> to vector<16xf32>
        %parallel_loop3A_763 = arith.addf %parallel_loop3A_756, %parallel_loop3A_762 : vector<16xf32>
        %parallel_loop3A_764 = arith.addf %parallel_loop3A_750, %parallel_loop3A_763 : vector<16xf32>
        %parallel_loop3A_765 = arith.constant 0 : i32
        %parallel_loop3A_766 = arith.constant 0 : i32
        %parallel_loop3A_767 = tpu.memref_slice %arg9[%parallel_loop3A_555, %parallel_loop3A_765, %parallel_loop3A_766] : memref<2x32x128xf32, #tpu.memory_space<vmem>> -> memref<1x32x128xf32, #tpu.memory_space<vmem>>
        %parallel_loop3A_768 = tpu.memref_squeeze %parallel_loop3A_767 : memref<1x32x128xf32, #tpu.memory_space<vmem>> -> memref<32x128xf32, #tpu.memory_space<vmem>>
        %parallel_loop3A_769 = arith.index_cast %parallel_loop3A_653 : i32 to index
        %parallel_loop3A_770 = arith.constant 32 : index
        %parallel_loop3A_771 = tpu.vector_load %parallel_loop3A_768[%parallel_loop3A_769, %parallel_loop3A_770] {strides = array<i32>} : memref<32x128xf32, #tpu.memory_space<vmem>>, vector<1x16xf32>,
        %parallel_loop3A_772 = vector.shape_cast %parallel_loop3A_771 : vector<1x16xf32> to vector<16xf32>
        %parallel_loop3A_773 = vector.shape_cast %parallel_loop3A_764 : vector<16xf32> to vector<1x16xf32>
        tpu.vector_store %parallel_loop3A_768[%parallel_loop3A_769, %parallel_loop3A_770], %parallel_loop3A_773 {strides = array<i32>} : memref<32x128xf32, #tpu.memory_space<vmem>>, vector<1x16xf32>,
        %parallel_loop3A_774 = arith.constant 4 : i32
        %parallel_loop3A_775 = arith.muli %parallel_loop3A_774, %parallel_loop3A_653 : i32
        %parallel_loop3A_776 = arith.constant 1 : i32
        %parallel_loop3A_777 = arith.addi %parallel_loop3A_775, %parallel_loop3A_776 : i32
        %parallel_loop3A_778 = arith.constant 0 : i32
        %parallel_loop3A_779 = arith.index_cast %parallel_loop3A_778 : i32 to index
        %parallel_loop3A_780 = arith.index_cast %parallel_loop3A_777 : i32 to index
        %parallel_loop3A_781 = arith.constant 16 : index
        %parallel_loop3A_782 = tpu.vector_load %arg7[%parallel_loop3A_779, %parallel_loop3A_780, %parallel_loop3A_781] {strides = array<i32>} : memref<4x128x32xf32, #tpu.memory_space<vmem>>, vector<1x1x16xf32>,
        %parallel_loop3A_783 = vector.shape_cast %parallel_loop3A_782 : vector<1x1x16xf32> to vector<16xf32>
        %parallel_loop3A_784 = arith.constant 1 : i32
        %parallel_loop3A_785 = arith.index_cast %parallel_loop3A_784 : i32 to index
        %parallel_loop3A_786 = arith.index_cast %parallel_loop3A_777 : i32 to index
        %parallel_loop3A_787 = arith.constant 16 : index
        %parallel_loop3A_788 = tpu.vector_load %arg7[%parallel_loop3A_785, %parallel_loop3A_786, %parallel_loop3A_787] {strides = array<i32>} : memref<4x128x32xf32, #tpu.memory_space<vmem>>, vector<1x1x16xf32>,
        %parallel_loop3A_789 = vector.shape_cast %parallel_loop3A_788 : vector<1x1x16xf32> to vector<16xf32>
        %parallel_loop3A_790 = arith.addf %parallel_loop3A_783, %parallel_loop3A_789 : vector<16xf32>
        %parallel_loop3A_791 = arith.constant 2 : i32
        %parallel_loop3A_792 = arith.index_cast %parallel_loop3A_791 : i32 to index
        %parallel_loop3A_793 = arith.index_cast %parallel_loop3A_777 : i32 to index
        %parallel_loop3A_794 = arith.constant 16 : index
        %parallel_loop3A_795 = tpu.vector_load %arg7[%parallel_loop3A_792, %parallel_loop3A_793, %parallel_loop3A_794] {strides = array<i32>} : memref<4x128x32xf32, #tpu.memory_space<vmem>>, vector<1x1x16xf32>,
        %parallel_loop3A_796 = vector.shape_cast %parallel_loop3A_795 : vector<1x1x16xf32> to vector<16xf32>
        %parallel_loop3A_797 = arith.constant 3 : i32
        %parallel_loop3A_798 = arith.index_cast %parallel_loop3A_797 : i32 to index
        %parallel_loop3A_799 = arith.index_cast %parallel_loop3A_777 : i32 to index
        %parallel_loop3A_800 = arith.constant 16 : index
        %parallel_loop3A_801 = tpu.vector_load %arg7[%parallel_loop3A_798, %parallel_loop3A_799, %parallel_loop3A_800] {strides = array<i32>} : memref<4x128x32xf32, #tpu.memory_space<vmem>>, vector<1x1x16xf32>,
        %parallel_loop3A_802 = vector.shape_cast %parallel_loop3A_801 : vector<1x1x16xf32> to vector<16xf32>
        %parallel_loop3A_803 = arith.addf %parallel_loop3A_796, %parallel_loop3A_802 : vector<16xf32>
        %parallel_loop3A_804 = arith.addf %parallel_loop3A_790, %parallel_loop3A_803 : vector<16xf32>
        %parallel_loop3A_805 = arith.constant 0 : i32
        %parallel_loop3A_806 = arith.constant 0 : i32
        %parallel_loop3A_807 = tpu.memref_slice %arg9[%parallel_loop3A_555, %parallel_loop3A_805, %parallel_loop3A_806] : memref<2x32x128xf32, #tpu.memory_space<vmem>> -> memref<1x32x128xf32, #tpu.memory_space<vmem>>
        %parallel_loop3A_808 = tpu.memref_squeeze %parallel_loop3A_807 : memref<1x32x128xf32, #tpu.memory_space<vmem>> -> memref<32x128xf32, #tpu.memory_space<vmem>>
        %parallel_loop3A_809 = arith.index_cast %parallel_loop3A_653 : i32 to index
        %parallel_loop3A_810 = arith.constant 48 : index
        %parallel_loop3A_811 = tpu.vector_load %parallel_loop3A_808[%parallel_loop3A_809, %parallel_loop3A_810] {strides = array<i32>} : memref<32x128xf32, #tpu.memory_space<vmem>>, vector<1x16xf32>,
        %parallel_loop3A_812 = vector.shape_cast %parallel_loop3A_811 : vector<1x16xf32> to vector<16xf32>
        %parallel_loop3A_813 = vector.shape_cast %parallel_loop3A_804 : vector<16xf32> to vector<1x16xf32>
        tpu.vector_store %parallel_loop3A_808[%parallel_loop3A_809, %parallel_loop3A_810], %parallel_loop3A_813 {strides = array<i32>} : memref<32x128xf32, #tpu.memory_space<vmem>>, vector<1x16xf32>,
        %parallel_loop3A_814 = arith.constant 4 : i32
        %parallel_loop3A_815 = arith.muli %parallel_loop3A_814, %parallel_loop3A_653 : i32
        %parallel_loop3A_816 = arith.constant 2 : i32
        %parallel_loop3A_817 = arith.addi %parallel_loop3A_815, %parallel_loop3A_816 : i32
        %parallel_loop3A_818 = arith.constant 0 : i32
        %parallel_loop3A_819 = arith.index_cast %parallel_loop3A_818 : i32 to index
        %parallel_loop3A_820 = arith.index_cast %parallel_loop3A_817 : i32 to index
        %parallel_loop3A_821 = arith.constant 0 : index
        %parallel_loop3A_822 = tpu.vector_load %arg7[%parallel_loop3A_819, %parallel_loop3A_820, %parallel_loop3A_821] {strides = array<i32>} : memref<4x128x32xf32, #tpu.memory_space<vmem>>, vector<1x1x16xf32>,
        %parallel_loop3A_823 = vector.shape_cast %parallel_loop3A_822 : vector<1x1x16xf32> to vector<16xf32>
        %parallel_loop3A_824 = arith.constant 1 : i32
        %parallel_loop3A_825 = arith.index_cast %parallel_loop3A_824 : i32 to index
        %parallel_loop3A_826 = arith.index_cast %parallel_loop3A_817 : i32 to index
        %parallel_loop3A_827 = arith.constant 0 : index
        %parallel_loop3A_828 = tpu.vector_load %arg7[%parallel_loop3A_825, %parallel_loop3A_826, %parallel_loop3A_827] {strides = array<i32>} : memref<4x128x32xf32, #tpu.memory_space<vmem>>, vector<1x1x16xf32>,
        %parallel_loop3A_829 = vector.shape_cast %parallel_loop3A_828 : vector<1x1x16xf32> to vector<16xf32>
        %parallel_loop3A_830 = arith.addf %parallel_loop3A_823, %parallel_loop3A_829 : vector<16xf32>
        %parallel_loop3A_831 = arith.constant 2 : i32
        %parallel_loop3A_832 = arith.index_cast %parallel_loop3A_831 : i32 to index
        %parallel_loop3A_833 = arith.index_cast %parallel_loop3A_817 : i32 to index
        %parallel_loop3A_834 = arith.constant 0 : index
        %parallel_loop3A_835 = tpu.vector_load %arg7[%parallel_loop3A_832, %parallel_loop3A_833, %parallel_loop3A_834] {strides = array<i32>} : memref<4x128x32xf32, #tpu.memory_space<vmem>>, vector<1x1x16xf32>,
        %parallel_loop3A_836 = vector.shape_cast %parallel_loop3A_835 : vector<1x1x16xf32> to vector<16xf32>
        %parallel_loop3A_837 = arith.constant 3 : i32
        %parallel_loop3A_838 = arith.index_cast %parallel_loop3A_837 : i32 to index
        %parallel_loop3A_839 = arith.index_cast %parallel_loop3A_817 : i32 to index
        %parallel_loop3A_840 = arith.constant 0 : index
        %parallel_loop3A_841 = tpu.vector_load %arg7[%parallel_loop3A_838, %parallel_loop3A_839, %parallel_loop3A_840] {strides = array<i32>} : memref<4x128x32xf32, #tpu.memory_space<vmem>>, vector<1x1x16xf32>,
        %parallel_loop3A_842 = vector.shape_cast %parallel_loop3A_841 : vector<1x1x16xf32> to vector<16xf32>
        %parallel_loop3A_843 = arith.addf %parallel_loop3A_836, %parallel_loop3A_842 : vector<16xf32>
        %parallel_loop3A_844 = arith.addf %parallel_loop3A_830, %parallel_loop3A_843 : vector<16xf32>
        %parallel_loop3A_845 = arith.constant 0 : i32
        %parallel_loop3A_846 = arith.constant 0 : i32
        %parallel_loop3A_847 = tpu.memref_slice %arg9[%parallel_loop3A_555, %parallel_loop3A_845, %parallel_loop3A_846] : memref<2x32x128xf32, #tpu.memory_space<vmem>> -> memref<1x32x128xf32, #tpu.memory_space<vmem>>
        %parallel_loop3A_848 = tpu.memref_squeeze %parallel_loop3A_847 : memref<1x32x128xf32, #tpu.memory_space<vmem>> -> memref<32x128xf32, #tpu.memory_space<vmem>>
        %parallel_loop3A_849 = arith.index_cast %parallel_loop3A_653 : i32 to index
        %parallel_loop3A_850 = arith.constant 64 : index
        %parallel_loop3A_851 = tpu.vector_load %parallel_loop3A_848[%parallel_loop3A_849, %parallel_loop3A_850] {strides = array<i32>} : memref<32x128xf32, #tpu.memory_space<vmem>>, vector<1x16xf32>,
        %parallel_loop3A_852 = vector.shape_cast %parallel_loop3A_851 : vector<1x16xf32> to vector<16xf32>
        %parallel_loop3A_853 = vector.shape_cast %parallel_loop3A_844 : vector<16xf32> to vector<1x16xf32>
        tpu.vector_store %parallel_loop3A_848[%parallel_loop3A_849, %parallel_loop3A_850], %parallel_loop3A_853 {strides = array<i32>} : memref<32x128xf32, #tpu.memory_space<vmem>>, vector<1x16xf32>,
        %parallel_loop3A_854 = arith.constant 4 : i32
        %parallel_loop3A_855 = arith.muli %parallel_loop3A_854, %parallel_loop3A_653 : i32
        %parallel_loop3A_856 = arith.constant 2 : i32
        %parallel_loop3A_857 = arith.addi %parallel_loop3A_855, %parallel_loop3A_856 : i32
        %parallel_loop3A_858 = arith.constant 0 : i32
        %parallel_loop3A_859 = arith.index_cast %parallel_loop3A_858 : i32 to index
        %parallel_loop3A_860 = arith.index_cast %parallel_loop3A_857 : i32 to index
        %parallel_loop3A_861 = arith.constant 16 : index
        %parallel_loop3A_862 = tpu.vector_load %arg7[%parallel_loop3A_859, %parallel_loop3A_860, %parallel_loop3A_861] {strides = array<i32>} : memref<4x128x32xf32, #tpu.memory_space<vmem>>, vector<1x1x16xf32>,
        %parallel_loop3A_863 = vector.shape_cast %parallel_loop3A_862 : vector<1x1x16xf32> to vector<16xf32>
        %parallel_loop3A_864 = arith.constant 1 : i32
        %parallel_loop3A_865 = arith.index_cast %parallel_loop3A_864 : i32 to index
        %parallel_loop3A_866 = arith.index_cast %parallel_loop3A_857 : i32 to index
        %parallel_loop3A_867 = arith.constant 16 : index
        %parallel_loop3A_868 = tpu.vector_load %arg7[%parallel_loop3A_865, %parallel_loop3A_866, %parallel_loop3A_867] {strides = array<i32>} : memref<4x128x32xf32, #tpu.memory_space<vmem>>, vector<1x1x16xf32>,
        %parallel_loop3A_869 = vector.shape_cast %parallel_loop3A_868 : vector<1x1x16xf32> to vector<16xf32>
        %parallel_loop3A_870 = arith.addf %parallel_loop3A_863, %parallel_loop3A_869 : vector<16xf32>
        %parallel_loop3A_871 = arith.constant 2 : i32
        %parallel_loop3A_872 = arith.index_cast %parallel_loop3A_871 : i32 to index
        %parallel_loop3A_873 = arith.index_cast %parallel_loop3A_857 : i32 to index
        %parallel_loop3A_874 = arith.constant 16 : index
        %parallel_loop3A_875 = tpu.vector_load %arg7[%parallel_loop3A_872, %parallel_loop3A_873, %parallel_loop3A_874] {strides = array<i32>} : memref<4x128x32xf32, #tpu.memory_space<vmem>>, vector<1x1x16xf32>,
        %parallel_loop3A_876 = vector.shape_cast %parallel_loop3A_875 : vector<1x1x16xf32> to vector<16xf32>
        %parallel_loop3A_877 = arith.constant 3 : i32
        %parallel_loop3A_878 = arith.index_cast %parallel_loop3A_877 : i32 to index
        %parallel_loop3A_879 = arith.index_cast %parallel_loop3A_857 : i32 to index
        %parallel_loop3A_880 = arith.constant 16 : index
        %parallel_loop3A_881 = tpu.vector_load %arg7[%parallel_loop3A_878, %parallel_loop3A_879, %parallel_loop3A_880] {strides = array<i32>} : memref<4x128x32xf32, #tpu.memory_space<vmem>>, vector<1x1x16xf32>,
        %parallel_loop3A_882 = vector.shape_cast %parallel_loop3A_881 : vector<1x1x16xf32> to vector<16xf32>
        %parallel_loop3A_883 = arith.addf %parallel_loop3A_876, %parallel_loop3A_882 : vector<16xf32>
        %parallel_loop3A_884 = arith.addf %parallel_loop3A_870, %parallel_loop3A_883 : vector<16xf32>
        %parallel_loop3A_885 = arith.constant 0 : i32
        %parallel_loop3A_886 = arith.constant 0 : i32
        %parallel_loop3A_887 = tpu.memref_slice %arg9[%parallel_loop3A_555, %parallel_loop3A_885, %parallel_loop3A_886] : memref<2x32x128xf32, #tpu.memory_space<vmem>> -> memref<1x32x128xf32, #tpu.memory_space<vmem>>
        %parallel_loop3A_888 = tpu.memref_squeeze %parallel_loop3A_887 : memref<1x32x128xf32, #tpu.memory_space<vmem>> -> memref<32x128xf32, #tpu.memory_space<vmem>>
        %parallel_loop3A_889 = arith.index_cast %parallel_loop3A_653 : i32 to index
        %parallel_loop3A_890 = arith.constant 80 : index
        %parallel_loop3A_891 = tpu.vector_load %parallel_loop3A_888[%parallel_loop3A_889, %parallel_loop3A_890] {strides = array<i32>} : memref<32x128xf32, #tpu.memory_space<vmem>>, vector<1x16xf32>,
        %parallel_loop3A_892 = vector.shape_cast %parallel_loop3A_891 : vector<1x16xf32> to vector<16xf32>
        %parallel_loop3A_893 = vector.shape_cast %parallel_loop3A_884 : vector<16xf32> to vector<1x16xf32>
        tpu.vector_store %parallel_loop3A_888[%parallel_loop3A_889, %parallel_loop3A_890], %parallel_loop3A_893 {strides = array<i32>} : memref<32x128xf32, #tpu.memory_space<vmem>>, vector<1x16xf32>,
        %parallel_loop3A_894 = arith.constant 4 : i32
        %parallel_loop3A_895 = arith.muli %parallel_loop3A_894, %parallel_loop3A_653 : i32
        %parallel_loop3A_896 = arith.constant 3 : i32
        %parallel_loop3A_897 = arith.addi %parallel_loop3A_895, %parallel_loop3A_896 : i32
        %parallel_loop3A_898 = arith.constant 0 : i32
        %parallel_loop3A_899 = arith.index_cast %parallel_loop3A_898 : i32 to index
        %parallel_loop3A_900 = arith.index_cast %parallel_loop3A_897 : i32 to index
        %parallel_loop3A_901 = arith.constant 0 : index
        %parallel_loop3A_902 = tpu.vector_load %arg7[%parallel_loop3A_899, %parallel_loop3A_900, %parallel_loop3A_901] {strides = array<i32>} : memref<4x128x32xf32, #tpu.memory_space<vmem>>, vector<1x1x16xf32>,
        %parallel_loop3A_903 = vector.shape_cast %parallel_loop3A_902 : vector<1x1x16xf32> to vector<16xf32>
        %parallel_loop3A_904 = arith.constant 1 : i32
        %parallel_loop3A_905 = arith.index_cast %parallel_loop3A_904 : i32 to index
        %parallel_loop3A_906 = arith.index_cast %parallel_loop3A_897 : i32 to index
        %parallel_loop3A_907 = arith.constant 0 : index
        %parallel_loop3A_908 = tpu.vector_load %arg7[%parallel_loop3A_905, %parallel_loop3A_906, %parallel_loop3A_907] {strides = array<i32>} : memref<4x128x32xf32, #tpu.memory_space<vmem>>, vector<1x1x16xf32>,
        %parallel_loop3A_909 = vector.shape_cast %parallel_loop3A_908 : vector<1x1x16xf32> to vector<16xf32>
        %parallel_loop3A_910 = arith.addf %parallel_loop3A_903, %parallel_loop3A_909 : vector<16xf32>
        %parallel_loop3A_911 = arith.constant 2 : i32
        %parallel_loop3A_912 = arith.index_cast %parallel_loop3A_911 : i32 to index
        %parallel_loop3A_913 = arith.index_cast %parallel_loop3A_897 : i32 to index
        %parallel_loop3A_914 = arith.constant 0 : index
        %parallel_loop3A_915 = tpu.vector_load %arg7[%parallel_loop3A_912, %parallel_loop3A_913, %parallel_loop3A_914] {strides = array<i32>} : memref<4x128x32xf32, #tpu.memory_space<vmem>>, vector<1x1x16xf32>,
        %parallel_loop3A_916 = vector.shape_cast %parallel_loop3A_915 : vector<1x1x16xf32> to vector<16xf32>
        %parallel_loop3A_917 = arith.constant 3 : i32
        %parallel_loop3A_918 = arith.index_cast %parallel_loop3A_917 : i32 to index
        %parallel_loop3A_919 = arith.index_cast %parallel_loop3A_897 : i32 to index
        %parallel_loop3A_920 = arith.constant 0 : index
        %parallel_loop3A_921 = tpu.vector_load %arg7[%parallel_loop3A_918, %parallel_loop3A_919, %parallel_loop3A_920] {strides = array<i32>} : memref<4x128x32xf32, #tpu.memory_space<vmem>>, vector<1x1x16xf32>,
        %parallel_loop3A_922 = vector.shape_cast %parallel_loop3A_921 : vector<1x1x16xf32> to vector<16xf32>
        %parallel_loop3A_923 = arith.addf %parallel_loop3A_916, %parallel_loop3A_922 : vector<16xf32>
        %parallel_loop3A_924 = arith.addf %parallel_loop3A_910, %parallel_loop3A_923 : vector<16xf32>
        %parallel_loop3A_925 = arith.constant 0 : i32
        %parallel_loop3A_926 = arith.constant 0 : i32
        %parallel_loop3A_927 = tpu.memref_slice %arg9[%parallel_loop3A_555, %parallel_loop3A_925, %parallel_loop3A_926] : memref<2x32x128xf32, #tpu.memory_space<vmem>> -> memref<1x32x128xf32, #tpu.memory_space<vmem>>
        %parallel_loop3A_928 = tpu.memref_squeeze %parallel_loop3A_927 : memref<1x32x128xf32, #tpu.memory_space<vmem>> -> memref<32x128xf32, #tpu.memory_space<vmem>>
        %parallel_loop3A_929 = arith.index_cast %parallel_loop3A_653 : i32 to index
        %parallel_loop3A_930 = arith.constant 96 : index
        %parallel_loop3A_931 = tpu.vector_load %parallel_loop3A_928[%parallel_loop3A_929, %parallel_loop3A_930] {strides = array<i32>} : memref<32x128xf32, #tpu.memory_space<vmem>>, vector<1x16xf32>,
        %parallel_loop3A_932 = vector.shape_cast %parallel_loop3A_931 : vector<1x16xf32> to vector<16xf32>
        %parallel_loop3A_933 = vector.shape_cast %parallel_loop3A_924 : vector<16xf32> to vector<1x16xf32>
        tpu.vector_store %parallel_loop3A_928[%parallel_loop3A_929, %parallel_loop3A_930], %parallel_loop3A_933 {strides = array<i32>} : memref<32x128xf32, #tpu.memory_space<vmem>>, vector<1x16xf32>,
        %parallel_loop3A_934 = arith.constant 4 : i32
        %parallel_loop3A_935 = arith.muli %parallel_loop3A_934, %parallel_loop3A_653 : i32
        %parallel_loop3A_936 = arith.constant 3 : i32
        %parallel_loop3A_937 = arith.addi %parallel_loop3A_935, %parallel_loop3A_936 : i32
        %parallel_loop3A_938 = arith.constant 0 : i32
        %parallel_loop3A_939 = arith.index_cast %parallel_loop3A_938 : i32 to index
        %parallel_loop3A_940 = arith.index_cast %parallel_loop3A_937 : i32 to index
        %parallel_loop3A_941 = arith.constant 16 : index
        %parallel_loop3A_942 = tpu.vector_load %arg7[%parallel_loop3A_939, %parallel_loop3A_940, %parallel_loop3A_941] {strides = array<i32>} : memref<4x128x32xf32, #tpu.memory_space<vmem>>, vector<1x1x16xf32>,
        %parallel_loop3A_943 = vector.shape_cast %parallel_loop3A_942 : vector<1x1x16xf32> to vector<16xf32>
        %parallel_loop3A_944 = arith.constant 1 : i32
        %parallel_loop3A_945 = arith.index_cast %parallel_loop3A_944 : i32 to index
        %parallel_loop3A_946 = arith.index_cast %parallel_loop3A_937 : i32 to index
        %parallel_loop3A_947 = arith.constant 16 : index
        %parallel_loop3A_948 = tpu.vector_load %arg7[%parallel_loop3A_945, %parallel_loop3A_946, %parallel_loop3A_947] {strides = array<i32>} : memref<4x128x32xf32, #tpu.memory_space<vmem>>, vector<1x1x16xf32>,
        %parallel_loop3A_949 = vector.shape_cast %parallel_loop3A_948 : vector<1x1x16xf32> to vector<16xf32>
        %parallel_loop3A_950 = arith.addf %parallel_loop3A_943, %parallel_loop3A_949 : vector<16xf32>
        %parallel_loop3A_951 = arith.constant 2 : i32
        %parallel_loop3A_952 = arith.index_cast %parallel_loop3A_951 : i32 to index
        %parallel_loop3A_953 = arith.index_cast %parallel_loop3A_937 : i32 to index
        %parallel_loop3A_954 = arith.constant 16 : index
        %parallel_loop3A_955 = tpu.vector_load %arg7[%parallel_loop3A_952, %parallel_loop3A_953, %parallel_loop3A_954] {strides = array<i32>} : memref<4x128x32xf32, #tpu.memory_space<vmem>>, vector<1x1x16xf32>,
        %parallel_loop3A_956 = vector.shape_cast %parallel_loop3A_955 : vector<1x1x16xf32> to vector<16xf32>
        %parallel_loop3A_957 = arith.constant 3 : i32
        %parallel_loop3A_958 = arith.index_cast %parallel_loop3A_957 : i32 to index
        %parallel_loop3A_959 = arith.index_cast %parallel_loop3A_937 : i32 to index
        %parallel_loop3A_960 = arith.constant 16 : index
        %parallel_loop3A_961 = tpu.vector_load %arg7[%parallel_loop3A_958, %parallel_loop3A_959, %parallel_loop3A_960] {strides = array<i32>} : memref<4x128x32xf32, #tpu.memory_space<vmem>>, vector<1x1x16xf32>,
        %parallel_loop3A_962 = vector.shape_cast %parallel_loop3A_961 : vector<1x1x16xf32> to vector<16xf32>
        %parallel_loop3A_963 = arith.addf %parallel_loop3A_956, %parallel_loop3A_962 : vector<16xf32>
        %parallel_loop3A_964 = arith.addf %parallel_loop3A_950, %parallel_loop3A_963 : vector<16xf32>
        %parallel_loop3A_965 = arith.constant 0 : i32
        %parallel_loop3A_966 = arith.constant 0 : i32
        %parallel_loop3A_967 = tpu.memref_slice %arg9[%parallel_loop3A_555, %parallel_loop3A_965, %parallel_loop3A_966] : memref<2x32x128xf32, #tpu.memory_space<vmem>> -> memref<1x32x128xf32, #tpu.memory_space<vmem>>
        %parallel_loop3A_968 = tpu.memref_squeeze %parallel_loop3A_967 : memref<1x32x128xf32, #tpu.memory_space<vmem>> -> memref<32x128xf32, #tpu.memory_space<vmem>>
        %parallel_loop3A_969 = arith.index_cast %parallel_loop3A_653 : i32 to index
        %parallel_loop3A_970 = arith.constant 112 : index
        %parallel_loop3A_971 = tpu.vector_load %parallel_loop3A_968[%parallel_loop3A_969, %parallel_loop3A_970] {strides = array<i32>} : memref<32x128xf32, #tpu.memory_space<vmem>>, vector<1x16xf32>,
        %parallel_loop3A_972 = vector.shape_cast %parallel_loop3A_971 : vector<1x16xf32> to vector<16xf32>
        %parallel_loop3A_973 = vector.shape_cast %parallel_loop3A_964 : vector<16xf32> to vector<1x16xf32>
        tpu.vector_store %parallel_loop3A_968[%parallel_loop3A_969, %parallel_loop3A_970], %parallel_loop3A_973 {strides = array<i32>} : memref<32x128xf32, #tpu.memory_space<vmem>>, vector<1x16xf32>,
      } {sc.loop_unroll_factor = 4 : i64, sc.parallel_access}
      %add3A_556 = arith.addi %mul3A_2, %add3A_382 : i32
      %mul3A_557 = arith.constant 2 : i32
      %mul3A_558 = arith.muli %add3A_556, %mul3A_557 : i32
      %add3A_559 = arith.constant 0 : i32
      %add3A_560 = arith.addi %mul3A_558, %add3A_559 : i32
      %mul3A_561 = arith.constant 32 : i32
      %mul3A_562 = arith.muli %add3A_560, %mul3A_561 : i32
      %dma_start3A_563 = arith.constant 1 : i32
      %dma_start3A_564 = arith.constant 0 : i32
      %dma_start3A_565 = arith.constant 0 : i32
      %dma_start3A_566 = tpu.memref_slice %arg9[%dma_start3A_563, %dma_start3A_564, %dma_start3A_565] : memref<2x32x128xf32, #tpu.memory_space<vmem>> -> memref<1x32x128xf32, #tpu.memory_space<vmem>>
      %dma_start3A_567 = tpu.memref_squeeze %dma_start3A_566 : memref<1x32x128xf32, #tpu.memory_space<vmem>> -> memref<32x128xf32, #tpu.memory_space<vmem>>
      %dma_start3A_568 = arith.constant 0 : i32
      %dma_start3A_569 = tpu.memref_slice %arg4[%mul3A_562, %dma_start3A_568] : memref<143360x128xf32, #tpu.memory_space<hbm>> -> memref<32x128xf32, #tpu.memory_space<hbm>>
      %dma_start3A_570 = arith.constant 0 : i32
      %dma_start3A_571 = tpu.memref_slice %arg4[%mul3A_562, %dma_start3A_570] : memref<143360x128xf32, #tpu.memory_space<hbm>> -> memref<32x128xf32, #tpu.memory_space<hbm>>
      %dma_start3A_572 = arith.constant 0 : i32
      %dma_start3A_573 = arith.constant 0 : i32
      %dma_start3A_574 = tpu.memref_slice %arg9[%dma_start3A_563, %dma_start3A_572, %dma_start3A_573] : memref<2x32x128xf32, #tpu.memory_space<vmem>> -> memref<1x32x128xf32, #tpu.memory_space<vmem>>
      %dma_start3A_575 = tpu.memref_squeeze %dma_start3A_574 : memref<1x32x128xf32, #tpu.memory_space<vmem>> -> memref<32x128xf32, #tpu.memory_space<vmem>>
      tpu.enqueue_dma source(%dma_start3A_575 : memref<32x128xf32, #tpu.memory_space<vmem>>) target(%dma_start3A_571 : memref<32x128xf32, #tpu.memory_space<hbm>>) target_semaphore(%arg16 : memref<!tpu.dma_semaphore, #tpu.memory_space<semaphore_mem>>)
      %dma_wait3A_576 = arith.constant 4 : i32
      %dma_wait3A_577 = arith.constant 0 : i32
      %dma_wait3A_578 = arith.constant 0 : i32
      %dma_wait3A_579 = arith.constant 0 : i32
      %dma_wait3A_580 = tpu.memref_slice %arg8[%dma_wait3A_577, %dma_wait3A_578, %dma_wait3A_579] : memref<4x128x32xf32, #tpu.memory_space<vmem>> -> memref<1x128x32xf32, #tpu.memory_space<vmem>>
      %dma_wait3A_581 = tpu.memref_squeeze %dma_wait3A_580 : memref<1x128x32xf32, #tpu.memory_space<vmem>> -> memref<128x32xf32, #tpu.memory_space<vmem>>
      %dma_wait3A_582 = arith.constant 0 : i32
      %dma_wait3A_583 = tpu.memref_slice %arg6[%dma_wait3A_576, %dma_wait3A_582] : memref<8x128xi32, #tpu.memory_space<vmem>> -> memref<1x128xi32, #tpu.memory_space<vmem>>
      %dma_wait3A_584 = tpu.memref_squeeze %dma_wait3A_583 : memref<1x128xi32, #tpu.memory_space<vmem>> -> memref<128xi32, #tpu.memory_space<vmem>>
      %dma_wait3A_585 = arith.constant 0 : i32
      %dma_wait3A_586 = arith.constant 0 : i32
      %dma_wait3A_587 = tpu.memref_slice %arg3[%dma_wait3A_585, %dma_wait3A_586] : memref<100000x32xf32, #tpu.memory_space<hbm>> -> memref<100000x32xf32, #tpu.memory_space<hbm>>
      tpu.wait_indirect_dma semaphore(%arg12 : memref<!tpu.dma_semaphore, #tpu.memory_space<semaphore_mem>>) src(%dma_wait3A_587 : memref<100000x32xf32, #tpu.memory_space<hbm>>) dst(%dma_wait3A_581 : memref<128x32xf32, #tpu.memory_space<vmem>>)
      %dma_wait3A_588 = arith.constant 5 : i32
      %dma_wait3A_589 = arith.constant 1 : i32
      %dma_wait3A_590 = arith.constant 0 : i32
      %dma_wait3A_591 = arith.constant 0 : i32
      %dma_wait3A_592 = tpu.memref_slice %arg8[%dma_wait3A_589, %dma_wait3A_590, %dma_wait3A_591] : memref<4x128x32xf32, #tpu.memory_space<vmem>> -> memref<1x128x32xf32, #tpu.memory_space<vmem>>
      %dma_wait3A_593 = tpu.memref_squeeze %dma_wait3A_592 : memref<1x128x32xf32, #tpu.memory_space<vmem>> -> memref<128x32xf32, #tpu.memory_space<vmem>>
      %dma_wait3A_594 = arith.constant 0 : i32
      %dma_wait3A_595 = tpu.memref_slice %arg6[%dma_wait3A_588, %dma_wait3A_594] : memref<8x128xi32, #tpu.memory_space<vmem>> -> memref<1x128xi32, #tpu.memory_space<vmem>>
      %dma_wait3A_596 = tpu.memref_squeeze %dma_wait3A_595 : memref<1x128xi32, #tpu.memory_space<vmem>> -> memref<128xi32, #tpu.memory_space<vmem>>
      %dma_wait3A_597 = arith.constant 0 : i32
      %dma_wait3A_598 = arith.constant 0 : i32
      %dma_wait3A_599 = tpu.memref_slice %arg3[%dma_wait3A_597, %dma_wait3A_598] : memref<100000x32xf32, #tpu.memory_space<hbm>> -> memref<100000x32xf32, #tpu.memory_space<hbm>>
      tpu.wait_indirect_dma semaphore(%arg12 : memref<!tpu.dma_semaphore, #tpu.memory_space<semaphore_mem>>) src(%dma_wait3A_599 : memref<100000x32xf32, #tpu.memory_space<hbm>>) dst(%dma_wait3A_593 : memref<128x32xf32, #tpu.memory_space<vmem>>)
      %dma_wait3A_600 = arith.constant 6 : i32
      %dma_wait3A_601 = arith.constant 2 : i32
      %dma_wait3A_602 = arith.constant 0 : i32
      %dma_wait3A_603 = arith.constant 0 : i32
      %dma_wait3A_604 = tpu.memref_slice %arg8[%dma_wait3A_601, %dma_wait3A_602, %dma_wait3A_603] : memref<4x128x32xf32, #tpu.memory_space<vmem>> -> memref<1x128x32xf32, #tpu.memory_space<vmem>>
      %dma_wait3A_605 = tpu.memref_squeeze %dma_wait3A_604 : memref<1x128x32xf32, #tpu.memory_space<vmem>> -> memref<128x32xf32, #tpu.memory_space<vmem>>
      %dma_wait3A_606 = arith.constant 0 : i32
      %dma_wait3A_607 = tpu.memref_slice %arg6[%dma_wait3A_600, %dma_wait3A_606] : memref<8x128xi32, #tpu.memory_space<vmem>> -> memref<1x128xi32, #tpu.memory_space<vmem>>
      %dma_wait3A_608 = tpu.memref_squeeze %dma_wait3A_607 : memref<1x128xi32, #tpu.memory_space<vmem>> -> memref<128xi32, #tpu.memory_space<vmem>>
      %dma_wait3A_609 = arith.constant 0 : i32
      %dma_wait3A_610 = arith.constant 0 : i32
      %dma_wait3A_611 = tpu.memref_slice %arg3[%dma_wait3A_609, %dma_wait3A_610] : memref<100000x32xf32, #tpu.memory_space<hbm>> -> memref<100000x32xf32, #tpu.memory_space<hbm>>
      tpu.wait_indirect_dma semaphore(%arg12 : memref<!tpu.dma_semaphore, #tpu.memory_space<semaphore_mem>>) src(%dma_wait3A_611 : memref<100000x32xf32, #tpu.memory_space<hbm>>) dst(%dma_wait3A_605 : memref<128x32xf32, #tpu.memory_space<vmem>>)
      %dma_wait3A_612 = arith.constant 7 : i32
      %dma_wait3A_613 = arith.constant 3 : i32
      %dma_wait3A_614 = arith.constant 0 : i32
      %dma_wait3A_615 = arith.constant 0 : i32
      %dma_wait3A_616 = tpu.memref_slice %arg8[%dma_wait3A_613, %dma_wait3A_614, %dma_wait3A_615] : memref<4x128x32xf32, #tpu.memory_space<vmem>> -> memref<1x128x32xf32, #tpu.memory_space<vmem>>
      %dma_wait3A_617 = tpu.memref_squeeze %dma_wait3A_616 : memref<1x128x32xf32, #tpu.memory_space<vmem>> -> memref<128x32xf32, #tpu.memory_space<vmem>>
      %dma_wait3A_618 = arith.constant 0 : i32
      %dma_wait3A_619 = tpu.memref_slice %arg6[%dma_wait3A_612, %dma_wait3A_618] : memref<8x128xi32, #tpu.memory_space<vmem>> -> memref<1x128xi32, #tpu.memory_space<vmem>>
      %dma_wait3A_620 = tpu.memref_squeeze %dma_wait3A_619 : memref<1x128xi32, #tpu.memory_space<vmem>> -> memref<128xi32, #tpu.memory_space<vmem>>
      %dma_wait3A_621 = arith.constant 0 : i32
      %dma_wait3A_622 = arith.constant 0 : i32
      %dma_wait3A_623 = tpu.memref_slice %arg3[%dma_wait3A_621, %dma_wait3A_622] : memref<100000x32xf32, #tpu.memory_space<hbm>> -> memref<100000x32xf32, #tpu.memory_space<hbm>>
      tpu.wait_indirect_dma semaphore(%arg12 : memref<!tpu.dma_semaphore, #tpu.memory_space<semaphore_mem>>) src(%dma_wait3A_623 : memref<100000x32xf32, #tpu.memory_space<hbm>>) dst(%dma_wait3A_617 : memref<128x32xf32, #tpu.memory_space<vmem>>)
      %gt3A_624 = arith.constant 0 : i32
      %gt3A_625 = arith.cmpi sgt, %scan3A_108, %gt3A_624 : i32
      %convert_element_type3A_626 = arith.extui %gt3A_625 : i1 to i32
      %cond3A_627 = arith.constant 0 : i32
      %cond3A_628 = arith.cmpi ne, %convert_element_type3A_626, %cond3A_627 : i32
      scf.if %cond3A_628 {
        %sub3A = arith.constant 2 : i32
        %sub3A_653 = arith.subi %add3A_382, %sub3A : i32
        %add3A_654 = arith.addi %mul3A_2, %sub3A_653 : i32
        %mul3A_655 = arith.constant 2 : i32
        %mul3A_656 = arith.muli %add3A_654, %mul3A_655 : i32
        %add3A_657 = arith.constant 1 : i32
        %add3A_658 = arith.addi %mul3A_656, %add3A_657 : i32
        %mul3A_659 = arith.constant 32 : i32
        %mul3A_660 = arith.muli %add3A_658, %mul3A_659 : i32
        %dma_wait3A_661 = arith.constant 1 : i32
        %dma_wait3A_662 = arith.constant 0 : i32
        %dma_wait3A_663 = arith.constant 0 : i32
        %dma_wait3A_664 = tpu.memref_slice %arg10[%dma_wait3A_661, %dma_wait3A_662, %dma_wait3A_663] : memref<2x32x128xf32, #tpu.memory_space<vmem>> -> memref<1x32x128xf32, #tpu.memory_space<vmem>>
        %dma_wait3A_665 = tpu.memref_squeeze %dma_wait3A_664 : memref<1x32x128xf32, #tpu.memory_space<vmem>> -> memref<32x128xf32, #tpu.memory_space<vmem>>
        %dma_wait3A_666 = arith.constant 0 : i32
        %dma_wait3A_667 = tpu.memref_slice %arg4[%mul3A_660, %dma_wait3A_666] : memref<143360x128xf32, #tpu.memory_space<hbm>> -> memref<32x128xf32, #tpu.memory_space<hbm>>
        %dma_wait3A_668 = arith.constant 0 : i32
        %dma_wait3A_669 = tpu.memref_slice %arg4[%mul3A_660, %dma_wait3A_668] : memref<143360x128xf32, #tpu.memory_space<hbm>> -> memref<32x128xf32, #tpu.memory_space<hbm>>
        %dma_wait3A_670 = arith.constant 0 : i32
        %dma_wait3A_671 = arith.constant 0 : i32
        %dma_wait3A_672 = tpu.memref_slice %arg10[%dma_wait3A_661, %dma_wait3A_670, %dma_wait3A_671] : memref<2x32x128xf32, #tpu.memory_space<vmem>> -> memref<1x32x128xf32, #tpu.memory_space<vmem>>
        %dma_wait3A_673 = tpu.memref_squeeze %dma_wait3A_672 : memref<1x32x128xf32, #tpu.memory_space<vmem>> -> memref<32x128xf32, #tpu.memory_space<vmem>>
        tpu.wait_dma2 semaphore(%arg18 : memref<!tpu.dma_semaphore, #tpu.memory_space<semaphore_mem>>) src(%dma_wait3A_673 : memref<32x128xf32, #tpu.memory_space<vmem>>) dst(%dma_wait3A_669 : memref<32x128xf32, #tpu.memory_space<hbm>>)
      } else {
      }
      %parallel_loop3A_629 = arith.constant 0 : i32
      %parallel_loop3A_630 = arith.constant 32 : i32
      %parallel_loop3A_631 = arith.constant 1 : i32
      %parallel_loop3A_632 = arith.constant 1 : i32
      scf.for %parallel_loop3A_653 = %parallel_loop3A_629 to %parallel_loop3A_630 step %parallel_loop3A_631  : i32 {
        %parallel_loop3A_654 = arith.constant 4 : i32
        %parallel_loop3A_655 = arith.muli %parallel_loop3A_654, %parallel_loop3A_653 : i32
        %parallel_loop3A_656 = arith.constant 0 : i32
        %parallel_loop3A_657 = arith.addi %parallel_loop3A_655, %parallel_loop3A_656 : i32
        %parallel_loop3A_658 = arith.constant 0 : i32
        %parallel_loop3A_659 = arith.index_cast %parallel_loop3A_658 : i32 to index
        %parallel_loop3A_660 = arith.index_cast %parallel_loop3A_657 : i32 to index
        %parallel_loop3A_661 = arith.constant 0 : index
        %parallel_loop3A_662 = tpu.vector_load %arg8[%parallel_loop3A_659, %parallel_loop3A_660, %parallel_loop3A_661] {strides = array<i32>} : memref<4x128x32xf32, #tpu.memory_space<vmem>>, vector<1x1x16xf32>,
        %parallel_loop3A_663 = vector.shape_cast %parallel_loop3A_662 : vector<1x1x16xf32> to vector<16xf32>
        %parallel_loop3A_664 = arith.constant 1 : i32
        %parallel_loop3A_665 = arith.index_cast %parallel_loop3A_664 : i32 to index
        %parallel_loop3A_666 = arith.index_cast %parallel_loop3A_657 : i32 to index
        %parallel_loop3A_667 = arith.constant 0 : index
        %parallel_loop3A_668 = tpu.vector_load %arg8[%parallel_loop3A_665, %parallel_loop3A_666, %parallel_loop3A_667] {strides = array<i32>} : memref<4x128x32xf32, #tpu.memory_space<vmem>>, vector<1x1x16xf32>,
        %parallel_loop3A_669 = vector.shape_cast %parallel_loop3A_668 : vector<1x1x16xf32> to vector<16xf32>
        %parallel_loop3A_670 = arith.addf %parallel_loop3A_663, %parallel_loop3A_669 : vector<16xf32>
        %parallel_loop3A_671 = arith.constant 2 : i32
        %parallel_loop3A_672 = arith.index_cast %parallel_loop3A_671 : i32 to index
        %parallel_loop3A_673 = arith.index_cast %parallel_loop3A_657 : i32 to index
        %parallel_loop3A_674 = arith.constant 0 : index
        %parallel_loop3A_675 = tpu.vector_load %arg8[%parallel_loop3A_672, %parallel_loop3A_673, %parallel_loop3A_674] {strides = array<i32>} : memref<4x128x32xf32, #tpu.memory_space<vmem>>, vector<1x1x16xf32>,
        %parallel_loop3A_676 = vector.shape_cast %parallel_loop3A_675 : vector<1x1x16xf32> to vector<16xf32>
        %parallel_loop3A_677 = arith.constant 3 : i32
        %parallel_loop3A_678 = arith.index_cast %parallel_loop3A_677 : i32 to index
        %parallel_loop3A_679 = arith.index_cast %parallel_loop3A_657 : i32 to index
        %parallel_loop3A_680 = arith.constant 0 : index
        %parallel_loop3A_681 = tpu.vector_load %arg8[%parallel_loop3A_678, %parallel_loop3A_679, %parallel_loop3A_680] {strides = array<i32>} : memref<4x128x32xf32, #tpu.memory_space<vmem>>, vector<1x1x16xf32>,
        %parallel_loop3A_682 = vector.shape_cast %parallel_loop3A_681 : vector<1x1x16xf32> to vector<16xf32>
        %parallel_loop3A_683 = arith.addf %parallel_loop3A_676, %parallel_loop3A_682 : vector<16xf32>
        %parallel_loop3A_684 = arith.addf %parallel_loop3A_670, %parallel_loop3A_683 : vector<16xf32>
        %parallel_loop3A_685 = arith.constant 0 : i32
        %parallel_loop3A_686 = arith.constant 0 : i32
        %parallel_loop3A_687 = tpu.memref_slice %arg10[%parallel_loop3A_632, %parallel_loop3A_685, %parallel_loop3A_686] : memref<2x32x128xf32, #tpu.memory_space<vmem>> -> memref<1x32x128xf32, #tpu.memory_space<vmem>>
        %parallel_loop3A_688 = tpu.memref_squeeze %parallel_loop3A_687 : memref<1x32x128xf32, #tpu.memory_space<vmem>> -> memref<32x128xf32, #tpu.memory_space<vmem>>
        %parallel_loop3A_689 = arith.index_cast %parallel_loop3A_653 : i32 to index
        %parallel_loop3A_690 = arith.constant 0 : index
        %parallel_loop3A_691 = tpu.vector_load %parallel_loop3A_688[%parallel_loop3A_689, %parallel_loop3A_690] {strides = array<i32>} : memref<32x128xf32, #tpu.memory_space<vmem>>, vector<1x16xf32>,
        %parallel_loop3A_692 = vector.shape_cast %parallel_loop3A_691 : vector<1x16xf32> to vector<16xf32>
        %parallel_loop3A_693 = vector.shape_cast %parallel_loop3A_684 : vector<16xf32> to vector<1x16xf32>
        tpu.vector_store %parallel_loop3A_688[%parallel_loop3A_689, %parallel_loop3A_690], %parallel_loop3A_693 {strides = array<i32>} : memref<32x128xf32, #tpu.memory_space<vmem>>, vector<1x16xf32>,
        %parallel_loop3A_694 = arith.constant 4 : i32
        %parallel_loop3A_695 = arith.muli %parallel_loop3A_694, %parallel_loop3A_653 : i32
        %parallel_loop3A_696 = arith.constant 0 : i32
        %parallel_loop3A_697 = arith.addi %parallel_loop3A_695, %parallel_loop3A_696 : i32
        %parallel_loop3A_698 = arith.constant 0 : i32
        %parallel_loop3A_699 = arith.index_cast %parallel_loop3A_698 : i32 to index
        %parallel_loop3A_700 = arith.index_cast %parallel_loop3A_697 : i32 to index
        %parallel_loop3A_701 = arith.constant 16 : index
        %parallel_loop3A_702 = tpu.vector_load %arg8[%parallel_loop3A_699, %parallel_loop3A_700, %parallel_loop3A_701] {strides = array<i32>} : memref<4x128x32xf32, #tpu.memory_space<vmem>>, vector<1x1x16xf32>,
        %parallel_loop3A_703 = vector.shape_cast %parallel_loop3A_702 : vector<1x1x16xf32> to vector<16xf32>
        %parallel_loop3A_704 = arith.constant 1 : i32
        %parallel_loop3A_705 = arith.index_cast %parallel_loop3A_704 : i32 to index
        %parallel_loop3A_706 = arith.index_cast %parallel_loop3A_697 : i32 to index
        %parallel_loop3A_707 = arith.constant 16 : index
        %parallel_loop3A_708 = tpu.vector_load %arg8[%parallel_loop3A_705, %parallel_loop3A_706, %parallel_loop3A_707] {strides = array<i32>} : memref<4x128x32xf32, #tpu.memory_space<vmem>>, vector<1x1x16xf32>,
        %parallel_loop3A_709 = vector.shape_cast %parallel_loop3A_708 : vector<1x1x16xf32> to vector<16xf32>
        %parallel_loop3A_710 = arith.addf %parallel_loop3A_703, %parallel_loop3A_709 : vector<16xf32>
        %parallel_loop3A_711 = arith.constant 2 : i32
        %parallel_loop3A_712 = arith.index_cast %parallel_loop3A_711 : i32 to index
        %parallel_loop3A_713 = arith.index_cast %parallel_loop3A_697 : i32 to index
        %parallel_loop3A_714 = arith.constant 16 : index
        %parallel_loop3A_715 = tpu.vector_load %arg8[%parallel_loop3A_712, %parallel_loop3A_713, %parallel_loop3A_714] {strides = array<i32>} : memref<4x128x32xf32, #tpu.memory_space<vmem>>, vector<1x1x16xf32>,
        %parallel_loop3A_716 = vector.shape_cast %parallel_loop3A_715 : vector<1x1x16xf32> to vector<16xf32>
        %parallel_loop3A_717 = arith.constant 3 : i32
        %parallel_loop3A_718 = arith.index_cast %parallel_loop3A_717 : i32 to index
        %parallel_loop3A_719 = arith.index_cast %parallel_loop3A_697 : i32 to index
        %parallel_loop3A_720 = arith.constant 16 : index
        %parallel_loop3A_721 = tpu.vector_load %arg8[%parallel_loop3A_718, %parallel_loop3A_719, %parallel_loop3A_720] {strides = array<i32>} : memref<4x128x32xf32, #tpu.memory_space<vmem>>, vector<1x1x16xf32>,
        %parallel_loop3A_722 = vector.shape_cast %parallel_loop3A_721 : vector<1x1x16xf32> to vector<16xf32>
        %parallel_loop3A_723 = arith.addf %parallel_loop3A_716, %parallel_loop3A_722 : vector<16xf32>
        %parallel_loop3A_724 = arith.addf %parallel_loop3A_710, %parallel_loop3A_723 : vector<16xf32>
        %parallel_loop3A_725 = arith.constant 0 : i32
        %parallel_loop3A_726 = arith.constant 0 : i32
        %parallel_loop3A_727 = tpu.memref_slice %arg10[%parallel_loop3A_632, %parallel_loop3A_725, %parallel_loop3A_726] : memref<2x32x128xf32, #tpu.memory_space<vmem>> -> memref<1x32x128xf32, #tpu.memory_space<vmem>>
        %parallel_loop3A_728 = tpu.memref_squeeze %parallel_loop3A_727 : memref<1x32x128xf32, #tpu.memory_space<vmem>> -> memref<32x128xf32, #tpu.memory_space<vmem>>
        %parallel_loop3A_729 = arith.index_cast %parallel_loop3A_653 : i32 to index
        %parallel_loop3A_730 = arith.constant 16 : index
        %parallel_loop3A_731 = tpu.vector_load %parallel_loop3A_728[%parallel_loop3A_729, %parallel_loop3A_730] {strides = array<i32>} : memref<32x128xf32, #tpu.memory_space<vmem>>, vector<1x16xf32>,
        %parallel_loop3A_732 = vector.shape_cast %parallel_loop3A_731 : vector<1x16xf32> to vector<16xf32>
        %parallel_loop3A_733 = vector.shape_cast %parallel_loop3A_724 : vector<16xf32> to vector<1x16xf32>
        tpu.vector_store %parallel_loop3A_728[%parallel_loop3A_729, %parallel_loop3A_730], %parallel_loop3A_733 {strides = array<i32>} : memref<32x128xf32, #tpu.memory_space<vmem>>, vector<1x16xf32>,
        %parallel_loop3A_734 = arith.constant 4 : i32
        %parallel_loop3A_735 = arith.muli %parallel_loop3A_734, %parallel_loop3A_653 : i32
        %parallel_loop3A_736 = arith.constant 1 : i32
        %parallel_loop3A_737 = arith.addi %parallel_loop3A_735, %parallel_loop3A_736 : i32
        %parallel_loop3A_738 = arith.constant 0 : i32
        %parallel_loop3A_739 = arith.index_cast %parallel_loop3A_738 : i32 to index
        %parallel_loop3A_740 = arith.index_cast %parallel_loop3A_737 : i32 to index
        %parallel_loop3A_741 = arith.constant 0 : index
        %parallel_loop3A_742 = tpu.vector_load %arg8[%parallel_loop3A_739, %parallel_loop3A_740, %parallel_loop3A_741] {strides = array<i32>} : memref<4x128x32xf32, #tpu.memory_space<vmem>>, vector<1x1x16xf32>,
        %parallel_loop3A_743 = vector.shape_cast %parallel_loop3A_742 : vector<1x1x16xf32> to vector<16xf32>
        %parallel_loop3A_744 = arith.constant 1 : i32
        %parallel_loop3A_745 = arith.index_cast %parallel_loop3A_744 : i32 to index
        %parallel_loop3A_746 = arith.index_cast %parallel_loop3A_737 : i32 to index
        %parallel_loop3A_747 = arith.constant 0 : index
        %parallel_loop3A_748 = tpu.vector_load %arg8[%parallel_loop3A_745, %parallel_loop3A_746, %parallel_loop3A_747] {strides = array<i32>} : memref<4x128x32xf32, #tpu.memory_space<vmem>>, vector<1x1x16xf32>,
        %parallel_loop3A_749 = vector.shape_cast %parallel_loop3A_748 : vector<1x1x16xf32> to vector<16xf32>
        %parallel_loop3A_750 = arith.addf %parallel_loop3A_743, %parallel_loop3A_749 : vector<16xf32>
        %parallel_loop3A_751 = arith.constant 2 : i32
        %parallel_loop3A_752 = arith.index_cast %parallel_loop3A_751 : i32 to index
        %parallel_loop3A_753 = arith.index_cast %parallel_loop3A_737 : i32 to index
        %parallel_loop3A_754 = arith.constant 0 : index
        %parallel_loop3A_755 = tpu.vector_load %arg8[%parallel_loop3A_752, %parallel_loop3A_753, %parallel_loop3A_754] {strides = array<i32>} : memref<4x128x32xf32, #tpu.memory_space<vmem>>, vector<1x1x16xf32>,
        %parallel_loop3A_756 = vector.shape_cast %parallel_loop3A_755 : vector<1x1x16xf32> to vector<16xf32>
        %parallel_loop3A_757 = arith.constant 3 : i32
        %parallel_loop3A_758 = arith.index_cast %parallel_loop3A_757 : i32 to index
        %parallel_loop3A_759 = arith.index_cast %parallel_loop3A_737 : i32 to index
        %parallel_loop3A_760 = arith.constant 0 : index
        %parallel_loop3A_761 = tpu.vector_load %arg8[%parallel_loop3A_758, %parallel_loop3A_759, %parallel_loop3A_760] {strides = array<i32>} : memref<4x128x32xf32, #tpu.memory_space<vmem>>, vector<1x1x16xf32>,
        %parallel_loop3A_762 = vector.shape_cast %parallel_loop3A_761 : vector<1x1x16xf32> to vector<16xf32>
        %parallel_loop3A_763 = arith.addf %parallel_loop3A_756, %parallel_loop3A_762 : vector<16xf32>
        %parallel_loop3A_764 = arith.addf %parallel_loop3A_750, %parallel_loop3A_763 : vector<16xf32>
        %parallel_loop3A_765 = arith.constant 0 : i32
        %parallel_loop3A_766 = arith.constant 0 : i32
        %parallel_loop3A_767 = tpu.memref_slice %arg10[%parallel_loop3A_632, %parallel_loop3A_765, %parallel_loop3A_766] : memref<2x32x128xf32, #tpu.memory_space<vmem>> -> memref<1x32x128xf32, #tpu.memory_space<vmem>>
        %parallel_loop3A_768 = tpu.memref_squeeze %parallel_loop3A_767 : memref<1x32x128xf32, #tpu.memory_space<vmem>> -> memref<32x128xf32, #tpu.memory_space<vmem>>
        %parallel_loop3A_769 = arith.index_cast %parallel_loop3A_653 : i32 to index
        %parallel_loop3A_770 = arith.constant 32 : index
        %parallel_loop3A_771 = tpu.vector_load %parallel_loop3A_768[%parallel_loop3A_769, %parallel_loop3A_770] {strides = array<i32>} : memref<32x128xf32, #tpu.memory_space<vmem>>, vector<1x16xf32>,
        %parallel_loop3A_772 = vector.shape_cast %parallel_loop3A_771 : vector<1x16xf32> to vector<16xf32>
        %parallel_loop3A_773 = vector.shape_cast %parallel_loop3A_764 : vector<16xf32> to vector<1x16xf32>
        tpu.vector_store %parallel_loop3A_768[%parallel_loop3A_769, %parallel_loop3A_770], %parallel_loop3A_773 {strides = array<i32>} : memref<32x128xf32, #tpu.memory_space<vmem>>, vector<1x16xf32>,
        %parallel_loop3A_774 = arith.constant 4 : i32
        %parallel_loop3A_775 = arith.muli %parallel_loop3A_774, %parallel_loop3A_653 : i32
        %parallel_loop3A_776 = arith.constant 1 : i32
        %parallel_loop3A_777 = arith.addi %parallel_loop3A_775, %parallel_loop3A_776 : i32
        %parallel_loop3A_778 = arith.constant 0 : i32
        %parallel_loop3A_779 = arith.index_cast %parallel_loop3A_778 : i32 to index
        %parallel_loop3A_780 = arith.index_cast %parallel_loop3A_777 : i32 to index
        %parallel_loop3A_781 = arith.constant 16 : index
        %parallel_loop3A_782 = tpu.vector_load %arg8[%parallel_loop3A_779, %parallel_loop3A_780, %parallel_loop3A_781] {strides = array<i32>} : memref<4x128x32xf32, #tpu.memory_space<vmem>>, vector<1x1x16xf32>,
        %parallel_loop3A_783 = vector.shape_cast %parallel_loop3A_782 : vector<1x1x16xf32> to vector<16xf32>
        %parallel_loop3A_784 = arith.constant 1 : i32
        %parallel_loop3A_785 = arith.index_cast %parallel_loop3A_784 : i32 to index
        %parallel_loop3A_786 = arith.index_cast %parallel_loop3A_777 : i32 to index
        %parallel_loop3A_787 = arith.constant 16 : index
        %parallel_loop3A_788 = tpu.vector_load %arg8[%parallel_loop3A_785, %parallel_loop3A_786, %parallel_loop3A_787] {strides = array<i32>} : memref<4x128x32xf32, #tpu.memory_space<vmem>>, vector<1x1x16xf32>,
        %parallel_loop3A_789 = vector.shape_cast %parallel_loop3A_788 : vector<1x1x16xf32> to vector<16xf32>
        %parallel_loop3A_790 = arith.addf %parallel_loop3A_783, %parallel_loop3A_789 : vector<16xf32>
        %parallel_loop3A_791 = arith.constant 2 : i32
        %parallel_loop3A_792 = arith.index_cast %parallel_loop3A_791 : i32 to index
        %parallel_loop3A_793 = arith.index_cast %parallel_loop3A_777 : i32 to index
        %parallel_loop3A_794 = arith.constant 16 : index
        %parallel_loop3A_795 = tpu.vector_load %arg8[%parallel_loop3A_792, %parallel_loop3A_793, %parallel_loop3A_794] {strides = array<i32>} : memref<4x128x32xf32, #tpu.memory_space<vmem>>, vector<1x1x16xf32>,
        %parallel_loop3A_796 = vector.shape_cast %parallel_loop3A_795 : vector<1x1x16xf32> to vector<16xf32>
        %parallel_loop3A_797 = arith.constant 3 : i32
        %parallel_loop3A_798 = arith.index_cast %parallel_loop3A_797 : i32 to index
        %parallel_loop3A_799 = arith.index_cast %parallel_loop3A_777 : i32 to index
        %parallel_loop3A_800 = arith.constant 16 : index
        %parallel_loop3A_801 = tpu.vector_load %arg8[%parallel_loop3A_798, %parallel_loop3A_799, %parallel_loop3A_800] {strides = array<i32>} : memref<4x128x32xf32, #tpu.memory_space<vmem>>, vector<1x1x16xf32>,
        %parallel_loop3A_802 = vector.shape_cast %parallel_loop3A_801 : vector<1x1x16xf32> to vector<16xf32>
        %parallel_loop3A_803 = arith.addf %parallel_loop3A_796, %parallel_loop3A_802 : vector<16xf32>
        %parallel_loop3A_804 = arith.addf %parallel_loop3A_790, %parallel_loop3A_803 : vector<16xf32>
        %parallel_loop3A_805 = arith.constant 0 : i32
        %parallel_loop3A_806 = arith.constant 0 : i32
        %parallel_loop3A_807 = tpu.memref_slice %arg10[%parallel_loop3A_632, %parallel_loop3A_805, %parallel_loop3A_806] : memref<2x32x128xf32, #tpu.memory_space<vmem>> -> memref<1x32x128xf32, #tpu.memory_space<vmem>>
        %parallel_loop3A_808 = tpu.memref_squeeze %parallel_loop3A_807 : memref<1x32x128xf32, #tpu.memory_space<vmem>> -> memref<32x128xf32, #tpu.memory_space<vmem>>
        %parallel_loop3A_809 = arith.index_cast %parallel_loop3A_653 : i32 to index
        %parallel_loop3A_810 = arith.constant 48 : index
        %parallel_loop3A_811 = tpu.vector_load %parallel_loop3A_808[%parallel_loop3A_809, %parallel_loop3A_810] {strides = array<i32>} : memref<32x128xf32, #tpu.memory_space<vmem>>, vector<1x16xf32>,
        %parallel_loop3A_812 = vector.shape_cast %parallel_loop3A_811 : vector<1x16xf32> to vector<16xf32>
        %parallel_loop3A_813 = vector.shape_cast %parallel_loop3A_804 : vector<16xf32> to vector<1x16xf32>
        tpu.vector_store %parallel_loop3A_808[%parallel_loop3A_809, %parallel_loop3A_810], %parallel_loop3A_813 {strides = array<i32>} : memref<32x128xf32, #tpu.memory_space<vmem>>, vector<1x16xf32>,
        %parallel_loop3A_814 = arith.constant 4 : i32
        %parallel_loop3A_815 = arith.muli %parallel_loop3A_814, %parallel_loop3A_653 : i32
        %parallel_loop3A_816 = arith.constant 2 : i32
        %parallel_loop3A_817 = arith.addi %parallel_loop3A_815, %parallel_loop3A_816 : i32
        %parallel_loop3A_818 = arith.constant 0 : i32
        %parallel_loop3A_819 = arith.index_cast %parallel_loop3A_818 : i32 to index
        %parallel_loop3A_820 = arith.index_cast %parallel_loop3A_817 : i32 to index
        %parallel_loop3A_821 = arith.constant 0 : index
        %parallel_loop3A_822 = tpu.vector_load %arg8[%parallel_loop3A_819, %parallel_loop3A_820, %parallel_loop3A_821] {strides = array<i32>} : memref<4x128x32xf32, #tpu.memory_space<vmem>>, vector<1x1x16xf32>,
        %parallel_loop3A_823 = vector.shape_cast %parallel_loop3A_822 : vector<1x1x16xf32> to vector<16xf32>
        %parallel_loop3A_824 = arith.constant 1 : i32
        %parallel_loop3A_825 = arith.index_cast %parallel_loop3A_824 : i32 to index
        %parallel_loop3A_826 = arith.index_cast %parallel_loop3A_817 : i32 to index
        %parallel_loop3A_827 = arith.constant 0 : index
        %parallel_loop3A_828 = tpu.vector_load %arg8[%parallel_loop3A_825, %parallel_loop3A_826, %parallel_loop3A_827] {strides = array<i32>} : memref<4x128x32xf32, #tpu.memory_space<vmem>>, vector<1x1x16xf32>,
        %parallel_loop3A_829 = vector.shape_cast %parallel_loop3A_828 : vector<1x1x16xf32> to vector<16xf32>
        %parallel_loop3A_830 = arith.addf %parallel_loop3A_823, %parallel_loop3A_829 : vector<16xf32>
        %parallel_loop3A_831 = arith.constant 2 : i32
        %parallel_loop3A_832 = arith.index_cast %parallel_loop3A_831 : i32 to index
        %parallel_loop3A_833 = arith.index_cast %parallel_loop3A_817 : i32 to index
        %parallel_loop3A_834 = arith.constant 0 : index
        %parallel_loop3A_835 = tpu.vector_load %arg8[%parallel_loop3A_832, %parallel_loop3A_833, %parallel_loop3A_834] {strides = array<i32>} : memref<4x128x32xf32, #tpu.memory_space<vmem>>, vector<1x1x16xf32>,
        %parallel_loop3A_836 = vector.shape_cast %parallel_loop3A_835 : vector<1x1x16xf32> to vector<16xf32>
        %parallel_loop3A_837 = arith.constant 3 : i32
        %parallel_loop3A_838 = arith.index_cast %parallel_loop3A_837 : i32 to index
        %parallel_loop3A_839 = arith.index_cast %parallel_loop3A_817 : i32 to index
        %parallel_loop3A_840 = arith.constant 0 : index
        %parallel_loop3A_841 = tpu.vector_load %arg8[%parallel_loop3A_838, %parallel_loop3A_839, %parallel_loop3A_840] {strides = array<i32>} : memref<4x128x32xf32, #tpu.memory_space<vmem>>, vector<1x1x16xf32>,
        %parallel_loop3A_842 = vector.shape_cast %parallel_loop3A_841 : vector<1x1x16xf32> to vector<16xf32>
        %parallel_loop3A_843 = arith.addf %parallel_loop3A_836, %parallel_loop3A_842 : vector<16xf32>
        %parallel_loop3A_844 = arith.addf %parallel_loop3A_830, %parallel_loop3A_843 : vector<16xf32>
        %parallel_loop3A_845 = arith.constant 0 : i32
        %parallel_loop3A_846 = arith.constant 0 : i32
        %parallel_loop3A_847 = tpu.memref_slice %arg10[%parallel_loop3A_632, %parallel_loop3A_845, %parallel_loop3A_846] : memref<2x32x128xf32, #tpu.memory_space<vmem>> -> memref<1x32x128xf32, #tpu.memory_space<vmem>>
        %parallel_loop3A_848 = tpu.memref_squeeze %parallel_loop3A_847 : memref<1x32x128xf32, #tpu.memory_space<vmem>> -> memref<32x128xf32, #tpu.memory_space<vmem>>
        %parallel_loop3A_849 = arith.index_cast %parallel_loop3A_653 : i32 to index
        %parallel_loop3A_850 = arith.constant 64 : index
        %parallel_loop3A_851 = tpu.vector_load %parallel_loop3A_848[%parallel_loop3A_849, %parallel_loop3A_850] {strides = array<i32>} : memref<32x128xf32, #tpu.memory_space<vmem>>, vector<1x16xf32>,
        %parallel_loop3A_852 = vector.shape_cast %parallel_loop3A_851 : vector<1x16xf32> to vector<16xf32>
        %parallel_loop3A_853 = vector.shape_cast %parallel_loop3A_844 : vector<16xf32> to vector<1x16xf32>
        tpu.vector_store %parallel_loop3A_848[%parallel_loop3A_849, %parallel_loop3A_850], %parallel_loop3A_853 {strides = array<i32>} : memref<32x128xf32, #tpu.memory_space<vmem>>, vector<1x16xf32>,
        %parallel_loop3A_854 = arith.constant 4 : i32
        %parallel_loop3A_855 = arith.muli %parallel_loop3A_854, %parallel_loop3A_653 : i32
        %parallel_loop3A_856 = arith.constant 2 : i32
        %parallel_loop3A_857 = arith.addi %parallel_loop3A_855, %parallel_loop3A_856 : i32
        %parallel_loop3A_858 = arith.constant 0 : i32
        %parallel_loop3A_859 = arith.index_cast %parallel_loop3A_858 : i32 to index
        %parallel_loop3A_860 = arith.index_cast %parallel_loop3A_857 : i32 to index
        %parallel_loop3A_861 = arith.constant 16 : index
        %parallel_loop3A_862 = tpu.vector_load %arg8[%parallel_loop3A_859, %parallel_loop3A_860, %parallel_loop3A_861] {strides = array<i32>} : memref<4x128x32xf32, #tpu.memory_space<vmem>>, vector<1x1x16xf32>,
        %parallel_loop3A_863 = vector.shape_cast %parallel_loop3A_862 : vector<1x1x16xf32> to vector<16xf32>
        %parallel_loop3A_864 = arith.constant 1 : i32
        %parallel_loop3A_865 = arith.index_cast %parallel_loop3A_864 : i32 to index
        %parallel_loop3A_866 = arith.index_cast %parallel_loop3A_857 : i32 to index
        %parallel_loop3A_867 = arith.constant 16 : index
        %parallel_loop3A_868 = tpu.vector_load %arg8[%parallel_loop3A_865, %parallel_loop3A_866, %parallel_loop3A_867] {strides = array<i32>} : memref<4x128x32xf32, #tpu.memory_space<vmem>>, vector<1x1x16xf32>,
        %parallel_loop3A_869 = vector.shape_cast %parallel_loop3A_868 : vector<1x1x16xf32> to vector<16xf32>
        %parallel_loop3A_870 = arith.addf %parallel_loop3A_863, %parallel_loop3A_869 : vector<16xf32>
        %parallel_loop3A_871 = arith.constant 2 : i32
        %parallel_loop3A_872 = arith.index_cast %parallel_loop3A_871 : i32 to index
        %parallel_loop3A_873 = arith.index_cast %parallel_loop3A_857 : i32 to index
        %parallel_loop3A_874 = arith.constant 16 : index
        %parallel_loop3A_875 = tpu.vector_load %arg8[%parallel_loop3A_872, %parallel_loop3A_873, %parallel_loop3A_874] {strides = array<i32>} : memref<4x128x32xf32, #tpu.memory_space<vmem>>, vector<1x1x16xf32>,
        %parallel_loop3A_876 = vector.shape_cast %parallel_loop3A_875 : vector<1x1x16xf32> to vector<16xf32>
        %parallel_loop3A_877 = arith.constant 3 : i32
        %parallel_loop3A_878 = arith.index_cast %parallel_loop3A_877 : i32 to index
        %parallel_loop3A_879 = arith.index_cast %parallel_loop3A_857 : i32 to index
        %parallel_loop3A_880 = arith.constant 16 : index
        %parallel_loop3A_881 = tpu.vector_load %arg8[%parallel_loop3A_878, %parallel_loop3A_879, %parallel_loop3A_880] {strides = array<i32>} : memref<4x128x32xf32, #tpu.memory_space<vmem>>, vector<1x1x16xf32>,
        %parallel_loop3A_882 = vector.shape_cast %parallel_loop3A_881 : vector<1x1x16xf32> to vector<16xf32>
        %parallel_loop3A_883 = arith.addf %parallel_loop3A_876, %parallel_loop3A_882 : vector<16xf32>
        %parallel_loop3A_884 = arith.addf %parallel_loop3A_870, %parallel_loop3A_883 : vector<16xf32>
        %parallel_loop3A_885 = arith.constant 0 : i32
        %parallel_loop3A_886 = arith.constant 0 : i32
        %parallel_loop3A_887 = tpu.memref_slice %arg10[%parallel_loop3A_632, %parallel_loop3A_885, %parallel_loop3A_886] : memref<2x32x128xf32, #tpu.memory_space<vmem>> -> memref<1x32x128xf32, #tpu.memory_space<vmem>>
        %parallel_loop3A_888 = tpu.memref_squeeze %parallel_loop3A_887 : memref<1x32x128xf32, #tpu.memory_space<vmem>> -> memref<32x128xf32, #tpu.memory_space<vmem>>
        %parallel_loop3A_889 = arith.index_cast %parallel_loop3A_653 : i32 to index
        %parallel_loop3A_890 = arith.constant 80 : index
        %parallel_loop3A_891 = tpu.vector_load %parallel_loop3A_888[%parallel_loop3A_889, %parallel_loop3A_890] {strides = array<i32>} : memref<32x128xf32, #tpu.memory_space<vmem>>, vector<1x16xf32>,
        %parallel_loop3A_892 = vector.shape_cast %parallel_loop3A_891 : vector<1x16xf32> to vector<16xf32>
        %parallel_loop3A_893 = vector.shape_cast %parallel_loop3A_884 : vector<16xf32> to vector<1x16xf32>
        tpu.vector_store %parallel_loop3A_888[%parallel_loop3A_889, %parallel_loop3A_890], %parallel_loop3A_893 {strides = array<i32>} : memref<32x128xf32, #tpu.memory_space<vmem>>, vector<1x16xf32>,
        %parallel_loop3A_894 = arith.constant 4 : i32
        %parallel_loop3A_895 = arith.muli %parallel_loop3A_894, %parallel_loop3A_653 : i32
        %parallel_loop3A_896 = arith.constant 3 : i32
        %parallel_loop3A_897 = arith.addi %parallel_loop3A_895, %parallel_loop3A_896 : i32
        %parallel_loop3A_898 = arith.constant 0 : i32
        %parallel_loop3A_899 = arith.index_cast %parallel_loop3A_898 : i32 to index
        %parallel_loop3A_900 = arith.index_cast %parallel_loop3A_897 : i32 to index
        %parallel_loop3A_901 = arith.constant 0 : index
        %parallel_loop3A_902 = tpu.vector_load %arg8[%parallel_loop3A_899, %parallel_loop3A_900, %parallel_loop3A_901] {strides = array<i32>} : memref<4x128x32xf32, #tpu.memory_space<vmem>>, vector<1x1x16xf32>,
        %parallel_loop3A_903 = vector.shape_cast %parallel_loop3A_902 : vector<1x1x16xf32> to vector<16xf32>
        %parallel_loop3A_904 = arith.constant 1 : i32
        %parallel_loop3A_905 = arith.index_cast %parallel_loop3A_904 : i32 to index
        %parallel_loop3A_906 = arith.index_cast %parallel_loop3A_897 : i32 to index
        %parallel_loop3A_907 = arith.constant 0 : index
        %parallel_loop3A_908 = tpu.vector_load %arg8[%parallel_loop3A_905, %parallel_loop3A_906, %parallel_loop3A_907] {strides = array<i32>} : memref<4x128x32xf32, #tpu.memory_space<vmem>>, vector<1x1x16xf32>,
        %parallel_loop3A_909 = vector.shape_cast %parallel_loop3A_908 : vector<1x1x16xf32> to vector<16xf32>
        %parallel_loop3A_910 = arith.addf %parallel_loop3A_903, %parallel_loop3A_909 : vector<16xf32>
        %parallel_loop3A_911 = arith.constant 2 : i32
        %parallel_loop3A_912 = arith.index_cast %parallel_loop3A_911 : i32 to index
        %parallel_loop3A_913 = arith.index_cast %parallel_loop3A_897 : i32 to index
        %parallel_loop3A_914 = arith.constant 0 : index
        %parallel_loop3A_915 = tpu.vector_load %arg8[%parallel_loop3A_912, %parallel_loop3A_913, %parallel_loop3A_914] {strides = array<i32>} : memref<4x128x32xf32, #tpu.memory_space<vmem>>, vector<1x1x16xf32>,
        %parallel_loop3A_916 = vector.shape_cast %parallel_loop3A_915 : vector<1x1x16xf32> to vector<16xf32>
        %parallel_loop3A_917 = arith.constant 3 : i32
        %parallel_loop3A_918 = arith.index_cast %parallel_loop3A_917 : i32 to index
        %parallel_loop3A_919 = arith.index_cast %parallel_loop3A_897 : i32 to index
        %parallel_loop3A_920 = arith.constant 0 : index
        %parallel_loop3A_921 = tpu.vector_load %arg8[%parallel_loop3A_918, %parallel_loop3A_919, %parallel_loop3A_920] {strides = array<i32>} : memref<4x128x32xf32, #tpu.memory_space<vmem>>, vector<1x1x16xf32>,
        %parallel_loop3A_922 = vector.shape_cast %parallel_loop3A_921 : vector<1x1x16xf32> to vector<16xf32>
        %parallel_loop3A_923 = arith.addf %parallel_loop3A_916, %parallel_loop3A_922 : vector<16xf32>
        %parallel_loop3A_924 = arith.addf %parallel_loop3A_910, %parallel_loop3A_923 : vector<16xf32>
        %parallel_loop3A_925 = arith.constant 0 : i32
        %parallel_loop3A_926 = arith.constant 0 : i32
        %parallel_loop3A_927 = tpu.memref_slice %arg10[%parallel_loop3A_632, %parallel_loop3A_925, %parallel_loop3A_926] : memref<2x32x128xf32, #tpu.memory_space<vmem>> -> memref<1x32x128xf32, #tpu.memory_space<vmem>>
        %parallel_loop3A_928 = tpu.memref_squeeze %parallel_loop3A_927 : memref<1x32x128xf32, #tpu.memory_space<vmem>> -> memref<32x128xf32, #tpu.memory_space<vmem>>
        %parallel_loop3A_929 = arith.index_cast %parallel_loop3A_653 : i32 to index
        %parallel_loop3A_930 = arith.constant 96 : index
        %parallel_loop3A_931 = tpu.vector_load %parallel_loop3A_928[%parallel_loop3A_929, %parallel_loop3A_930] {strides = array<i32>} : memref<32x128xf32, #tpu.memory_space<vmem>>, vector<1x16xf32>,
        %parallel_loop3A_932 = vector.shape_cast %parallel_loop3A_931 : vector<1x16xf32> to vector<16xf32>
        %parallel_loop3A_933 = vector.shape_cast %parallel_loop3A_924 : vector<16xf32> to vector<1x16xf32>
        tpu.vector_store %parallel_loop3A_928[%parallel_loop3A_929, %parallel_loop3A_930], %parallel_loop3A_933 {strides = array<i32>} : memref<32x128xf32, #tpu.memory_space<vmem>>, vector<1x16xf32>,
        %parallel_loop3A_934 = arith.constant 4 : i32
        %parallel_loop3A_935 = arith.muli %parallel_loop3A_934, %parallel_loop3A_653 : i32
        %parallel_loop3A_936 = arith.constant 3 : i32
        %parallel_loop3A_937 = arith.addi %parallel_loop3A_935, %parallel_loop3A_936 : i32
        %parallel_loop3A_938 = arith.constant 0 : i32
        %parallel_loop3A_939 = arith.index_cast %parallel_loop3A_938 : i32 to index
        %parallel_loop3A_940 = arith.index_cast %parallel_loop3A_937 : i32 to index
        %parallel_loop3A_941 = arith.constant 16 : index
        %parallel_loop3A_942 = tpu.vector_load %arg8[%parallel_loop3A_939, %parallel_loop3A_940, %parallel_loop3A_941] {strides = array<i32>} : memref<4x128x32xf32, #tpu.memory_space<vmem>>, vector<1x1x16xf32>,
        %parallel_loop3A_943 = vector.shape_cast %parallel_loop3A_942 : vector<1x1x16xf32> to vector<16xf32>
        %parallel_loop3A_944 = arith.constant 1 : i32
        %parallel_loop3A_945 = arith.index_cast %parallel_loop3A_944 : i32 to index
        %parallel_loop3A_946 = arith.index_cast %parallel_loop3A_937 : i32 to index
        %parallel_loop3A_947 = arith.constant 16 : index
        %parallel_loop3A_948 = tpu.vector_load %arg8[%parallel_loop3A_945, %parallel_loop3A_946, %parallel_loop3A_947] {strides = array<i32>} : memref<4x128x32xf32, #tpu.memory_space<vmem>>, vector<1x1x16xf32>,
        %parallel_loop3A_949 = vector.shape_cast %parallel_loop3A_948 : vector<1x1x16xf32> to vector<16xf32>
        %parallel_loop3A_950 = arith.addf %parallel_loop3A_943, %parallel_loop3A_949 : vector<16xf32>
        %parallel_loop3A_951 = arith.constant 2 : i32
        %parallel_loop3A_952 = arith.index_cast %parallel_loop3A_951 : i32 to index
        %parallel_loop3A_953 = arith.index_cast %parallel_loop3A_937 : i32 to index
        %parallel_loop3A_954 = arith.constant 16 : index
        %parallel_loop3A_955 = tpu.vector_load %arg8[%parallel_loop3A_952, %parallel_loop3A_953, %parallel_loop3A_954] {strides = array<i32>} : memref<4x128x32xf32, #tpu.memory_space<vmem>>, vector<1x1x16xf32>,
        %parallel_loop3A_956 = vector.shape_cast %parallel_loop3A_955 : vector<1x1x16xf32> to vector<16xf32>
        %parallel_loop3A_957 = arith.constant 3 : i32
        %parallel_loop3A_958 = arith.index_cast %parallel_loop3A_957 : i32 to index
        %parallel_loop3A_959 = arith.index_cast %parallel_loop3A_937 : i32 to index
        %parallel_loop3A_960 = arith.constant 16 : index
        %parallel_loop3A_961 = tpu.vector_load %arg8[%parallel_loop3A_958, %parallel_loop3A_959, %parallel_loop3A_960] {strides = array<i32>} : memref<4x128x32xf32, #tpu.memory_space<vmem>>, vector<1x1x16xf32>,
        %parallel_loop3A_962 = vector.shape_cast %parallel_loop3A_961 : vector<1x1x16xf32> to vector<16xf32>
        %parallel_loop3A_963 = arith.addf %parallel_loop3A_956, %parallel_loop3A_962 : vector<16xf32>
        %parallel_loop3A_964 = arith.addf %parallel_loop3A_950, %parallel_loop3A_963 : vector<16xf32>
        %parallel_loop3A_965 = arith.constant 0 : i32
        %parallel_loop3A_966 = arith.constant 0 : i32
        %parallel_loop3A_967 = tpu.memref_slice %arg10[%parallel_loop3A_632, %parallel_loop3A_965, %parallel_loop3A_966] : memref<2x32x128xf32, #tpu.memory_space<vmem>> -> memref<1x32x128xf32, #tpu.memory_space<vmem>>
        %parallel_loop3A_968 = tpu.memref_squeeze %parallel_loop3A_967 : memref<1x32x128xf32, #tpu.memory_space<vmem>> -> memref<32x128xf32, #tpu.memory_space<vmem>>
        %parallel_loop3A_969 = arith.index_cast %parallel_loop3A_653 : i32 to index
        %parallel_loop3A_970 = arith.constant 112 : index
        %parallel_loop3A_971 = tpu.vector_load %parallel_loop3A_968[%parallel_loop3A_969, %parallel_loop3A_970] {strides = array<i32>} : memref<32x128xf32, #tpu.memory_space<vmem>>, vector<1x16xf32>,
        %parallel_loop3A_972 = vector.shape_cast %parallel_loop3A_971 : vector<1x16xf32> to vector<16xf32>
        %parallel_loop3A_973 = vector.shape_cast %parallel_loop3A_964 : vector<16xf32> to vector<1x16xf32>
        tpu.vector_store %parallel_loop3A_968[%parallel_loop3A_969, %parallel_loop3A_970], %parallel_loop3A_973 {strides = array<i32>} : memref<32x128xf32, #tpu.memory_space<vmem>>, vector<1x16xf32>,
      } {sc.loop_unroll_factor = 4 : i64, sc.parallel_access}
      %add3A_633 = arith.addi %mul3A_2, %add3A_382 : i32
      %mul3A_634 = arith.constant 2 : i32
      %mul3A_635 = arith.muli %add3A_633, %mul3A_634 : i32
      %add3A_636 = arith.constant 1 : i32
      %add3A_637 = arith.addi %mul3A_635, %add3A_636 : i32
      %mul3A_638 = arith.constant 32 : i32
      %mul3A_639 = arith.muli %add3A_637, %mul3A_638 : i32
      %dma_start3A_640 = arith.constant 1 : i32
      %dma_start3A_641 = arith.constant 0 : i32
      %dma_start3A_642 = arith.constant 0 : i32
      %dma_start3A_643 = tpu.memref_slice %arg10[%dma_start3A_640, %dma_start3A_641, %dma_start3A_642] : memref<2x32x128xf32, #tpu.memory_space<vmem>> -> memref<1x32x128xf32, #tpu.memory_space<vmem>>
      %dma_start3A_644 = tpu.memref_squeeze %dma_start3A_643 : memref<1x32x128xf32, #tpu.memory_space<vmem>> -> memref<32x128xf32, #tpu.memory_space<vmem>>
      %dma_start3A_645 = arith.constant 0 : i32
      %dma_start3A_646 = tpu.memref_slice %arg4[%mul3A_639, %dma_start3A_645] : memref<143360x128xf32, #tpu.memory_space<hbm>> -> memref<32x128xf32, #tpu.memory_space<hbm>>
      %dma_start3A_647 = arith.constant 0 : i32
      %dma_start3A_648 = tpu.memref_slice %arg4[%mul3A_639, %dma_start3A_647] : memref<143360x128xf32, #tpu.memory_space<hbm>> -> memref<32x128xf32, #tpu.memory_space<hbm>>
      %dma_start3A_649 = arith.constant 0 : i32
      %dma_start3A_650 = arith.constant 0 : i32
      %dma_start3A_651 = tpu.memref_slice %arg10[%dma_start3A_640, %dma_start3A_649, %dma_start3A_650] : memref<2x32x128xf32, #tpu.memory_space<vmem>> -> memref<1x32x128xf32, #tpu.memory_space<vmem>>
      %dma_start3A_652 = tpu.memref_squeeze %dma_start3A_651 : memref<1x32x128xf32, #tpu.memory_space<vmem>> -> memref<32x128xf32, #tpu.memory_space<vmem>>
      tpu.enqueue_dma source(%dma_start3A_652 : memref<32x128xf32, #tpu.memory_space<vmem>>) target(%dma_start3A_648 : memref<32x128xf32, #tpu.memory_space<hbm>>) target_semaphore(%arg18 : memref<!tpu.dma_semaphore, #tpu.memory_space<semaphore_mem>>)
    }
    %scan3A_14 = arith.constant 35 : i32
    %add3A_15 = arith.constant 70 : i32
    %add3A_16 = arith.addi %mul3A_2, %add3A_15 : i32
    %dma_wait3A = arith.constant 0 : i32
    %dma_wait3A_17 = arith.constant 0 : i32
    %dma_wait3A_18 = tpu.memref_slice %arg2[%add3A_16, %dma_wait3A, %dma_wait3A_17] : memref<2248x8x128xi32, #tpu.memory_space<hbm>> -> memref<1x8x128xi32, #tpu.memory_space<hbm>>
    %dma_wait3A_19 = tpu.memref_squeeze %dma_wait3A_18 : memref<1x8x128xi32, #tpu.memory_space<hbm>> -> memref<8x128xi32, #tpu.memory_space<hbm>>
    %dma_wait3A_20 = arith.constant 0 : i32
    %dma_wait3A_21 = arith.constant 0 : i32
    %dma_wait3A_22 = tpu.memref_slice %arg2[%add3A_16, %dma_wait3A_20, %dma_wait3A_21] : memref<2248x8x128xi32, #tpu.memory_space<hbm>> -> memref<1x8x128xi32, #tpu.memory_space<hbm>>
    %dma_wait3A_23 = tpu.memref_squeeze %dma_wait3A_22 : memref<1x8x128xi32, #tpu.memory_space<hbm>> -> memref<8x128xi32, #tpu.memory_space<hbm>>
    tpu.wait_dma2 semaphore(%arg13 : memref<!tpu.dma_semaphore, #tpu.memory_space<semaphore_mem>>) src(%dma_wait3A_23 : memref<8x128xi32, #tpu.memory_space<hbm>>) dst(%arg5 : memref<8x128xi32, #tpu.memory_space<vmem>>)
    %add3A_24 = arith.constant 68 : i32
    %add3A_25 = arith.addi %mul3A_2, %add3A_24 : i32
    %mul3A_26 = arith.constant 2 : i32
    %mul3A_27 = arith.muli %add3A_25, %mul3A_26 : i32
    %add3A_28 = arith.constant 0 : i32
    %add3A_29 = arith.addi %mul3A_27, %add3A_28 : i32
    %mul3A_30 = arith.constant 32 : i32
    %mul3A_31 = arith.muli %add3A_29, %mul3A_30 : i32
    %dma_wait3A_32 = arith.constant 0 : i32
    %dma_wait3A_33 = arith.constant 0 : i32
    %dma_wait3A_34 = arith.constant 0 : i32
    %dma_wait3A_35 = tpu.memref_slice %arg9[%dma_wait3A_32, %dma_wait3A_33, %dma_wait3A_34] : memref<2x32x128xf32, #tpu.memory_space<vmem>> -> memref<1x32x128xf32, #tpu.memory_space<vmem>>
    %dma_wait3A_36 = tpu.memref_squeeze %dma_wait3A_35 : memref<1x32x128xf32, #tpu.memory_space<vmem>> -> memref<32x128xf32, #tpu.memory_space<vmem>>
    %dma_wait3A_37 = arith.constant 0 : i32
    %dma_wait3A_38 = tpu.memref_slice %arg4[%mul3A_31, %dma_wait3A_37] : memref<143360x128xf32, #tpu.memory_space<hbm>> -> memref<32x128xf32, #tpu.memory_space<hbm>>
    %dma_wait3A_39 = arith.constant 0 : i32
    %dma_wait3A_40 = tpu.memref_slice %arg4[%mul3A_31, %dma_wait3A_39] : memref<143360x128xf32, #tpu.memory_space<hbm>> -> memref<32x128xf32, #tpu.memory_space<hbm>>
    %dma_wait3A_41 = arith.constant 0 : i32
    %dma_wait3A_42 = arith.constant 0 : i32
    %dma_wait3A_43 = tpu.memref_slice %arg9[%dma_wait3A_32, %dma_wait3A_41, %dma_wait3A_42] : memref<2x32x128xf32, #tpu.memory_space<vmem>> -> memref<1x32x128xf32, #tpu.memory_space<vmem>>
    %dma_wait3A_44 = tpu.memref_squeeze %dma_wait3A_43 : memref<1x32x128xf32, #tpu.memory_space<vmem>> -> memref<32x128xf32, #tpu.memory_space<vmem>>
    tpu.wait_dma2 semaphore(%arg15 : memref<!tpu.dma_semaphore, #tpu.memory_space<semaphore_mem>>) src(%dma_wait3A_44 : memref<32x128xf32, #tpu.memory_space<vmem>>) dst(%dma_wait3A_40 : memref<32x128xf32, #tpu.memory_space<hbm>>)
    %add3A_45 = arith.constant 69 : i32
    %add3A_46 = arith.addi %mul3A_2, %add3A_45 : i32
    %mul3A_47 = arith.constant 2 : i32
    %mul3A_48 = arith.muli %add3A_46, %mul3A_47 : i32
    %add3A_49 = arith.constant 0 : i32
    %add3A_50 = arith.addi %mul3A_48, %add3A_49 : i32
    %mul3A_51 = arith.constant 32 : i32
    %mul3A_52 = arith.muli %add3A_50, %mul3A_51 : i32
    %dma_wait3A_53 = arith.constant 1 : i32
    %dma_wait3A_54 = arith.constant 0 : i32
    %dma_wait3A_55 = arith.constant 0 : i32
    %dma_wait3A_56 = tpu.memref_slice %arg9[%dma_wait3A_53, %dma_wait3A_54, %dma_wait3A_55] : memref<2x32x128xf32, #tpu.memory_space<vmem>> -> memref<1x32x128xf32, #tpu.memory_space<vmem>>
    %dma_wait3A_57 = tpu.memref_squeeze %dma_wait3A_56 : memref<1x32x128xf32, #tpu.memory_space<vmem>> -> memref<32x128xf32, #tpu.memory_space<vmem>>
    %dma_wait3A_58 = arith.constant 0 : i32
    %dma_wait3A_59 = tpu.memref_slice %arg4[%mul3A_52, %dma_wait3A_58] : memref<143360x128xf32, #tpu.memory_space<hbm>> -> memref<32x128xf32, #tpu.memory_space<hbm>>
    %dma_wait3A_60 = arith.constant 0 : i32
    %dma_wait3A_61 = tpu.memref_slice %arg4[%mul3A_52, %dma_wait3A_60] : memref<143360x128xf32, #tpu.memory_space<hbm>> -> memref<32x128xf32, #tpu.memory_space<hbm>>
    %dma_wait3A_62 = arith.constant 0 : i32
    %dma_wait3A_63 = arith.constant 0 : i32
    %dma_wait3A_64 = tpu.memref_slice %arg9[%dma_wait3A_53, %dma_wait3A_62, %dma_wait3A_63] : memref<2x32x128xf32, #tpu.memory_space<vmem>> -> memref<1x32x128xf32, #tpu.memory_space<vmem>>
    %dma_wait3A_65 = tpu.memref_squeeze %dma_wait3A_64 : memref<1x32x128xf32, #tpu.memory_space<vmem>> -> memref<32x128xf32, #tpu.memory_space<vmem>>
    tpu.wait_dma2 semaphore(%arg16 : memref<!tpu.dma_semaphore, #tpu.memory_space<semaphore_mem>>) src(%dma_wait3A_65 : memref<32x128xf32, #tpu.memory_space<vmem>>) dst(%dma_wait3A_61 : memref<32x128xf32, #tpu.memory_space<hbm>>)
    %add3A_66 = arith.constant 68 : i32
    %add3A_67 = arith.addi %mul3A_2, %add3A_66 : i32
    %mul3A_68 = arith.constant 2 : i32
    %mul3A_69 = arith.muli %add3A_67, %mul3A_68 : i32
    %add3A_70 = arith.constant 1 : i32
    %add3A_71 = arith.addi %mul3A_69, %add3A_70 : i32
    %mul3A_72 = arith.constant 32 : i32
    %mul3A_73 = arith.muli %add3A_71, %mul3A_72 : i32
    %dma_wait3A_74 = arith.constant 0 : i32
    %dma_wait3A_75 = arith.constant 0 : i32
    %dma_wait3A_76 = arith.constant 0 : i32
    %dma_wait3A_77 = tpu.memref_slice %arg10[%dma_wait3A_74, %dma_wait3A_75, %dma_wait3A_76] : memref<2x32x128xf32, #tpu.memory_space<vmem>> -> memref<1x32x128xf32, #tpu.memory_space<vmem>>
    %dma_wait3A_78 = tpu.memref_squeeze %dma_wait3A_77 : memref<1x32x128xf32, #tpu.memory_space<vmem>> -> memref<32x128xf32, #tpu.memory_space<vmem>>
    %dma_wait3A_79 = arith.constant 0 : i32
    %dma_wait3A_80 = tpu.memref_slice %arg4[%mul3A_73, %dma_wait3A_79] : memref<143360x128xf32, #tpu.memory_space<hbm>> -> memref<32x128xf32, #tpu.memory_space<hbm>>
    %dma_wait3A_81 = arith.constant 0 : i32
    %dma_wait3A_82 = tpu.memref_slice %arg4[%mul3A_73, %dma_wait3A_81] : memref<143360x128xf32, #tpu.memory_space<hbm>> -> memref<32x128xf32, #tpu.memory_space<hbm>>
    %dma_wait3A_83 = arith.constant 0 : i32
    %dma_wait3A_84 = arith.constant 0 : i32
    %dma_wait3A_85 = tpu.memref_slice %arg10[%dma_wait3A_74, %dma_wait3A_83, %dma_wait3A_84] : memref<2x32x128xf32, #tpu.memory_space<vmem>> -> memref<1x32x128xf32, #tpu.memory_space<vmem>>
    %dma_wait3A_86 = tpu.memref_squeeze %dma_wait3A_85 : memref<1x32x128xf32, #tpu.memory_space<vmem>> -> memref<32x128xf32, #tpu.memory_space<vmem>>
    tpu.wait_dma2 semaphore(%arg17 : memref<!tpu.dma_semaphore, #tpu.memory_space<semaphore_mem>>) src(%dma_wait3A_86 : memref<32x128xf32, #tpu.memory_space<vmem>>) dst(%dma_wait3A_82 : memref<32x128xf32, #tpu.memory_space<hbm>>)
    %add3A_87 = arith.constant 69 : i32
    %add3A_88 = arith.addi %mul3A_2, %add3A_87 : i32
    %mul3A_89 = arith.constant 2 : i32
    %mul3A_90 = arith.muli %add3A_88, %mul3A_89 : i32
    %add3A_91 = arith.constant 1 : i32
    %add3A_92 = arith.addi %mul3A_90, %add3A_91 : i32
    %mul3A_93 = arith.constant 32 : i32
    %mul3A_94 = arith.muli %add3A_92, %mul3A_93 : i32
    %dma_wait3A_95 = arith.constant 1 : i32
    %dma_wait3A_96 = arith.constant 0 : i32
    %dma_wait3A_97 = arith.constant 0 : i32
    %dma_wait3A_98 = tpu.memref_slice %arg10[%dma_wait3A_95, %dma_wait3A_96, %dma_wait3A_97] : memref<2x32x128xf32, #tpu.memory_space<vmem>> -> memref<1x32x128xf32, #tpu.memory_space<vmem>>
    %dma_wait3A_99 = tpu.memref_squeeze %dma_wait3A_98 : memref<1x32x128xf32, #tpu.memory_space<vmem>> -> memref<32x128xf32, #tpu.memory_space<vmem>>
    %dma_wait3A_100 = arith.constant 0 : i32
    %dma_wait3A_101 = tpu.memref_slice %arg4[%mul3A_94, %dma_wait3A_100] : memref<143360x128xf32, #tpu.memory_space<hbm>> -> memref<32x128xf32, #tpu.memory_space<hbm>>
    %dma_wait3A_102 = arith.constant 0 : i32
    %dma_wait3A_103 = tpu.memref_slice %arg4[%mul3A_94, %dma_wait3A_102] : memref<143360x128xf32, #tpu.memory_space<hbm>> -> memref<32x128xf32, #tpu.memory_space<hbm>>
    %dma_wait3A_104 = arith.constant 0 : i32
    %dma_wait3A_105 = arith.constant 0 : i32
    %dma_wait3A_106 = tpu.memref_slice %arg10[%dma_wait3A_95, %dma_wait3A_104, %dma_wait3A_105] : memref<2x32x128xf32, #tpu.memory_space<vmem>> -> memref<1x32x128xf32, #tpu.memory_space<vmem>>
    %dma_wait3A_107 = tpu.memref_squeeze %dma_wait3A_106 : memref<1x32x128xf32, #tpu.memory_space<vmem>> -> memref<32x128xf32, #tpu.memory_space<vmem>>
    tpu.wait_dma2 semaphore(%arg18 : memref<!tpu.dma_semaphore, #tpu.memory_space<semaphore_mem>>) src(%dma_wait3A_107 : memref<32x128xf32, #tpu.memory_space<vmem>>) dst(%dma_wait3A_103 : memref<32x128xf32, #tpu.memory_space<hbm>>)
    return
  }
}

module attributes {stable_mosaic.version = 14 : i64} {
  func.func @_tc_proj_kernel(%arg0: i32, %arg1: memref<512x128xf32, #tpu.memory_space<vmem>>, %arg2: memref<128x512xf32, #tpu.memory_space<vmem>>, %arg3: memref<2x1024x128xf32, #tpu.memory_space<vmem>>) attributes {dimension_semantics = [#tpu.dimension_semantics<parallel>], iteration_bounds = array<i64: 13>, scalar_prefetch = 0 : i64, scratch_operands = 0 : i64, tpu.core_type = #tpu.core_type<tc>, window_params = [{transform_indices = @transform_0, window_bounds = array<i64: 512, 128>}, {pipeline_mode = #tpu.pipeline_mode<synchronous>, transform_indices = @transform_1, window_bounds = array<i64: 128, 512>}, {transform_indices = @transform_2, window_bounds = array<i64: 2, 1024, 128>}]} {
    %get3A = arith.constant 0 : index
    %get3A_0 = arith.constant 0 : index
    %get3A_1 = vector.load %arg1[%get3A, %get3A_0] : memref<512x128xf32, #tpu.memory_space<vmem>>, vector<512x128xf32>
    %get3A_2 = arith.constant 0 : index
    %get3A_3 = arith.constant 0 : index
    %get3A_4 = vector.load %arg2[%get3A_2, %get3A_3] : memref<128x512xf32, #tpu.memory_space<vmem>>, vector<128x512xf32>
    %dot_general3A = arith.constant dense<0.000000e+00> : vector<512x512xf32>
    %dot_general3A_5 = tpu.matmul %get3A_1, %get3A_4, %dot_general3A {dimension_numbers = #tpu.dot_dimension_numbers<[1], [0], [0], [1], [0, 0, 1, 1], [], []>, transpose_lhs_hint = false} : vector<512x128xf32>, vector<128x512xf32>, vector<512x512xf32> -> vector<512x512xf32>
    %reshape3A = vector.shape_cast %dot_general3A_5 : vector<512x512xf32> to vector<2x1024x128xf32>
    %swap3A = arith.constant 0 : index
    %swap3A_6 = arith.constant 0 : index
    %swap3A_7 = arith.constant 0 : index
    %swap3A_8 = vector.load %arg3[%swap3A, %swap3A_6, %swap3A_7] : memref<2x1024x128xf32, #tpu.memory_space<vmem>>, vector<2x1024x128xf32>
    tpu.vector_store %arg3[%swap3A, %swap3A_6, %swap3A_7], %reshape3A {strides = array<i32>} : memref<2x1024x128xf32, #tpu.memory_space<vmem>>, vector<2x1024x128xf32>,
    return
  }
  func.func @transform_0(%arg0: i32) -> (i32, i32) {
    %add3A = arith.constant 260 : i32
    %add3A_0 = arith.addi %arg0, %add3A : i32
    %c0_i32 = arith.constant 0 : i32
    %c0_i32_1 = arith.constant 0 : i32
    return %add3A_0, %c0_i32 : i32, i32
  }
  func.func @transform_1(%arg0: i32) -> (i32, i32) {
    %c0_i32 = arith.constant 0 : i32
    %c0_i32_0 = arith.constant 0 : i32
    %c0_i32_1 = arith.constant 0 : i32
    return %c0_i32, %c0_i32_0 : i32, i32
  }
  func.func @transform_2(%arg0: i32) -> (i32, i32, i32) {
    %c0_i32 = arith.constant 0 : i32
    %c0_i32_0 = arith.constant 0 : i32
    %c0_i32_1 = arith.constant 0 : i32
    return %arg0, %c0_i32, %c0_i32_0 : i32, i32, i32
  }
}

module attributes {stable_mosaic.version = 14 : i64} {
  func.func @_tc_proj_kernel(%arg0: i32, %arg1: memref<512x128xf32, #tpu.memory_space<vmem>>, %arg2: memref<128x512xf32, #tpu.memory_space<vmem>>, %arg3: memref<1x2x1024x128xf32, #tpu.memory_space<vmem>>) attributes {dimension_semantics = [#tpu.dimension_semantics<parallel>], iteration_bounds = array<i64: 260>, scalar_prefetch = 0 : i64, scratch_operands = 0 : i64, tpu.core_type = #tpu.core_type<tc>, window_params = [{transform_indices = @transform_0, window_bounds = array<i64: 512, 128>}, {pipeline_mode = #tpu.pipeline_mode<synchronous>, transform_indices = @transform_1, window_bounds = array<i64: 128, 512>}, {transform_indices = @transform_2, window_bounds = array<i64: 1, 2, 1024, 128>}]} {
    %get3A = arith.constant 0 : index
    %get3A_0 = arith.constant 0 : index
    %get3A_1 = vector.load %arg1[%get3A, %get3A_0] : memref<512x128xf32, #tpu.memory_space<vmem>>, vector<512x128xf32>
    %get3A_2 = arith.constant 0 : index
    %get3A_3 = arith.constant 0 : index
    %get3A_4 = vector.load %arg2[%get3A_2, %get3A_3] : memref<128x512xf32, #tpu.memory_space<vmem>>, vector<128x512xf32>
    %dot_general3A = arith.constant dense<0.000000e+00> : vector<512x512xf32>
    %dot_general3A_5 = tpu.matmul %get3A_1, %get3A_4, %dot_general3A {dimension_numbers = #tpu.dot_dimension_numbers<[1], [0], [0], [1], [0, 0, 1, 1], [], []>, transpose_lhs_hint = false} : vector<512x128xf32>, vector<128x512xf32>, vector<512x512xf32> -> vector<512x512xf32>
    %reshape3A = vector.shape_cast %dot_general3A_5 : vector<512x512xf32> to vector<1x2x1024x128xf32>
    %swap3A = arith.constant 0 : index
    %swap3A_6 = arith.constant 0 : index
    %swap3A_7 = arith.constant 0 : index
    %swap3A_8 = arith.constant 0 : index
    %swap3A_9 = vector.load %arg3[%swap3A, %swap3A_6, %swap3A_7, %swap3A_8] : memref<1x2x1024x128xf32, #tpu.memory_space<vmem>>, vector<1x2x1024x128xf32>
    tpu.vector_store %arg3[%swap3A, %swap3A_6, %swap3A_7, %swap3A_8], %reshape3A {strides = array<i32>} : memref<1x2x1024x128xf32, #tpu.memory_space<vmem>>, vector<1x2x1024x128xf32>,
    return
  }
  func.func @transform_0(%arg0: i32) -> (i32, i32) {
    %c0_i32 = arith.constant 0 : i32
    %c0_i32_0 = arith.constant 0 : i32
    return %arg0, %c0_i32 : i32, i32
  }
  func.func @transform_1(%arg0: i32) -> (i32, i32) {
    %c0_i32 = arith.constant 0 : i32
    %c0_i32_0 = arith.constant 0 : i32
    %c0_i32_1 = arith.constant 0 : i32
    return %c0_i32, %c0_i32_0 : i32, i32
  }
  func.func @transform_2(%arg0: i32) -> (i32, i32, i32, i32) {
    %jit3A = arith.constant 13 : i32
    %div3A = arith.divsi %arg0, %jit3A : i32
    %sign3A = arith.constant 0 : i32
    %sign3A_0 = arith.cmpi sgt, %arg0, %sign3A : i32
    %sign3A_1 = arith.extui %sign3A_0 : i1 to i32
    %sign3A_2 = arith.constant 0 : i32
    %sign3A_3 = arith.cmpi slt, %arg0, %sign3A_2 : i32
    %sign3A_4 = arith.extui %sign3A_3 : i1 to i32
    %sign3A_5 = arith.subi %sign3A_1, %sign3A_4 : i32
    %sign3A_6 = arith.constant 0 : i32
    %sign3A_7 = arith.cmpi sgt, %jit3A, %sign3A_6 : i32
    %sign3A_8 = arith.extui %sign3A_7 : i1 to i32
    %sign3A_9 = arith.constant 0 : i32
    %sign3A_10 = arith.cmpi slt, %jit3A, %sign3A_9 : i32
    %sign3A_11 = arith.extui %sign3A_10 : i1 to i32
    %sign3A_12 = arith.subi %sign3A_8, %sign3A_11 : i32
    %ne3A = arith.cmpi ne, %sign3A_5, %sign3A_12 : i32
    %rem3A = arith.remsi %arg0, %jit3A : i32
    %ne3A_13 = arith.constant 0 : i32
    %ne3A_14 = arith.cmpi ne, %rem3A, %ne3A_13 : i32
    %and3A = arith.andi %ne3A, %ne3A_14 : i1
    %sub3A = arith.constant 1 : i32
    %sub3A_15 = arith.subi %div3A, %sub3A : i32
    %select_n3A = arith.select %and3A, %sub3A_15, %div3A : i32
    %jit3A_16 = arith.constant 13 : i32
    %eq3A = arith.constant 0 : i32
    %eq3A_17 = arith.cmpi eq, %jit3A_16, %eq3A : i32
    %jit3A_18 = arith.constant 1 : i32
    %select_n3A_19 = arith.select %eq3A_17, %jit3A_18, %jit3A_16 : i32
    %rem3A_20 = arith.remsi %arg0, %select_n3A_19 : i32
    %ne3A_21 = arith.constant 0 : i32
    %ne3A_22 = arith.cmpi ne, %rem3A_20, %ne3A_21 : i32
    %lt3A = arith.constant 0 : i32
    %lt3A_23 = arith.cmpi slt, %rem3A_20, %lt3A : i32
    %lt3A_24 = arith.constant 0 : i32
    %lt3A_25 = arith.cmpi slt, %select_n3A_19, %lt3A_24 : i32
    %ne3A_26 = arith.xori %lt3A_23, %lt3A_25 : i1
    %and3A_27 = arith.andi %ne3A_26, %ne3A_22 : i1
    %add3A = arith.addi %rem3A_20, %select_n3A_19 : i32
    %select_n3A_28 = arith.select %and3A_27, %add3A, %rem3A_20 : i32
    %c0_i32 = arith.constant 0 : i32
    %c0_i32_29 = arith.constant 0 : i32
    %c0_i32_30 = arith.constant 0 : i32
    return %select_n3A, %select_n3A_28, %c0_i32, %c0_i32_29 : i32, i32, i32, i32
  }
}

</mosaic_0001>

<sc_bundles>
// kernel: kernel.5.cloned.1.call-start
scs
__scs_entry_jumppad:
0x0: {  	(pc) =	sbr.rel $0x88, $3  }
0x1: {  	(tag) =	ssettag $0x0;
	lr =	simm.s32 $0x1  }
0x2: {  	[smem:$0x3F9C] =	sst lr;
	_ =	strace $0xD0000000  }
0x3: {  	_ = 	snop  }
0x4: {  	_ = 	snop  }
0x5: {  	_ = 	snop  }
0x6: {  	_ = 	snop  }
0x7: {  	_ = 	snop  }
__scs_overlays_trampoline_lowered:
0x8: {  	[smem:$0x3FAB] =	sst s0  }
0x9: {  	[smem:$0x3FAC] =	sst s1  }
0xa: {  	[smem:$0x3FAD] =	sst s2  }
0xb: {  	[smem:$0x3FAE] =	sst s3  }
0xc: {  	[smem:$0x3FAF] =	sst s4  }
0xd: {  	[smem:$0x3FB0] =	sst s5  }
0xe: {  	[smem:$0x3FB1] =	sst s6  }
0xf: {  	[smem:$0x3FB2] =	sst s7  }
0x10: {  	[smem:$0x3FB3] =	sst s8  }
0x11: {  	[smem:$0x3FB4] =	sst s9;
	s0 =	simm.s32 @!p0 $0x0  }
0x12: {  	s1 =	sld [smem:$0x3F9A];
	s0 =	simm.s32 @p0 $0x1  }
0x13: {  	[smem:$0x3FB5] =	sst s0;
	s0 =	simm.s32 @!p1 $0x0  }
0x14: {  	s2 =	sld [smem:$0x3F99];
	s0 =	simm.s32 @p1 $0x1  }
0x15: {  	[smem:$0x3FB6] =	sst s0;
	s0 =	simm.s32 @!p2 $0x0  }
0x16: {  	s3 =	sld [smem:$0x3FDB];
	s0 =	simm.s32 @p2 $0x1  }
0x17: {  	s4 =	simm.s32 $0x1BF5;
	[smem:$0x3FB8] =	sst s0  }
0x18: {  	s0 =	sld [smem:$0x3F9B];
	_ =	swait.ge [sflag:s4], $0x0  }
0x19: {  	s7 =	sld [smem:$0x3F9C]  }
0x1a: {  	s8 =	sadd.s32 $0xFFFFE003, lr  }
0x1b: {  	s9 =	sadd.s32 $0xFFFFFEF7, lr;
	s5 =	simm.s32 $0xFFFFFFFF;
	p2 =	slt.u32 s8, $0xFFFFF086  }
0x1c: {  	p1 =	slt.u32 s9, $0xF7A;
	s5 =	simm.s32 @!p2 $0x0  }
0x1d: {  	s5 =	simm.s32 @p1 $0x1;
	p0 =	seq.s32 s7, s2  }
0x1e: {  	s7 =	smul.u32 @!p0 $0xF7A, s2;
	p2 =	seq.s32 @!p0 s5, $0x0  }
0x1f: {  	s9 =	smul.u32 $0xF7A, s1;
	s8 =	simm.s32 @!p0 $0x1BF5;
	p2 =	por !p2, p0  }
0x20: {  	[sflag:s8] =	ssyncset.s32 @!p0 $0xFFFFF086;
	s6 =	sadd.s32 @!p0 s3, s7;
	s7 =	simm.s32 @!p0 $0x108  }
0x21: {  	s3 =	sadd.s32 s3, s9;
	s6 =	sadd.s32 @!p0 $0x88, s6;
	s7 =	simm.s32 @p2 $0x1082  }
0x22: {  	[simem:s7], [sflag:s8] =	dma.local @!p0 [hbm:s6], $0xF7A  }
0x23: {  	s9 =	sor.u32 $0xD0000000, s2;
	s6 =	simm.s32 $0x108;
	_ =	swait.ge @!p0 [sflag:s8], $0x0  }
0x24: {  	s3 =	sadd.s32 $0x88, s3;
	s6 =	simm.s32 @!p1 $0x1082;
	[sflag:s4] =	ssyncset.s32 $0xFFFFF086  }
0x25: {  	[simem:s6], [sflag:s4] =	dma.local [hbm:s3], $0xF7A  }
0x26: {  	[smem:$0x3F9C] =	sst s1;
	(tag) =	ssettag s2;
	_ =	strace s9  }
0x27: {  	s1 =	sld [smem:$0x3FAC]  }
0x28: {  	s2 =	sld [smem:$0x3FAD]  }
0x29: {  	s4 =	sld [smem:$0x3FAF]  }
0x2a: {  	p0 =	seq.s32 s5, $0x0;
	s5 =	sld [smem:$0x3FB0]  }
0x2b: {  	s6 =	sld [smem:$0x3FB1]  }
0x2c: {  	s7 =	sld [smem:$0x3FB2]  }
0x2d: {  	s3 =	simm.s32 $0x108;
	s8 =	sld [smem:$0x3FB3]  }
0x2e: {  	s3 =	simm.s32 @!p0 $0x1082;
	s9 =	sld [smem:$0x3FB4]  }
0x2f: {  	lr =	sadd.s32 s0, s3;
	s0 =	sld [smem:$0x3FAB]  }
0x30: {  	s3 =	sld [smem:$0x3FAE]  }
0x31: {  	[smem:$0x3FB7] =	sst s10  }
0x32: {  	s10 =	sld [smem:$0x3FB5];
	_ =	sdelay $0x3  }
0x33: {  	p0 =	seq.s32 s10, $0x1;
	s10 =	sld [smem:$0x3FB7];
	_ =	sdelay $0x3  }
0x34: {  	[smem:$0x3FB7] =	sst s10  }
0x35: {  	s10 =	sld [smem:$0x3FB6];
	_ =	sdelay $0x3  }
0x36: {  	p1 =	seq.s32 s10, $0x1;
	s10 =	sld [smem:$0x3FB7];
	_ =	sdelay $0x3  }
0x37: {  	[smem:$0x3FB7] =	sst s10  }
0x38: {  	s10 =	sld [smem:$0x3FB8]  }
0x39: {  	_ = 	snop;
	(pc) =	sbr.ind lr, $3  }
0x3a: {  	_ = 	snop  }
0x3b: {  	_ = 	snop  }
0x3c: {  	p2 =	seq.s32 s10, $0x1;
	s10 =	sld [smem:$0x3FB7]  }
0x3d: {  	_ =	shalt  }
0x3e: {  	_ =	shalt  }
0x3f: {  	_ =	shalt  }
0x40: {  	_ =	shalt  }
0x41: {  	_ =	shalt  }
0x42: {  	_ =	shalt  }
0x43: {  	_ =	shalt  }
0x44: {  	_ =	shalt  }
0x45: {  	_ =	shalt  }
0x46: {  	_ =	shalt  }
0x47: {  	_ =	shalt  }
0x48: {  	_ =	shalt  }
0x49: {  	_ =	shalt  }
0x4a: {  	_ =	shalt  }
0x4b: {  	_ =	shalt  }
0x4c: {  	_ =	shalt  }
0x4d: {  	_ =	shalt  }
0x4e: {  	_ =	shalt  }
0x4f: {  	_ =	shalt  }
0x50: {  	_ =	shalt  }
0x51: {  	_ =	shalt  }
0x52: {  	_ =	shalt  }
0x53: {  	_ =	shalt  }
0x54: {  	_ =	shalt  }
0x55: {  	_ =	shalt  }
0x56: {  	_ =	shalt  }
0x57: {  	_ =	shalt  }
0x58: {  	_ =	shalt  }
0x59: {  	_ =	shalt  }
0x5a: {  	_ =	shalt  }
0x5b: {  	_ =	shalt  }
0x5c: {  	_ =	shalt  }
0x5d: {  	_ =	shalt  }
0x5e: {  	_ =	shalt  }
0x5f: {  	_ =	shalt  }
0x60: {  	_ =	shalt  }
0x61: {  	_ =	shalt  }
0x62: {  	_ =	shalt  }
0x63: {  	_ =	shalt  }
0x64: {  	_ =	shalt  }
0x65: {  	_ =	shalt  }
0x66: {  	_ =	shalt  }
0x67: {  	_ =	shalt  }
0x68: {  	_ =	shalt  }
0x69: {  	_ =	shalt  }
0x6a: {  	_ =	shalt  }
0x6b: {  	_ =	shalt  }
0x6c: {  	_ =	shalt  }
0x6d: {  	_ =	shalt  }
0x6e: {  	_ =	shalt  }
0x6f: {  	_ =	shalt  }
0x70: {  	_ =	shalt  }
0x71: {  	_ =	shalt  }
0x72: {  	_ =	shalt  }
0x73: {  	_ =	shalt  }
0x74: {  	_ =	shalt  }
0x75: {  	_ =	shalt  }
0x76: {  	_ =	shalt  }
0x77: {  	_ =	shalt  }
0x78: {  	_ =	shalt  }
0x79: {  	_ =	shalt  }
0x7a: {  	_ =	shalt  }
0x7b: {  	_ =	shalt  }
0x7c: {  	_ =	shalt  }
0x7d: {  	_ =	shalt  }
0x7e: {  	_ =	shalt  }
0x7f: {  	_ =	shalt  }
0x80: {  	_ =	shalt  }
0x81: {  	_ =	shalt  }
0x82: {  	_ =	shalt  }
0x83: {  	_ =	shalt  }
0x84: {  	_ =	shalt  }
0x85: {  	_ =	shalt  }
0x86: {  	_ =	shalt  }
0x87: {  	_ =	shalt  }
.Lfunc_end0:
.L_simem_size_0:
called_computation_lowered:
.L_overlay_start_0:
0x88: {  	s2 =	sld [smem:$0x3FD9]  }
0x89: {  	s3 =	sld [smem:$0x3FFE];
	_ =	sdelay $0x1  }
0x8a: {  	s1 =	srdreg.scid  }
0x8b: {  	s0 =	sand.u32 $0x1, s1  }
0x8c: {  	s14 =	sshll.u32 s0, $0xA;
	s2 =	sadd.s32 s3, s2  }
0x8d: {  	s2 =	sadd.s32 s2, s14  }
0x8e: {  	[smem:$0x3FC3] =	sst s2  }
0x8f: {  	_ = 	snop  }
0x90: {  	s2 =	sld [smem:$0x3FD0];
	_ =	sdelay $0x2  }
0x91: {  	s15 =	simm.s32 $0xA;
	s4 =	simm.s32 $0x10  }
0x92: {  	[smem:s4], [sflag:s15] =	dma.local [hbm:s2], $0x1  }
0x93: {  	_ =	swait.eq [sflag:s15], $0x1  }
0x94: {  	[sflag:s15] =	ssyncset.done $0x0  }
0x95: {  	s16 =	sld [smem:$0x10];
	[sflag:s15] =	ssyncadd.s32 $0xFFFFFFFF  }
0x96: {  	s17 =	sld [smem:$0x11];
	(tm) =	ssettm $0x1  }
0x97: {  	s18 =	sld [smem:$0x3FFB];
	_ =	sdelay $0x3  }
0x98: {  	_ =	strace s18  }
0x99: {  	s4 =	sld [smem:$0x3FFC];
	_ =	sdelay $0x3  }
0x9a: {  	_ =	strace s4  }
0x9b: {  	s4 =	sld [smem:$0x3FFD];
	_ =	sdelay $0x3  }
0x9c: {  	_ =	strace s4  }
0x9d: {  	_ =	strace $0x8FFFFFFF  }
0x9e: {  	s19 =	sld [smem:$0x3FDB];
	_ =	sdelay $0x1  }
0x9f: {  	s5 =	simm.s32 $_scs_section_size  }
0xa0: {  	s6 =	simm.s32 $_size__tile_overlayer_lowered;
	s7 =	simm.s32 $_tile_overlayer_lowered  }
0xa1: {  	s22 =	simm.s32 $0x1BFF;
	s21 =	sshll.u32 s7, $0x1;
	s4 =	sadd.s32 s5, s19  }
0xa2: {  	s8 =	simm.s32 $0x0;
	s20 =	sshll.u32 s6, $0x1;
	s6 =	sadd.s32 s21, s4  }
0xa3: {  	[timem:s8], [sflag:s22] =	dma.local [hbm:s6], s20  }
0xa4: {  	_ =	swait.ge [sflag:s22], s20  }
0xa5: {  	s5 =	ssub.s32 $0x0, s20;
	[sflag:s22] =	ssyncset.done $0x0  }
0xa6: {  	[sflag:s22] =	ssyncadd.s32 s5;
	_ =	sdelay $0x1  }
0xa7: {  	s23 =	simm.s32 $0x1B8B  }
0xa8: {  	_ =	swait.ge [sflag:s23], $0x1  }
0xa9: {  	[sflag:s23] =	ssyncset.done $0x0  }
0xaa: {  	s25 =	simm.s32 $0x1B8E;
	s24 =	sld [smem:$0x3FFE];
	[sflag:s23] =	ssyncadd.s32 $0xFFFFFFFF  }
0xab: {  	s26 =	simm.s32 $execute0_lowered;
	[smem:$0x3FD2] =	sst s25  }
0xac: {  	s6 =	sshll.u32 s26, $0x1;
	_ =	strace $0x80000046;
	[dreg:$0x1] =	wrdreg $0xFFFFFFFF  }
0xad: {  	s28 =	simm.s32 $_size_execute0_lowered;
	s4 =	sadd.s32 s4, s6;
	[dreg:$0x0] =	wrdreg $0x0  }
0xae: {  	s6 =	sshll.u32 s28, $0x1;
	[dreg:$0x2] =	wrdreg s4  }
0xaf: {  	[dreg:$0x3] =	wrdreg s6  }
0xb0: {  	[dreg:$0x4] =	wrdreg $0xC0  }
0xb1: {  	_ =	task [dreg:s8], $0x5FFFF  }
0xb2: {  	[dreg:$0x1] =	wrdreg $0xFFFFFFFF  }
0xb3: {  	[dreg:$0x0] =	wrdreg $0x60  }
0xb4: {  	[dreg:$0x2] =	wrdreg s17  }
0xb5: {  	[dreg:$0x3] =	wrdreg s16  }
0xb6: {  	[dreg:$0x4] =	wrdreg s24  }
0xb7: {  	[dreg:$0x5] =	wrdreg $0x9  }
0xb8: {  	_ =	task.clear_ibuf [dreg:s8], $0x6FFFF;
	_ =	strace $0x90000046  }
0xb9: {  	s29 =	simm.s32 $0x9;
	_ =	strace $0x80000048  }
0xba: {  	_ =	swait.ge [sflag:s29], $0x1  }
0xbb: {  	[sflag:s29] =	ssyncadd.s32 $0xFFFFFFFF  }
0xbc: {  	_ =	strace $0x90000048  }
0xbd: {  	_ =	sfence  }
0xbe: {  	s30 =	sld [smem:$0x0];
	_ =	sdelay $0x2  }
0xbf: {  	s31 =	sshll.u32 s1, $0xD;
	s1 =	sshrl.u32 s1, $0x2  }
0xc0: {  	s3 =	sand.u32 $0x4000, s31;
	s1 =	sadd.s32 s1, s30  }
0xc1: {  	s0 =	sor.u32 s3, s0;
	s1 =	sshll.u32 s1, $0x11  }
0xc2: {  	s0 =	sor.u32 s1, s0  }
0xc3: {  	s0 =	sadd.s32 $0x8F2B, s0  }
0xc4: {  	[sflag:s0] =	ssyncadd.remote.s32 $0x1  }
0xc5: {  	_ =	sfence.sel $0xFFFF  }
0xc6: {  	[dreg:$0x0] =	wrdreg $0xFFFFFFFF;
	(pc) =	sbr.abs _section_cstart, $3  }
0xc7: {  	[dreg:$0x1] =	wrdreg $0xFFFFFFFF  }
0xc8: {  	_ =	task.clear_ibuf [dreg:s8], $0x2FFFF;
	_ =	strace $0x9FFFFFFF  }
0xc9: {  	(tm) =	ssettm $0x7FFFFFFF  }
tec
execute0_lowered:
.L_overlay_start_1:
0x0: {  	(tag) =	ssettag $0x1  }
0x1: {  	s0 =	rddreg [dreg:$0x0]  }
0x2: {  	s2 =	rddreg [dreg:$0x1];
	s1 =	srdreg.scid  }
0x3: {  	s3 =	stileid.u32;
	s6 =	rddreg [dreg:$0x2]  }
0x4: {  	s10 =	simm.s32 $0x3;
	s11 =	simm.s32 $0x400;
	s12 =	simm.s32 $0x80  }
0x5: {  	s13 =	simm.s32 $0x800;
	s14 =	simm.s32 $0x1800;
	s16 =	simm.s32 $0x2800  }
0x6: {  	s18 =	simm.s32 $0x3800;
	s19 =	simm.s32 $0x1;
	s21 =	simm.s32 $0x4800  }
0x7: {  	s23 =	simm.s32 $0x5800;
	s25 =	simm.s32 $0x6800;
	s28 =	simm.s32 $0x7800  }
0x8: {  	s30 =	simm.s32 $0x2;
	s22 =	simm.s32 $0x780;
	s24 =	simm.s32 $0x9800  }
0x9: {  	s26 =	simm.s32 $0xB800;
	s1 =	sand.u32 $0x1, s1;
	s4 =	sshll.u32 s3, $0x1  }
0xa: {  	s9 =	simm.s32 $0x0;
	s3 =	simm.s32 $0x0;
	s5 =	sor.u32 s1, s4  }
0xb: {  	[smem:$0x7FF] =	sst s3;
	s1 =	ssub.s32 $0x2, s1;
	s7 =	smul.u32 $0x2300, s5  }
0xc: {  	s4 =	sadd.s32 $0x1A00, s6;
	_ =	strace $0x80000047;
	s8 =	sshrl.u32 s1, $0x1  }
0xd: {  	s5 =	smul.u32 $0x46, s5;
	s1 =	ssub.s32 s1, s8;
	s7 =	sadd.s32 s0, s7  }
0xe: {  	s8 =	sadd.s32 $0x1C00, s6;
	s31 =	smax.u32 s1, $0x1;
	[dreg:$0x4] =	wrdreg s7  }
0xf: {  	s1 =	simm.s32 $0x4;
	s7 =	sadd.s32 $0x80, s0;
	[dreg:$0x5] =	wrdreg s31  }
.LBB2_1:
0x10: {  	[dreg:$0x6] =	wrdreg s9  }
0x11: {  	s0 =	rddreg [dreg:$0x4];
	s29 =	simm.s32 $0x0  }
0x12: {  	[tilespmem:s3], [sflag:$0x3] =	stream.linear.gather [hbm4b:s0+s3], $0x400, $0x38;
	[tilespmem:$0xC800] =	vst v63  }
.LBB2_2:
0x13: {  	s31 =	sshll.u32 s29, $0x1  }
0x14: {  	_ =	swait.ge [sflag:s10], $0x400;
	s0 =	sadd.s32 s5, s31  }
0x15: {  	[sflag:s10] =	ssyncset.done $0x0;
	s6 =	sshll.u32 s0, $0x7  }
0x16: {  	[sflag:s10] =	ssyncadd.s32 $0xFFFFFC00;
	s6 =	sadd.s32 s6, s7  }
0x17: {  	[tilespmem:s11], [sflag:$0x4] =	stream.linear.gather [hbm4b:s6+s3], $0x400, $0x38;
	[tilespmem:$0xC800] =	vst v63  }
0x18: {  	_ = 	snop  }
0x19: {  	[tilespmem:s13], [sflag:$0x1] =	stream.indirect.gather [hbm4b:s2+s12], $0x20, s3, s12, $0xb8;
	[tilespmem:$0xC800] =	vst v63  }
0x1a: {  	_ = 	snop  }
0x1b: {  	[tilespmem:s14], [sflag:$0x1] =	stream.indirect.gather [hbm4b:s2+s12], $0x20, s12, s12, $0xb8;
	[tilespmem:$0xC800] =	vst v63  }
0x1c: {  	s17 =	simm.s32 $0x100  }
0x1d: {  	[tilespmem:s16], [sflag:$0x1] =	stream.indirect.gather [hbm4b:s2+s12], $0x20, s17, s12, $0xb8;
	[tilespmem:$0xC800] =	vst v63  }
0x1e: {  	s20 =	simm.s32 $0x180  }
0x1f: {  	[tilespmem:s18], [sflag:$0x1] =	stream.indirect.gather [hbm4b:s2+s12], $0x20, s20, s12, $0xb8;
	[tilespmem:$0xC800] =	vst v63  }
0x20: {  	_ =	swait.ge [sflag:s19], $0x1000  }
0x21: {  	[sflag:s19] =	ssyncset.done $0x0  }
0x22: {  	[sflag:s19] =	ssyncadd.s32 $0xFFFFF000  }
0x23: {  	_ =	swait.ge [sflag:s19], $0x1000  }
0x24: {  	[sflag:s19] =	ssyncset.done $0x0  }
0x25: {  	[sflag:s19] =	ssyncadd.s32 $0xFFFFF000  }
0x26: {  	_ =	swait.ge [sflag:s19], $0x1000  }
0x27: {  	[sflag:s19] =	ssyncset.done $0x0  }
0x28: {  	[sflag:s19] =	ssyncadd.s32 $0xFFFFF000  }
0x29: {  	_ =	swait.ge [sflag:s19], $0x1000  }
0x2a: {  	p0 =	seq.s32 s29, $0x0;
	[sflag:s19] =	ssyncset.done $0x0  }
0x2b: {  	s6 =	simm.s32 @!p0 $0x5;
	[sflag:s19] =	ssyncadd.s32 $0xFFFFF000  }
0x2c: {  	_ =	swait.ge @!p0 [sflag:s6], $0x1000  }
0x2d: {  	[sflag:s6] =	ssyncset.done @!p0 $0x0  }
0x2e: {  	s9 =	simm.s32 $0x200;
	[sflag:s6] =	ssyncadd.s32 @!p0 $0xFFFFF000  }
0x2f: {  	[tilespmem:s21], [sflag:$0x2] =	stream.indirect.gather [hbm4b:s2+s12], $0x20, s9, s12, $0xb8;
	[tilespmem:$0xC800] =	vst v63  }
0x30: {  	s15 =	simm.s32 $0x280  }
0x31: {  	[tilespmem:s23], [sflag:$0x2] =	stream.indirect.gather [hbm4b:s2+s12], $0x20, s15, s12, $0xb8;
	[tilespmem:$0xC800] =	vst v63  }
0x32: {  	s17 =	simm.s32 $0x300  }
0x33: {  	[tilespmem:s25], [sflag:$0x2] =	stream.indirect.gather [hbm4b:s2+s12], $0x20, s17, s12, $0xb8;
	[tilespmem:$0xC800] =	vst v63  }
0x34: {  	s20 =	simm.s32 $0x380;
	s17 =	simm.s32 $0x2800  }
0x35: {  	[tilespmem:s28], [sflag:$0x2] =	stream.indirect.gather [hbm4b:s2+s12], $0x20, s20, s12, $0xb8;
	[tilespmem:$0xC800] =	vst v63  }
0x36: {  	v0 =	vld [tilespmem:s17+$0xFFFFE180]  }
0x37: {  	v1 =	vld [tilespmem:s17+$0xFFFFF180]  }
0x38: {  	v2 =	vld [tilespmem:s17+$0x180]  }
0x39: {  	v3 =	vld [tilespmem:s17+$0x1180]  }
0x3a: {  	v4 =	vld [tilespmem:s17+$0xFFFFF000]  }
0x3b: {  	v5 =	vld [tilespmem:s17+$0x0]  }
0x3c: {  	v6 =	vld [tilespmem:s17+$0x1000]  }
0x3d: {  	v7 =	vld [tilespmem:s17+$0x1080]  }
0x3e: {  	v11 =	vld [tilespmem:s17+$0xFFFFE100]  }
0x3f: {  	s9 =	simm.s32 $0x2A00;
	v12 =	vld [tilespmem:s17+$0x1100]  }
0x40: {  	v59 =	vld [tilespmem:s9+$0xFFFFE180]  }
0x41: {  	v17 =	vld [tilespmem:s9+$0xFFFFF180]  }
0x42: {  	v18 =	vld [tilespmem:s9+$0x180]  }
0x43: {  	v19 =	vld [tilespmem:s9+$0x1180]  }
0x44: {  	v20 =	vld [tilespmem:s9+$0xFFFFF000]  }
0x45: {  	v21 =	vld [tilespmem:s9+$0x0]  }
0x46: {  	v22 =	vld [tilespmem:s9+$0x1000]  }
0x47: {  	v23 =	vld [tilespmem:s9+$0xFFFFE080]  }
0x48: {  	v24 =	vld [tilespmem:s9+$0xFFFFF080]  }
0x49: {  	v61 =	vld [tilespmem:s9+$0x80]  }
0x4a: {  	v62 =	vld [tilespmem:s9+$0x1080]  }
0x4b: {  	v63 =	vld [tilespmem:s9+$0xFFFFE100]  }
0x4c: {  	v25 =	vld [tilespmem:s9+$0xFFFFF100]  }
0x4d: {  	v30 =	vld [tilespmem:s9+$0x100]  }
0x4e: {  	v32 =	vld [tilespmem:s9+$0x1100];
	v0 =	vadd.f32 v1, v0;
	v1 =	vadd.f32 v3, v2  }
0x4f: {  	v33 =	vld [tilespmem:s9+$0xFFFFE000]  }
0x50: {  	v2 =	vld [tilespmem:s17+$0xFFFFE080];
	v0 =	vadd.f32 v1, v0  }
0x51: {  	s6 =	simm.s32 $0x8900;
	v3 =	vld [tilespmem:s17+$0xFFFFF080]  }
0x52: {  	v60 =	vadd.f32 v19, v18;
	v1 =	vld [tilespmem:s17+$0x80];
	[tilespmem:s6+$0x80] =	vst v0  }
0x53: {  	v23 =	vadd.f32 v24, v23;
	v18 =	vadd.f32 v62, v61;
	v0 =	vld [tilespmem:s17+$0xFFFFE190]  }
0x54: {  	v8 =	vld [tilespmem:s17+$0xFFFFF190]  }
0x55: {  	v18 =	vadd.f32 v18, v23;
	v9 =	vld [tilespmem:s17+$0x190]  }
0x56: {  	s15 =	simm.s32 $0x8B00;
	v10 =	vld [tilespmem:s17+$0x1190]  }
0x57: {  	[tilespmem:s15+$0xFFFFFF80] =	vst v18;
	v2 =	vadd.f32 v3, v2;
	v3 =	vld [tilespmem:s17+$0xFFFFF100]  }
0x58: {  	v34 =	vld [tilespmem:s9+$0xFFFFE090]  }
0x59: {  	v18 =	vld [tilespmem:s9+$0xFFFFF090];
	v1 =	vadd.f32 v7, v1  }
0x5a: {  	v35 =	vld [tilespmem:s9+$0x90]  }
0x5b: {  	v36 =	vld [tilespmem:s9+$0x1090];
	v1 =	vadd.f32 v1, v2  }
0x5c: {  	v7 =	vld [tilespmem:s17+$0xFFFFE000]  }
0x5d: {  	v2 =	vld [tilespmem:s17+$0x100];
	v0 =	vadd.f32 v8, v0;
	[tilespmem:s6+$0xFFFFFF80] =	vst v1;
	v1 =	vadd.f32 v10, v9  }
0x5e: {  	v8 =	vld [tilespmem:s17+$0xFFFFE090]  }
0x5f: {  	v38 =	vld [tilespmem:s17+$0xFFFFF090];
	v0 =	vadd.f32 v1, v0  }
0x60: {  	v5 =	vadd.f32 v6, v5;
	v6 =	vld [tilespmem:s17+$0x1090]  }
0x61: {  	v4 =	vadd.f32 v4, v7;
	v1 =	vld [tilespmem:s17+$0x90];
	[tilespmem:s6+$0x90] =	vst v0  }
0x62: {  	v0 =	vld [tilespmem:s17+$0xFFFFE1A0]  }
0x63: {  	v4 =	vadd.f32 v5, v4;
	v5 =	vld [tilespmem:s17+$0xFFFFF1A0]  }
0x64: {  	v7 =	vld [tilespmem:s17+$0x1A0]  }
0x65: {  	v3 =	vadd.f32 v3, v11;
	v2 =	vadd.f32 v12, v2;
	[tilespmem:s6+$0xFFFFFF00] =	vst v4;
	v4 =	vld [tilespmem:s17+$0x11A0]  }
0x66: {  	v12 =	vadd.f32 v17, v59;
	v39 =	vld [tilespmem:s17+$0xFFFFE010]  }
0x67: {  	v2 =	vadd.f32 v2, v3;
	v3 =	vld [tilespmem:s17+$0xFFFFF010]  }
0x68: {  	v12 =	vadd.f32 v60, v12;
	v40 =	vld [tilespmem:s17+$0x10]  }
0x69: {  	[tilespmem:s6+$0x0] =	vst v2;
	v2 =	vld [tilespmem:s17+$0x1010]  }
0x6a: {  	v1 =	vadd.f32 v6, v1;
	[tilespmem:s15+$0x80] =	vst v12;
	v6 =	vld [tilespmem:s17+$0xFFFFE110]  }
0x6b: {  	v12 =	vld [tilespmem:s9+$0xFFFFE190]  }
0x6c: {  	v8 =	vadd.f32 v38, v8;
	v26 =	vld [tilespmem:s9+$0xFFFFF190]  }
0x6d: {  	v28 =	vld [tilespmem:s9+$0x190]  }
0x6e: {  	v29 =	vld [tilespmem:s9+$0x1190];
	v1 =	vadd.f32 v1, v8  }
0x6f: {  	v0 =	vadd.f32 v5, v0;
	v4 =	vadd.f32 v4, v7;
	v5 =	vld [tilespmem:s17+$0xFFFFF110]  }
0x70: {  	v7 =	vld [tilespmem:s17+$0x110]  }
0x71: {  	[tilespmem:s6+$0xFFFFFF90] =	vst v1;
	v1 =	vld [tilespmem:s17+$0x1110];
	v0 =	vadd.f32 v4, v0  }
0x72: {  	v4 =	vld [tilespmem:s17+$0xFFFFE0A0]  }
0x73: {  	v3 =	vadd.f32 v3, v39;
	v2 =	vadd.f32 v2, v40;
	v42 =	vld [tilespmem:s17+$0xFFFFF0A0];
	[tilespmem:s6+$0xA0] =	vst v0  }
0x74: {  	v0 =	vld [tilespmem:s17+$0xFFFFE1B0]  }
0x75: {  	v2 =	vadd.f32 v2, v3;
	v3 =	vld [tilespmem:s17+$0xFFFFF1B0]  }
0x76: {  	v8 =	vld [tilespmem:s17+$0x1B0]  }
0x77: {  	v12 =	vadd.f32 v26, v12;
	v19 =	vadd.f32 v29, v28;
	[tilespmem:s6+$0xFFFFFF10] =	vst v2;
	v2 =	vld [tilespmem:s17+$0x11B0]  }
0x78: {  	v5 =	vadd.f32 v5, v6;
	v41 =	vld [tilespmem:s17+$0xFFFFE020]  }
0x79: {  	v37 =	vadd.f32 v19, v12;
	v1 =	vadd.f32 v1, v7;
	v6 =	vld [tilespmem:s17+$0xFFFFF020]  }
0x7a: {  	v7 =	vld [tilespmem:s17+$0x20]  }
0x7b: {  	[tilespmem:s15+$0x90] =	vst v37;
	v1 =	vadd.f32 v1, v5;
	v5 =	vld [tilespmem:s17+$0x1020]  }
0x7c: {  	v39 =	vld [tilespmem:s9+$0xFFFFE1A0]  }
0x7d: {  	v40 =	vld [tilespmem:s9+$0xFFFFF1A0]  }
0x7e: {  	v4 =	vadd.f32 v42, v4;
	v42 =	vld [tilespmem:s9+$0x11A0]  }
0x7f: {  	v0 =	vadd.f32 v3, v0;
	v3 =	vld [tilespmem:s17+$0xA0];
	v2 =	vadd.f32 v2, v8  }
0x80: {  	[tilespmem:s6+$0x10] =	vst v1;
	v1 =	vld [tilespmem:s17+$0x10A0]  }
0x81: {  	v8 =	vld [tilespmem:s17+$0xFFFFF120];
	v0 =	vadd.f32 v2, v0  }
0x82: {  	v44 =	vld [tilespmem:s17+$0x120]  }
0x83: {  	v6 =	vadd.f32 v6, v41;
	v2 =	vld [tilespmem:s17+$0xFFFFE120];
	v5 =	vadd.f32 v5, v7;
	[tilespmem:s6+$0xB0] =	vst v0  }
0x84: {  	v0 =	vld [tilespmem:s17+$0xFFFFE1C0]  }
0x85: {  	v5 =	vadd.f32 v5, v6;
	v7 =	vld [tilespmem:s17+$0xFFFFF1C0]  }
0x86: {  	v43 =	vld [tilespmem:s17+$0x1C0]  }
0x87: {  	v1 =	vadd.f32 v1, v3;
	v6 =	vld [tilespmem:s17+$0x11C0];
	[tilespmem:s6+$0xFFFFFF20] =	vst v5  }
0x88: {  	v5 =	vld [tilespmem:s17+$0xFFFFE030]  }
0x89: {  	v1 =	vadd.f32 v1, v4;
	v4 =	vld [tilespmem:s17+$0xFFFFF030]  }
0x8a: {  	v45 =	vld [tilespmem:s17+$0x30]  }
0x8b: {  	[tilespmem:s6+$0xFFFFFFA0] =	vst v1;
	v1 =	vld [tilespmem:s17+$0x1030]  }
0x8c: {  	v3 =	vld [tilespmem:s17+$0x1120];
	v0 =	vadd.f32 v7, v0;
	v6 =	vadd.f32 v6, v43  }
0x8d: {  	v41 =	vld [tilespmem:s9+$0x1A0]  }
0x8e: {  	v46 =	vld [tilespmem:s17+$0xB0];
	v0 =	vadd.f32 v6, v0  }
0x8f: {  	v7 =	vld [tilespmem:s17+$0xFFFFE0B0]  }
0x90: {  	v6 =	vld [tilespmem:s17+$0xFFFFF0B0];
	v4 =	vadd.f32 v4, v5;
	v1 =	vadd.f32 v1, v45;
	[tilespmem:s6+$0xC0] =	vst v0  }
0x91: {  	v0 =	vadd.f32 v8, v2;
	v2 =	vadd.f32 v3, v44;
	v3 =	vld [tilespmem:s17+$0xFFFFE1D0]  }
0x92: {  	v8 =	vld [tilespmem:s17+$0xFFFFF1D0];
	v1 =	vadd.f32 v1, v4  }
0x93: {  	v47 =	vld [tilespmem:s17+$0x11D0];
	v0 =	vadd.f32 v2, v0  }
0x94: {  	v2 =	vld [tilespmem:s17+$0x1D0];
	[tilespmem:s6+$0xFFFFFF30] =	vst v1  }
0x95: {  	[tilespmem:s6+$0x20] =	vst v0;
	v0 =	vld [tilespmem:s17+$0x10B0]  }
0x96: {  	v49 =	vld [tilespmem:s17+$0xFFFFF040]  }
0x97: {  	v6 =	vadd.f32 v6, v7;
	v7 =	vld [tilespmem:s17+$0x1040]  }
0x98: {  	v5 =	vld [tilespmem:s17+$0xFFFFE130]  }
0x99: {  	v4 =	vld [tilespmem:s17+$0xFFFFF130];
	v3 =	vadd.f32 v8, v3;
	v2 =	vadd.f32 v47, v2  }
0x9a: {  	v48 =	vld [tilespmem:s17+$0x130]  }
0x9b: {  	v1 =	vld [tilespmem:s17+$0x1130];
	v2 =	vadd.f32 v2, v3  }
0x9c: {  	v8 =	vld [tilespmem:s17+$0xFFFFE040]  }
0x9d: {  	v3 =	vld [tilespmem:s17+$0x40];
	v0 =	vadd.f32 v0, v46;
	[tilespmem:s6+$0xD0] =	vst v2  }
0x9e: {  	v2 =	vld [tilespmem:s17+$0xFFFFE1E0]  }
0x9f: {  	v0 =	vadd.f32 v0, v6;
	v6 =	vld [tilespmem:s17+$0xFFFFF1E0]  }
0xa0: {  	v50 =	vld [tilespmem:s17+$0x1E0]  }
0xa1: {  	v4 =	vadd.f32 v4, v5;
	[tilespmem:s6+$0xFFFFFFB0] =	vst v0;
	v0 =	vadd.f32 v1, v48;
	v1 =	vld [tilespmem:s17+$0x11E0]  }
0xa2: {  	v5 =	vld [tilespmem:s17+$0xFFFFE0C0]  }
0xa3: {  	v51 =	vld [tilespmem:s17+$0xC0];
	v0 =	vadd.f32 v0, v4  }
0xa4: {  	v8 =	vadd.f32 v49, v8;
	v3 =	vadd.f32 v7, v3;
	v4 =	vld [tilespmem:s17+$0xFFFFF0C0]  }
0xa5: {  	[tilespmem:s6+$0x30] =	vst v0;
	v0 =	vld [tilespmem:s17+$0x10C0]  }
0xa6: {  	v3 =	vadd.f32 v3, v8;
	v7 =	vld [tilespmem:s17+$0xFFFFE140]  }
0xa7: {  	v2 =	vadd.f32 v6, v2;
	v1 =	vadd.f32 v1, v50;
	v6 =	vld [tilespmem:s17+$0xFFFFF140]  }
0xa8: {  	v8 =	vld [tilespmem:s17+$0x140];
	[tilespmem:s6+$0xFFFFFF40] =	vst v3  }
0xa9: {  	v3 =	vld [tilespmem:s17+$0xFFFFE050];
	v1 =	vadd.f32 v1, v2  }
0xaa: {  	v2 =	vld [tilespmem:s17+$0x1140]  }
0xab: {  	v52 =	vld [tilespmem:s17+$0x50];
	v4 =	vadd.f32 v4, v5;
	[tilespmem:s6+$0xE0] =	vst v1;
	v5 =	vadd.f32 v0, v51  }
0xac: {  	v0 =	vld [tilespmem:s17+$0xFFFFE1F0]  }
0xad: {  	v1 =	vld [tilespmem:s17+$0xFFFFF1F0];
	v4 =	vadd.f32 v5, v4  }
0xae: {  	v5 =	vld [tilespmem:s17+$0xFFFFF050]  }
0xaf: {  	v6 =	vadd.f32 v6, v7;
	v2 =	vadd.f32 v2, v8;
	[tilespmem:s6+$0xFFFFFFC0] =	vst v4;
	v4 =	vld [tilespmem:s17+$0x1050]  }
0xb0: {  	v7 =	vld [tilespmem:s17+$0xFFFFE0D0]  }
0xb1: {  	v8 =	vld [tilespmem:s17+$0xFFFFF0D0];
	v6 =	vadd.f32 v2, v6  }
0xb2: {  	v53 =	vld [tilespmem:s17+$0xD0]  }
0xb3: {  	v54 =	vld [tilespmem:s17+$0x10D0];
	[tilespmem:s6+$0x40] =	vst v6  }
0xb4: {  	v3 =	vadd.f32 v5, v3;
	v5 =	vld [tilespmem:s17+$0xFFFFE150];
	v4 =	vadd.f32 v4, v52  }
0xb5: {  	v6 =	vld [tilespmem:s17+$0xFFFFF150]  }
0xb6: {  	v7 =	vadd.f32 v8, v7;
	v8 =	vld [tilespmem:s17+$0x1150];
	v3 =	vadd.f32 v4, v3  }
0xb7: {  	v4 =	vld [tilespmem:s17+$0x150]  }
0xb8: {  	v2 =	vld [tilespmem:s17+$0x1F0];
	[tilespmem:s6+$0xFFFFFF50] =	vst v3;
	v3 =	vadd.f32 v54, v53  }
0xb9: {  	v55 =	vld [tilespmem:s17+$0xFFFFE060]  }
0xba: {  	v56 =	vld [tilespmem:s17+$0xFFFFF060];
	v3 =	vadd.f32 v3, v7  }
0xbb: {  	v57 =	vld [tilespmem:s17+$0x1060]  }
0xbc: {  	v7 =	vld [tilespmem:s17+$0x60];
	v4 =	vadd.f32 v8, v4;
	[tilespmem:s6+$0xFFFFFFD0] =	vst v3;
	v3 =	vadd.f32 v6, v5  }
0xbd: {  	v5 =	vld [tilespmem:s17+$0xFFFFE0E0]  }
0xbe: {  	v6 =	vld [tilespmem:s17+$0xFFFFF0E0];
	v4 =	vadd.f32 v4, v3  }
0xbf: {  	v8 =	vld [tilespmem:s17+$0xE0]  }
0xc0: {  	v58 =	vld [tilespmem:s17+$0x10E0];
	[tilespmem:s6+$0x50] =	vst v4  }
0xc1: {  	v9 =	vadd.f32 v56, v55;
	v4 =	vadd.f32 v57, v7;
	v13 =	vld [tilespmem:s17+$0xFFFFE160]  }
0xc2: {  	v14 =	vld [tilespmem:s17+$0xFFFFF160]  }
0xc3: {  	v15 =	vld [tilespmem:s17+$0x160];
	v4 =	vadd.f32 v4, v9  }
0xc4: {  	v16 =	vld [tilespmem:s17+$0x1160]  }
0xc5: {  	v3 =	vld [tilespmem:s17+$0x11F0];
	v6 =	vadd.f32 v6, v5;
	v7 =	vadd.f32 v58, v8;
	[tilespmem:s6+$0xFFFFFF60] =	vst v4  }
0xc6: {  	v4 =	vld [tilespmem:s17+$0xFFFFE070]  }
0xc7: {  	v7 =	vadd.f32 v7, v6;
	v5 =	vld [tilespmem:s17+$0xFFFFF070]  }
0xc8: {  	v6 =	vld [tilespmem:s17+$0x70]  }
0xc9: {  	v8 =	vld [tilespmem:s17+$0x1070];
	[tilespmem:s6+$0xFFFFFFE0] =	vst v7;
	v13 =	vadd.f32 v14, v13;
	v31 =	vadd.f32 v16, v15  }
0xca: {  	v38 =	vadd.f32 v22, v21;
	v7 =	vld [tilespmem:s17+$0xFFFFE0F0]  }
0xcb: {  	v16 =	vadd.f32 v20, v33;
	v9 =	vld [tilespmem:s17+$0xFFFFF0F0];
	v13 =	vadd.f32 v31, v13  }
0xcc: {  	v10 =	vld [tilespmem:s17+$0xF0]  }
0xcd: {  	v11 =	vld [tilespmem:s17+$0x10F0];
	v16 =	vadd.f32 v38, v16;
	[tilespmem:s6+$0x60] =	vst v13  }
0xce: {  	v12 =	vld [tilespmem:s17+$0xFFFFE170]  }
0xcf: {  	v17 =	vadd.f32 v25, v63;
	v15 =	vadd.f32 v32, v30;
	[tilespmem:s15+$0xFFFFFF00] =	vst v16;
	v13 =	vld [tilespmem:s17+$0xFFFFF170]  }
0xd0: {  	v43 =	vld [tilespmem:s9+$0xFFFFE010]  }
0xd1: {  	v15 =	vadd.f32 v15, v17;
	v44 =	vld [tilespmem:s9+$0xFFFFF010]  }
0xd2: {  	v45 =	vld [tilespmem:s9+$0x10]  }
0xd3: {  	v46 =	vadd.f32 v36, v35;
	v14 =	vadd.f32 v18, v34;
	[tilespmem:s15+$0x0] =	vst v15;
	v47 =	vld [tilespmem:s9+$0x1010]  }
0xd4: {  	v19 =	vadd.f32 v40, v39;
	v48 =	vld [tilespmem:s9+$0xFFFFE110]  }
0xd5: {  	v14 =	vadd.f32 v46, v14;
	v16 =	vadd.f32 v42, v41;
	v49 =	vld [tilespmem:s9+$0xFFFFF110]  }
0xd6: {  	v50 =	vld [tilespmem:s9+$0x110]  }
0xd7: {  	[tilespmem:s15+$0xFFFFFF90] =	vst v14;
	v51 =	vld [tilespmem:s9+$0x1110];
	v16 =	vadd.f32 v16, v19  }
0xd8: {  	v52 =	vld [tilespmem:s9+$0xFFFFE0A0]  }
0xd9: {  	v60 =	vld [tilespmem:s9+$0xFFFFF0A0];
	[tilespmem:s15+$0xA0] =	vst v16  }
0xda: {  	v16 =	vld [tilespmem:s9+$0xFFFFE1B0]  }
0xdb: {  	v53 =	vld [tilespmem:s9+$0xFFFFF1B0];
	v17 =	vadd.f32 v44, v43;
	v18 =	vadd.f32 v47, v45  }
0xdc: {  	v54 =	vld [tilespmem:s9+$0x1B0]  }
0xdd: {  	v55 =	vld [tilespmem:s9+$0x11B0];
	v17 =	vadd.f32 v18, v17  }
0xde: {  	v61 =	vld [tilespmem:s9+$0xA0]  }
0xdf: {  	v62 =	vld [tilespmem:s9+$0x10A0];
	v15 =	vadd.f32 v49, v48;
	v14 =	vadd.f32 v51, v50;
	[tilespmem:s15+$0xFFFFFF10] =	vst v17  }
0xe0: {  	v56 =	vld [tilespmem:s9+$0xFFFFE020]  }
0xe1: {  	v14 =	vadd.f32 v14, v15;
	v57 =	vld [tilespmem:s9+$0xFFFFF020]  }
0xe2: {  	v16 =	vadd.f32 v53, v16;
	v17 =	vadd.f32 v55, v54;
	v58 =	vld [tilespmem:s9+$0x20]  }
0xe3: {  	[tilespmem:s15+$0x10] =	vst v14;
	v59 =	vld [tilespmem:s9+$0x1020]  }
0xe4: {  	v63 =	vld [tilespmem:s9+$0xFFFFE120];
	v16 =	vadd.f32 v17, v16  }
0xe5: {  	v28 =	vld [tilespmem:s9+$0xFFFFF120]  }
0xe6: {  	v32 =	vld [tilespmem:s9+$0x120];
	[tilespmem:s15+$0xB0] =	vst v16  }
0xe7: {  	v19 =	vadd.f32 v60, v52;
	v14 =	vadd.f32 v62, v61;
	v16 =	vld [tilespmem:s9+$0xFFFFE1C0]  }
0xe8: {  	v29 =	vld [tilespmem:s9+$0xFFFFF1C0]  }
0xe9: {  	v14 =	vadd.f32 v14, v19;
	v30 =	vld [tilespmem:s9+$0x1C0]  }
0xea: {  	v31 =	vld [tilespmem:s9+$0x11C0]  }
0xeb: {  	v33 =	vld [tilespmem:s9+$0x1120];
	[tilespmem:s15+$0xFFFFFFA0] =	vst v14;
	v20 =	vadd.f32 v57, v56;
	v15 =	vadd.f32 v59, v58  }
0xec: {  	v38 =	vld [tilespmem:s9+$0xFFFFE0B0]  }
0xed: {  	v39 =	vld [tilespmem:s9+$0xFFFFF0B0];
	v15 =	vadd.f32 v15, v20  }
0xee: {  	v40 =	vld [tilespmem:s9+$0xB0]  }
0xef: {  	v46 =	vld [tilespmem:s9+$0x10B0];
	[tilespmem:s15+$0xFFFFFF20] =	vst v15;
	v16 =	vadd.f32 v29, v16;
	v20 =	vadd.f32 v31, v30  }
0xf0: {  	v34 =	vld [tilespmem:s9+$0xFFFFE030]  }
0xf1: {  	v35 =	vld [tilespmem:s9+$0xFFFFF030];
	v16 =	vadd.f32 v20, v16  }
0xf2: {  	v36 =	vld [tilespmem:s9+$0x30]  }
0xf3: {  	v41 =	vadd.f32 v28, v63;
	v15 =	vadd.f32 v33, v32;
	v37 =	vld [tilespmem:s9+$0x1030];
	[tilespmem:s15+$0xC0] =	vst v16  }
0xf4: {  	v42 =	vld [tilespmem:s9+$0xFFFFE1D0]  }
0xf5: {  	v15 =	vadd.f32 v15, v41;
	v43 =	vld [tilespmem:s9+$0xFFFFF1D0]  }
0xf6: {  	v44 =	vld [tilespmem:s9+$0x1D0]  }
0xf7: {  	v20 =	vadd.f32 v39, v38;
	[tilespmem:s15+$0x20] =	vst v15;
	v15 =	vadd.f32 v46, v40;
	v45 =	vld [tilespmem:s9+$0x11D0]  }
0xf8: {  	v47 =	vld [tilespmem:s9+$0xFFFFE130]  }
0xf9: {  	v48 =	vld [tilespmem:s9+$0xFFFFF130];
	v15 =	vadd.f32 v15, v20  }
0xfa: {  	v49 =	vld [tilespmem:s9+$0x130]  }
0xfb: {  	v50 =	vld [tilespmem:s9+$0x1130];
	[tilespmem:s15+$0xFFFFFFB0] =	vst v15  }
0xfc: {  	v18 =	vadd.f32 v35, v34;
	v14 =	vadd.f32 v37, v36;
	v58 =	vld [tilespmem:s9+$0xFFFFE0C0]  }
0xfd: {  	v59 =	vld [tilespmem:s9+$0xFFFFF0C0]  }
0xfe: {  	v14 =	vadd.f32 v14, v18;
	v60 =	vld [tilespmem:s9+$0xC0]  }
0xff: {  	v61 =	vld [tilespmem:s9+$0x10C0]  }
0x100: {  	[tilespmem:s15+$0xFFFFFF30] =	vst v14;
	v17 =	vadd.f32 v43, v42;
	v16 =	vadd.f32 v45, v44;
	v45 =	vld [tilespmem:s17+$0x170]  }
0x101: {  	v51 =	vld [tilespmem:s9+$0xFFFFE040]  }
0x102: {  	v52 =	vld [tilespmem:s9+$0xFFFFF040];
	v16 =	vadd.f32 v16, v17  }
0x103: {  	v53 =	vld [tilespmem:s9+$0x40]  }
0x104: {  	v18 =	vadd.f32 v48, v47;
	v14 =	vadd.f32 v50, v49;
	v54 =	vld [tilespmem:s9+$0x1040];
	[tilespmem:s15+$0xD0] =	vst v16  }
0x105: {  	v16 =	vld [tilespmem:s9+$0xFFFFE1E0]  }
0x106: {  	v14 =	vadd.f32 v14, v18;
	v55 =	vld [tilespmem:s9+$0xFFFFF1E0]  }
0x107: {  	v56 =	vld [tilespmem:s9+$0x1E0]  }
0x108: {  	[tilespmem:s15+$0x30] =	vst v14;
	v18 =	vadd.f32 v59, v58;
	v14 =	vadd.f32 v61, v60;
	v57 =	vld [tilespmem:s9+$0x11E0]  }
0x109: {  	v62 =	vld [tilespmem:s9+$0xFFFFE140]  }
0x10a: {  	v63 =	vld [tilespmem:s9+$0xFFFFF140];
	v14 =	vadd.f32 v14, v18  }
0x10b: {  	v28 =	vld [tilespmem:s9+$0x140];
	v21 =	vadd.f32 v52, v51;
	v17 =	vadd.f32 v54, v53  }
0x10c: {  	v29 =	vld [tilespmem:s9+$0x1140];
	[tilespmem:s15+$0xFFFFFFC0] =	vst v14  }
0x10d: {  	v17 =	vadd.f32 v17, v21;
	v37 =	vld [tilespmem:s9+$0xFFFFE0D0]  }
0x10e: {  	v38 =	vld [tilespmem:s9+$0xFFFFF0D0]  }
0x10f: {  	v39 =	vld [tilespmem:s9+$0xD0];
	[tilespmem:s15+$0xFFFFFF40] =	vst v17  }
0x110: {  	v16 =	vadd.f32 v55, v16;
	v15 =	vadd.f32 v57, v56;
	v17 =	vld [tilespmem:s9+$0xFFFFE050]  }
0x111: {  	v33 =	vld [tilespmem:s9+$0xFFFFF050]  }
0x112: {  	v34 =	vld [tilespmem:s9+$0x50];
	v15 =	vadd.f32 v15, v16  }
0x113: {  	v20 =	vadd.f32 v63, v62;
	v35 =	vadd.f32 v29, v28;
	v36 =	vld [tilespmem:s9+$0x1050]  }
0x114: {  	v40 =	vld [tilespmem:s9+$0x10D0];
	[tilespmem:s15+$0xE0] =	vst v15  }
0x115: {  	v14 =	vadd.f32 v35, v20;
	v15 =	vld [tilespmem:s9+$0xFFFFE1F0]  }
0x116: {  	v30 =	vld [tilespmem:s9+$0xFFFFF1F0]  }
0x117: {  	[tilespmem:s15+$0x40] =	vst v14;
	v31 =	vld [tilespmem:s9+$0x1F0]  }
0x118: {  	v41 =	vld [tilespmem:s9+$0xFFFFE150];
	v17 =	vadd.f32 v33, v17;
	v16 =	vadd.f32 v36, v34  }
0x119: {  	v42 =	vld [tilespmem:s9+$0xFFFFF150]  }
0x11a: {  	v43 =	vld [tilespmem:s9+$0x150];
	v16 =	vadd.f32 v16, v17  }
0x11b: {  	v44 =	vld [tilespmem:s9+$0x1150]  }
0x11c: {  	v20 =	vadd.f32 v38, v37;
	v14 =	vadd.f32 v40, v39;
	v32 =	vld [tilespmem:s9+$0x11F0];
	[tilespmem:s15+$0xFFFFFF50] =	vst v16  }
0x11d: {  	v46 =	vld [tilespmem:s9+$0xFFFFE060]  }
0x11e: {  	v14 =	vadd.f32 v14, v20;
	v47 =	vld [tilespmem:s9+$0xFFFFF060]  }
0x11f: {  	v48 =	vld [tilespmem:s9+$0x60]  }
0x120: {  	[tilespmem:s15+$0xFFFFFFD0] =	vst v14;
	v18 =	vadd.f32 v42, v41;
	v50 =	vadd.f32 v44, v43;
	v49 =	vld [tilespmem:s9+$0x1060]  }
0x121: {  	v51 =	vld [tilespmem:s9+$0xFFFFE0E0]  }
0x122: {  	v52 =	vld [tilespmem:s9+$0xFFFFF0E0];
	v14 =	vadd.f32 v50, v18  }
0x123: {  	v53 =	vld [tilespmem:s9+$0xE0]  }
0x124: {  	v0 =	vadd.f32 v1, v0;
	v2 =	vadd.f32 v3, v2;
	v1 =	vld [tilespmem:s9+$0x10E0];
	[tilespmem:s15+$0x50] =	vst v14  }
0x125: {  	v55 =	vld [tilespmem:s9+$0xFFFFE160];
	v54 =	vadd.f32 v47, v46;
	v20 =	vadd.f32 v49, v48  }
0x126: {  	v0 =	vadd.f32 v2, v0;
	v3 =	vadd.f32 v5, v4;
	v4 =	vld [tilespmem:s9+$0xFFFFF160]  }
0x127: {  	v5 =	vadd.f32 v8, v6;
	v8 =	vld [tilespmem:s9+$0x160];
	v6 =	vadd.f32 v20, v54  }
0x128: {  	v7 =	vadd.f32 v9, v7;
	v56 =	vadd.f32 v11, v10;
	v57 =	vld [tilespmem:s9+$0x1160]  }
0x129: {  	v58 =	vadd.f32 v52, v51;
	v1 =	vadd.f32 v1, v53;
	[tilespmem:s15+$0xFFFFFF60] =	vst v6;
	v6 =	vld [tilespmem:s17+$0x1170]  }
0x12a: {  	v2 =	vadd.f32 v5, v3;
	v62 =	vadd.f32 v13, v12;
	v59 =	vld [tilespmem:s9+$0xFFFFE070]  }
0x12b: {  	v5 =	vadd.f32 v56, v7;
	v3 =	vadd.f32 v1, v58;
	v7 =	vld [tilespmem:s9+$0xFFFFF070]  }
0x12c: {  	[tilespmem:s6+$0xF0] =	vst v0;
	v0 =	vadd.f32 v30, v15;
	v60 =	vadd.f32 v32, v31;
	v1 =	vld [tilespmem:s9+$0x70]  }
0x12d: {  	[tilespmem:s15+$0xFFFFFFE0] =	vst v3;
	v61 =	vadd.f32 v4, v55;
	v8 =	vadd.f32 v57, v8;
	v3 =	vld [tilespmem:s9+$0x1070]  }
0x12e: {  	[tilespmem:s6+$0xFFFFFF70] =	vst v2;
	v0 =	vadd.f32 v60, v0;
	v2 =	vld [tilespmem:s9+$0xFFFFE0F0];
	v63 =	vadd.f32 v6, v45  }
0x12f: {  	[tilespmem:s6+$0xFFFFFFF0] =	vst v5;
	v4 =	vld [tilespmem:s9+$0xFFFFF0F0];
	v8 =	vadd.f32 v8, v61  }
0x130: {  	[tilespmem:s15+$0xF0] =	vst v0;
	v5 =	vld [tilespmem:s9+$0xF0];
	v6 =	vadd.f32 v7, v59;
	v7 =	vadd.f32 v63, v62  }
0x131: {  	s20 =	simm.s32 $0x2C00;
	v0 =	vld [tilespmem:s9+$0x10F0];
	s17 =	simm.s32 $0x4;
	[tilespmem:s15+$0x60] =	vst v8  }
.LBB2_3:
0x132: {  	v8 =	vld [tilespmem:s20+$0xFFFFE180];
	v1 =	vadd.f32 v3, v1;
	[tilespmem:s6+$0x70] =	vst v7;
	s6 =	smov.u32 s15  }
0x133: {  	v3 =	vld [tilespmem:s20+$0xFFFFF180]  }
0x134: {  	v7 =	vld [tilespmem:s20+$0x180];
	v1 =	vadd.f32 v1, v6;
	v2 =	vadd.f32 v4, v2  }
0x135: {  	v4 =	vld [tilespmem:s20+$0x1180]  }
0x136: {  	v6 =	vld [tilespmem:s20+$0xFFFFF000];
	[tilespmem:s15+$0xFFFFFF70] =	vst v1;
	v0 =	vadd.f32 v0, v5  }
0x137: {  	v1 =	vld [tilespmem:s20+$0x0]  }
0x138: {  	v5 =	vld [tilespmem:s20+$0x1000];
	v0 =	vadd.f32 v0, v2  }
0x139: {  	v2 =	vld [tilespmem:s20+$0xFFFFE080]  }
0x13a: {  	v3 =	vadd.f32 v3, v8;
	v9 =	vld [tilespmem:s20+$0xFFFFF080];
	v4 =	vadd.f32 v4, v7;
	[tilespmem:s15+$0xFFFFFFF0] =	vst v0  }
0x13b: {  	v0 =	vld [tilespmem:s20+$0x80]  }
0x13c: {  	v7 =	vld [tilespmem:s20+$0x1080];
	v3 =	vadd.f32 v4, v3  }
0x13d: {  	s15 =	sadd.s32 $0x200, s15;
	v1 =	vadd.f32 v5, v1;
	v4 =	vld [tilespmem:s20+$0xFFFFE100]  }
0x13e: {  	v5 =	vld [tilespmem:s20+$0xFFFFF100];
	[tilespmem:s15+$0x80] =	vst v3  }
0x13f: {  	v2 =	vadd.f32 v9, v2;
	v3 =	vld [tilespmem:s20+$0xFFFFE190]  }
0x140: {  	v8 =	vld [tilespmem:s20+$0xFFFFF190]  }
0x141: {  	v0 =	vadd.f32 v7, v0;
	v7 =	vld [tilespmem:s20+$0x190]  }
0x142: {  	v9 =	vld [tilespmem:s20+$0x1190]  }
0x143: {  	v0 =	vadd.f32 v0, v2;
	v2 =	vadd.f32 v5, v4;
	v4 =	vld [tilespmem:s20+$0x100]  }
0x144: {  	v5 =	vld [tilespmem:s20+$0x1100]  }
0x145: {  	v10 =	vld [tilespmem:s20+$0xFFFFE000];
	[tilespmem:s15+$0xFFFFFF80] =	vst v0  }
0x146: {  	v0 =	vld [tilespmem:s20+$0xFFFFE090]  }
0x147: {  	v3 =	vadd.f32 v8, v3;
	v11 =	vld [tilespmem:s20+$0xFFFFF090];
	v7 =	vadd.f32 v9, v7  }
0x148: {  	v8 =	vld [tilespmem:s20+$0x90]  }
0x149: {  	v9 =	vld [tilespmem:s20+$0x1090];
	v4 =	vadd.f32 v5, v4;
	v3 =	vadd.f32 v7, v3  }
0x14a: {  	s17 =	sadd.s32 $0x4, s17;
	v5 =	vadd.f32 v6, v10;
	v6 =	vld [tilespmem:s9+$0xFFFFE170]  }
0x14b: {  	p1 =	slt.u32 s17, $0x1C;
	v2 =	vadd.f32 v4, v2;
	[tilespmem:s15+$0x90] =	vst v3;
	v3 =	vld [tilespmem:s9+$0xFFFFF170]  }
0x14c: {  	v1 =	vadd.f32 v1, v5;
	v0 =	vadd.f32 v11, v0;
	v4 =	vld [tilespmem:s20+$0xFFFFE1A0]  }
0x14d: {  	[tilespmem:s15+$0x0] =	vst v2;
	v2 =	vld [tilespmem:s20+$0xFFFFF1A0]  }
0x14e: {  	[tilespmem:s15+$0xFFFFFF00] =	vst v1;
	v1 =	vadd.f32 v9, v8;
	v5 =	vld [tilespmem:s20+$0x1A0]  }
0x14f: {  	v7 =	vld [tilespmem:s20+$0x11A0]  }
0x150: {  	v8 =	vld [tilespmem:s20+$0xFFFFE010];
	v1 =	vadd.f32 v1, v0;
	v0 =	vadd.f32 v3, v6  }
0x151: {  	v3 =	vld [tilespmem:s20+$0xFFFFF010]  }
0x152: {  	v6 =	vld [tilespmem:s20+$0x10];
	[tilespmem:s15+$0xFFFFFF90] =	vst v1  }
0x153: {  	v1 =	vld [tilespmem:s20+$0x1010]  }
0x154: {  	v2 =	vadd.f32 v2, v4;
	v9 =	vld [tilespmem:s20+$0xFFFFE110];
	v4 =	vadd.f32 v7, v5  }
0x155: {  	v5 =	vld [tilespmem:s20+$0xFFFFF110]  }
0x156: {  	v3 =	vadd.f32 v3, v8;
	v7 =	vld [tilespmem:s20+$0x110];
	v2 =	vadd.f32 v4, v2  }
0x157: {  	v4 =	vld [tilespmem:s20+$0x1110]  }
0x158: {  	v1 =	vadd.f32 v1, v6;
	v6 =	vld [tilespmem:s20+$0xFFFFE0A0];
	[tilespmem:s15+$0xA0] =	vst v2  }
0x159: {  	v2 =	vld [tilespmem:s20+$0xFFFFE1B0]  }
0x15a: {  	v1 =	vadd.f32 v1, v3;
	v3 =	vadd.f32 v5, v9;
	v5 =	vld [tilespmem:s20+$0xFFFFF1B0]  }
0x15b: {  	v8 =	vld [tilespmem:s20+$0x1B0]  }
0x15c: {  	[tilespmem:s15+$0xFFFFFF10] =	vst v1;
	v1 =	vadd.f32 v4, v7;
	v4 =	vld [tilespmem:s20+$0x11B0]  }
0x15d: {  	v7 =	vld [tilespmem:s20+$0xFFFFE020]  }
0x15e: {  	v9 =	vld [tilespmem:s20+$0xFFFFF020];
	v1 =	vadd.f32 v1, v3  }
0x15f: {  	v3 =	vld [tilespmem:s20+$0x20]  }
0x160: {  	v10 =	vld [tilespmem:s20+$0x1020];
	[tilespmem:s15+$0x10] =	vst v1  }
0x161: {  	v2 =	vadd.f32 v5, v2;
	v1 =	vld [tilespmem:s20+$0xFFFFF0A0];
	v4 =	vadd.f32 v4, v8  }
0x162: {  	v5 =	vld [tilespmem:s20+$0xA0]  }
0x163: {  	v7 =	vadd.f32 v9, v7;
	v8 =	vld [tilespmem:s20+$0x10A0];
	v2 =	vadd.f32 v4, v2  }
0x164: {  	v4 =	vld [tilespmem:s20+$0xFFFFE120]  }
0x165: {  	v3 =	vadd.f32 v10, v3;
	v9 =	vld [tilespmem:s20+$0xFFFFF120];
	[tilespmem:s15+$0xB0] =	vst v2  }
0x166: {  	v1 =	vadd.f32 v1, v6;
	v2 =	vld [tilespmem:s20+$0xFFFFE1C0]  }
0x167: {  	v3 =	vadd.f32 v3, v7;
	v6 =	vld [tilespmem:s20+$0xFFFFF1C0]  }
0x168: {  	v5 =	vadd.f32 v8, v5;
	v7 =	vld [tilespmem:s20+$0x1C0]  }
0x169: {  	[tilespmem:s15+$0xFFFFFF20] =	vst v3;
	v3 =	vld [tilespmem:s20+$0x11C0]  }
0x16a: {  	v1 =	vadd.f32 v5, v1;
	v4 =	vadd.f32 v9, v4;
	v5 =	vld [tilespmem:s20+$0x120]  }
0x16b: {  	v8 =	vld [tilespmem:s20+$0x1120]  }
0x16c: {  	v9 =	vld [tilespmem:s20+$0xFFFFE030];
	[tilespmem:s15+$0xFFFFFFA0] =	vst v1  }
0x16d: {  	v1 =	vld [tilespmem:s20+$0xFFFFF030]  }
0x16e: {  	v2 =	vadd.f32 v6, v2;
	v10 =	vld [tilespmem:s20+$0x30];
	v3 =	vadd.f32 v3, v7  }
0x16f: {  	v6 =	vld [tilespmem:s20+$0x1030]  }
0x170: {  	v7 =	vld [tilespmem:s20+$0xFFFFE0B0];
	v5 =	vadd.f32 v8, v5;
	v2 =	vadd.f32 v3, v2  }
0x171: {  	v3 =	vld [tilespmem:s20+$0xFFFFF0B0]  }
0x172: {  	v1 =	vadd.f32 v1, v9;
	v8 =	vld [tilespmem:s20+$0xB0];
	v4 =	vadd.f32 v5, v4;
	[tilespmem:s15+$0xC0] =	vst v2  }
0x173: {  	v2 =	vld [tilespmem:s20+$0xFFFFE1D0]  }
0x174: {  	v5 =	vadd.f32 v6, v10;
	[tilespmem:s15+$0x20] =	vst v4;
	v4 =	vld [tilespmem:s20+$0xFFFFF1D0]  }
0x175: {  	v6 =	vld [tilespmem:s20+$0x1D0]  }
0x176: {  	v1 =	vadd.f32 v5, v1;
	v3 =	vadd.f32 v3, v7;
	v5 =	vld [tilespmem:s20+$0x11D0]  }
0x177: {  	v7 =	vld [tilespmem:s20+$0x10B0]  }
0x178: {  	[tilespmem:s15+$0xFFFFFF30] =	vst v1;
	v1 =	vld [tilespmem:s20+$0xFFFFE130]  }
0x179: {  	v9 =	vld [tilespmem:s20+$0xFFFFF130]  }
0x17a: {  	v10 =	vld [tilespmem:s20+$0x130]  }
0x17b: {  	v2 =	vadd.f32 v4, v2;
	v11 =	vld [tilespmem:s20+$0x1130];
	v4 =	vadd.f32 v5, v6  }
0x17c: {  	v5 =	vld [tilespmem:s20+$0xFFFFE040];
	v6 =	vadd.f32 v7, v8  }
0x17d: {  	v7 =	vld [tilespmem:s20+$0xFFFFF040];
	v2 =	vadd.f32 v4, v2  }
0x17e: {  	v4 =	vld [tilespmem:s20+$0x40];
	v3 =	vadd.f32 v6, v3;
	v1 =	vadd.f32 v9, v1  }
0x17f: {  	v6 =	vld [tilespmem:s20+$0x1040];
	[tilespmem:s15+$0xD0] =	vst v2  }
0x180: {  	[tilespmem:s15+$0xFFFFFFB0] =	vst v3;
	v2 =	vadd.f32 v11, v10;
	v3 =	vld [tilespmem:s20+$0xFFFFE1E0]  }
0x181: {  	v8 =	vld [tilespmem:s20+$0xFFFFF1E0]  }
0x182: {  	v5 =	vadd.f32 v7, v5;
	v1 =	vadd.f32 v2, v1;
	v2 =	vld [tilespmem:s20+$0x1E0]  }
0x183: {  	v7 =	vld [tilespmem:s20+$0x11E0]  }
0x184: {  	v4 =	vadd.f32 v6, v4;
	v6 =	vld [tilespmem:s20+$0xFFFFE0C0];
	[tilespmem:s15+$0x30] =	vst v1  }
0x185: {  	v1 =	vld [tilespmem:s20+$0xFFFFF0C0]  }
0x186: {  	v4 =	vadd.f32 v4, v5;
	v5 =	vld [tilespmem:s20+$0xC0]  }
0x187: {  	v9 =	vld [tilespmem:s20+$0x10C0]  }
0x188: {  	v3 =	vadd.f32 v8, v3;
	[tilespmem:s15+$0xFFFFFF40] =	vst v4;
	v4 =	vld [tilespmem:s20+$0xFFFFE140];
	v2 =	vadd.f32 v7, v2  }
0x189: {  	v7 =	vld [tilespmem:s20+$0xFFFFF140]  }
0x18a: {  	v1 =	vadd.f32 v1, v6;
	v6 =	vld [tilespmem:s20+$0x140];
	v2 =	vadd.f32 v2, v3  }
0x18b: {  	v3 =	vld [tilespmem:s20+$0x1140]  }
0x18c: {  	v8 =	vld [tilespmem:s20+$0xFFFFE050];
	v5 =	vadd.f32 v9, v5;
	[tilespmem:s15+$0xE0] =	vst v2  }
0x18d: {  	v2 =	vld [tilespmem:s20+$0xFFFFE1F0]  }
0x18e: {  	v1 =	vadd.f32 v5, v1;
	v4 =	vadd.f32 v7, v4;
	v5 =	vld [tilespmem:s20+$0xFFFFF1F0]  }
0x18f: {  	v7 =	vld [tilespmem:s20+$0x1F0]  }
0x190: {  	[tilespmem:s15+$0xFFFFFFC0] =	vst v1;
	v1 =	vadd.f32 v3, v6;
	v3 =	vld [tilespmem:s20+$0x11F0]  }
0x191: {  	v6 =	vld [tilespmem:s20+$0xFFFFF050]  }
0x192: {  	v9 =	vld [tilespmem:s20+$0x50];
	v1 =	vadd.f32 v1, v4  }
0x193: {  	v4 =	vld [tilespmem:s20+$0x1050]  }
0x194: {  	v10 =	vld [tilespmem:s20+$0xFFFFE0D0];
	[tilespmem:s15+$0x40] =	vst v1  }
0x195: {  	v2 =	vadd.f32 v5, v2;
	v1 =	vld [tilespmem:s20+$0xFFFFF0D0];
	v3 =	vadd.f32 v3, v7  }
0x196: {  	v5 =	vadd.f32 v6, v8;
	v6 =	vld [tilespmem:s20+$0xD0]  }
0x197: {  	v7 =	vld [tilespmem:s20+$0x10D0];
	v2 =	vadd.f32 v3, v2  }
0x198: {  	v3 =	vadd.f32 v4, v9;
	v4 =	vld [tilespmem:s20+$0xFFFFE150]  }
0x199: {  	v8 =	vld [tilespmem:s20+$0xFFFFF150];
	[tilespmem:s15+$0xF0] =	vst v2  }
0x19a: {  	v2 =	vadd.f32 v3, v5;
	v1 =	vadd.f32 v1, v10;
	v3 =	vld [tilespmem:s20+$0x150]  }
0x19b: {  	v5 =	vld [tilespmem:s20+$0x1150]  }
0x19c: {  	[tilespmem:s15+$0xFFFFFF50] =	vst v2;
	v2 =	vadd.f32 v7, v6;
	v6 =	vld [tilespmem:s9+$0x170]  }
0x19d: {  	v7 =	vld [tilespmem:s20+$0xFFFFE060]  }
0x19e: {  	v9 =	vld [tilespmem:s20+$0xFFFFF060];
	v1 =	vadd.f32 v2, v1;
	v2 =	vadd.f32 v8, v4  }
0x19f: {  	v4 =	vld [tilespmem:s20+$0x60]  }
0x1a0: {  	v8 =	vld [tilespmem:s20+$0x1060];
	[tilespmem:s15+$0xFFFFFFD0] =	vst v1;
	v1 =	vadd.f32 v5, v3  }
0x1a1: {  	v3 =	vld [tilespmem:s20+$0xFFFFE0E0]  }
0x1a2: {  	v5 =	vld [tilespmem:s20+$0xFFFFF0E0];
	v1 =	vadd.f32 v1, v2  }
0x1a3: {  	v2 =	vadd.f32 v9, v7;
	v7 =	vld [tilespmem:s20+$0xE0]  }
0x1a4: {  	v9 =	vld [tilespmem:s20+$0x10E0];
	[tilespmem:s15+$0x50] =	vst v1  }
0x1a5: {  	v1 =	vadd.f32 v8, v4;
	v4 =	vld [tilespmem:s20+$0xFFFFE160]  }
0x1a6: {  	v8 =	vld [tilespmem:s20+$0xFFFFF160]  }
0x1a7: {  	v1 =	vadd.f32 v1, v2;
	v2 =	vadd.f32 v5, v3;
	v5 =	vld [tilespmem:s20+$0x160]  }
0x1a8: {  	v10 =	vld [tilespmem:s20+$0x1160]  }
0x1a9: {  	[tilespmem:s15+$0xFFFFFF60] =	vst v1;
	v1 =	vadd.f32 v9, v7;
	v7 =	vld [tilespmem:s9+$0x1170];
	s9 =	smov.u32 s20  }
0x1aa: {  	v9 =	vld [tilespmem:s20+$0xFFFFE070]  }
0x1ab: {  	v11 =	vld [tilespmem:s20+$0xFFFFF070];
	v2 =	vadd.f32 v1, v2;
	v8 =	vadd.f32 v8, v4  }
0x1ac: {  	v1 =	vld [tilespmem:s20+$0x70]  }
.Ltmp0:
0x1ad: {  	v3 =	vld [tilespmem:s20+$0x1070];
	[tilespmem:s15+$0xFFFFFFE0] =	vst v2;
	v5 =	vadd.f32 v10, v5;
	(pc) =	sbr.rel @p1 .LBB2_3-.Ltmp0, $4  }
0x1ae: {  	v2 =	vld [tilespmem:s20+$0xFFFFE0F0];
	v7 =	vadd.f32 v7, v6  }
0x1af: {  	v4 =	vld [tilespmem:s20+$0xFFFFF0F0];
	v8 =	vadd.f32 v5, v8  }
0x1b0: {  	v6 =	vadd.f32 v11, v9;
	v5 =	vld [tilespmem:s20+$0xF0];
	v7 =	vadd.f32 v7, v0  }
0x1b1: {  	s20 =	sadd.s32 $0x200, s20;
	v0 =	vld [tilespmem:s9+$0x10F0];
	[tilespmem:s15+$0x60] =	vst v8  }
0x1b2: {  	v8 =	vld [tilespmem:s9+$0xFFFFE170]  }
0x1b3: {  	v9 =	vld [tilespmem:s9+$0xFFFFF170]  }
0x1b4: {  	v10 =	vld [tilespmem:s9+$0x170]  }
0x1b5: {  	v11 =	vld [tilespmem:s9+$0x1170]  }
0x1b6: {  	v1 =	vadd.f32 v3, v1;
	_ =	sdelay $0x1  }
0x1b7: {  	v1 =	vadd.f32 v1, v6  }
0x1b8: {  	v2 =	vadd.f32 v4, v2;
	v0 =	vadd.f32 v0, v5  }
0x1b9: {  	v3 =	vadd.f32 v9, v8;
	v4 =	vadd.f32 v11, v10  }
0x1ba: {  	[tilespmem:s6+$0x70] =	vst v7;
	v0 =	vadd.f32 v0, v2  }
0x1bb: {  	[tilespmem:s15+$0xFFFFFF70] =	vst v1;
	v1 =	vadd.f32 v4, v3  }
0x1bc: {  	s0 =	sshll.u32 s0, $0xA;
	[tilespmem:s15+$0xFFFFFFF0] =	vst v0  }
0x1bd: {  	s20 =	simm.s32 $0x8800;
	s17 =	sadd.s32 s4, s0;
	[tilespmem:s15+$0x70] =	vst v1  }
0x1be: {  	[hbm4b:s17+s3] =	stream.linear.scatter [tilespmem:s20], [sflag:$0x5], $0x1000, $0x38;
	[tilespmem:$0xC800] =	vst v63  }
0x1bf: {  	_ =	swait.ge [sflag:s30], $0x1000  }
0x1c0: {  	[sflag:s30] =	ssyncset.done $0x0  }
0x1c1: {  	[sflag:s30] =	ssyncadd.s32 $0xFFFFF000  }
0x1c2: {  	_ =	swait.ge [sflag:s30], $0x1000  }
0x1c3: {  	[sflag:s30] =	ssyncset.done $0x0  }
0x1c4: {  	[sflag:s30] =	ssyncadd.s32 $0xFFFFF000  }
0x1c5: {  	_ =	swait.ge [sflag:s30], $0x1000  }
0x1c6: {  	[sflag:s30] =	ssyncset.done $0x0  }
0x1c7: {  	[sflag:s30] =	ssyncadd.s32 $0xFFFFF000  }
0x1c8: {  	_ =	swait.ge [sflag:s30], $0x1000  }
0x1c9: {  	[sflag:s30] =	ssyncset.done $0x0  }
0x1ca: {  	s6 =	simm.s32 @!p0 $0x7;
	[sflag:s30] =	ssyncadd.s32 $0xFFFFF000  }
0x1cb: {  	_ =	swait.ge @!p0 [sflag:s6], $0x1000  }
0x1cc: {  	[sflag:s6] =	ssyncset.done @!p0 $0x0  }
0x1cd: {  	s17 =	simm.s32 $0x6800;
	[sflag:s6] =	ssyncadd.s32 @!p0 $0xFFFFF000  }
0x1ce: {  	v0 =	vld [tilespmem:s17+$0xFFFFE180]  }
0x1cf: {  	v1 =	vld [tilespmem:s17+$0xFFFFF180]  }
0x1d0: {  	v2 =	vld [tilespmem:s17+$0x180]  }
0x1d1: {  	v3 =	vld [tilespmem:s17+$0x1180]  }
0x1d2: {  	v4 =	vld [tilespmem:s17+$0xFFFFF000]  }
0x1d3: {  	v5 =	vld [tilespmem:s17+$0x0]  }
0x1d4: {  	v6 =	vld [tilespmem:s17+$0x1000]  }
0x1d5: {  	v7 =	vld [tilespmem:s17+$0x1080]  }
0x1d6: {  	v37 =	vld [tilespmem:s17+$0xFFFFE100]  }
0x1d7: {  	s9 =	simm.s32 $0x6A00;
	v12 =	vld [tilespmem:s17+$0x1100]  }
0x1d8: {  	v59 =	vld [tilespmem:s9+$0xFFFFE180]  }
0x1d9: {  	v17 =	vld [tilespmem:s9+$0xFFFFF180]  }
0x1da: {  	v18 =	vld [tilespmem:s9+$0x180]  }
0x1db: {  	v19 =	vld [tilespmem:s9+$0x1180]  }
0x1dc: {  	v20 =	vld [tilespmem:s9+$0xFFFFF000]  }
0x1dd: {  	v21 =	vld [tilespmem:s9+$0x0]  }
0x1de: {  	v22 =	vld [tilespmem:s9+$0x1000]  }
0x1df: {  	v23 =	vld [tilespmem:s9+$0xFFFFE080]  }
0x1e0: {  	v24 =	vld [tilespmem:s9+$0xFFFFF080]  }
0x1e1: {  	v61 =	vld [tilespmem:s9+$0x80]  }
0x1e2: {  	v62 =	vld [tilespmem:s9+$0x1080]  }
0x1e3: {  	v63 =	vld [tilespmem:s9+$0xFFFFE100]  }
0x1e4: {  	v25 =	vld [tilespmem:s9+$0xFFFFF100]  }
0x1e5: {  	v30 =	vld [tilespmem:s9+$0x100]  }
0x1e6: {  	v32 =	vld [tilespmem:s9+$0x1100];
	v0 =	vadd.f32 v1, v0;
	v1 =	vadd.f32 v3, v2  }
0x1e7: {  	v33 =	vld [tilespmem:s9+$0xFFFFE000]  }
0x1e8: {  	v2 =	vld [tilespmem:s17+$0xFFFFE080];
	v0 =	vadd.f32 v1, v0  }
0x1e9: {  	s6 =	simm.s32 $0xA900;
	v3 =	vld [tilespmem:s17+$0xFFFFF080]  }
0x1ea: {  	v60 =	vadd.f32 v19, v18;
	v1 =	vld [tilespmem:s17+$0x80];
	[tilespmem:s6+$0x80] =	vst v0  }
0x1eb: {  	v23 =	vadd.f32 v24, v23;
	v18 =	vadd.f32 v62, v61;
	v0 =	vld [tilespmem:s17+$0xFFFFE190]  }
0x1ec: {  	v8 =	vld [tilespmem:s17+$0xFFFFF190]  }
0x1ed: {  	v18 =	vadd.f32 v18, v23;
	v35 =	vld [tilespmem:s17+$0x190]  }
0x1ee: {  	s15 =	simm.s32 $0xAB00;
	v36 =	vld [tilespmem:s17+$0x1190]  }
0x1ef: {  	[tilespmem:s15+$0xFFFFFF80] =	vst v18;
	v2 =	vadd.f32 v3, v2;
	v3 =	vld [tilespmem:s17+$0xFFFFF100]  }
0x1f0: {  	v34 =	vld [tilespmem:s9+$0xFFFFE090];
	v1 =	vadd.f32 v7, v1  }
0x1f1: {  	v18 =	vld [tilespmem:s9+$0xFFFFF090]  }
0x1f2: {  	v7 =	vld [tilespmem:s17+$0xFFFFE000];
	v1 =	vadd.f32 v1, v2  }
0x1f3: {  	v2 =	vld [tilespmem:s17+$0x100]  }
0x1f4: {  	[tilespmem:s6+$0xFFFFFF80] =	vst v1;
	v1 =	vadd.f32 v36, v35;
	v35 =	vld [tilespmem:s9+$0x90]  }
0x1f5: {  	v0 =	vadd.f32 v8, v0;
	v36 =	vld [tilespmem:s9+$0x1090]  }
0x1f6: {  	v8 =	vld [tilespmem:s17+$0xFFFFE090]  }
0x1f7: {  	v38 =	vld [tilespmem:s17+$0xFFFFF090];
	v0 =	vadd.f32 v1, v0  }
0x1f8: {  	v5 =	vadd.f32 v6, v5;
	v6 =	vld [tilespmem:s17+$0x1090]  }
0x1f9: {  	v4 =	vadd.f32 v4, v7;
	v1 =	vld [tilespmem:s17+$0x90];
	[tilespmem:s6+$0x90] =	vst v0  }
0x1fa: {  	v0 =	vld [tilespmem:s17+$0xFFFFE1A0]  }
0x1fb: {  	v4 =	vadd.f32 v5, v4;
	v5 =	vld [tilespmem:s17+$0xFFFFF1A0]  }
0x1fc: {  	v7 =	vld [tilespmem:s17+$0x1A0]  }
0x1fd: {  	v3 =	vadd.f32 v3, v37;
	v2 =	vadd.f32 v12, v2;
	[tilespmem:s6+$0xFFFFFF00] =	vst v4;
	v4 =	vld [tilespmem:s17+$0x11A0]  }
0x1fe: {  	v12 =	vadd.f32 v17, v59;
	v39 =	vld [tilespmem:s17+$0xFFFFE010]  }
0x1ff: {  	v2 =	vadd.f32 v2, v3;
	v3 =	vld [tilespmem:s17+$0xFFFFF010]  }
0x200: {  	v12 =	vadd.f32 v60, v12;
	v40 =	vld [tilespmem:s17+$0x10]  }
0x201: {  	[tilespmem:s6+$0x0] =	vst v2;
	v2 =	vld [tilespmem:s17+$0x1010]  }
0x202: {  	v1 =	vadd.f32 v6, v1;
	[tilespmem:s15+$0x80] =	vst v12;
	v6 =	vld [tilespmem:s17+$0xFFFFE110]  }
0x203: {  	v12 =	vld [tilespmem:s9+$0xFFFFE190]  }
0x204: {  	v8 =	vadd.f32 v38, v8;
	v26 =	vld [tilespmem:s9+$0xFFFFF190]  }
0x205: {  	v28 =	vld [tilespmem:s9+$0x190]  }
0x206: {  	v29 =	vld [tilespmem:s9+$0x1190];
	v1 =	vadd.f32 v1, v8  }
0x207: {  	v0 =	vadd.f32 v5, v0;
	v4 =	vadd.f32 v4, v7;
	v5 =	vld [tilespmem:s17+$0xFFFFF110]  }
0x208: {  	v7 =	vld [tilespmem:s17+$0x110]  }
0x209: {  	[tilespmem:s6+$0xFFFFFF90] =	vst v1;
	v1 =	vld [tilespmem:s17+$0x1110];
	v0 =	vadd.f32 v4, v0  }
0x20a: {  	v4 =	vld [tilespmem:s17+$0xFFFFE0A0]  }
0x20b: {  	v3 =	vadd.f32 v3, v39;
	v2 =	vadd.f32 v2, v40;
	v42 =	vld [tilespmem:s17+$0xFFFFF0A0];
	[tilespmem:s6+$0xA0] =	vst v0  }
0x20c: {  	v0 =	vld [tilespmem:s17+$0xFFFFE1B0]  }
0x20d: {  	v2 =	vadd.f32 v2, v3;
	v3 =	vld [tilespmem:s17+$0xFFFFF1B0]  }
0x20e: {  	v8 =	vld [tilespmem:s17+$0x1B0]  }
0x20f: {  	v12 =	vadd.f32 v26, v12;
	v19 =	vadd.f32 v29, v28;
	[tilespmem:s6+$0xFFFFFF10] =	vst v2;
	v2 =	vld [tilespmem:s17+$0x11B0]  }
0x210: {  	v5 =	vadd.f32 v5, v6;
	v41 =	vld [tilespmem:s17+$0xFFFFE020]  }
0x211: {  	v37 =	vadd.f32 v19, v12;
	v1 =	vadd.f32 v1, v7;
	v6 =	vld [tilespmem:s17+$0xFFFFF020]  }
0x212: {  	v7 =	vld [tilespmem:s17+$0x20]  }
0x213: {  	[tilespmem:s15+$0x90] =	vst v37;
	v1 =	vadd.f32 v1, v5;
	v5 =	vld [tilespmem:s17+$0x1020]  }
0x214: {  	v39 =	vld [tilespmem:s9+$0xFFFFE1A0]  }
0x215: {  	v40 =	vld [tilespmem:s9+$0xFFFFF1A0]  }
0x216: {  	v4 =	vadd.f32 v42, v4;
	v42 =	vld [tilespmem:s9+$0x11A0]  }
0x217: {  	v0 =	vadd.f32 v3, v0;
	v3 =	vld [tilespmem:s17+$0xA0];
	v2 =	vadd.f32 v2, v8  }
0x218: {  	[tilespmem:s6+$0x10] =	vst v1;
	v1 =	vld [tilespmem:s17+$0x10A0]  }
0x219: {  	v8 =	vld [tilespmem:s17+$0xFFFFF120];
	v0 =	vadd.f32 v2, v0  }
0x21a: {  	v44 =	vld [tilespmem:s17+$0x120]  }
0x21b: {  	v6 =	vadd.f32 v6, v41;
	v2 =	vld [tilespmem:s17+$0xFFFFE120];
	v5 =	vadd.f32 v5, v7;
	[tilespmem:s6+$0xB0] =	vst v0  }
0x21c: {  	v0 =	vld [tilespmem:s17+$0xFFFFE1C0]  }
0x21d: {  	v5 =	vadd.f32 v5, v6;
	v7 =	vld [tilespmem:s17+$0xFFFFF1C0]  }
0x21e: {  	v43 =	vld [tilespmem:s17+$0x1C0]  }
0x21f: {  	v1 =	vadd.f32 v1, v3;
	v6 =	vld [tilespmem:s17+$0x11C0];
	[tilespmem:s6+$0xFFFFFF20] =	vst v5  }
0x220: {  	v5 =	vld [tilespmem:s17+$0xFFFFE030]  }
0x221: {  	v1 =	vadd.f32 v1, v4;
	v4 =	vld [tilespmem:s17+$0xFFFFF030]  }
0x222: {  	v45 =	vld [tilespmem:s17+$0x30]  }
0x223: {  	[tilespmem:s6+$0xFFFFFFA0] =	vst v1;
	v1 =	vld [tilespmem:s17+$0x1030]  }
0x224: {  	v3 =	vld [tilespmem:s17+$0x1120];
	v0 =	vadd.f32 v7, v0;
	v6 =	vadd.f32 v6, v43  }
0x225: {  	v41 =	vld [tilespmem:s9+$0x1A0]  }
0x226: {  	v46 =	vld [tilespmem:s17+$0xB0];
	v0 =	vadd.f32 v6, v0  }
0x227: {  	v7 =	vld [tilespmem:s17+$0xFFFFE0B0]  }
0x228: {  	v6 =	vld [tilespmem:s17+$0xFFFFF0B0];
	v4 =	vadd.f32 v4, v5;
	v1 =	vadd.f32 v1, v45;
	[tilespmem:s6+$0xC0] =	vst v0  }
0x229: {  	v0 =	vadd.f32 v8, v2;
	v2 =	vadd.f32 v3, v44;
	v3 =	vld [tilespmem:s17+$0xFFFFE1D0]  }
0x22a: {  	v8 =	vld [tilespmem:s17+$0xFFFFF1D0];
	v1 =	vadd.f32 v1, v4  }
0x22b: {  	v47 =	vld [tilespmem:s17+$0x11D0];
	v0 =	vadd.f32 v2, v0  }
0x22c: {  	v2 =	vld [tilespmem:s17+$0x1D0];
	[tilespmem:s6+$0xFFFFFF30] =	vst v1  }
0x22d: {  	[tilespmem:s6+$0x20] =	vst v0;
	v0 =	vld [tilespmem:s17+$0x10B0]  }
0x22e: {  	v49 =	vld [tilespmem:s17+$0xFFFFF040]  }
0x22f: {  	v6 =	vadd.f32 v6, v7;
	v7 =	vld [tilespmem:s17+$0x1040]  }
0x230: {  	v5 =	vld [tilespmem:s17+$0xFFFFE130]  }
0x231: {  	v4 =	vld [tilespmem:s17+$0xFFFFF130];
	v3 =	vadd.f32 v8, v3;
	v2 =	vadd.f32 v47, v2  }
0x232: {  	v48 =	vld [tilespmem:s17+$0x130]  }
0x233: {  	v1 =	vld [tilespmem:s17+$0x1130];
	v2 =	vadd.f32 v2, v3  }
0x234: {  	v8 =	vld [tilespmem:s17+$0xFFFFE040]  }
0x235: {  	v3 =	vld [tilespmem:s17+$0x40];
	v0 =	vadd.f32 v0, v46;
	[tilespmem:s6+$0xD0] =	vst v2  }
0x236: {  	v2 =	vld [tilespmem:s17+$0xFFFFE1E0]  }
0x237: {  	v0 =	vadd.f32 v0, v6;
	v6 =	vld [tilespmem:s17+$0xFFFFF1E0]  }
0x238: {  	v50 =	vld [tilespmem:s17+$0x1E0]  }
0x239: {  	v4 =	vadd.f32 v4, v5;
	[tilespmem:s6+$0xFFFFFFB0] =	vst v0;
	v0 =	vadd.f32 v1, v48;
	v1 =	vld [tilespmem:s17+$0x11E0]  }
0x23a: {  	v5 =	vld [tilespmem:s17+$0xFFFFE0C0]  }
0x23b: {  	v51 =	vld [tilespmem:s17+$0xC0];
	v0 =	vadd.f32 v0, v4  }
0x23c: {  	v8 =	vadd.f32 v49, v8;
	v3 =	vadd.f32 v7, v3;
	v4 =	vld [tilespmem:s17+$0xFFFFF0C0]  }
0x23d: {  	[tilespmem:s6+$0x30] =	vst v0;
	v0 =	vld [tilespmem:s17+$0x10C0]  }
0x23e: {  	v3 =	vadd.f32 v3, v8;
	v7 =	vld [tilespmem:s17+$0xFFFFE140]  }
0x23f: {  	v2 =	vadd.f32 v6, v2;
	v1 =	vadd.f32 v1, v50;
	v6 =	vld [tilespmem:s17+$0xFFFFF140]  }
0x240: {  	v8 =	vld [tilespmem:s17+$0x140];
	[tilespmem:s6+$0xFFFFFF40] =	vst v3  }
0x241: {  	v3 =	vld [tilespmem:s17+$0xFFFFE050];
	v1 =	vadd.f32 v1, v2  }
0x242: {  	v2 =	vld [tilespmem:s17+$0x1140]  }
0x243: {  	v52 =	vld [tilespmem:s17+$0x50];
	v4 =	vadd.f32 v4, v5;
	[tilespmem:s6+$0xE0] =	vst v1;
	v5 =	vadd.f32 v0, v51  }
0x244: {  	v0 =	vld [tilespmem:s17+$0xFFFFE1F0]  }
0x245: {  	v1 =	vld [tilespmem:s17+$0xFFFFF1F0];
	v4 =	vadd.f32 v5, v4  }
0x246: {  	v5 =	vld [tilespmem:s17+$0xFFFFF050]  }
0x247: {  	v6 =	vadd.f32 v6, v7;
	v2 =	vadd.f32 v2, v8;
	[tilespmem:s6+$0xFFFFFFC0] =	vst v4;
	v4 =	vld [tilespmem:s17+$0x1050]  }
0x248: {  	v7 =	vld [tilespmem:s17+$0xFFFFE0D0]  }
0x249: {  	v8 =	vld [tilespmem:s17+$0xFFFFF0D0];
	v6 =	vadd.f32 v2, v6  }
0x24a: {  	v53 =	vld [tilespmem:s17+$0xD0]  }
0x24b: {  	v54 =	vld [tilespmem:s17+$0x10D0];
	[tilespmem:s6+$0x40] =	vst v6  }
0x24c: {  	v3 =	vadd.f32 v5, v3;
	v5 =	vld [tilespmem:s17+$0xFFFFE150];
	v4 =	vadd.f32 v4, v52  }
0x24d: {  	v6 =	vld [tilespmem:s17+$0xFFFFF150]  }
0x24e: {  	v7 =	vadd.f32 v8, v7;
	v8 =	vld [tilespmem:s17+$0x1150];
	v3 =	vadd.f32 v4, v3  }
0x24f: {  	v4 =	vld [tilespmem:s17+$0x150]  }
0x250: {  	v2 =	vld [tilespmem:s17+$0x1F0];
	[tilespmem:s6+$0xFFFFFF50] =	vst v3;
	v3 =	vadd.f32 v54, v53  }
0x251: {  	v55 =	vld [tilespmem:s17+$0xFFFFE060]  }
0x252: {  	v56 =	vld [tilespmem:s17+$0xFFFFF060];
	v3 =	vadd.f32 v3, v7  }
0x253: {  	v57 =	vld [tilespmem:s17+$0x1060]  }
0x254: {  	v7 =	vld [tilespmem:s17+$0x60];
	v4 =	vadd.f32 v8, v4;
	[tilespmem:s6+$0xFFFFFFD0] =	vst v3;
	v3 =	vadd.f32 v6, v5  }
0x255: {  	v5 =	vld [tilespmem:s17+$0xFFFFE0E0]  }
0x256: {  	v6 =	vld [tilespmem:s17+$0xFFFFF0E0];
	v4 =	vadd.f32 v4, v3  }
0x257: {  	v8 =	vld [tilespmem:s17+$0xE0]  }
0x258: {  	v58 =	vld [tilespmem:s17+$0x10E0];
	[tilespmem:s6+$0x50] =	vst v4  }
0x259: {  	v9 =	vadd.f32 v56, v55;
	v4 =	vadd.f32 v57, v7;
	v13 =	vld [tilespmem:s17+$0xFFFFE160]  }
0x25a: {  	v14 =	vld [tilespmem:s17+$0xFFFFF160]  }
0x25b: {  	v15 =	vld [tilespmem:s17+$0x160];
	v4 =	vadd.f32 v4, v9  }
0x25c: {  	v16 =	vld [tilespmem:s17+$0x1160]  }
0x25d: {  	v3 =	vld [tilespmem:s17+$0x11F0];
	v6 =	vadd.f32 v6, v5;
	v7 =	vadd.f32 v58, v8;
	[tilespmem:s6+$0xFFFFFF60] =	vst v4  }
0x25e: {  	v4 =	vld [tilespmem:s17+$0xFFFFE070]  }
0x25f: {  	v7 =	vadd.f32 v7, v6;
	v5 =	vld [tilespmem:s17+$0xFFFFF070]  }
0x260: {  	v6 =	vld [tilespmem:s17+$0x70]  }
0x261: {  	v8 =	vld [tilespmem:s17+$0x1070];
	[tilespmem:s6+$0xFFFFFFE0] =	vst v7;
	v13 =	vadd.f32 v14, v13;
	v31 =	vadd.f32 v16, v15  }
0x262: {  	v38 =	vadd.f32 v22, v21;
	v7 =	vld [tilespmem:s17+$0xFFFFE0F0]  }
0x263: {  	v16 =	vadd.f32 v20, v33;
	v9 =	vld [tilespmem:s17+$0xFFFFF0F0];
	v13 =	vadd.f32 v31, v13  }
0x264: {  	v10 =	vld [tilespmem:s17+$0xF0]  }
0x265: {  	v11 =	vld [tilespmem:s17+$0x10F0];
	v16 =	vadd.f32 v38, v16;
	[tilespmem:s6+$0x60] =	vst v13  }
0x266: {  	v12 =	vld [tilespmem:s17+$0xFFFFE170]  }
0x267: {  	v17 =	vadd.f32 v25, v63;
	v15 =	vadd.f32 v32, v30;
	[tilespmem:s15+$0xFFFFFF00] =	vst v16;
	v13 =	vld [tilespmem:s17+$0xFFFFF170]  }
0x268: {  	v43 =	vld [tilespmem:s9+$0xFFFFE010]  }
0x269: {  	v15 =	vadd.f32 v15, v17;
	v44 =	vld [tilespmem:s9+$0xFFFFF010]  }
0x26a: {  	v45 =	vld [tilespmem:s9+$0x10]  }
0x26b: {  	v46 =	vadd.f32 v36, v35;
	v14 =	vadd.f32 v18, v34;
	[tilespmem:s15+$0x0] =	vst v15;
	v47 =	vld [tilespmem:s9+$0x1010]  }
0x26c: {  	v19 =	vadd.f32 v40, v39;
	v48 =	vld [tilespmem:s9+$0xFFFFE110]  }
0x26d: {  	v14 =	vadd.f32 v46, v14;
	v16 =	vadd.f32 v42, v41;
	v49 =	vld [tilespmem:s9+$0xFFFFF110]  }
0x26e: {  	v50 =	vld [tilespmem:s9+$0x110]  }
0x26f: {  	[tilespmem:s15+$0xFFFFFF90] =	vst v14;
	v51 =	vld [tilespmem:s9+$0x1110];
	v16 =	vadd.f32 v16, v19  }
0x270: {  	v52 =	vld [tilespmem:s9+$0xFFFFE0A0]  }
0x271: {  	v60 =	vld [tilespmem:s9+$0xFFFFF0A0];
	[tilespmem:s15+$0xA0] =	vst v16  }
0x272: {  	v16 =	vld [tilespmem:s9+$0xFFFFE1B0]  }
0x273: {  	v53 =	vld [tilespmem:s9+$0xFFFFF1B0];
	v17 =	vadd.f32 v44, v43;
	v18 =	vadd.f32 v47, v45  }
0x274: {  	v54 =	vld [tilespmem:s9+$0x1B0]  }
0x275: {  	v55 =	vld [tilespmem:s9+$0x11B0];
	v17 =	vadd.f32 v18, v17  }
0x276: {  	v61 =	vld [tilespmem:s9+$0xA0]  }
0x277: {  	v62 =	vld [tilespmem:s9+$0x10A0];
	v15 =	vadd.f32 v49, v48;
	v14 =	vadd.f32 v51, v50;
	[tilespmem:s15+$0xFFFFFF10] =	vst v17  }
0x278: {  	v56 =	vld [tilespmem:s9+$0xFFFFE020]  }
0x279: {  	v14 =	vadd.f32 v14, v15;
	v57 =	vld [tilespmem:s9+$0xFFFFF020]  }
0x27a: {  	v16 =	vadd.f32 v53, v16;
	v17 =	vadd.f32 v55, v54;
	v58 =	vld [tilespmem:s9+$0x20]  }
0x27b: {  	[tilespmem:s15+$0x10] =	vst v14;
	v59 =	vld [tilespmem:s9+$0x1020]  }
0x27c: {  	v63 =	vld [tilespmem:s9+$0xFFFFE120];
	v16 =	vadd.f32 v17, v16  }
0x27d: {  	v28 =	vld [tilespmem:s9+$0xFFFFF120]  }
0x27e: {  	v32 =	vld [tilespmem:s9+$0x120];
	[tilespmem:s15+$0xB0] =	vst v16  }
0x27f: {  	v19 =	vadd.f32 v60, v52;
	v14 =	vadd.f32 v62, v61;
	v16 =	vld [tilespmem:s9+$0xFFFFE1C0]  }
0x280: {  	v29 =	vld [tilespmem:s9+$0xFFFFF1C0]  }
0x281: {  	v14 =	vadd.f32 v14, v19;
	v30 =	vld [tilespmem:s9+$0x1C0]  }
0x282: {  	v31 =	vld [tilespmem:s9+$0x11C0]  }
0x283: {  	v33 =	vld [tilespmem:s9+$0x1120];
	[tilespmem:s15+$0xFFFFFFA0] =	vst v14;
	v20 =	vadd.f32 v57, v56;
	v15 =	vadd.f32 v59, v58  }
0x284: {  	v38 =	vld [tilespmem:s9+$0xFFFFE0B0]  }
0x285: {  	v39 =	vld [tilespmem:s9+$0xFFFFF0B0];
	v15 =	vadd.f32 v15, v20  }
0x286: {  	v40 =	vld [tilespmem:s9+$0xB0]  }
0x287: {  	v46 =	vld [tilespmem:s9+$0x10B0];
	[tilespmem:s15+$0xFFFFFF20] =	vst v15;
	v16 =	vadd.f32 v29, v16;
	v20 =	vadd.f32 v31, v30  }
0x288: {  	v34 =	vld [tilespmem:s9+$0xFFFFE030]  }
0x289: {  	v35 =	vld [tilespmem:s9+$0xFFFFF030];
	v16 =	vadd.f32 v20, v16  }
0x28a: {  	v36 =	vld [tilespmem:s9+$0x30]  }
0x28b: {  	v41 =	vadd.f32 v28, v63;
	v15 =	vadd.f32 v33, v32;
	v37 =	vld [tilespmem:s9+$0x1030];
	[tilespmem:s15+$0xC0] =	vst v16  }
0x28c: {  	v42 =	vld [tilespmem:s9+$0xFFFFE1D0]  }
0x28d: {  	v15 =	vadd.f32 v15, v41;
	v43 =	vld [tilespmem:s9+$0xFFFFF1D0]  }
0x28e: {  	v44 =	vld [tilespmem:s9+$0x1D0]  }
0x28f: {  	v20 =	vadd.f32 v39, v38;
	[tilespmem:s15+$0x20] =	vst v15;
	v15 =	vadd.f32 v46, v40;
	v45 =	vld [tilespmem:s9+$0x11D0]  }
0x290: {  	v47 =	vld [tilespmem:s9+$0xFFFFE130]  }
0x291: {  	v48 =	vld [tilespmem:s9+$0xFFFFF130];
	v15 =	vadd.f32 v15, v20  }
0x292: {  	v49 =	vld [tilespmem:s9+$0x130]  }
0x293: {  	v50 =	vld [tilespmem:s9+$0x1130];
	[tilespmem:s15+$0xFFFFFFB0] =	vst v15  }
0x294: {  	v18 =	vadd.f32 v35, v34;
	v14 =	vadd.f32 v37, v36;
	v58 =	vld [tilespmem:s9+$0xFFFFE0C0]  }
0x295: {  	v59 =	vld [tilespmem:s9+$0xFFFFF0C0]  }
0x296: {  	v14 =	vadd.f32 v14, v18;
	v60 =	vld [tilespmem:s9+$0xC0]  }
0x297: {  	v61 =	vld [tilespmem:s9+$0x10C0]  }
0x298: {  	[tilespmem:s15+$0xFFFFFF30] =	vst v14;
	v17 =	vadd.f32 v43, v42;
	v16 =	vadd.f32 v45, v44;
	v45 =	vld [tilespmem:s17+$0x170]  }
0x299: {  	v51 =	vld [tilespmem:s9+$0xFFFFE040]  }
0x29a: {  	v52 =	vld [tilespmem:s9+$0xFFFFF040];
	v16 =	vadd.f32 v16, v17  }
0x29b: {  	v53 =	vld [tilespmem:s9+$0x40]  }
0x29c: {  	v18 =	vadd.f32 v48, v47;
	v14 =	vadd.f32 v50, v49;
	v54 =	vld [tilespmem:s9+$0x1040];
	[tilespmem:s15+$0xD0] =	vst v16  }
0x29d: {  	v16 =	vld [tilespmem:s9+$0xFFFFE1E0]  }
0x29e: {  	v14 =	vadd.f32 v14, v18;
	v55 =	vld [tilespmem:s9+$0xFFFFF1E0]  }
0x29f: {  	v56 =	vld [tilespmem:s9+$0x1E0]  }
0x2a0: {  	[tilespmem:s15+$0x30] =	vst v14;
	v18 =	vadd.f32 v59, v58;
	v14 =	vadd.f32 v61, v60;
	v57 =	vld [tilespmem:s9+$0x11E0]  }
0x2a1: {  	v62 =	vld [tilespmem:s9+$0xFFFFE140]  }
0x2a2: {  	v63 =	vld [tilespmem:s9+$0xFFFFF140];
	v14 =	vadd.f32 v14, v18  }
0x2a3: {  	v28 =	vld [tilespmem:s9+$0x140];
	v21 =	vadd.f32 v52, v51;
	v17 =	vadd.f32 v54, v53  }
0x2a4: {  	v29 =	vld [tilespmem:s9+$0x1140];
	[tilespmem:s15+$0xFFFFFFC0] =	vst v14  }
0x2a5: {  	v17 =	vadd.f32 v17, v21;
	v37 =	vld [tilespmem:s9+$0xFFFFE0D0]  }
0x2a6: {  	v38 =	vld [tilespmem:s9+$0xFFFFF0D0]  }
0x2a7: {  	v39 =	vld [tilespmem:s9+$0xD0];
	[tilespmem:s15+$0xFFFFFF40] =	vst v17  }
0x2a8: {  	v16 =	vadd.f32 v55, v16;
	v15 =	vadd.f32 v57, v56;
	v17 =	vld [tilespmem:s9+$0xFFFFE050]  }
0x2a9: {  	v33 =	vld [tilespmem:s9+$0xFFFFF050]  }
0x2aa: {  	v34 =	vld [tilespmem:s9+$0x50];
	v15 =	vadd.f32 v15, v16  }
0x2ab: {  	v20 =	vadd.f32 v63, v62;
	v35 =	vadd.f32 v29, v28;
	v36 =	vld [tilespmem:s9+$0x1050]  }
0x2ac: {  	v40 =	vld [tilespmem:s9+$0x10D0];
	[tilespmem:s15+$0xE0] =	vst v15  }
0x2ad: {  	v14 =	vadd.f32 v35, v20;
	v15 =	vld [tilespmem:s9+$0xFFFFE1F0]  }
0x2ae: {  	v30 =	vld [tilespmem:s9+$0xFFFFF1F0]  }
0x2af: {  	[tilespmem:s15+$0x40] =	vst v14;
	v31 =	vld [tilespmem:s9+$0x1F0]  }
0x2b0: {  	v41 =	vld [tilespmem:s9+$0xFFFFE150];
	v17 =	vadd.f32 v33, v17;
	v16 =	vadd.f32 v36, v34  }
0x2b1: {  	v42 =	vld [tilespmem:s9+$0xFFFFF150]  }
0x2b2: {  	v43 =	vld [tilespmem:s9+$0x150];
	v16 =	vadd.f32 v16, v17  }
0x2b3: {  	v44 =	vld [tilespmem:s9+$0x1150]  }
0x2b4: {  	v20 =	vadd.f32 v38, v37;
	v14 =	vadd.f32 v40, v39;
	v32 =	vld [tilespmem:s9+$0x11F0];
	[tilespmem:s15+$0xFFFFFF50] =	vst v16  }
0x2b5: {  	v46 =	vld [tilespmem:s9+$0xFFFFE060]  }
0x2b6: {  	v14 =	vadd.f32 v14, v20;
	v47 =	vld [tilespmem:s9+$0xFFFFF060]  }
0x2b7: {  	v48 =	vld [tilespmem:s9+$0x60]  }
0x2b8: {  	[tilespmem:s15+$0xFFFFFFD0] =	vst v14;
	v18 =	vadd.f32 v42, v41;
	v50 =	vadd.f32 v44, v43;
	v49 =	vld [tilespmem:s9+$0x1060]  }
0x2b9: {  	v51 =	vld [tilespmem:s9+$0xFFFFE0E0]  }
0x2ba: {  	v52 =	vld [tilespmem:s9+$0xFFFFF0E0];
	v14 =	vadd.f32 v50, v18  }
0x2bb: {  	v53 =	vld [tilespmem:s9+$0xE0]  }
0x2bc: {  	v0 =	vadd.f32 v1, v0;
	v2 =	vadd.f32 v3, v2;
	v1 =	vld [tilespmem:s9+$0x10E0];
	[tilespmem:s15+$0x50] =	vst v14  }
0x2bd: {  	v55 =	vld [tilespmem:s9+$0xFFFFE160];
	v54 =	vadd.f32 v47, v46;
	v20 =	vadd.f32 v49, v48  }
0x2be: {  	v0 =	vadd.f32 v2, v0;
	v3 =	vadd.f32 v5, v4;
	v4 =	vld [tilespmem:s9+$0xFFFFF160]  }
0x2bf: {  	v5 =	vadd.f32 v8, v6;
	v8 =	vld [tilespmem:s9+$0x160];
	v6 =	vadd.f32 v20, v54  }
0x2c0: {  	v7 =	vadd.f32 v9, v7;
	v56 =	vadd.f32 v11, v10;
	v57 =	vld [tilespmem:s9+$0x1160]  }
0x2c1: {  	v58 =	vadd.f32 v52, v51;
	v1 =	vadd.f32 v1, v53;
	[tilespmem:s15+$0xFFFFFF60] =	vst v6;
	v6 =	vld [tilespmem:s17+$0x1170]  }
0x2c2: {  	v2 =	vadd.f32 v5, v3;
	v62 =	vadd.f32 v13, v12;
	v59 =	vld [tilespmem:s9+$0xFFFFE070]  }
0x2c3: {  	v5 =	vadd.f32 v56, v7;
	v3 =	vadd.f32 v1, v58;
	v7 =	vld [tilespmem:s9+$0xFFFFF070]  }
0x2c4: {  	[tilespmem:s6+$0xF0] =	vst v0;
	v0 =	vadd.f32 v30, v15;
	v60 =	vadd.f32 v32, v31;
	v1 =	vld [tilespmem:s9+$0x70]  }
0x2c5: {  	[tilespmem:s15+$0xFFFFFFE0] =	vst v3;
	v61 =	vadd.f32 v4, v55;
	v8 =	vadd.f32 v57, v8;
	v3 =	vld [tilespmem:s9+$0x1070]  }
0x2c6: {  	[tilespmem:s6+$0xFFFFFF70] =	vst v2;
	v0 =	vadd.f32 v60, v0;
	v2 =	vld [tilespmem:s9+$0xFFFFE0F0];
	v63 =	vadd.f32 v6, v45  }
0x2c7: {  	[tilespmem:s6+$0xFFFFFFF0] =	vst v5;
	v4 =	vld [tilespmem:s9+$0xFFFFF0F0];
	v8 =	vadd.f32 v8, v61  }
0x2c8: {  	[tilespmem:s15+$0xF0] =	vst v0;
	v5 =	vld [tilespmem:s9+$0xF0];
	v6 =	vadd.f32 v7, v59;
	v7 =	vadd.f32 v63, v62  }
0x2c9: {  	s20 =	simm.s32 $0x6C00;
	v0 =	vld [tilespmem:s9+$0x10F0];
	s17 =	simm.s32 $0x4;
	[tilespmem:s15+$0x60] =	vst v8  }
.LBB2_5:
0x2ca: {  	v8 =	vld [tilespmem:s20+$0xFFFFE180];
	v1 =	vadd.f32 v3, v1;
	[tilespmem:s6+$0x70] =	vst v7;
	s6 =	smov.u32 s15  }
0x2cb: {  	v3 =	vld [tilespmem:s20+$0xFFFFF180]  }
0x2cc: {  	v7 =	vld [tilespmem:s20+$0x180];
	v1 =	vadd.f32 v1, v6;
	v2 =	vadd.f32 v4, v2  }
0x2cd: {  	v4 =	vld [tilespmem:s20+$0x1180]  }
0x2ce: {  	v6 =	vld [tilespmem:s20+$0xFFFFF000];
	[tilespmem:s15+$0xFFFFFF70] =	vst v1;
	v0 =	vadd.f32 v0, v5  }
0x2cf: {  	v1 =	vld [tilespmem:s20+$0x0]  }
0x2d0: {  	v5 =	vld [tilespmem:s20+$0x1000];
	v0 =	vadd.f32 v0, v2  }
0x2d1: {  	v2 =	vld [tilespmem:s20+$0xFFFFE080]  }
0x2d2: {  	v3 =	vadd.f32 v3, v8;
	v9 =	vld [tilespmem:s20+$0xFFFFF080];
	v4 =	vadd.f32 v4, v7;
	[tilespmem:s15+$0xFFFFFFF0] =	vst v0  }
0x2d3: {  	v0 =	vld [tilespmem:s20+$0x80]  }
0x2d4: {  	v7 =	vld [tilespmem:s20+$0x1080];
	v3 =	vadd.f32 v4, v3  }
0x2d5: {  	s15 =	sadd.s32 $0x200, s15;
	v1 =	vadd.f32 v5, v1;
	v4 =	vld [tilespmem:s20+$0xFFFFE100]  }
0x2d6: {  	v5 =	vld [tilespmem:s20+$0xFFFFF100];
	[tilespmem:s15+$0x80] =	vst v3  }
0x2d7: {  	v2 =	vadd.f32 v9, v2;
	v3 =	vld [tilespmem:s20+$0xFFFFE190]  }
0x2d8: {  	v8 =	vld [tilespmem:s20+$0xFFFFF190]  }
0x2d9: {  	v0 =	vadd.f32 v7, v0;
	v7 =	vld [tilespmem:s20+$0x190]  }
0x2da: {  	v9 =	vld [tilespmem:s20+$0x1190]  }
0x2db: {  	v0 =	vadd.f32 v0, v2;
	v2 =	vadd.f32 v5, v4;
	v4 =	vld [tilespmem:s20+$0x100]  }
0x2dc: {  	v5 =	vld [tilespmem:s20+$0x1100]  }
0x2dd: {  	v10 =	vld [tilespmem:s20+$0xFFFFE000];
	[tilespmem:s15+$0xFFFFFF80] =	vst v0  }
0x2de: {  	v0 =	vld [tilespmem:s20+$0xFFFFE090]  }
0x2df: {  	v3 =	vadd.f32 v8, v3;
	v11 =	vld [tilespmem:s20+$0xFFFFF090];
	v7 =	vadd.f32 v9, v7  }
0x2e0: {  	v8 =	vld [tilespmem:s20+$0x90]  }
0x2e1: {  	v9 =	vld [tilespmem:s20+$0x1090];
	v4 =	vadd.f32 v5, v4;
	v3 =	vadd.f32 v7, v3  }
0x2e2: {  	s17 =	sadd.s32 $0x4, s17;
	v5 =	vadd.f32 v6, v10;
	v6 =	vld [tilespmem:s9+$0xFFFFE170]  }
0x2e3: {  	p1 =	slt.u32 s17, $0x1C;
	v2 =	vadd.f32 v4, v2;
	[tilespmem:s15+$0x90] =	vst v3;
	v3 =	vld [tilespmem:s9+$0xFFFFF170]  }
0x2e4: {  	v1 =	vadd.f32 v1, v5;
	v0 =	vadd.f32 v11, v0;
	v4 =	vld [tilespmem:s20+$0xFFFFE1A0]  }
0x2e5: {  	[tilespmem:s15+$0x0] =	vst v2;
	v2 =	vld [tilespmem:s20+$0xFFFFF1A0]  }
0x2e6: {  	[tilespmem:s15+$0xFFFFFF00] =	vst v1;
	v1 =	vadd.f32 v9, v8;
	v5 =	vld [tilespmem:s20+$0x1A0]  }
0x2e7: {  	v7 =	vld [tilespmem:s20+$0x11A0]  }
0x2e8: {  	v8 =	vld [tilespmem:s20+$0xFFFFE010];
	v1 =	vadd.f32 v1, v0;
	v0 =	vadd.f32 v3, v6  }
0x2e9: {  	v3 =	vld [tilespmem:s20+$0xFFFFF010]  }
0x2ea: {  	v6 =	vld [tilespmem:s20+$0x10];
	[tilespmem:s15+$0xFFFFFF90] =	vst v1  }
0x2eb: {  	v1 =	vld [tilespmem:s20+$0x1010]  }
0x2ec: {  	v2 =	vadd.f32 v2, v4;
	v9 =	vld [tilespmem:s20+$0xFFFFE110];
	v4 =	vadd.f32 v7, v5  }
0x2ed: {  	v5 =	vld [tilespmem:s20+$0xFFFFF110]  }
0x2ee: {  	v3 =	vadd.f32 v3, v8;
	v7 =	vld [tilespmem:s20+$0x110];
	v2 =	vadd.f32 v4, v2  }
0x2ef: {  	v4 =	vld [tilespmem:s20+$0x1110]  }
0x2f0: {  	v1 =	vadd.f32 v1, v6;
	v6 =	vld [tilespmem:s20+$0xFFFFE0A0];
	[tilespmem:s15+$0xA0] =	vst v2  }
0x2f1: {  	v2 =	vld [tilespmem:s20+$0xFFFFE1B0]  }
0x2f2: {  	v1 =	vadd.f32 v1, v3;
	v3 =	vadd.f32 v5, v9;
	v5 =	vld [tilespmem:s20+$0xFFFFF1B0]  }
0x2f3: {  	v8 =	vld [tilespmem:s20+$0x1B0]  }
0x2f4: {  	[tilespmem:s15+$0xFFFFFF10] =	vst v1;
	v1 =	vadd.f32 v4, v7;
	v4 =	vld [tilespmem:s20+$0x11B0]  }
0x2f5: {  	v7 =	vld [tilespmem:s20+$0xFFFFE020]  }
0x2f6: {  	v9 =	vld [tilespmem:s20+$0xFFFFF020];
	v1 =	vadd.f32 v1, v3  }
0x2f7: {  	v3 =	vld [tilespmem:s20+$0x20]  }
0x2f8: {  	v10 =	vld [tilespmem:s20+$0x1020];
	[tilespmem:s15+$0x10] =	vst v1  }
0x2f9: {  	v2 =	vadd.f32 v5, v2;
	v1 =	vld [tilespmem:s20+$0xFFFFF0A0];
	v4 =	vadd.f32 v4, v8  }
0x2fa: {  	v5 =	vld [tilespmem:s20+$0xA0]  }
0x2fb: {  	v7 =	vadd.f32 v9, v7;
	v8 =	vld [tilespmem:s20+$0x10A0];
	v2 =	vadd.f32 v4, v2  }
0x2fc: {  	v4 =	vld [tilespmem:s20+$0xFFFFE120]  }
0x2fd: {  	v3 =	vadd.f32 v10, v3;
	v9 =	vld [tilespmem:s20+$0xFFFFF120];
	[tilespmem:s15+$0xB0] =	vst v2  }
0x2fe: {  	v1 =	vadd.f32 v1, v6;
	v2 =	vld [tilespmem:s20+$0xFFFFE1C0]  }
0x2ff: {  	v3 =	vadd.f32 v3, v7;
	v6 =	vld [tilespmem:s20+$0xFFFFF1C0]  }
0x300: {  	v5 =	vadd.f32 v8, v5;
	v7 =	vld [tilespmem:s20+$0x1C0]  }
0x301: {  	[tilespmem:s15+$0xFFFFFF20] =	vst v3;
	v3 =	vld [tilespmem:s20+$0x11C0]  }
0x302: {  	v1 =	vadd.f32 v5, v1;
	v4 =	vadd.f32 v9, v4;
	v5 =	vld [tilespmem:s20+$0x120]  }
0x303: {  	v8 =	vld [tilespmem:s20+$0x1120]  }
0x304: {  	v9 =	vld [tilespmem:s20+$0xFFFFE030];
	[tilespmem:s15+$0xFFFFFFA0] =	vst v1  }
0x305: {  	v1 =	vld [tilespmem:s20+$0xFFFFF030]  }
0x306: {  	v2 =	vadd.f32 v6, v2;
	v10 =	vld [tilespmem:s20+$0x30];
	v3 =	vadd.f32 v3, v7  }
0x307: {  	v6 =	vld [tilespmem:s20+$0x1030]  }
0x308: {  	v7 =	vld [tilespmem:s20+$0xFFFFE0B0];
	v5 =	vadd.f32 v8, v5;
	v2 =	vadd.f32 v3, v2  }
0x309: {  	v3 =	vld [tilespmem:s20+$0xFFFFF0B0]  }
0x30a: {  	v1 =	vadd.f32 v1, v9;
	v8 =	vld [tilespmem:s20+$0xB0];
	v4 =	vadd.f32 v5, v4;
	[tilespmem:s15+$0xC0] =	vst v2  }
0x30b: {  	v2 =	vld [tilespmem:s20+$0xFFFFE1D0]  }
0x30c: {  	v5 =	vadd.f32 v6, v10;
	[tilespmem:s15+$0x20] =	vst v4;
	v4 =	vld [tilespmem:s20+$0xFFFFF1D0]  }
0x30d: {  	v6 =	vld [tilespmem:s20+$0x1D0]  }
0x30e: {  	v1 =	vadd.f32 v5, v1;
	v3 =	vadd.f32 v3, v7;
	v5 =	vld [tilespmem:s20+$0x11D0]  }
0x30f: {  	v7 =	vld [tilespmem:s20+$0x10B0]  }
0x310: {  	[tilespmem:s15+$0xFFFFFF30] =	vst v1;
	v1 =	vld [tilespmem:s20+$0xFFFFE130]  }
0x311: {  	v9 =	vld [tilespmem:s20+$0xFFFFF130]  }
0x312: {  	v10 =	vld [tilespmem:s20+$0x130]  }
0x313: {  	v2 =	vadd.f32 v4, v2;
	v11 =	vld [tilespmem:s20+$0x1130];
	v4 =	vadd.f32 v5, v6  }
0x314: {  	v5 =	vld [tilespmem:s20+$0xFFFFE040];
	v6 =	vadd.f32 v7, v8  }
0x315: {  	v7 =	vld [tilespmem:s20+$0xFFFFF040];
	v2 =	vadd.f32 v4, v2  }
0x316: {  	v4 =	vld [tilespmem:s20+$0x40];
	v3 =	vadd.f32 v6, v3;
	v1 =	vadd.f32 v9, v1  }
0x317: {  	v6 =	vld [tilespmem:s20+$0x1040];
	[tilespmem:s15+$0xD0] =	vst v2  }
0x318: {  	[tilespmem:s15+$0xFFFFFFB0] =	vst v3;
	v2 =	vadd.f32 v11, v10;
	v3 =	vld [tilespmem:s20+$0xFFFFE1E0]  }
0x319: {  	v8 =	vld [tilespmem:s20+$0xFFFFF1E0]  }
0x31a: {  	v5 =	vadd.f32 v7, v5;
	v1 =	vadd.f32 v2, v1;
	v2 =	vld [tilespmem:s20+$0x1E0]  }
0x31b: {  	v7 =	vld [tilespmem:s20+$0x11E0]  }
0x31c: {  	v4 =	vadd.f32 v6, v4;
	v6 =	vld [tilespmem:s20+$0xFFFFE0C0];
	[tilespmem:s15+$0x30] =	vst v1  }
0x31d: {  	v1 =	vld [tilespmem:s20+$0xFFFFF0C0]  }
0x31e: {  	v4 =	vadd.f32 v4, v5;
	v5 =	vld [tilespmem:s20+$0xC0]  }
0x31f: {  	v9 =	vld [tilespmem:s20+$0x10C0]  }
0x320: {  	v3 =	vadd.f32 v8, v3;
	[tilespmem:s15+$0xFFFFFF40] =	vst v4;
	v4 =	vld [tilespmem:s20+$0xFFFFE140];
	v2 =	vadd.f32 v7, v2  }
0x321: {  	v7 =	vld [tilespmem:s20+$0xFFFFF140]  }
0x322: {  	v1 =	vadd.f32 v1, v6;
	v6 =	vld [tilespmem:s20+$0x140];
	v2 =	vadd.f32 v2, v3  }
0x323: {  	v3 =	vld [tilespmem:s20+$0x1140]  }
0x324: {  	v8 =	vld [tilespmem:s20+$0xFFFFE050];
	v5 =	vadd.f32 v9, v5;
	[tilespmem:s15+$0xE0] =	vst v2  }
0x325: {  	v2 =	vld [tilespmem:s20+$0xFFFFE1F0]  }
0x326: {  	v1 =	vadd.f32 v5, v1;
	v4 =	vadd.f32 v7, v4;
	v5 =	vld [tilespmem:s20+$0xFFFFF1F0]  }
0x327: {  	v7 =	vld [tilespmem:s20+$0x1F0]  }
0x328: {  	[tilespmem:s15+$0xFFFFFFC0] =	vst v1;
	v1 =	vadd.f32 v3, v6;
	v3 =	vld [tilespmem:s20+$0x11F0]  }
0x329: {  	v6 =	vld [tilespmem:s20+$0xFFFFF050]  }
0x32a: {  	v9 =	vld [tilespmem:s20+$0x50];
	v1 =	vadd.f32 v1, v4  }
0x32b: {  	v4 =	vld [tilespmem:s20+$0x1050]  }
0x32c: {  	v10 =	vld [tilespmem:s20+$0xFFFFE0D0];
	[tilespmem:s15+$0x40] =	vst v1  }
0x32d: {  	v2 =	vadd.f32 v5, v2;
	v1 =	vld [tilespmem:s20+$0xFFFFF0D0];
	v3 =	vadd.f32 v3, v7  }
0x32e: {  	v5 =	vadd.f32 v6, v8;
	v6 =	vld [tilespmem:s20+$0xD0]  }
0x32f: {  	v7 =	vld [tilespmem:s20+$0x10D0];
	v2 =	vadd.f32 v3, v2  }
0x330: {  	v3 =	vadd.f32 v4, v9;
	v4 =	vld [tilespmem:s20+$0xFFFFE150]  }
0x331: {  	v8 =	vld [tilespmem:s20+$0xFFFFF150];
	[tilespmem:s15+$0xF0] =	vst v2  }
0x332: {  	v2 =	vadd.f32 v3, v5;
	v1 =	vadd.f32 v1, v10;
	v3 =	vld [tilespmem:s20+$0x150]  }
0x333: {  	v5 =	vld [tilespmem:s20+$0x1150]  }
0x334: {  	[tilespmem:s15+$0xFFFFFF50] =	vst v2;
	v2 =	vadd.f32 v7, v6;
	v6 =	vld [tilespmem:s9+$0x170]  }
0x335: {  	v7 =	vld [tilespmem:s20+$0xFFFFE060]  }
0x336: {  	v9 =	vld [tilespmem:s20+$0xFFFFF060];
	v1 =	vadd.f32 v2, v1;
	v2 =	vadd.f32 v8, v4  }
0x337: {  	v4 =	vld [tilespmem:s20+$0x60]  }
0x338: {  	v8 =	vld [tilespmem:s20+$0x1060];
	[tilespmem:s15+$0xFFFFFFD0] =	vst v1;
	v1 =	vadd.f32 v5, v3  }
0x339: {  	v3 =	vld [tilespmem:s20+$0xFFFFE0E0]  }
0x33a: {  	v5 =	vld [tilespmem:s20+$0xFFFFF0E0];
	v1 =	vadd.f32 v1, v2  }
0x33b: {  	v2 =	vadd.f32 v9, v7;
	v7 =	vld [tilespmem:s20+$0xE0]  }
0x33c: {  	v9 =	vld [tilespmem:s20+$0x10E0];
	[tilespmem:s15+$0x50] =	vst v1  }
0x33d: {  	v1 =	vadd.f32 v8, v4;
	v4 =	vld [tilespmem:s20+$0xFFFFE160]  }
0x33e: {  	v8 =	vld [tilespmem:s20+$0xFFFFF160]  }
0x33f: {  	v1 =	vadd.f32 v1, v2;
	v2 =	vadd.f32 v5, v3;
	v5 =	vld [tilespmem:s20+$0x160]  }
0x340: {  	v10 =	vld [tilespmem:s20+$0x1160]  }
0x341: {  	[tilespmem:s15+$0xFFFFFF60] =	vst v1;
	v1 =	vadd.f32 v9, v7;
	v7 =	vld [tilespmem:s9+$0x1170];
	s9 =	smov.u32 s20  }
0x342: {  	v9 =	vld [tilespmem:s20+$0xFFFFE070]  }
0x343: {  	v11 =	vld [tilespmem:s20+$0xFFFFF070];
	v2 =	vadd.f32 v1, v2;
	v8 =	vadd.f32 v8, v4  }
0x344: {  	v1 =	vld [tilespmem:s20+$0x70]  }
.Ltmp1:
0x345: {  	v3 =	vld [tilespmem:s20+$0x1070];
	[tilespmem:s15+$0xFFFFFFE0] =	vst v2;
	v5 =	vadd.f32 v10, v5;
	(pc) =	sbr.rel @p1 .LBB2_5-.Ltmp1, $4  }
0x346: {  	v2 =	vld [tilespmem:s20+$0xFFFFE0F0];
	v7 =	vadd.f32 v7, v6  }
0x347: {  	v4 =	vld [tilespmem:s20+$0xFFFFF0F0];
	v8 =	vadd.f32 v5, v8  }
0x348: {  	v6 =	vadd.f32 v11, v9;
	v5 =	vld [tilespmem:s20+$0xF0];
	v7 =	vadd.f32 v7, v0  }
0x349: {  	s20 =	sadd.s32 $0x200, s20;
	v0 =	vld [tilespmem:s9+$0x10F0];
	[tilespmem:s15+$0x60] =	vst v8  }
0x34a: {  	v8 =	vld [tilespmem:s9+$0xFFFFE170]  }
0x34b: {  	v9 =	vld [tilespmem:s9+$0xFFFFF170]  }
0x34c: {  	v10 =	vld [tilespmem:s9+$0x170]  }
0x34d: {  	v11 =	vld [tilespmem:s9+$0x1170]  }
0x34e: {  	v1 =	vadd.f32 v3, v1;
	_ =	sdelay $0x1  }
0x34f: {  	v1 =	vadd.f32 v1, v6  }
0x350: {  	v2 =	vadd.f32 v4, v2;
	v0 =	vadd.f32 v0, v5  }
0x351: {  	v3 =	vadd.f32 v9, v8;
	v4 =	vadd.f32 v11, v10  }
0x352: {  	[tilespmem:s6+$0x70] =	vst v7;
	v0 =	vadd.f32 v0, v2  }
0x353: {  	[tilespmem:s15+$0xFFFFFF70] =	vst v1;
	v1 =	vadd.f32 v4, v3  }
0x354: {  	[tilespmem:s15+$0xFFFFFFF0] =	vst v0  }
0x355: {  	s0 =	sadd.s32 s0, s8;
	s20 =	simm.s32 $0xA800;
	s6 =	sadd.s32 s31, s5;
	[tilespmem:s15+$0x70] =	vst v1  }
0x356: {  	[hbm4b:s0+s3] =	stream.linear.scatter [tilespmem:s20], [sflag:$0x7], $0x1000, $0x38;
	[tilespmem:$0xC800] =	vst v63  }
0x357: {  	s0 =	sadd.s32 $0x1, s6;
	_ =	swait.ge [sflag:s1], $0x400  }
0x358: {  	s9 =	sshll.u32 s0, $0x7;
	[sflag:s1] =	ssyncset.done $0x0  }
0x359: {  	s6 =	sadd.s32 s9, s7;
	[sflag:s1] =	ssyncadd.s32 $0xFFFFFC00  }
0x35a: {  	[tilespmem:s3], [sflag:$0x3] =	stream.linear.gather [hbm4b:s6+s3], $0x400, $0x38;
	[tilespmem:$0xC800] =	vst v63  }
0x35b: {  	_ = 	snop  }
0x35c: {  	[tilespmem:s13], [sflag:$0x1] =	stream.indirect.gather [hbm4b:s2+s12], $0x20, s11, s12, $0xb8;
	[tilespmem:$0xC800] =	vst v63  }
0x35d: {  	s15 =	simm.s32 $0x480  }
0x35e: {  	[tilespmem:s14], [sflag:$0x1] =	stream.indirect.gather [hbm4b:s2+s12], $0x20, s15, s12, $0xb8;
	[tilespmem:$0xC800] =	vst v63  }
0x35f: {  	s17 =	simm.s32 $0x500  }
0x360: {  	[tilespmem:s16], [sflag:$0x1] =	stream.indirect.gather [hbm4b:s2+s12], $0x20, s17, s12, $0xb8;
	[tilespmem:$0xC800] =	vst v63  }
0x361: {  	s20 =	simm.s32 $0x580  }
0x362: {  	[tilespmem:s18], [sflag:$0x1] =	stream.indirect.gather [hbm4b:s2+s12], $0x20, s20, s12, $0xb8;
	[tilespmem:$0xC800] =	vst v63  }
0x363: {  	_ =	swait.ge [sflag:s19], $0x1000  }
0x364: {  	[sflag:s19] =	ssyncset.done $0x0  }
0x365: {  	[sflag:s19] =	ssyncadd.s32 $0xFFFFF000  }
0x366: {  	_ =	swait.ge [sflag:s19], $0x1000  }
0x367: {  	[sflag:s19] =	ssyncset.done $0x0  }
0x368: {  	[sflag:s19] =	ssyncadd.s32 $0xFFFFF000  }
0x369: {  	_ =	swait.ge [sflag:s19], $0x1000  }
0x36a: {  	[sflag:s19] =	ssyncset.done $0x0  }
0x36b: {  	[sflag:s19] =	ssyncadd.s32 $0xFFFFF000  }
0x36c: {  	_ =	swait.ge [sflag:s19], $0x1000  }
0x36d: {  	[sflag:s19] =	ssyncset.done $0x0  }
0x36e: {  	s6 =	simm.s32 @!p0 $0x6;
	[sflag:s19] =	ssyncadd.s32 $0xFFFFF000  }
0x36f: {  	_ =	swait.ge @!p0 [sflag:s6], $0x1000  }
0x370: {  	[sflag:s6] =	ssyncset.done @!p0 $0x0  }
0x371: {  	s9 =	simm.s32 $0x600;
	[sflag:s6] =	ssyncadd.s32 @!p0 $0xFFFFF000  }
0x372: {  	[tilespmem:s21], [sflag:$0x2] =	stream.indirect.gather [hbm4b:s2+s12], $0x20, s9, s12, $0xb8;
	[tilespmem:$0xC800] =	vst v63  }
0x373: {  	s15 =	simm.s32 $0x680  }
0x374: {  	[tilespmem:s23], [sflag:$0x2] =	stream.indirect.gather [hbm4b:s2+s12], $0x20, s15, s12, $0xb8;
	[tilespmem:$0xC800] =	vst v63  }
0x375: {  	s17 =	simm.s32 $0x700  }
0x376: {  	[tilespmem:s25], [sflag:$0x2] =	stream.indirect.gather [hbm4b:s2+s12], $0x20, s17, s12, $0xb8;
	[tilespmem:$0xC800] =	vst v63  }
0x377: {  	s20 =	simm.s32 $0x2800  }
0x378: {  	[tilespmem:s28], [sflag:$0x2] =	stream.indirect.gather [hbm4b:s2+s12], $0x20, s22, s12, $0xb8;
	[tilespmem:$0xC800] =	vst v63  }
0x379: {  	v0 =	vld [tilespmem:s20+$0xFFFFE180]  }
0x37a: {  	v1 =	vld [tilespmem:s20+$0xFFFFF180]  }
0x37b: {  	v2 =	vld [tilespmem:s20+$0x180]  }
0x37c: {  	v3 =	vld [tilespmem:s20+$0x1180]  }
0x37d: {  	v4 =	vld [tilespmem:s20+$0xFFFFF000]  }
0x37e: {  	v5 =	vld [tilespmem:s20+$0x0]  }
0x37f: {  	v6 =	vld [tilespmem:s20+$0x1000]  }
0x380: {  	v7 =	vld [tilespmem:s20+$0x1080]  }
0x381: {  	v37 =	vld [tilespmem:s20+$0xFFFFE100]  }
0x382: {  	s9 =	simm.s32 $0x2A00;
	v12 =	vld [tilespmem:s20+$0x1100]  }
0x383: {  	v59 =	vld [tilespmem:s9+$0xFFFFE180]  }
0x384: {  	v17 =	vld [tilespmem:s9+$0xFFFFF180]  }
0x385: {  	v18 =	vld [tilespmem:s9+$0x180]  }
0x386: {  	v19 =	vld [tilespmem:s9+$0x1180]  }
0x387: {  	v20 =	vld [tilespmem:s9+$0xFFFFF000]  }
0x388: {  	v21 =	vld [tilespmem:s9+$0x0]  }
0x389: {  	v22 =	vld [tilespmem:s9+$0x1000]  }
0x38a: {  	v23 =	vld [tilespmem:s9+$0xFFFFE080]  }
0x38b: {  	v24 =	vld [tilespmem:s9+$0xFFFFF080]  }
0x38c: {  	v61 =	vld [tilespmem:s9+$0x80]  }
0x38d: {  	v62 =	vld [tilespmem:s9+$0x1080]  }
0x38e: {  	v63 =	vld [tilespmem:s9+$0xFFFFE100]  }
0x38f: {  	v25 =	vld [tilespmem:s9+$0xFFFFF100]  }
0x390: {  	v30 =	vld [tilespmem:s9+$0x100]  }
0x391: {  	v32 =	vld [tilespmem:s9+$0x1100];
	v0 =	vadd.f32 v1, v0;
	v1 =	vadd.f32 v3, v2  }
0x392: {  	v33 =	vld [tilespmem:s9+$0xFFFFE000]  }
0x393: {  	v2 =	vld [tilespmem:s20+$0xFFFFE080];
	v0 =	vadd.f32 v1, v0  }
0x394: {  	s6 =	simm.s32 $0x99F0;
	v3 =	vld [tilespmem:s20+$0xFFFFF080]  }
0x395: {  	v60 =	vadd.f32 v19, v18;
	v1 =	vld [tilespmem:s20+$0x80];
	[tilespmem:s6+$0xFFFFFF90] =	vst v0  }
0x396: {  	v23 =	vadd.f32 v24, v23;
	v18 =	vadd.f32 v62, v61;
	v0 =	vld [tilespmem:s20+$0xFFFFE190]  }
0x397: {  	v8 =	vld [tilespmem:s20+$0xFFFFF190]  }
0x398: {  	v18 =	vadd.f32 v18, v23;
	v35 =	vld [tilespmem:s20+$0x190]  }
0x399: {  	s31 =	simm.s32 $0x9BF0;
	v36 =	vld [tilespmem:s20+$0x1190]  }
0x39a: {  	[tilespmem:s31+$0xFFFFFE90] =	vst v18;
	v2 =	vadd.f32 v3, v2;
	v3 =	vld [tilespmem:s20+$0xFFFFF100]  }
0x39b: {  	v34 =	vld [tilespmem:s9+$0xFFFFE090];
	v1 =	vadd.f32 v7, v1  }
0x39c: {  	v18 =	vld [tilespmem:s9+$0xFFFFF090]  }
0x39d: {  	v7 =	vld [tilespmem:s20+$0xFFFFE000];
	v1 =	vadd.f32 v1, v2  }
0x39e: {  	v2 =	vld [tilespmem:s20+$0x100]  }
0x39f: {  	[tilespmem:s6+$0xFFFFFE90] =	vst v1;
	v1 =	vadd.f32 v36, v35;
	v35 =	vld [tilespmem:s9+$0x90]  }
0x3a0: {  	v0 =	vadd.f32 v8, v0;
	v36 =	vld [tilespmem:s9+$0x1090]  }
0x3a1: {  	v8 =	vld [tilespmem:s20+$0xFFFFE090]  }
0x3a2: {  	v38 =	vld [tilespmem:s20+$0xFFFFF090];
	v0 =	vadd.f32 v1, v0  }
0x3a3: {  	v5 =	vadd.f32 v6, v5;
	v6 =	vld [tilespmem:s20+$0x1090]  }
0x3a4: {  	v4 =	vadd.f32 v4, v7;
	v1 =	vld [tilespmem:s20+$0x90];
	[tilespmem:s6+$0xFFFFFFA0] =	vst v0  }
0x3a5: {  	v0 =	vld [tilespmem:s20+$0xFFFFE1A0]  }
0x3a6: {  	v4 =	vadd.f32 v5, v4;
	v5 =	vld [tilespmem:s20+$0xFFFFF1A0]  }
0x3a7: {  	v7 =	vld [tilespmem:s20+$0x1A0]  }
0x3a8: {  	v3 =	vadd.f32 v3, v37;
	v2 =	vadd.f32 v12, v2;
	[tilespmem:s6+$0xFFFFFE10] =	vst v4;
	v4 =	vld [tilespmem:s20+$0x11A0]  }
0x3a9: {  	v12 =	vadd.f32 v17, v59;
	v39 =	vld [tilespmem:s20+$0xFFFFE010]  }
0x3aa: {  	v2 =	vadd.f32 v2, v3;
	v3 =	vld [tilespmem:s20+$0xFFFFF010]  }
0x3ab: {  	v12 =	vadd.f32 v60, v12;
	v40 =	vld [tilespmem:s20+$0x10]  }
0x3ac: {  	[tilespmem:s6+$0xFFFFFF10] =	vst v2;
	v2 =	vld [tilespmem:s20+$0x1010]  }
0x3ad: {  	v1 =	vadd.f32 v6, v1;
	[tilespmem:s31+$0xFFFFFF90] =	vst v12;
	v6 =	vld [tilespmem:s20+$0xFFFFE110]  }
0x3ae: {  	v12 =	vld [tilespmem:s9+$0xFFFFE190]  }
0x3af: {  	v8 =	vadd.f32 v38, v8;
	v26 =	vld [tilespmem:s9+$0xFFFFF190]  }
0x3b0: {  	v28 =	vld [tilespmem:s9+$0x190]  }
0x3b1: {  	v29 =	vld [tilespmem:s9+$0x1190];
	v1 =	vadd.f32 v1, v8  }
0x3b2: {  	v0 =	vadd.f32 v5, v0;
	v4 =	vadd.f32 v4, v7;
	v5 =	vld [tilespmem:s20+$0xFFFFF110]  }
0x3b3: {  	v7 =	vld [tilespmem:s20+$0x110]  }
0x3b4: {  	[tilespmem:s6+$0xFFFFFEA0] =	vst v1;
	v1 =	vld [tilespmem:s20+$0x1110];
	v0 =	vadd.f32 v4, v0  }
0x3b5: {  	v4 =	vld [tilespmem:s20+$0xFFFFE0A0]  }
0x3b6: {  	v3 =	vadd.f32 v3, v39;
	v2 =	vadd.f32 v2, v40;
	v42 =	vld [tilespmem:s20+$0xFFFFF0A0];
	[tilespmem:s6+$0xFFFFFFB0] =	vst v0  }
0x3b7: {  	v0 =	vld [tilespmem:s20+$0xFFFFE1B0]  }
0x3b8: {  	v2 =	vadd.f32 v2, v3;
	v3 =	vld [tilespmem:s20+$0xFFFFF1B0]  }
0x3b9: {  	v8 =	vld [tilespmem:s20+$0x1B0]  }
0x3ba: {  	v12 =	vadd.f32 v26, v12;
	v19 =	vadd.f32 v29, v28;
	[tilespmem:s6+$0xFFFFFE20] =	vst v2;
	v2 =	vld [tilespmem:s20+$0x11B0]  }
0x3bb: {  	v5 =	vadd.f32 v5, v6;
	v41 =	vld [tilespmem:s20+$0xFFFFE020]  }
0x3bc: {  	v37 =	vadd.f32 v19, v12;
	v1 =	vadd.f32 v1, v7;
	v6 =	vld [tilespmem:s20+$0xFFFFF020]  }
0x3bd: {  	v7 =	vld [tilespmem:s20+$0x20]  }
0x3be: {  	[tilespmem:s31+$0xFFFFFFA0] =	vst v37;
	v1 =	vadd.f32 v1, v5;
	v5 =	vld [tilespmem:s20+$0x1020]  }
0x3bf: {  	v39 =	vld [tilespmem:s9+$0xFFFFE1A0]  }
0x3c0: {  	v40 =	vld [tilespmem:s9+$0xFFFFF1A0]  }
0x3c1: {  	v4 =	vadd.f32 v42, v4;
	v42 =	vld [tilespmem:s9+$0x11A0]  }
0x3c2: {  	v0 =	vadd.f32 v3, v0;
	v3 =	vld [tilespmem:s20+$0xA0];
	v2 =	vadd.f32 v2, v8  }
0x3c3: {  	[tilespmem:s6+$0xFFFFFF20] =	vst v1;
	v1 =	vld [tilespmem:s20+$0x10A0]  }
0x3c4: {  	v8 =	vld [tilespmem:s20+$0xFFFFF120];
	v0 =	vadd.f32 v2, v0  }
0x3c5: {  	v44 =	vld [tilespmem:s20+$0x120]  }
0x3c6: {  	v6 =	vadd.f32 v6, v41;
	v2 =	vld [tilespmem:s20+$0xFFFFE120];
	v5 =	vadd.f32 v5, v7;
	[tilespmem:s6+$0xFFFFFFC0] =	vst v0  }
0x3c7: {  	v0 =	vld [tilespmem:s20+$0xFFFFE1C0]  }
0x3c8: {  	v5 =	vadd.f32 v5, v6;
	v7 =	vld [tilespmem:s20+$0xFFFFF1C0]  }
0x3c9: {  	v43 =	vld [tilespmem:s20+$0x1C0]  }
0x3ca: {  	v1 =	vadd.f32 v1, v3;
	v6 =	vld [tilespmem:s20+$0x11C0];
	[tilespmem:s6+$0xFFFFFE30] =	vst v5  }
0x3cb: {  	v5 =	vld [tilespmem:s20+$0xFFFFE030]  }
0x3cc: {  	v1 =	vadd.f32 v1, v4;
	v4 =	vld [tilespmem:s20+$0xFFFFF030]  }
0x3cd: {  	v45 =	vld [tilespmem:s20+$0x30]  }
0x3ce: {  	[tilespmem:s6+$0xFFFFFEB0] =	vst v1;
	v1 =	vld [tilespmem:s20+$0x1030]  }
0x3cf: {  	v3 =	vld [tilespmem:s20+$0x1120];
	v0 =	vadd.f32 v7, v0;
	v6 =	vadd.f32 v6, v43  }
0x3d0: {  	v41 =	vld [tilespmem:s9+$0x1A0]  }
0x3d1: {  	v46 =	vld [tilespmem:s20+$0xB0];
	v0 =	vadd.f32 v6, v0  }
0x3d2: {  	v7 =	vld [tilespmem:s20+$0xFFFFE0B0]  }
0x3d3: {  	v6 =	vld [tilespmem:s20+$0xFFFFF0B0];
	v4 =	vadd.f32 v4, v5;
	v1 =	vadd.f32 v1, v45;
	[tilespmem:s6+$0xFFFFFFD0] =	vst v0  }
0x3d4: {  	v0 =	vadd.f32 v8, v2;
	v2 =	vadd.f32 v3, v44;
	v3 =	vld [tilespmem:s20+$0xFFFFE1D0]  }
0x3d5: {  	v8 =	vld [tilespmem:s20+$0xFFFFF1D0];
	v1 =	vadd.f32 v1, v4  }
0x3d6: {  	v47 =	vld [tilespmem:s20+$0x11D0];
	v0 =	vadd.f32 v2, v0  }
0x3d7: {  	v2 =	vld [tilespmem:s20+$0x1D0];
	[tilespmem:s6+$0xFFFFFE40] =	vst v1  }
0x3d8: {  	[tilespmem:s6+$0xFFFFFF30] =	vst v0;
	v0 =	vld [tilespmem:s20+$0x10B0]  }
0x3d9: {  	v49 =	vld [tilespmem:s20+$0xFFFFF040]  }
0x3da: {  	v6 =	vadd.f32 v6, v7;
	v7 =	vld [tilespmem:s20+$0x1040]  }
0x3db: {  	v5 =	vld [tilespmem:s20+$0xFFFFE130]  }
0x3dc: {  	v4 =	vld [tilespmem:s20+$0xFFFFF130];
	v3 =	vadd.f32 v8, v3;
	v2 =	vadd.f32 v47, v2  }
0x3dd: {  	v48 =	vld [tilespmem:s20+$0x130]  }
0x3de: {  	v1 =	vld [tilespmem:s20+$0x1130];
	v2 =	vadd.f32 v2, v3  }
0x3df: {  	v8 =	vld [tilespmem:s20+$0xFFFFE040]  }
0x3e0: {  	v3 =	vld [tilespmem:s20+$0x40];
	v0 =	vadd.f32 v0, v46;
	[tilespmem:s6+$0xFFFFFFE0] =	vst v2  }
0x3e1: {  	v2 =	vld [tilespmem:s20+$0xFFFFE1E0]  }
0x3e2: {  	v0 =	vadd.f32 v0, v6;
	v6 =	vld [tilespmem:s20+$0xFFFFF1E0]  }
0x3e3: {  	v50 =	vld [tilespmem:s20+$0x1E0]  }
0x3e4: {  	v4 =	vadd.f32 v4, v5;
	[tilespmem:s6+$0xFFFFFEC0] =	vst v0;
	v0 =	vadd.f32 v1, v48;
	v1 =	vld [tilespmem:s20+$0x11E0]  }
0x3e5: {  	v5 =	vld [tilespmem:s20+$0xFFFFE0C0]  }
0x3e6: {  	v51 =	vld [tilespmem:s20+$0xC0];
	v0 =	vadd.f32 v0, v4  }
0x3e7: {  	v8 =	vadd.f32 v49, v8;
	v3 =	vadd.f32 v7, v3;
	v4 =	vld [tilespmem:s20+$0xFFFFF0C0]  }
0x3e8: {  	[tilespmem:s6+$0xFFFFFF40] =	vst v0;
	v0 =	vld [tilespmem:s20+$0x10C0]  }
0x3e9: {  	v3 =	vadd.f32 v3, v8;
	v7 =	vld [tilespmem:s20+$0xFFFFE140]  }
0x3ea: {  	v2 =	vadd.f32 v6, v2;
	v1 =	vadd.f32 v1, v50;
	v6 =	vld [tilespmem:s20+$0xFFFFF140]  }
0x3eb: {  	v8 =	vld [tilespmem:s20+$0x140];
	[tilespmem:s6+$0xFFFFFE50] =	vst v3  }
0x3ec: {  	v3 =	vld [tilespmem:s20+$0xFFFFE050];
	v1 =	vadd.f32 v1, v2  }
0x3ed: {  	v2 =	vld [tilespmem:s20+$0x1140]  }
0x3ee: {  	v52 =	vld [tilespmem:s20+$0x50];
	v4 =	vadd.f32 v4, v5;
	[tilespmem:s6+$0xFFFFFFF0] =	vst v1;
	v5 =	vadd.f32 v0, v51  }
0x3ef: {  	v0 =	vld [tilespmem:s20+$0xFFFFE1F0]  }
0x3f0: {  	v1 =	vld [tilespmem:s20+$0xFFFFF1F0];
	v4 =	vadd.f32 v5, v4  }
0x3f1: {  	v5 =	vld [tilespmem:s20+$0xFFFFF050]  }
0x3f2: {  	v6 =	vadd.f32 v6, v7;
	v2 =	vadd.f32 v2, v8;
	[tilespmem:s6+$0xFFFFFED0] =	vst v4;
	v4 =	vld [tilespmem:s20+$0x1050]  }
0x3f3: {  	v7 =	vld [tilespmem:s20+$0xFFFFE0D0]  }
0x3f4: {  	v8 =	vld [tilespmem:s20+$0xFFFFF0D0];
	v6 =	vadd.f32 v2, v6  }
0x3f5: {  	v53 =	vld [tilespmem:s20+$0xD0]  }
0x3f6: {  	v54 =	vld [tilespmem:s20+$0x10D0];
	[tilespmem:s6+$0xFFFFFF50] =	vst v6  }
0x3f7: {  	v3 =	vadd.f32 v5, v3;
	v5 =	vld [tilespmem:s20+$0xFFFFE150];
	v4 =	vadd.f32 v4, v52  }
0x3f8: {  	v6 =	vld [tilespmem:s20+$0xFFFFF150]  }
0x3f9: {  	v7 =	vadd.f32 v8, v7;
	v8 =	vld [tilespmem:s20+$0x1150];
	v3 =	vadd.f32 v4, v3  }
0x3fa: {  	v4 =	vld [tilespmem:s20+$0x150]  }
0x3fb: {  	v2 =	vld [tilespmem:s20+$0x1F0];
	[tilespmem:s6+$0xFFFFFE60] =	vst v3;
	v3 =	vadd.f32 v54, v53  }
0x3fc: {  	v55 =	vld [tilespmem:s20+$0xFFFFE060]  }
0x3fd: {  	v56 =	vld [tilespmem:s20+$0xFFFFF060];
	v3 =	vadd.f32 v3, v7  }
0x3fe: {  	v57 =	vld [tilespmem:s20+$0x1060]  }
0x3ff: {  	v7 =	vld [tilespmem:s20+$0x60];
	v4 =	vadd.f32 v8, v4;
	[tilespmem:s6+$0xFFFFFEE0] =	vst v3;
	v3 =	vadd.f32 v6, v5  }
0x400: {  	v5 =	vld [tilespmem:s20+$0xFFFFE0E0]  }
0x401: {  	v6 =	vld [tilespmem:s20+$0xFFFFF0E0];
	v4 =	vadd.f32 v4, v3  }
0x402: {  	v8 =	vld [tilespmem:s20+$0xE0]  }
0x403: {  	v58 =	vld [tilespmem:s20+$0x10E0];
	[tilespmem:s6+$0xFFFFFF60] =	vst v4  }
0x404: {  	v9 =	vadd.f32 v56, v55;
	v4 =	vadd.f32 v57, v7;
	v13 =	vld [tilespmem:s20+$0xFFFFE160]  }
0x405: {  	v14 =	vld [tilespmem:s20+$0xFFFFF160]  }
0x406: {  	v15 =	vld [tilespmem:s20+$0x160];
	v4 =	vadd.f32 v4, v9  }
0x407: {  	v16 =	vld [tilespmem:s20+$0x1160]  }
0x408: {  	v3 =	vld [tilespmem:s20+$0x11F0];
	v6 =	vadd.f32 v6, v5;
	v7 =	vadd.f32 v58, v8;
	[tilespmem:s6+$0xFFFFFE70] =	vst v4  }
0x409: {  	v4 =	vld [tilespmem:s20+$0xFFFFE070]  }
0x40a: {  	v7 =	vadd.f32 v7, v6;
	v5 =	vld [tilespmem:s20+$0xFFFFF070]  }
0x40b: {  	v6 =	vld [tilespmem:s20+$0x70]  }
0x40c: {  	v8 =	vld [tilespmem:s20+$0x1070];
	[tilespmem:s6+$0xFFFFFEF0] =	vst v7;
	v13 =	vadd.f32 v14, v13;
	v31 =	vadd.f32 v16, v15  }
0x40d: {  	v38 =	vadd.f32 v22, v21;
	v7 =	vld [tilespmem:s20+$0xFFFFE0F0]  }
0x40e: {  	v16 =	vadd.f32 v20, v33;
	v9 =	vld [tilespmem:s20+$0xFFFFF0F0];
	v13 =	vadd.f32 v31, v13  }
0x40f: {  	v10 =	vld [tilespmem:s20+$0xF0]  }
0x410: {  	v11 =	vld [tilespmem:s20+$0x10F0];
	v16 =	vadd.f32 v38, v16;
	[tilespmem:s6+$0xFFFFFF70] =	vst v13  }
0x411: {  	v12 =	vld [tilespmem:s20+$0xFFFFE170]  }
0x412: {  	v17 =	vadd.f32 v25, v63;
	v15 =	vadd.f32 v32, v30;
	[tilespmem:s31+$0xFFFFFE10] =	vst v16;
	v13 =	vld [tilespmem:s20+$0xFFFFF170]  }
0x413: {  	v43 =	vld [tilespmem:s9+$0xFFFFE010]  }
0x414: {  	v15 =	vadd.f32 v15, v17;
	v44 =	vld [tilespmem:s9+$0xFFFFF010]  }
0x415: {  	v45 =	vld [tilespmem:s9+$0x10]  }
0x416: {  	v46 =	vadd.f32 v36, v35;
	v14 =	vadd.f32 v18, v34;
	[tilespmem:s31+$0xFFFFFF10] =	vst v15;
	v47 =	vld [tilespmem:s9+$0x1010]  }
0x417: {  	v19 =	vadd.f32 v40, v39;
	v48 =	vld [tilespmem:s9+$0xFFFFE110]  }
0x418: {  	v14 =	vadd.f32 v46, v14;
	v16 =	vadd.f32 v42, v41;
	v49 =	vld [tilespmem:s9+$0xFFFFF110]  }
0x419: {  	v50 =	vld [tilespmem:s9+$0x110]  }
0x41a: {  	[tilespmem:s31+$0xFFFFFEA0] =	vst v14;
	v51 =	vld [tilespmem:s9+$0x1110];
	v16 =	vadd.f32 v16, v19  }
0x41b: {  	v52 =	vld [tilespmem:s9+$0xFFFFE0A0]  }
0x41c: {  	v60 =	vld [tilespmem:s9+$0xFFFFF0A0];
	[tilespmem:s31+$0xFFFFFFB0] =	vst v16  }
0x41d: {  	v16 =	vld [tilespmem:s9+$0xFFFFE1B0]  }
0x41e: {  	v53 =	vld [tilespmem:s9+$0xFFFFF1B0];
	v17 =	vadd.f32 v44, v43;
	v18 =	vadd.f32 v47, v45  }
0x41f: {  	v54 =	vld [tilespmem:s9+$0x1B0]  }
0x420: {  	v55 =	vld [tilespmem:s9+$0x11B0];
	v17 =	vadd.f32 v18, v17  }
0x421: {  	v61 =	vld [tilespmem:s9+$0xA0]  }
0x422: {  	v62 =	vld [tilespmem:s9+$0x10A0];
	v15 =	vadd.f32 v49, v48;
	v14 =	vadd.f32 v51, v50;
	[tilespmem:s31+$0xFFFFFE20] =	vst v17  }
0x423: {  	v56 =	vld [tilespmem:s9+$0xFFFFE020]  }
0x424: {  	v14 =	vadd.f32 v14, v15;
	v57 =	vld [tilespmem:s9+$0xFFFFF020]  }
0x425: {  	v16 =	vadd.f32 v53, v16;
	v17 =	vadd.f32 v55, v54;
	v58 =	vld [tilespmem:s9+$0x20]  }
0x426: {  	[tilespmem:s31+$0xFFFFFF20] =	vst v14;
	v59 =	vld [tilespmem:s9+$0x1020]  }
0x427: {  	v63 =	vld [tilespmem:s9+$0xFFFFE120];
	v16 =	vadd.f32 v17, v16  }
0x428: {  	v28 =	vld [tilespmem:s9+$0xFFFFF120]  }
0x429: {  	v32 =	vld [tilespmem:s9+$0x120];
	[tilespmem:s31+$0xFFFFFFC0] =	vst v16  }
0x42a: {  	v19 =	vadd.f32 v60, v52;
	v14 =	vadd.f32 v62, v61;
	v16 =	vld [tilespmem:s9+$0xFFFFE1C0]  }
0x42b: {  	v29 =	vld [tilespmem:s9+$0xFFFFF1C0]  }
0x42c: {  	v14 =	vadd.f32 v14, v19;
	v30 =	vld [tilespmem:s9+$0x1C0]  }
0x42d: {  	v31 =	vld [tilespmem:s9+$0x11C0]  }
0x42e: {  	v33 =	vld [tilespmem:s9+$0x1120];
	[tilespmem:s31+$0xFFFFFEB0] =	vst v14;
	v20 =	vadd.f32 v57, v56;
	v15 =	vadd.f32 v59, v58  }
0x42f: {  	v38 =	vld [tilespmem:s9+$0xFFFFE0B0]  }
0x430: {  	v39 =	vld [tilespmem:s9+$0xFFFFF0B0];
	v15 =	vadd.f32 v15, v20  }
0x431: {  	v40 =	vld [tilespmem:s9+$0xB0]  }
0x432: {  	v46 =	vld [tilespmem:s9+$0x10B0];
	[tilespmem:s31+$0xFFFFFE30] =	vst v15;
	v16 =	vadd.f32 v29, v16;
	v20 =	vadd.f32 v31, v30  }
0x433: {  	v34 =	vld [tilespmem:s9+$0xFFFFE030]  }
0x434: {  	v35 =	vld [tilespmem:s9+$0xFFFFF030];
	v16 =	vadd.f32 v20, v16  }
0x435: {  	v36 =	vld [tilespmem:s9+$0x30]  }
0x436: {  	v41 =	vadd.f32 v28, v63;
	v15 =	vadd.f32 v33, v32;
	v37 =	vld [tilespmem:s9+$0x1030];
	[tilespmem:s31+$0xFFFFFFD0] =	vst v16  }
0x437: {  	v42 =	vld [tilespmem:s9+$0xFFFFE1D0]  }
0x438: {  	v15 =	vadd.f32 v15, v41;
	v43 =	vld [tilespmem:s9+$0xFFFFF1D0]  }
0x439: {  	v44 =	vld [tilespmem:s9+$0x1D0]  }
0x43a: {  	v20 =	vadd.f32 v39, v38;
	[tilespmem:s31+$0xFFFFFF30] =	vst v15;
	v15 =	vadd.f32 v46, v40;
	v45 =	vld [tilespmem:s9+$0x11D0]  }
0x43b: {  	v47 =	vld [tilespmem:s9+$0xFFFFE130]  }
0x43c: {  	v48 =	vld [tilespmem:s9+$0xFFFFF130];
	v15 =	vadd.f32 v15, v20  }
0x43d: {  	v49 =	vld [tilespmem:s9+$0x130]  }
0x43e: {  	v50 =	vld [tilespmem:s9+$0x1130];
	[tilespmem:s31+$0xFFFFFEC0] =	vst v15  }
0x43f: {  	v18 =	vadd.f32 v35, v34;
	v14 =	vadd.f32 v37, v36;
	v58 =	vld [tilespmem:s9+$0xFFFFE0C0]  }
0x440: {  	v59 =	vld [tilespmem:s9+$0xFFFFF0C0]  }
0x441: {  	v14 =	vadd.f32 v14, v18;
	v60 =	vld [tilespmem:s9+$0xC0]  }
0x442: {  	v61 =	vld [tilespmem:s9+$0x10C0]  }
0x443: {  	[tilespmem:s31+$0xFFFFFE40] =	vst v14;
	v17 =	vadd.f32 v43, v42;
	v16 =	vadd.f32 v45, v44;
	v45 =	vld [tilespmem:s20+$0x170]  }
0x444: {  	v51 =	vld [tilespmem:s9+$0xFFFFE040]  }
0x445: {  	v52 =	vld [tilespmem:s9+$0xFFFFF040];
	v16 =	vadd.f32 v16, v17  }
0x446: {  	v53 =	vld [tilespmem:s9+$0x40]  }
0x447: {  	v18 =	vadd.f32 v48, v47;
	v14 =	vadd.f32 v50, v49;
	v54 =	vld [tilespmem:s9+$0x1040];
	[tilespmem:s31+$0xFFFFFFE0] =	vst v16  }
0x448: {  	v16 =	vld [tilespmem:s9+$0xFFFFE1E0]  }
0x449: {  	v14 =	vadd.f32 v14, v18;
	v55 =	vld [tilespmem:s9+$0xFFFFF1E0]  }
0x44a: {  	v56 =	vld [tilespmem:s9+$0x1E0]  }
0x44b: {  	[tilespmem:s31+$0xFFFFFF40] =	vst v14;
	v18 =	vadd.f32 v59, v58;
	v14 =	vadd.f32 v61, v60;
	v57 =	vld [tilespmem:s9+$0x11E0]  }
0x44c: {  	v62 =	vld [tilespmem:s9+$0xFFFFE140]  }
0x44d: {  	v63 =	vld [tilespmem:s9+$0xFFFFF140];
	v14 =	vadd.f32 v14, v18  }
0x44e: {  	v28 =	vld [tilespmem:s9+$0x140];
	v21 =	vadd.f32 v52, v51;
	v17 =	vadd.f32 v54, v53  }
0x44f: {  	v29 =	vld [tilespmem:s9+$0x1140];
	[tilespmem:s31+$0xFFFFFED0] =	vst v14  }
0x450: {  	v17 =	vadd.f32 v17, v21;
	v37 =	vld [tilespmem:s9+$0xFFFFE0D0]  }
0x451: {  	v38 =	vld [tilespmem:s9+$0xFFFFF0D0]  }
0x452: {  	v39 =	vld [tilespmem:s9+$0xD0];
	[tilespmem:s31+$0xFFFFFE50] =	vst v17  }
0x453: {  	v16 =	vadd.f32 v55, v16;
	v15 =	vadd.f32 v57, v56;
	v17 =	vld [tilespmem:s9+$0xFFFFE050]  }
0x454: {  	v33 =	vld [tilespmem:s9+$0xFFFFF050]  }
0x455: {  	v34 =	vld [tilespmem:s9+$0x50];
	v15 =	vadd.f32 v15, v16  }
0x456: {  	v20 =	vadd.f32 v63, v62;
	v35 =	vadd.f32 v29, v28;
	v36 =	vld [tilespmem:s9+$0x1050]  }
0x457: {  	v40 =	vld [tilespmem:s9+$0x10D0];
	[tilespmem:s31+$0xFFFFFFF0] =	vst v15  }
0x458: {  	v14 =	vadd.f32 v35, v20;
	v15 =	vld [tilespmem:s9+$0xFFFFE1F0]  }
0x459: {  	v30 =	vld [tilespmem:s9+$0xFFFFF1F0]  }
0x45a: {  	[tilespmem:s31+$0xFFFFFF50] =	vst v14;
	v31 =	vld [tilespmem:s9+$0x1F0]  }
0x45b: {  	v41 =	vld [tilespmem:s9+$0xFFFFE150];
	v17 =	vadd.f32 v33, v17;
	v16 =	vadd.f32 v36, v34  }
0x45c: {  	v42 =	vld [tilespmem:s9+$0xFFFFF150]  }
0x45d: {  	v43 =	vld [tilespmem:s9+$0x150];
	v16 =	vadd.f32 v16, v17  }
0x45e: {  	v44 =	vld [tilespmem:s9+$0x1150]  }
0x45f: {  	v20 =	vadd.f32 v38, v37;
	v14 =	vadd.f32 v40, v39;
	v32 =	vld [tilespmem:s9+$0x11F0];
	[tilespmem:s31+$0xFFFFFE60] =	vst v16  }
0x460: {  	v46 =	vld [tilespmem:s9+$0xFFFFE060]  }
0x461: {  	v14 =	vadd.f32 v14, v20;
	v47 =	vld [tilespmem:s9+$0xFFFFF060]  }
0x462: {  	v48 =	vld [tilespmem:s9+$0x60]  }
0x463: {  	[tilespmem:s31+$0xFFFFFEE0] =	vst v14;
	v18 =	vadd.f32 v42, v41;
	v50 =	vadd.f32 v44, v43;
	v49 =	vld [tilespmem:s9+$0x1060]  }
0x464: {  	v51 =	vld [tilespmem:s9+$0xFFFFE0E0]  }
0x465: {  	v52 =	vld [tilespmem:s9+$0xFFFFF0E0];
	v14 =	vadd.f32 v50, v18  }
0x466: {  	v53 =	vld [tilespmem:s9+$0xE0]  }
0x467: {  	v0 =	vadd.f32 v1, v0;
	v2 =	vadd.f32 v3, v2;
	v1 =	vld [tilespmem:s9+$0x10E0];
	[tilespmem:s31+$0xFFFFFF60] =	vst v14  }
0x468: {  	v55 =	vld [tilespmem:s9+$0xFFFFE160];
	v54 =	vadd.f32 v47, v46;
	v20 =	vadd.f32 v49, v48  }
0x469: {  	v0 =	vadd.f32 v2, v0;
	v3 =	vadd.f32 v5, v4;
	v4 =	vld [tilespmem:s9+$0xFFFFF160]  }
0x46a: {  	v5 =	vadd.f32 v8, v6;
	v8 =	vld [tilespmem:s9+$0x160];
	v6 =	vadd.f32 v20, v54  }
0x46b: {  	v7 =	vadd.f32 v9, v7;
	v56 =	vadd.f32 v11, v10;
	v57 =	vld [tilespmem:s9+$0x1160]  }
0x46c: {  	v58 =	vadd.f32 v52, v51;
	v1 =	vadd.f32 v1, v53;
	[tilespmem:s31+$0xFFFFFE70] =	vst v6;
	v6 =	vld [tilespmem:s20+$0x1170]  }
0x46d: {  	v2 =	vadd.f32 v5, v3;
	v62 =	vadd.f32 v13, v12;
	v59 =	vld [tilespmem:s9+$0xFFFFE070]  }
0x46e: {  	v5 =	vadd.f32 v56, v7;
	v3 =	vadd.f32 v1, v58;
	v7 =	vld [tilespmem:s9+$0xFFFFF070]  }
0x46f: {  	[tilespmem:s6+$0x0] =	vst v0;
	v0 =	vadd.f32 v30, v15;
	v60 =	vadd.f32 v32, v31;
	v1 =	vld [tilespmem:s9+$0x70]  }
0x470: {  	[tilespmem:s31+$0xFFFFFEF0] =	vst v3;
	v61 =	vadd.f32 v4, v55;
	v8 =	vadd.f32 v57, v8;
	v3 =	vld [tilespmem:s9+$0x1070]  }
0x471: {  	[tilespmem:s6+$0xFFFFFE80] =	vst v2;
	v0 =	vadd.f32 v60, v0;
	v2 =	vld [tilespmem:s9+$0xFFFFE0F0];
	v63 =	vadd.f32 v6, v45  }
0x472: {  	[tilespmem:s6+$0xFFFFFF00] =	vst v5;
	v4 =	vld [tilespmem:s9+$0xFFFFF0F0];
	v8 =	vadd.f32 v8, v61  }
0x473: {  	[tilespmem:s31+$0x0] =	vst v0;
	v5 =	vld [tilespmem:s9+$0xF0];
	v6 =	vadd.f32 v7, v59;
	v7 =	vadd.f32 v63, v62  }
0x474: {  	s15 =	simm.s32 $0x4;
	s17 =	simm.s32 $0x2C00;
	v0 =	vld [tilespmem:s9+$0x10F0];
	[tilespmem:s31+$0xFFFFFF70] =	vst v8  }
.LBB2_7:
0x475: {  	v8 =	vld [tilespmem:s17+$0xFFFFE180];
	v1 =	vadd.f32 v3, v1;
	[tilespmem:s6+$0xFFFFFF80] =	vst v7;
	s6 =	smov.u32 s31  }
0x476: {  	v3 =	vld [tilespmem:s17+$0xFFFFF180]  }
0x477: {  	v7 =	vld [tilespmem:s17+$0x180];
	v1 =	vadd.f32 v1, v6;
	v2 =	vadd.f32 v4, v2  }
0x478: {  	v4 =	vld [tilespmem:s17+$0x1180]  }
0x479: {  	v6 =	vld [tilespmem:s17+$0xFFFFF000];
	[tilespmem:s31+$0xFFFFFE80] =	vst v1;
	v0 =	vadd.f32 v0, v5  }
0x47a: {  	v1 =	vld [tilespmem:s17+$0x0]  }
0x47b: {  	v5 =	vld [tilespmem:s17+$0x1000];
	v0 =	vadd.f32 v0, v2  }
0x47c: {  	v2 =	vld [tilespmem:s17+$0xFFFFE080]  }
0x47d: {  	v3 =	vadd.f32 v3, v8;
	v9 =	vld [tilespmem:s17+$0xFFFFF080];
	v4 =	vadd.f32 v4, v7;
	[tilespmem:s31+$0xFFFFFF00] =	vst v0  }
0x47e: {  	v0 =	vld [tilespmem:s17+$0x80]  }
0x47f: {  	v7 =	vld [tilespmem:s17+$0x1080];
	v3 =	vadd.f32 v4, v3  }
0x480: {  	s31 =	sadd.s32 $0x200, s31;
	v1 =	vadd.f32 v5, v1;
	v4 =	vld [tilespmem:s17+$0xFFFFE100]  }
0x481: {  	v5 =	vld [tilespmem:s17+$0xFFFFF100];
	[tilespmem:s31+$0xFFFFFF90] =	vst v3  }
0x482: {  	v2 =	vadd.f32 v9, v2;
	v3 =	vld [tilespmem:s17+$0xFFFFE190]  }
0x483: {  	v8 =	vld [tilespmem:s17+$0xFFFFF190]  }
0x484: {  	v0 =	vadd.f32 v7, v0;
	v7 =	vld [tilespmem:s17+$0x190]  }
0x485: {  	v9 =	vld [tilespmem:s17+$0x1190]  }
0x486: {  	v0 =	vadd.f32 v0, v2;
	v2 =	vadd.f32 v5, v4;
	v4 =	vld [tilespmem:s17+$0x100]  }
0x487: {  	v5 =	vld [tilespmem:s17+$0x1100]  }
0x488: {  	v10 =	vld [tilespmem:s17+$0xFFFFE000];
	[tilespmem:s31+$0xFFFFFE90] =	vst v0  }
0x489: {  	v0 =	vld [tilespmem:s17+$0xFFFFE090]  }
0x48a: {  	v3 =	vadd.f32 v8, v3;
	v11 =	vld [tilespmem:s17+$0xFFFFF090];
	v7 =	vadd.f32 v9, v7  }
0x48b: {  	v8 =	vld [tilespmem:s17+$0x90]  }
0x48c: {  	v9 =	vld [tilespmem:s17+$0x1090];
	v4 =	vadd.f32 v5, v4;
	v3 =	vadd.f32 v7, v3  }
0x48d: {  	s15 =	sadd.s32 $0x4, s15;
	v5 =	vadd.f32 v6, v10;
	v6 =	vld [tilespmem:s9+$0xFFFFE170]  }
0x48e: {  	p1 =	slt.u32 s15, $0x1C;
	v2 =	vadd.f32 v4, v2;
	[tilespmem:s31+$0xFFFFFFA0] =	vst v3;
	v3 =	vld [tilespmem:s9+$0xFFFFF170]  }
0x48f: {  	v1 =	vadd.f32 v1, v5;
	v0 =	vadd.f32 v11, v0;
	v4 =	vld [tilespmem:s17+$0xFFFFE1A0]  }
0x490: {  	[tilespmem:s31+$0xFFFFFF10] =	vst v2;
	v2 =	vld [tilespmem:s17+$0xFFFFF1A0]  }
0x491: {  	[tilespmem:s31+$0xFFFFFE10] =	vst v1;
	v1 =	vadd.f32 v9, v8;
	v5 =	vld [tilespmem:s17+$0x1A0]  }
0x492: {  	v7 =	vld [tilespmem:s17+$0x11A0]  }
0x493: {  	v8 =	vld [tilespmem:s17+$0xFFFFE010];
	v1 =	vadd.f32 v1, v0;
	v0 =	vadd.f32 v3, v6  }
0x494: {  	v3 =	vld [tilespmem:s17+$0xFFFFF010]  }
0x495: {  	v6 =	vld [tilespmem:s17+$0x10];
	[tilespmem:s31+$0xFFFFFEA0] =	vst v1  }
0x496: {  	v1 =	vld [tilespmem:s17+$0x1010]  }
0x497: {  	v2 =	vadd.f32 v2, v4;
	v9 =	vld [tilespmem:s17+$0xFFFFE110];
	v4 =	vadd.f32 v7, v5  }
0x498: {  	v5 =	vld [tilespmem:s17+$0xFFFFF110]  }
0x499: {  	v3 =	vadd.f32 v3, v8;
	v7 =	vld [tilespmem:s17+$0x110];
	v2 =	vadd.f32 v4, v2  }
0x49a: {  	v4 =	vld [tilespmem:s17+$0x1110]  }
0x49b: {  	v1 =	vadd.f32 v1, v6;
	v6 =	vld [tilespmem:s17+$0xFFFFE0A0];
	[tilespmem:s31+$0xFFFFFFB0] =	vst v2  }
0x49c: {  	v2 =	vld [tilespmem:s17+$0xFFFFE1B0]  }
0x49d: {  	v1 =	vadd.f32 v1, v3;
	v3 =	vadd.f32 v5, v9;
	v5 =	vld [tilespmem:s17+$0xFFFFF1B0]  }
0x49e: {  	v8 =	vld [tilespmem:s17+$0x1B0]  }
0x49f: {  	[tilespmem:s31+$0xFFFFFE20] =	vst v1;
	v1 =	vadd.f32 v4, v7;
	v4 =	vld [tilespmem:s17+$0x11B0]  }
0x4a0: {  	v7 =	vld [tilespmem:s17+$0xFFFFE020]  }
0x4a1: {  	v9 =	vld [tilespmem:s17+$0xFFFFF020];
	v1 =	vadd.f32 v1, v3  }
0x4a2: {  	v3 =	vld [tilespmem:s17+$0x20]  }
0x4a3: {  	v10 =	vld [tilespmem:s17+$0x1020];
	[tilespmem:s31+$0xFFFFFF20] =	vst v1  }
0x4a4: {  	v2 =	vadd.f32 v5, v2;
	v1 =	vld [tilespmem:s17+$0xFFFFF0A0];
	v4 =	vadd.f32 v4, v8  }
0x4a5: {  	v5 =	vld [tilespmem:s17+$0xA0]  }
0x4a6: {  	v7 =	vadd.f32 v9, v7;
	v8 =	vld [tilespmem:s17+$0x10A0];
	v2 =	vadd.f32 v4, v2  }
0x4a7: {  	v4 =	vld [tilespmem:s17+$0xFFFFE120]  }
0x4a8: {  	v3 =	vadd.f32 v10, v3;
	v9 =	vld [tilespmem:s17+$0xFFFFF120];
	[tilespmem:s31+$0xFFFFFFC0] =	vst v2  }
0x4a9: {  	v1 =	vadd.f32 v1, v6;
	v2 =	vld [tilespmem:s17+$0xFFFFE1C0]  }
0x4aa: {  	v3 =	vadd.f32 v3, v7;
	v6 =	vld [tilespmem:s17+$0xFFFFF1C0]  }
0x4ab: {  	v5 =	vadd.f32 v8, v5;
	v7 =	vld [tilespmem:s17+$0x1C0]  }
0x4ac: {  	[tilespmem:s31+$0xFFFFFE30] =	vst v3;
	v3 =	vld [tilespmem:s17+$0x11C0]  }
0x4ad: {  	v1 =	vadd.f32 v5, v1;
	v4 =	vadd.f32 v9, v4;
	v5 =	vld [tilespmem:s17+$0x120]  }
0x4ae: {  	v8 =	vld [tilespmem:s17+$0x1120]  }
0x4af: {  	v9 =	vld [tilespmem:s17+$0xFFFFE030];
	[tilespmem:s31+$0xFFFFFEB0] =	vst v1  }
0x4b0: {  	v1 =	vld [tilespmem:s17+$0xFFFFF030]  }
0x4b1: {  	v2 =	vadd.f32 v6, v2;
	v10 =	vld [tilespmem:s17+$0x30];
	v3 =	vadd.f32 v3, v7  }
0x4b2: {  	v6 =	vld [tilespmem:s17+$0x1030]  }
0x4b3: {  	v7 =	vld [tilespmem:s17+$0xFFFFE0B0];
	v5 =	vadd.f32 v8, v5;
	v2 =	vadd.f32 v3, v2  }
0x4b4: {  	v3 =	vld [tilespmem:s17+$0xFFFFF0B0]  }
0x4b5: {  	v1 =	vadd.f32 v1, v9;
	v8 =	vld [tilespmem:s17+$0xB0];
	v4 =	vadd.f32 v5, v4;
	[tilespmem:s31+$0xFFFFFFD0] =	vst v2  }
0x4b6: {  	v2 =	vld [tilespmem:s17+$0xFFFFE1D0]  }
0x4b7: {  	v5 =	vadd.f32 v6, v10;
	[tilespmem:s31+$0xFFFFFF30] =	vst v4;
	v4 =	vld [tilespmem:s17+$0xFFFFF1D0]  }
0x4b8: {  	v6 =	vld [tilespmem:s17+$0x1D0]  }
0x4b9: {  	v1 =	vadd.f32 v5, v1;
	v3 =	vadd.f32 v3, v7;
	v5 =	vld [tilespmem:s17+$0x11D0]  }
0x4ba: {  	v7 =	vld [tilespmem:s17+$0x10B0]  }
0x4bb: {  	[tilespmem:s31+$0xFFFFFE40] =	vst v1;
	v1 =	vld [tilespmem:s17+$0xFFFFE130]  }
0x4bc: {  	v9 =	vld [tilespmem:s17+$0xFFFFF130]  }
0x4bd: {  	v10 =	vld [tilespmem:s17+$0x130]  }
0x4be: {  	v2 =	vadd.f32 v4, v2;
	v11 =	vld [tilespmem:s17+$0x1130];
	v4 =	vadd.f32 v5, v6  }
0x4bf: {  	v5 =	vld [tilespmem:s17+$0xFFFFE040];
	v6 =	vadd.f32 v7, v8  }
0x4c0: {  	v7 =	vld [tilespmem:s17+$0xFFFFF040];
	v2 =	vadd.f32 v4, v2  }
0x4c1: {  	v4 =	vld [tilespmem:s17+$0x40];
	v3 =	vadd.f32 v6, v3;
	v1 =	vadd.f32 v9, v1  }
0x4c2: {  	v6 =	vld [tilespmem:s17+$0x1040];
	[tilespmem:s31+$0xFFFFFFE0] =	vst v2  }
0x4c3: {  	[tilespmem:s31+$0xFFFFFEC0] =	vst v3;
	v2 =	vadd.f32 v11, v10;
	v3 =	vld [tilespmem:s17+$0xFFFFE1E0]  }
0x4c4: {  	v8 =	vld [tilespmem:s17+$0xFFFFF1E0]  }
0x4c5: {  	v5 =	vadd.f32 v7, v5;
	v1 =	vadd.f32 v2, v1;
	v2 =	vld [tilespmem:s17+$0x1E0]  }
0x4c6: {  	v7 =	vld [tilespmem:s17+$0x11E0]  }
0x4c7: {  	v4 =	vadd.f32 v6, v4;
	v6 =	vld [tilespmem:s17+$0xFFFFE0C0];
	[tilespmem:s31+$0xFFFFFF40] =	vst v1  }
0x4c8: {  	v1 =	vld [tilespmem:s17+$0xFFFFF0C0]  }
0x4c9: {  	v4 =	vadd.f32 v4, v5;
	v5 =	vld [tilespmem:s17+$0xC0]  }
0x4ca: {  	v9 =	vld [tilespmem:s17+$0x10C0]  }
0x4cb: {  	v3 =	vadd.f32 v8, v3;
	[tilespmem:s31+$0xFFFFFE50] =	vst v4;
	v4 =	vld [tilespmem:s17+$0xFFFFE140];
	v2 =	vadd.f32 v7, v2  }
0x4cc: {  	v7 =	vld [tilespmem:s17+$0xFFFFF140]  }
0x4cd: {  	v1 =	vadd.f32 v1, v6;
	v6 =	vld [tilespmem:s17+$0x140];
	v2 =	vadd.f32 v2, v3  }
0x4ce: {  	v3 =	vld [tilespmem:s17+$0x1140]  }
0x4cf: {  	v8 =	vld [tilespmem:s17+$0xFFFFE050];
	v5 =	vadd.f32 v9, v5;
	[tilespmem:s31+$0xFFFFFFF0] =	vst v2  }
0x4d0: {  	v2 =	vld [tilespmem:s17+$0xFFFFE1F0]  }
0x4d1: {  	v1 =	vadd.f32 v5, v1;
	v4 =	vadd.f32 v7, v4;
	v5 =	vld [tilespmem:s17+$0xFFFFF1F0]  }
0x4d2: {  	v7 =	vld [tilespmem:s17+$0x1F0]  }
0x4d3: {  	[tilespmem:s31+$0xFFFFFED0] =	vst v1;
	v1 =	vadd.f32 v3, v6;
	v3 =	vld [tilespmem:s17+$0x11F0]  }
0x4d4: {  	v6 =	vld [tilespmem:s17+$0xFFFFF050]  }
0x4d5: {  	v9 =	vld [tilespmem:s17+$0x50];
	v1 =	vadd.f32 v1, v4  }
0x4d6: {  	v4 =	vld [tilespmem:s17+$0x1050]  }
0x4d7: {  	v10 =	vld [tilespmem:s17+$0xFFFFE0D0];
	[tilespmem:s31+$0xFFFFFF50] =	vst v1  }
0x4d8: {  	v2 =	vadd.f32 v5, v2;
	v1 =	vld [tilespmem:s17+$0xFFFFF0D0];
	v3 =	vadd.f32 v3, v7  }
0x4d9: {  	v5 =	vadd.f32 v6, v8;
	v6 =	vld [tilespmem:s17+$0xD0]  }
0x4da: {  	v7 =	vld [tilespmem:s17+$0x10D0];
	v2 =	vadd.f32 v3, v2  }
0x4db: {  	v3 =	vadd.f32 v4, v9;
	v4 =	vld [tilespmem:s17+$0xFFFFE150]  }
0x4dc: {  	v8 =	vld [tilespmem:s17+$0xFFFFF150];
	[tilespmem:s31+$0x0] =	vst v2  }
0x4dd: {  	v2 =	vadd.f32 v3, v5;
	v1 =	vadd.f32 v1, v10;
	v3 =	vld [tilespmem:s17+$0x150]  }
0x4de: {  	v5 =	vld [tilespmem:s17+$0x1150]  }
0x4df: {  	[tilespmem:s31+$0xFFFFFE60] =	vst v2;
	v2 =	vadd.f32 v7, v6;
	v6 =	vld [tilespmem:s9+$0x170]  }
0x4e0: {  	v7 =	vld [tilespmem:s17+$0xFFFFE060]  }
0x4e1: {  	v9 =	vld [tilespmem:s17+$0xFFFFF060];
	v1 =	vadd.f32 v2, v1;
	v2 =	vadd.f32 v8, v4  }
0x4e2: {  	v4 =	vld [tilespmem:s17+$0x60]  }
0x4e3: {  	v8 =	vld [tilespmem:s17+$0x1060];
	[tilespmem:s31+$0xFFFFFEE0] =	vst v1;
	v1 =	vadd.f32 v5, v3  }
0x4e4: {  	v3 =	vld [tilespmem:s17+$0xFFFFE0E0]  }
0x4e5: {  	v5 =	vld [tilespmem:s17+$0xFFFFF0E0];
	v1 =	vadd.f32 v1, v2  }
0x4e6: {  	v2 =	vadd.f32 v9, v7;
	v7 =	vld [tilespmem:s17+$0xE0]  }
0x4e7: {  	v9 =	vld [tilespmem:s17+$0x10E0];
	[tilespmem:s31+$0xFFFFFF60] =	vst v1  }
0x4e8: {  	v1 =	vadd.f32 v8, v4;
	v4 =	vld [tilespmem:s17+$0xFFFFE160]  }
0x4e9: {  	v8 =	vld [tilespmem:s17+$0xFFFFF160]  }
0x4ea: {  	v1 =	vadd.f32 v1, v2;
	v2 =	vadd.f32 v5, v3;
	v5 =	vld [tilespmem:s17+$0x160]  }
0x4eb: {  	v10 =	vld [tilespmem:s17+$0x1160]  }
0x4ec: {  	[tilespmem:s31+$0xFFFFFE70] =	vst v1;
	v1 =	vadd.f32 v9, v7;
	v7 =	vld [tilespmem:s9+$0x1170];
	s9 =	smov.u32 s17  }
0x4ed: {  	v9 =	vld [tilespmem:s17+$0xFFFFE070]  }
0x4ee: {  	v11 =	vld [tilespmem:s17+$0xFFFFF070];
	v2 =	vadd.f32 v1, v2;
	v8 =	vadd.f32 v8, v4  }
0x4ef: {  	v1 =	vld [tilespmem:s17+$0x70]  }
.Ltmp2:
0x4f0: {  	v3 =	vld [tilespmem:s17+$0x1070];
	[tilespmem:s31+$0xFFFFFEF0] =	vst v2;
	v5 =	vadd.f32 v10, v5;
	(pc) =	sbr.rel @p1 .LBB2_7-.Ltmp2, $4  }
0x4f1: {  	v2 =	vld [tilespmem:s17+$0xFFFFE0F0];
	v7 =	vadd.f32 v7, v6  }
0x4f2: {  	v4 =	vld [tilespmem:s17+$0xFFFFF0F0];
	v8 =	vadd.f32 v5, v8  }
0x4f3: {  	v6 =	vadd.f32 v11, v9;
	v5 =	vld [tilespmem:s17+$0xF0];
	v7 =	vadd.f32 v7, v0  }
0x4f4: {  	s17 =	sadd.s32 $0x200, s17;
	v0 =	vld [tilespmem:s9+$0x10F0];
	[tilespmem:s31+$0xFFFFFF70] =	vst v8  }
0x4f5: {  	v8 =	vld [tilespmem:s9+$0xFFFFE170]  }
0x4f6: {  	v9 =	vld [tilespmem:s9+$0xFFFFF170]  }
0x4f7: {  	v10 =	vld [tilespmem:s9+$0x170]  }
0x4f8: {  	v11 =	vld [tilespmem:s9+$0x1170]  }
0x4f9: {  	v1 =	vadd.f32 v3, v1;
	_ =	sdelay $0x1  }
0x4fa: {  	v1 =	vadd.f32 v1, v6  }
0x4fb: {  	v2 =	vadd.f32 v4, v2;
	v0 =	vadd.f32 v0, v5  }
0x4fc: {  	v3 =	vadd.f32 v9, v8;
	v4 =	vadd.f32 v11, v10  }
0x4fd: {  	[tilespmem:s6+$0xFFFFFF80] =	vst v7;
	v0 =	vadd.f32 v0, v2  }
0x4fe: {  	s0 =	sshll.u32 s0, $0xA;
	[tilespmem:s31+$0xFFFFFE80] =	vst v1;
	v1 =	vadd.f32 v4, v3  }
0x4ff: {  	s0 =	sand.u32 $0x1FFFFC00, s0;
	[tilespmem:s31+$0xFFFFFF00] =	vst v0  }
0x500: {  	[tilespmem:s31+$0xFFFFFF80] =	vst v1;
	s31 =	sadd.s32 s4, s0  }
0x501: {  	[hbm4b:s31+s3] =	stream.linear.scatter [tilespmem:s24], [sflag:$0x6], $0x1000, $0x38;
	[tilespmem:$0xC800] =	vst v63  }
0x502: {  	_ =	swait.ge [sflag:s30], $0x1000  }
0x503: {  	[sflag:s30] =	ssyncset.done $0x0  }
0x504: {  	[sflag:s30] =	ssyncadd.s32 $0xFFFFF000  }
0x505: {  	_ =	swait.ge [sflag:s30], $0x1000  }
0x506: {  	[sflag:s30] =	ssyncset.done $0x0  }
0x507: {  	[sflag:s30] =	ssyncadd.s32 $0xFFFFF000  }
0x508: {  	_ =	swait.ge [sflag:s30], $0x1000  }
0x509: {  	[sflag:s30] =	ssyncset.done $0x0  }
0x50a: {  	[sflag:s30] =	ssyncadd.s32 $0xFFFFF000  }
0x50b: {  	_ =	swait.ge [sflag:s30], $0x1000  }
0x50c: {  	[sflag:s30] =	ssyncset.done $0x0  }
0x50d: {  	s6 =	simm.s32 @!p0 $0x8;
	[sflag:s30] =	ssyncadd.s32 $0xFFFFF000  }
0x50e: {  	_ =	swait.ge @!p0 [sflag:s6], $0x1000  }
0x50f: {  	[sflag:s6] =	ssyncset.done @!p0 $0x0  }
0x510: {  	s17 =	simm.s32 $0x6800;
	[sflag:s6] =	ssyncadd.s32 @!p0 $0xFFFFF000  }
0x511: {  	v0 =	vld [tilespmem:s17+$0xFFFFE180]  }
0x512: {  	v1 =	vld [tilespmem:s17+$0xFFFFF180]  }
0x513: {  	v2 =	vld [tilespmem:s17+$0x180]  }
0x514: {  	v3 =	vld [tilespmem:s17+$0x1180]  }
0x515: {  	v4 =	vld [tilespmem:s17+$0xFFFFF000]  }
0x516: {  	v5 =	vld [tilespmem:s17+$0x0]  }
0x517: {  	v6 =	vld [tilespmem:s17+$0x1000]  }
0x518: {  	v7 =	vld [tilespmem:s17+$0x1080]  }
0x519: {  	v37 =	vld [tilespmem:s17+$0xFFFFE100]  }
0x51a: {  	s9 =	simm.s32 $0x6A00;
	v12 =	vld [tilespmem:s17+$0x1100]  }
0x51b: {  	v59 =	vld [tilespmem:s9+$0xFFFFE180]  }
0x51c: {  	v17 =	vld [tilespmem:s9+$0xFFFFF180]  }
0x51d: {  	v18 =	vld [tilespmem:s9+$0x180]  }
0x51e: {  	v19 =	vld [tilespmem:s9+$0x1180]  }
0x51f: {  	v20 =	vld [tilespmem:s9+$0xFFFFF000]  }
0x520: {  	v21 =	vld [tilespmem:s9+$0x0]  }
0x521: {  	v22 =	vld [tilespmem:s9+$0x1000]  }
0x522: {  	v23 =	vld [tilespmem:s9+$0xFFFFE080]  }
0x523: {  	v24 =	vld [tilespmem:s9+$0xFFFFF080]  }
0x524: {  	v61 =	vld [tilespmem:s9+$0x80]  }
0x525: {  	v62 =	vld [tilespmem:s9+$0x1080]  }
0x526: {  	v63 =	vld [tilespmem:s9+$0xFFFFE100]  }
0x527: {  	v25 =	vld [tilespmem:s9+$0xFFFFF100]  }
0x528: {  	v30 =	vld [tilespmem:s9+$0x100]  }
0x529: {  	v32 =	vld [tilespmem:s9+$0x1100];
	v0 =	vadd.f32 v1, v0;
	v1 =	vadd.f32 v3, v2  }
0x52a: {  	v33 =	vld [tilespmem:s9+$0xFFFFE000]  }
0x52b: {  	v2 =	vld [tilespmem:s17+$0xFFFFE080];
	v0 =	vadd.f32 v1, v0  }
0x52c: {  	s6 =	simm.s32 $0xB9F0;
	v3 =	vld [tilespmem:s17+$0xFFFFF080]  }
0x52d: {  	v60 =	vadd.f32 v19, v18;
	v1 =	vld [tilespmem:s17+$0x80];
	[tilespmem:s6+$0xFFFFFF90] =	vst v0  }
0x52e: {  	v23 =	vadd.f32 v24, v23;
	v18 =	vadd.f32 v62, v61;
	v0 =	vld [tilespmem:s17+$0xFFFFE190]  }
0x52f: {  	v8 =	vld [tilespmem:s17+$0xFFFFF190]  }
0x530: {  	v18 =	vadd.f32 v18, v23;
	v35 =	vld [tilespmem:s17+$0x190]  }
0x531: {  	s15 =	simm.s32 $0xBBF0;
	v36 =	vld [tilespmem:s17+$0x1190]  }
0x532: {  	[tilespmem:s15+$0xFFFFFE90] =	vst v18;
	v2 =	vadd.f32 v3, v2;
	v3 =	vld [tilespmem:s17+$0xFFFFF100]  }
0x533: {  	v34 =	vld [tilespmem:s9+$0xFFFFE090];
	v1 =	vadd.f32 v7, v1  }
0x534: {  	v18 =	vld [tilespmem:s9+$0xFFFFF090]  }
0x535: {  	v7 =	vld [tilespmem:s17+$0xFFFFE000];
	v1 =	vadd.f32 v1, v2  }
0x536: {  	v2 =	vld [tilespmem:s17+$0x100]  }
0x537: {  	[tilespmem:s6+$0xFFFFFE90] =	vst v1;
	v1 =	vadd.f32 v36, v35;
	v35 =	vld [tilespmem:s9+$0x90]  }
0x538: {  	v0 =	vadd.f32 v8, v0;
	v36 =	vld [tilespmem:s9+$0x1090]  }
0x539: {  	v8 =	vld [tilespmem:s17+$0xFFFFE090]  }
0x53a: {  	v38 =	vld [tilespmem:s17+$0xFFFFF090];
	v0 =	vadd.f32 v1, v0  }
0x53b: {  	v5 =	vadd.f32 v6, v5;
	v6 =	vld [tilespmem:s17+$0x1090]  }
0x53c: {  	v4 =	vadd.f32 v4, v7;
	v1 =	vld [tilespmem:s17+$0x90];
	[tilespmem:s6+$0xFFFFFFA0] =	vst v0  }
0x53d: {  	v0 =	vld [tilespmem:s17+$0xFFFFE1A0]  }
0x53e: {  	v4 =	vadd.f32 v5, v4;
	v5 =	vld [tilespmem:s17+$0xFFFFF1A0]  }
0x53f: {  	v7 =	vld [tilespmem:s17+$0x1A0]  }
0x540: {  	v3 =	vadd.f32 v3, v37;
	v2 =	vadd.f32 v12, v2;
	[tilespmem:s6+$0xFFFFFE10] =	vst v4;
	v4 =	vld [tilespmem:s17+$0x11A0]  }
0x541: {  	v12 =	vadd.f32 v17, v59;
	v39 =	vld [tilespmem:s17+$0xFFFFE010]  }
0x542: {  	v2 =	vadd.f32 v2, v3;
	v3 =	vld [tilespmem:s17+$0xFFFFF010]  }
0x543: {  	v12 =	vadd.f32 v60, v12;
	v40 =	vld [tilespmem:s17+$0x10]  }
0x544: {  	[tilespmem:s6+$0xFFFFFF10] =	vst v2;
	v2 =	vld [tilespmem:s17+$0x1010]  }
0x545: {  	v1 =	vadd.f32 v6, v1;
	[tilespmem:s15+$0xFFFFFF90] =	vst v12;
	v6 =	vld [tilespmem:s17+$0xFFFFE110]  }
0x546: {  	v12 =	vld [tilespmem:s9+$0xFFFFE190]  }
0x547: {  	v8 =	vadd.f32 v38, v8;
	v26 =	vld [tilespmem:s9+$0xFFFFF190]  }
0x548: {  	v28 =	vld [tilespmem:s9+$0x190]  }
0x549: {  	v29 =	vld [tilespmem:s9+$0x1190];
	v1 =	vadd.f32 v1, v8  }
0x54a: {  	v0 =	vadd.f32 v5, v0;
	v4 =	vadd.f32 v4, v7;
	v5 =	vld [tilespmem:s17+$0xFFFFF110]  }
0x54b: {  	v7 =	vld [tilespmem:s17+$0x110]  }
0x54c: {  	[tilespmem:s6+$0xFFFFFEA0] =	vst v1;
	v1 =	vld [tilespmem:s17+$0x1110];
	v0 =	vadd.f32 v4, v0  }
0x54d: {  	v4 =	vld [tilespmem:s17+$0xFFFFE0A0]  }
0x54e: {  	v3 =	vadd.f32 v3, v39;
	v2 =	vadd.f32 v2, v40;
	v42 =	vld [tilespmem:s17+$0xFFFFF0A0];
	[tilespmem:s6+$0xFFFFFFB0] =	vst v0  }
0x54f: {  	v0 =	vld [tilespmem:s17+$0xFFFFE1B0]  }
0x550: {  	v2 =	vadd.f32 v2, v3;
	v3 =	vld [tilespmem:s17+$0xFFFFF1B0]  }
0x551: {  	v8 =	vld [tilespmem:s17+$0x1B0]  }
0x552: {  	v12 =	vadd.f32 v26, v12;
	v19 =	vadd.f32 v29, v28;
	[tilespmem:s6+$0xFFFFFE20] =	vst v2;
	v2 =	vld [tilespmem:s17+$0x11B0]  }
0x553: {  	v5 =	vadd.f32 v5, v6;
	v41 =	vld [tilespmem:s17+$0xFFFFE020]  }
0x554: {  	v37 =	vadd.f32 v19, v12;
	v1 =	vadd.f32 v1, v7;
	v6 =	vld [tilespmem:s17+$0xFFFFF020]  }
0x555: {  	v7 =	vld [tilespmem:s17+$0x20]  }
0x556: {  	[tilespmem:s15+$0xFFFFFFA0] =	vst v37;
	v1 =	vadd.f32 v1, v5;
	v5 =	vld [tilespmem:s17+$0x1020]  }
0x557: {  	v39 =	vld [tilespmem:s9+$0xFFFFE1A0]  }
0x558: {  	v40 =	vld [tilespmem:s9+$0xFFFFF1A0]  }
0x559: {  	v4 =	vadd.f32 v42, v4;
	v42 =	vld [tilespmem:s9+$0x11A0]  }
0x55a: {  	v0 =	vadd.f32 v3, v0;
	v3 =	vld [tilespmem:s17+$0xA0];
	v2 =	vadd.f32 v2, v8  }
0x55b: {  	[tilespmem:s6+$0xFFFFFF20] =	vst v1;
	v1 =	vld [tilespmem:s17+$0x10A0]  }
0x55c: {  	v8 =	vld [tilespmem:s17+$0xFFFFF120];
	v0 =	vadd.f32 v2, v0  }
0x55d: {  	v44 =	vld [tilespmem:s17+$0x120]  }
0x55e: {  	v6 =	vadd.f32 v6, v41;
	v2 =	vld [tilespmem:s17+$0xFFFFE120];
	v5 =	vadd.f32 v5, v7;
	[tilespmem:s6+$0xFFFFFFC0] =	vst v0  }
0x55f: {  	v0 =	vld [tilespmem:s17+$0xFFFFE1C0]  }
0x560: {  	v5 =	vadd.f32 v5, v6;
	v7 =	vld [tilespmem:s17+$0xFFFFF1C0]  }
0x561: {  	v43 =	vld [tilespmem:s17+$0x1C0]  }
0x562: {  	v1 =	vadd.f32 v1, v3;
	v6 =	vld [tilespmem:s17+$0x11C0];
	[tilespmem:s6+$0xFFFFFE30] =	vst v5  }
0x563: {  	v5 =	vld [tilespmem:s17+$0xFFFFE030]  }
0x564: {  	v1 =	vadd.f32 v1, v4;
	v4 =	vld [tilespmem:s17+$0xFFFFF030]  }
0x565: {  	v45 =	vld [tilespmem:s17+$0x30]  }
0x566: {  	[tilespmem:s6+$0xFFFFFEB0] =	vst v1;
	v1 =	vld [tilespmem:s17+$0x1030]  }
0x567: {  	v3 =	vld [tilespmem:s17+$0x1120];
	v0 =	vadd.f32 v7, v0;
	v6 =	vadd.f32 v6, v43  }
0x568: {  	v41 =	vld [tilespmem:s9+$0x1A0]  }
0x569: {  	v46 =	vld [tilespmem:s17+$0xB0];
	v0 =	vadd.f32 v6, v0  }
0x56a: {  	v7 =	vld [tilespmem:s17+$0xFFFFE0B0]  }
0x56b: {  	v6 =	vld [tilespmem:s17+$0xFFFFF0B0];
	v4 =	vadd.f32 v4, v5;
	v1 =	vadd.f32 v1, v45;
	[tilespmem:s6+$0xFFFFFFD0] =	vst v0  }
0x56c: {  	v0 =	vadd.f32 v8, v2;
	v2 =	vadd.f32 v3, v44;
	v3 =	vld [tilespmem:s17+$0xFFFFE1D0]  }
0x56d: {  	v8 =	vld [tilespmem:s17+$0xFFFFF1D0];
	v1 =	vadd.f32 v1, v4  }
0x56e: {  	v47 =	vld [tilespmem:s17+$0x11D0];
	v0 =	vadd.f32 v2, v0  }
0x56f: {  	v2 =	vld [tilespmem:s17+$0x1D0];
	[tilespmem:s6+$0xFFFFFE40] =	vst v1  }
0x570: {  	[tilespmem:s6+$0xFFFFFF30] =	vst v0;
	v0 =	vld [tilespmem:s17+$0x10B0]  }
0x571: {  	v49 =	vld [tilespmem:s17+$0xFFFFF040]  }
0x572: {  	v6 =	vadd.f32 v6, v7;
	v7 =	vld [tilespmem:s17+$0x1040]  }
0x573: {  	v5 =	vld [tilespmem:s17+$0xFFFFE130]  }
0x574: {  	v4 =	vld [tilespmem:s17+$0xFFFFF130];
	v3 =	vadd.f32 v8, v3;
	v2 =	vadd.f32 v47, v2  }
0x575: {  	v48 =	vld [tilespmem:s17+$0x130]  }
0x576: {  	v1 =	vld [tilespmem:s17+$0x1130];
	v2 =	vadd.f32 v2, v3  }
0x577: {  	v8 =	vld [tilespmem:s17+$0xFFFFE040]  }
0x578: {  	v3 =	vld [tilespmem:s17+$0x40];
	v0 =	vadd.f32 v0, v46;
	[tilespmem:s6+$0xFFFFFFE0] =	vst v2  }
0x579: {  	v2 =	vld [tilespmem:s17+$0xFFFFE1E0]  }
0x57a: {  	v0 =	vadd.f32 v0, v6;
	v6 =	vld [tilespmem:s17+$0xFFFFF1E0]  }
0x57b: {  	v50 =	vld [tilespmem:s17+$0x1E0]  }
0x57c: {  	v4 =	vadd.f32 v4, v5;
	[tilespmem:s6+$0xFFFFFEC0] =	vst v0;
	v0 =	vadd.f32 v1, v48;
	v1 =	vld [tilespmem:s17+$0x11E0]  }
0x57d: {  	v5 =	vld [tilespmem:s17+$0xFFFFE0C0]  }
0x57e: {  	v51 =	vld [tilespmem:s17+$0xC0];
	v0 =	vadd.f32 v0, v4  }
0x57f: {  	v8 =	vadd.f32 v49, v8;
	v3 =	vadd.f32 v7, v3;
	v4 =	vld [tilespmem:s17+$0xFFFFF0C0]  }
0x580: {  	[tilespmem:s6+$0xFFFFFF40] =	vst v0;
	v0 =	vld [tilespmem:s17+$0x10C0]  }
0x581: {  	v3 =	vadd.f32 v3, v8;
	v7 =	vld [tilespmem:s17+$0xFFFFE140]  }
0x582: {  	v2 =	vadd.f32 v6, v2;
	v1 =	vadd.f32 v1, v50;
	v6 =	vld [tilespmem:s17+$0xFFFFF140]  }
0x583: {  	v8 =	vld [tilespmem:s17+$0x140];
	[tilespmem:s6+$0xFFFFFE50] =	vst v3  }
0x584: {  	v3 =	vld [tilespmem:s17+$0xFFFFE050];
	v1 =	vadd.f32 v1, v2  }
0x585: {  	v2 =	vld [tilespmem:s17+$0x1140]  }
0x586: {  	v52 =	vld [tilespmem:s17+$0x50];
	v4 =	vadd.f32 v4, v5;
	[tilespmem:s6+$0xFFFFFFF0] =	vst v1;
	v5 =	vadd.f32 v0, v51  }
0x587: {  	v0 =	vld [tilespmem:s17+$0xFFFFE1F0]  }
0x588: {  	v1 =	vld [tilespmem:s17+$0xFFFFF1F0];
	v4 =	vadd.f32 v5, v4  }
0x589: {  	v5 =	vld [tilespmem:s17+$0xFFFFF050]  }
0x58a: {  	v6 =	vadd.f32 v6, v7;
	v2 =	vadd.f32 v2, v8;
	[tilespmem:s6+$0xFFFFFED0] =	vst v4;
	v4 =	vld [tilespmem:s17+$0x1050]  }
0x58b: {  	v7 =	vld [tilespmem:s17+$0xFFFFE0D0]  }
0x58c: {  	v8 =	vld [tilespmem:s17+$0xFFFFF0D0];
	v6 =	vadd.f32 v2, v6  }
0x58d: {  	v53 =	vld [tilespmem:s17+$0xD0]  }
0x58e: {  	v54 =	vld [tilespmem:s17+$0x10D0];
	[tilespmem:s6+$0xFFFFFF50] =	vst v6  }
0x58f: {  	v3 =	vadd.f32 v5, v3;
	v5 =	vld [tilespmem:s17+$0xFFFFE150];
	v4 =	vadd.f32 v4, v52  }
0x590: {  	v6 =	vld [tilespmem:s17+$0xFFFFF150]  }
0x591: {  	v7 =	vadd.f32 v8, v7;
	v8 =	vld [tilespmem:s17+$0x1150];
	v3 =	vadd.f32 v4, v3  }
0x592: {  	v4 =	vld [tilespmem:s17+$0x150]  }
0x593: {  	v2 =	vld [tilespmem:s17+$0x1F0];
	[tilespmem:s6+$0xFFFFFE60] =	vst v3;
	v3 =	vadd.f32 v54, v53  }
0x594: {  	v55 =	vld [tilespmem:s17+$0xFFFFE060]  }
0x595: {  	v56 =	vld [tilespmem:s17+$0xFFFFF060];
	v3 =	vadd.f32 v3, v7  }
0x596: {  	v57 =	vld [tilespmem:s17+$0x1060]  }
0x597: {  	v7 =	vld [tilespmem:s17+$0x60];
	v4 =	vadd.f32 v8, v4;
	[tilespmem:s6+$0xFFFFFEE0] =	vst v3;
	v3 =	vadd.f32 v6, v5  }
0x598: {  	v5 =	vld [tilespmem:s17+$0xFFFFE0E0]  }
0x599: {  	v6 =	vld [tilespmem:s17+$0xFFFFF0E0];
	v4 =	vadd.f32 v4, v3  }
0x59a: {  	v8 =	vld [tilespmem:s17+$0xE0]  }
0x59b: {  	v58 =	vld [tilespmem:s17+$0x10E0];
	[tilespmem:s6+$0xFFFFFF60] =	vst v4  }
0x59c: {  	v9 =	vadd.f32 v56, v55;
	v4 =	vadd.f32 v57, v7;
	v13 =	vld [tilespmem:s17+$0xFFFFE160]  }
0x59d: {  	v14 =	vld [tilespmem:s17+$0xFFFFF160]  }
0x59e: {  	v15 =	vld [tilespmem:s17+$0x160];
	v4 =	vadd.f32 v4, v9  }
0x59f: {  	v16 =	vld [tilespmem:s17+$0x1160]  }
0x5a0: {  	v3 =	vld [tilespmem:s17+$0x11F0];
	v6 =	vadd.f32 v6, v5;
	v7 =	vadd.f32 v58, v8;
	[tilespmem:s6+$0xFFFFFE70] =	vst v4  }
0x5a1: {  	v4 =	vld [tilespmem:s17+$0xFFFFE070]  }
0x5a2: {  	v7 =	vadd.f32 v7, v6;
	v5 =	vld [tilespmem:s17+$0xFFFFF070]  }
0x5a3: {  	v6 =	vld [tilespmem:s17+$0x70]  }
0x5a4: {  	v8 =	vld [tilespmem:s17+$0x1070];
	[tilespmem:s6+$0xFFFFFEF0] =	vst v7;
	v13 =	vadd.f32 v14, v13;
	v31 =	vadd.f32 v16, v15  }
0x5a5: {  	v38 =	vadd.f32 v22, v21;
	v7 =	vld [tilespmem:s17+$0xFFFFE0F0]  }
0x5a6: {  	v16 =	vadd.f32 v20, v33;
	v9 =	vld [tilespmem:s17+$0xFFFFF0F0];
	v13 =	vadd.f32 v31, v13  }
0x5a7: {  	v10 =	vld [tilespmem:s17+$0xF0]  }
0x5a8: {  	v11 =	vld [tilespmem:s17+$0x10F0];
	v16 =	vadd.f32 v38, v16;
	[tilespmem:s6+$0xFFFFFF70] =	vst v13  }
0x5a9: {  	v12 =	vld [tilespmem:s17+$0xFFFFE170]  }
0x5aa: {  	v17 =	vadd.f32 v25, v63;
	v15 =	vadd.f32 v32, v30;
	[tilespmem:s15+$0xFFFFFE10] =	vst v16;
	v13 =	vld [tilespmem:s17+$0xFFFFF170]  }
0x5ab: {  	v43 =	vld [tilespmem:s9+$0xFFFFE010]  }
0x5ac: {  	v15 =	vadd.f32 v15, v17;
	v44 =	vld [tilespmem:s9+$0xFFFFF010]  }
0x5ad: {  	v45 =	vld [tilespmem:s9+$0x10]  }
0x5ae: {  	v46 =	vadd.f32 v36, v35;
	v14 =	vadd.f32 v18, v34;
	[tilespmem:s15+$0xFFFFFF10] =	vst v15;
	v47 =	vld [tilespmem:s9+$0x1010]  }
0x5af: {  	v19 =	vadd.f32 v40, v39;
	v48 =	vld [tilespmem:s9+$0xFFFFE110]  }
0x5b0: {  	v14 =	vadd.f32 v46, v14;
	v16 =	vadd.f32 v42, v41;
	v49 =	vld [tilespmem:s9+$0xFFFFF110]  }
0x5b1: {  	v50 =	vld [tilespmem:s9+$0x110]  }
0x5b2: {  	[tilespmem:s15+$0xFFFFFEA0] =	vst v14;
	v51 =	vld [tilespmem:s9+$0x1110];
	v16 =	vadd.f32 v16, v19  }
0x5b3: {  	v52 =	vld [tilespmem:s9+$0xFFFFE0A0]  }
0x5b4: {  	v60 =	vld [tilespmem:s9+$0xFFFFF0A0];
	[tilespmem:s15+$0xFFFFFFB0] =	vst v16  }
0x5b5: {  	v16 =	vld [tilespmem:s9+$0xFFFFE1B0]  }
0x5b6: {  	v53 =	vld [tilespmem:s9+$0xFFFFF1B0];
	v17 =	vadd.f32 v44, v43;
	v18 =	vadd.f32 v47, v45  }
0x5b7: {  	v54 =	vld [tilespmem:s9+$0x1B0]  }
0x5b8: {  	v55 =	vld [tilespmem:s9+$0x11B0];
	v17 =	vadd.f32 v18, v17  }
0x5b9: {  	v61 =	vld [tilespmem:s9+$0xA0]  }
0x5ba: {  	v62 =	vld [tilespmem:s9+$0x10A0];
	v15 =	vadd.f32 v49, v48;
	v14 =	vadd.f32 v51, v50;
	[tilespmem:s15+$0xFFFFFE20] =	vst v17  }
0x5bb: {  	v56 =	vld [tilespmem:s9+$0xFFFFE020]  }
0x5bc: {  	v14 =	vadd.f32 v14, v15;
	v57 =	vld [tilespmem:s9+$0xFFFFF020]  }
0x5bd: {  	v16 =	vadd.f32 v53, v16;
	v17 =	vadd.f32 v55, v54;
	v58 =	vld [tilespmem:s9+$0x20]  }
0x5be: {  	[tilespmem:s15+$0xFFFFFF20] =	vst v14;
	v59 =	vld [tilespmem:s9+$0x1020]  }
0x5bf: {  	v63 =	vld [tilespmem:s9+$0xFFFFE120];
	v16 =	vadd.f32 v17, v16  }
0x5c0: {  	v28 =	vld [tilespmem:s9+$0xFFFFF120]  }
0x5c1: {  	v32 =	vld [tilespmem:s9+$0x120];
	[tilespmem:s15+$0xFFFFFFC0] =	vst v16  }
0x5c2: {  	v19 =	vadd.f32 v60, v52;
	v14 =	vadd.f32 v62, v61;
	v16 =	vld [tilespmem:s9+$0xFFFFE1C0]  }
0x5c3: {  	v29 =	vld [tilespmem:s9+$0xFFFFF1C0]  }
0x5c4: {  	v14 =	vadd.f32 v14, v19;
	v30 =	vld [tilespmem:s9+$0x1C0]  }
0x5c5: {  	v31 =	vld [tilespmem:s9+$0x11C0]  }
0x5c6: {  	v33 =	vld [tilespmem:s9+$0x1120];
	[tilespmem:s15+$0xFFFFFEB0] =	vst v14;
	v20 =	vadd.f32 v57, v56;
	v15 =	vadd.f32 v59, v58  }
0x5c7: {  	v38 =	vld [tilespmem:s9+$0xFFFFE0B0]  }
0x5c8: {  	v39 =	vld [tilespmem:s9+$0xFFFFF0B0];
	v15 =	vadd.f32 v15, v20  }
0x5c9: {  	v40 =	vld [tilespmem:s9+$0xB0]  }
0x5ca: {  	v46 =	vld [tilespmem:s9+$0x10B0];
	[tilespmem:s15+$0xFFFFFE30] =	vst v15;
	v16 =	vadd.f32 v29, v16;
	v20 =	vadd.f32 v31, v30  }
0x5cb: {  	v34 =	vld [tilespmem:s9+$0xFFFFE030]  }
0x5cc: {  	v35 =	vld [tilespmem:s9+$0xFFFFF030];
	v16 =	vadd.f32 v20, v16  }
0x5cd: {  	v36 =	vld [tilespmem:s9+$0x30]  }
0x5ce: {  	v41 =	vadd.f32 v28, v63;
	v15 =	vadd.f32 v33, v32;
	v37 =	vld [tilespmem:s9+$0x1030];
	[tilespmem:s15+$0xFFFFFFD0] =	vst v16  }
0x5cf: {  	v42 =	vld [tilespmem:s9+$0xFFFFE1D0]  }
0x5d0: {  	v15 =	vadd.f32 v15, v41;
	v43 =	vld [tilespmem:s9+$0xFFFFF1D0]  }
0x5d1: {  	v44 =	vld [tilespmem:s9+$0x1D0]  }
0x5d2: {  	v20 =	vadd.f32 v39, v38;
	[tilespmem:s15+$0xFFFFFF30] =	vst v15;
	v15 =	vadd.f32 v46, v40;
	v45 =	vld [tilespmem:s9+$0x11D0]  }
0x5d3: {  	v47 =	vld [tilespmem:s9+$0xFFFFE130]  }
0x5d4: {  	v48 =	vld [tilespmem:s9+$0xFFFFF130];
	v15 =	vadd.f32 v15, v20  }
0x5d5: {  	v49 =	vld [tilespmem:s9+$0x130]  }
0x5d6: {  	v50 =	vld [tilespmem:s9+$0x1130];
	[tilespmem:s15+$0xFFFFFEC0] =	vst v15  }
0x5d7: {  	v18 =	vadd.f32 v35, v34;
	v14 =	vadd.f32 v37, v36;
	v58 =	vld [tilespmem:s9+$0xFFFFE0C0]  }
0x5d8: {  	v59 =	vld [tilespmem:s9+$0xFFFFF0C0]  }
0x5d9: {  	v14 =	vadd.f32 v14, v18;
	v60 =	vld [tilespmem:s9+$0xC0]  }
0x5da: {  	v61 =	vld [tilespmem:s9+$0x10C0]  }
0x5db: {  	[tilespmem:s15+$0xFFFFFE40] =	vst v14;
	v17 =	vadd.f32 v43, v42;
	v16 =	vadd.f32 v45, v44;
	v45 =	vld [tilespmem:s17+$0x170]  }
0x5dc: {  	v51 =	vld [tilespmem:s9+$0xFFFFE040]  }
0x5dd: {  	v52 =	vld [tilespmem:s9+$0xFFFFF040];
	v16 =	vadd.f32 v16, v17  }
0x5de: {  	v53 =	vld [tilespmem:s9+$0x40]  }
0x5df: {  	v18 =	vadd.f32 v48, v47;
	v14 =	vadd.f32 v50, v49;
	v54 =	vld [tilespmem:s9+$0x1040];
	[tilespmem:s15+$0xFFFFFFE0] =	vst v16  }
0x5e0: {  	v16 =	vld [tilespmem:s9+$0xFFFFE1E0]  }
0x5e1: {  	v14 =	vadd.f32 v14, v18;
	v55 =	vld [tilespmem:s9+$0xFFFFF1E0]  }
0x5e2: {  	v56 =	vld [tilespmem:s9+$0x1E0]  }
0x5e3: {  	[tilespmem:s15+$0xFFFFFF40] =	vst v14;
	v18 =	vadd.f32 v59, v58;
	v14 =	vadd.f32 v61, v60;
	v57 =	vld [tilespmem:s9+$0x11E0]  }
0x5e4: {  	v62 =	vld [tilespmem:s9+$0xFFFFE140]  }
0x5e5: {  	v63 =	vld [tilespmem:s9+$0xFFFFF140];
	v14 =	vadd.f32 v14, v18  }
0x5e6: {  	v28 =	vld [tilespmem:s9+$0x140];
	v21 =	vadd.f32 v52, v51;
	v17 =	vadd.f32 v54, v53  }
0x5e7: {  	v29 =	vld [tilespmem:s9+$0x1140];
	[tilespmem:s15+$0xFFFFFED0] =	vst v14  }
0x5e8: {  	v17 =	vadd.f32 v17, v21;
	v37 =	vld [tilespmem:s9+$0xFFFFE0D0]  }
0x5e9: {  	v38 =	vld [tilespmem:s9+$0xFFFFF0D0]  }
0x5ea: {  	v39 =	vld [tilespmem:s9+$0xD0];
	[tilespmem:s15+$0xFFFFFE50] =	vst v17  }
0x5eb: {  	v16 =	vadd.f32 v55, v16;
	v15 =	vadd.f32 v57, v56;
	v17 =	vld [tilespmem:s9+$0xFFFFE050]  }
0x5ec: {  	v33 =	vld [tilespmem:s9+$0xFFFFF050]  }
0x5ed: {  	v34 =	vld [tilespmem:s9+$0x50];
	v15 =	vadd.f32 v15, v16  }
0x5ee: {  	v20 =	vadd.f32 v63, v62;
	v35 =	vadd.f32 v29, v28;
	v36 =	vld [tilespmem:s9+$0x1050]  }
0x5ef: {  	v40 =	vld [tilespmem:s9+$0x10D0];
	[tilespmem:s15+$0xFFFFFFF0] =	vst v15  }
0x5f0: {  	v14 =	vadd.f32 v35, v20;
	v15 =	vld [tilespmem:s9+$0xFFFFE1F0]  }
0x5f1: {  	v30 =	vld [tilespmem:s9+$0xFFFFF1F0]  }
0x5f2: {  	[tilespmem:s15+$0xFFFFFF50] =	vst v14;
	v31 =	vld [tilespmem:s9+$0x1F0]  }
0x5f3: {  	v41 =	vld [tilespmem:s9+$0xFFFFE150];
	v17 =	vadd.f32 v33, v17;
	v16 =	vadd.f32 v36, v34  }
0x5f4: {  	v42 =	vld [tilespmem:s9+$0xFFFFF150]  }
0x5f5: {  	v43 =	vld [tilespmem:s9+$0x150];
	v16 =	vadd.f32 v16, v17  }
0x5f6: {  	v44 =	vld [tilespmem:s9+$0x1150]  }
0x5f7: {  	v20 =	vadd.f32 v38, v37;
	v14 =	vadd.f32 v40, v39;
	v32 =	vld [tilespmem:s9+$0x11F0];
	[tilespmem:s15+$0xFFFFFE60] =	vst v16  }
0x5f8: {  	v46 =	vld [tilespmem:s9+$0xFFFFE060]  }
0x5f9: {  	v14 =	vadd.f32 v14, v20;
	v47 =	vld [tilespmem:s9+$0xFFFFF060]  }
0x5fa: {  	v48 =	vld [tilespmem:s9+$0x60]  }
0x5fb: {  	[tilespmem:s15+$0xFFFFFEE0] =	vst v14;
	v18 =	vadd.f32 v42, v41;
	v50 =	vadd.f32 v44, v43;
	v49 =	vld [tilespmem:s9+$0x1060]  }
0x5fc: {  	v51 =	vld [tilespmem:s9+$0xFFFFE0E0]  }
0x5fd: {  	v52 =	vld [tilespmem:s9+$0xFFFFF0E0];
	v14 =	vadd.f32 v50, v18  }
0x5fe: {  	v53 =	vld [tilespmem:s9+$0xE0]  }
0x5ff: {  	v0 =	vadd.f32 v1, v0;
	v2 =	vadd.f32 v3, v2;
	v1 =	vld [tilespmem:s9+$0x10E0];
	[tilespmem:s15+$0xFFFFFF60] =	vst v14  }
0x600: {  	v55 =	vld [tilespmem:s9+$0xFFFFE160];
	v54 =	vadd.f32 v47, v46;
	v20 =	vadd.f32 v49, v48  }
0x601: {  	v0 =	vadd.f32 v2, v0;
	v3 =	vadd.f32 v5, v4;
	v4 =	vld [tilespmem:s9+$0xFFFFF160]  }
0x602: {  	v5 =	vadd.f32 v8, v6;
	v8 =	vld [tilespmem:s9+$0x160];
	v6 =	vadd.f32 v20, v54  }
0x603: {  	v7 =	vadd.f32 v9, v7;
	v56 =	vadd.f32 v11, v10;
	v57 =	vld [tilespmem:s9+$0x1160]  }
0x604: {  	v58 =	vadd.f32 v52, v51;
	v1 =	vadd.f32 v1, v53;
	[tilespmem:s15+$0xFFFFFE70] =	vst v6;
	v6 =	vld [tilespmem:s17+$0x1170]  }
0x605: {  	v2 =	vadd.f32 v5, v3;
	v62 =	vadd.f32 v13, v12;
	v59 =	vld [tilespmem:s9+$0xFFFFE070]  }
0x606: {  	v5 =	vadd.f32 v56, v7;
	v3 =	vadd.f32 v1, v58;
	v7 =	vld [tilespmem:s9+$0xFFFFF070]  }
0x607: {  	[tilespmem:s6+$0x0] =	vst v0;
	v0 =	vadd.f32 v30, v15;
	v60 =	vadd.f32 v32, v31;
	v1 =	vld [tilespmem:s9+$0x70]  }
0x608: {  	[tilespmem:s15+$0xFFFFFEF0] =	vst v3;
	v61 =	vadd.f32 v4, v55;
	v8 =	vadd.f32 v57, v8;
	v3 =	vld [tilespmem:s9+$0x1070]  }
0x609: {  	[tilespmem:s6+$0xFFFFFE80] =	vst v2;
	v0 =	vadd.f32 v60, v0;
	v2 =	vld [tilespmem:s9+$0xFFFFE0F0];
	v63 =	vadd.f32 v6, v45  }
0x60a: {  	[tilespmem:s6+$0xFFFFFF00] =	vst v5;
	v4 =	vld [tilespmem:s9+$0xFFFFF0F0];
	v8 =	vadd.f32 v8, v61  }
0x60b: {  	[tilespmem:s15+$0x0] =	vst v0;
	v5 =	vld [tilespmem:s9+$0xF0];
	v6 =	vadd.f32 v7, v59;
	v7 =	vadd.f32 v63, v62  }
0x60c: {  	s20 =	simm.s32 $0x6C00;
	v0 =	vld [tilespmem:s9+$0x10F0];
	s17 =	simm.s32 $0x4;
	[tilespmem:s15+$0xFFFFFF70] =	vst v8  }
.LBB2_9:
0x60d: {  	v8 =	vld [tilespmem:s20+$0xFFFFE180];
	v1 =	vadd.f32 v3, v1;
	[tilespmem:s6+$0xFFFFFF80] =	vst v7;
	s6 =	smov.u32 s15  }
0x60e: {  	v3 =	vld [tilespmem:s20+$0xFFFFF180]  }
0x60f: {  	v7 =	vld [tilespmem:s20+$0x180];
	v1 =	vadd.f32 v1, v6;
	v2 =	vadd.f32 v4, v2  }
0x610: {  	v4 =	vld [tilespmem:s20+$0x1180]  }
0x611: {  	v6 =	vld [tilespmem:s20+$0xFFFFF000];
	[tilespmem:s15+$0xFFFFFE80] =	vst v1;
	v0 =	vadd.f32 v0, v5  }
0x612: {  	v1 =	vld [tilespmem:s20+$0x0]  }
0x613: {  	v5 =	vld [tilespmem:s20+$0x1000];
	v0 =	vadd.f32 v0, v2  }
0x614: {  	v2 =	vld [tilespmem:s20+$0xFFFFE080]  }
0x615: {  	v3 =	vadd.f32 v3, v8;
	v9 =	vld [tilespmem:s20+$0xFFFFF080];
	v4 =	vadd.f32 v4, v7;
	[tilespmem:s15+$0xFFFFFF00] =	vst v0  }
0x616: {  	v0 =	vld [tilespmem:s20+$0x80]  }
0x617: {  	v7 =	vld [tilespmem:s20+$0x1080];
	v3 =	vadd.f32 v4, v3  }
0x618: {  	s15 =	sadd.s32 $0x200, s15;
	v1 =	vadd.f32 v5, v1;
	v4 =	vld [tilespmem:s20+$0xFFFFE100]  }
0x619: {  	v5 =	vld [tilespmem:s20+$0xFFFFF100];
	[tilespmem:s15+$0xFFFFFF90] =	vst v3  }
0x61a: {  	v2 =	vadd.f32 v9, v2;
	v3 =	vld [tilespmem:s20+$0xFFFFE190]  }
0x61b: {  	v8 =	vld [tilespmem:s20+$0xFFFFF190]  }
0x61c: {  	v0 =	vadd.f32 v7, v0;
	v7 =	vld [tilespmem:s20+$0x190]  }
0x61d: {  	v9 =	vld [tilespmem:s20+$0x1190]  }
0x61e: {  	v0 =	vadd.f32 v0, v2;
	v2 =	vadd.f32 v5, v4;
	v4 =	vld [tilespmem:s20+$0x100]  }
0x61f: {  	v5 =	vld [tilespmem:s20+$0x1100]  }
0x620: {  	v10 =	vld [tilespmem:s20+$0xFFFFE000];
	[tilespmem:s15+$0xFFFFFE90] =	vst v0  }
0x621: {  	v0 =	vld [tilespmem:s20+$0xFFFFE090]  }
0x622: {  	v3 =	vadd.f32 v8, v3;
	v11 =	vld [tilespmem:s20+$0xFFFFF090];
	v7 =	vadd.f32 v9, v7  }
0x623: {  	v8 =	vld [tilespmem:s20+$0x90]  }
0x624: {  	v9 =	vld [tilespmem:s20+$0x1090];
	v4 =	vadd.f32 v5, v4;
	v3 =	vadd.f32 v7, v3  }
0x625: {  	s17 =	sadd.s32 $0x4, s17;
	v5 =	vadd.f32 v6, v10;
	v6 =	vld [tilespmem:s9+$0xFFFFE170]  }
0x626: {  	p0 =	slt.u32 s17, $0x1C;
	v2 =	vadd.f32 v4, v2;
	[tilespmem:s15+$0xFFFFFFA0] =	vst v3;
	v3 =	vld [tilespmem:s9+$0xFFFFF170]  }
0x627: {  	v1 =	vadd.f32 v1, v5;
	v0 =	vadd.f32 v11, v0;
	v4 =	vld [tilespmem:s20+$0xFFFFE1A0]  }
0x628: {  	[tilespmem:s15+$0xFFFFFF10] =	vst v2;
	v2 =	vld [tilespmem:s20+$0xFFFFF1A0]  }
0x629: {  	[tilespmem:s15+$0xFFFFFE10] =	vst v1;
	v1 =	vadd.f32 v9, v8;
	v5 =	vld [tilespmem:s20+$0x1A0]  }
0x62a: {  	v7 =	vld [tilespmem:s20+$0x11A0]  }
0x62b: {  	v8 =	vld [tilespmem:s20+$0xFFFFE010];
	v1 =	vadd.f32 v1, v0;
	v0 =	vadd.f32 v3, v6  }
0x62c: {  	v3 =	vld [tilespmem:s20+$0xFFFFF010]  }
0x62d: {  	v6 =	vld [tilespmem:s20+$0x10];
	[tilespmem:s15+$0xFFFFFEA0] =	vst v1  }
0x62e: {  	v1 =	vld [tilespmem:s20+$0x1010]  }
0x62f: {  	v2 =	vadd.f32 v2, v4;
	v9 =	vld [tilespmem:s20+$0xFFFFE110];
	v4 =	vadd.f32 v7, v5  }
0x630: {  	v5 =	vld [tilespmem:s20+$0xFFFFF110]  }
0x631: {  	v3 =	vadd.f32 v3, v8;
	v7 =	vld [tilespmem:s20+$0x110];
	v2 =	vadd.f32 v4, v2  }
0x632: {  	v4 =	vld [tilespmem:s20+$0x1110]  }
0x633: {  	v1 =	vadd.f32 v1, v6;
	v6 =	vld [tilespmem:s20+$0xFFFFE0A0];
	[tilespmem:s15+$0xFFFFFFB0] =	vst v2  }
0x634: {  	v2 =	vld [tilespmem:s20+$0xFFFFE1B0]  }
0x635: {  	v1 =	vadd.f32 v1, v3;
	v3 =	vadd.f32 v5, v9;
	v5 =	vld [tilespmem:s20+$0xFFFFF1B0]  }
0x636: {  	v8 =	vld [tilespmem:s20+$0x1B0]  }
0x637: {  	[tilespmem:s15+$0xFFFFFE20] =	vst v1;
	v1 =	vadd.f32 v4, v7;
	v4 =	vld [tilespmem:s20+$0x11B0]  }
0x638: {  	v7 =	vld [tilespmem:s20+$0xFFFFE020]  }
0x639: {  	v9 =	vld [tilespmem:s20+$0xFFFFF020];
	v1 =	vadd.f32 v1, v3  }
0x63a: {  	v3 =	vld [tilespmem:s20+$0x20]  }
0x63b: {  	v10 =	vld [tilespmem:s20+$0x1020];
	[tilespmem:s15+$0xFFFFFF20] =	vst v1  }
0x63c: {  	v2 =	vadd.f32 v5, v2;
	v1 =	vld [tilespmem:s20+$0xFFFFF0A0];
	v4 =	vadd.f32 v4, v8  }
0x63d: {  	v5 =	vld [tilespmem:s20+$0xA0]  }
0x63e: {  	v7 =	vadd.f32 v9, v7;
	v8 =	vld [tilespmem:s20+$0x10A0];
	v2 =	vadd.f32 v4, v2  }
0x63f: {  	v4 =	vld [tilespmem:s20+$0xFFFFE120]  }
0x640: {  	v3 =	vadd.f32 v10, v3;
	v9 =	vld [tilespmem:s20+$0xFFFFF120];
	[tilespmem:s15+$0xFFFFFFC0] =	vst v2  }
0x641: {  	v1 =	vadd.f32 v1, v6;
	v2 =	vld [tilespmem:s20+$0xFFFFE1C0]  }
0x642: {  	v3 =	vadd.f32 v3, v7;
	v6 =	vld [tilespmem:s20+$0xFFFFF1C0]  }
0x643: {  	v5 =	vadd.f32 v8, v5;
	v7 =	vld [tilespmem:s20+$0x1C0]  }
0x644: {  	[tilespmem:s15+$0xFFFFFE30] =	vst v3;
	v3 =	vld [tilespmem:s20+$0x11C0]  }
0x645: {  	v1 =	vadd.f32 v5, v1;
	v4 =	vadd.f32 v9, v4;
	v5 =	vld [tilespmem:s20+$0x120]  }
0x646: {  	v8 =	vld [tilespmem:s20+$0x1120]  }
0x647: {  	v9 =	vld [tilespmem:s20+$0xFFFFE030];
	[tilespmem:s15+$0xFFFFFEB0] =	vst v1  }
0x648: {  	v1 =	vld [tilespmem:s20+$0xFFFFF030]  }
0x649: {  	v2 =	vadd.f32 v6, v2;
	v10 =	vld [tilespmem:s20+$0x30];
	v3 =	vadd.f32 v3, v7  }
0x64a: {  	v6 =	vld [tilespmem:s20+$0x1030]  }
0x64b: {  	v7 =	vld [tilespmem:s20+$0xFFFFE0B0];
	v5 =	vadd.f32 v8, v5;
	v2 =	vadd.f32 v3, v2  }
0x64c: {  	v3 =	vld [tilespmem:s20+$0xFFFFF0B0]  }
0x64d: {  	v1 =	vadd.f32 v1, v9;
	v8 =	vld [tilespmem:s20+$0xB0];
	v4 =	vadd.f32 v5, v4;
	[tilespmem:s15+$0xFFFFFFD0] =	vst v2  }
0x64e: {  	v2 =	vld [tilespmem:s20+$0xFFFFE1D0]  }
0x64f: {  	v5 =	vadd.f32 v6, v10;
	[tilespmem:s15+$0xFFFFFF30] =	vst v4;
	v4 =	vld [tilespmem:s20+$0xFFFFF1D0]  }
0x650: {  	v6 =	vld [tilespmem:s20+$0x1D0]  }
0x651: {  	v1 =	vadd.f32 v5, v1;
	v3 =	vadd.f32 v3, v7;
	v5 =	vld [tilespmem:s20+$0x11D0]  }
0x652: {  	v7 =	vld [tilespmem:s20+$0x10B0]  }
0x653: {  	[tilespmem:s15+$0xFFFFFE40] =	vst v1;
	v1 =	vld [tilespmem:s20+$0xFFFFE130]  }
0x654: {  	v9 =	vld [tilespmem:s20+$0xFFFFF130]  }
0x655: {  	v10 =	vld [tilespmem:s20+$0x130]  }
0x656: {  	v2 =	vadd.f32 v4, v2;
	v11 =	vld [tilespmem:s20+$0x1130];
	v4 =	vadd.f32 v5, v6  }
0x657: {  	v5 =	vld [tilespmem:s20+$0xFFFFE040];
	v6 =	vadd.f32 v7, v8  }
0x658: {  	v7 =	vld [tilespmem:s20+$0xFFFFF040];
	v2 =	vadd.f32 v4, v2  }
0x659: {  	v4 =	vld [tilespmem:s20+$0x40];
	v3 =	vadd.f32 v6, v3;
	v1 =	vadd.f32 v9, v1  }
0x65a: {  	v6 =	vld [tilespmem:s20+$0x1040];
	[tilespmem:s15+$0xFFFFFFE0] =	vst v2  }
0x65b: {  	[tilespmem:s15+$0xFFFFFEC0] =	vst v3;
	v2 =	vadd.f32 v11, v10;
	v3 =	vld [tilespmem:s20+$0xFFFFE1E0]  }
0x65c: {  	v8 =	vld [tilespmem:s20+$0xFFFFF1E0]  }
0x65d: {  	v5 =	vadd.f32 v7, v5;
	v1 =	vadd.f32 v2, v1;
	v2 =	vld [tilespmem:s20+$0x1E0]  }
0x65e: {  	v7 =	vld [tilespmem:s20+$0x11E0]  }
0x65f: {  	v4 =	vadd.f32 v6, v4;
	v6 =	vld [tilespmem:s20+$0xFFFFE0C0];
	[tilespmem:s15+$0xFFFFFF40] =	vst v1  }
0x660: {  	v1 =	vld [tilespmem:s20+$0xFFFFF0C0]  }
0x661: {  	v4 =	vadd.f32 v4, v5;
	v5 =	vld [tilespmem:s20+$0xC0]  }
0x662: {  	v9 =	vld [tilespmem:s20+$0x10C0]  }
0x663: {  	v3 =	vadd.f32 v8, v3;
	[tilespmem:s15+$0xFFFFFE50] =	vst v4;
	v4 =	vld [tilespmem:s20+$0xFFFFE140];
	v2 =	vadd.f32 v7, v2  }
0x664: {  	v7 =	vld [tilespmem:s20+$0xFFFFF140]  }
0x665: {  	v1 =	vadd.f32 v1, v6;
	v6 =	vld [tilespmem:s20+$0x140];
	v2 =	vadd.f32 v2, v3  }
0x666: {  	v3 =	vld [tilespmem:s20+$0x1140]  }
0x667: {  	v8 =	vld [tilespmem:s20+$0xFFFFE050];
	v5 =	vadd.f32 v9, v5;
	[tilespmem:s15+$0xFFFFFFF0] =	vst v2  }
0x668: {  	v2 =	vld [tilespmem:s20+$0xFFFFE1F0]  }
0x669: {  	v1 =	vadd.f32 v5, v1;
	v4 =	vadd.f32 v7, v4;
	v5 =	vld [tilespmem:s20+$0xFFFFF1F0]  }
0x66a: {  	v7 =	vld [tilespmem:s20+$0x1F0]  }
0x66b: {  	[tilespmem:s15+$0xFFFFFED0] =	vst v1;
	v1 =	vadd.f32 v3, v6;
	v3 =	vld [tilespmem:s20+$0x11F0]  }
0x66c: {  	v6 =	vld [tilespmem:s20+$0xFFFFF050]  }
0x66d: {  	v9 =	vld [tilespmem:s20+$0x50];
	v1 =	vadd.f32 v1, v4  }
0x66e: {  	v4 =	vld [tilespmem:s20+$0x1050]  }
0x66f: {  	v10 =	vld [tilespmem:s20+$0xFFFFE0D0];
	[tilespmem:s15+$0xFFFFFF50] =	vst v1  }
0x670: {  	v2 =	vadd.f32 v5, v2;
	v1 =	vld [tilespmem:s20+$0xFFFFF0D0];
	v3 =	vadd.f32 v3, v7  }
0x671: {  	v5 =	vadd.f32 v6, v8;
	v6 =	vld [tilespmem:s20+$0xD0]  }
0x672: {  	v7 =	vld [tilespmem:s20+$0x10D0];
	v2 =	vadd.f32 v3, v2  }
0x673: {  	v3 =	vadd.f32 v4, v9;
	v4 =	vld [tilespmem:s20+$0xFFFFE150]  }
0x674: {  	v8 =	vld [tilespmem:s20+$0xFFFFF150];
	[tilespmem:s15+$0x0] =	vst v2  }
0x675: {  	v2 =	vadd.f32 v3, v5;
	v1 =	vadd.f32 v1, v10;
	v3 =	vld [tilespmem:s20+$0x150]  }
0x676: {  	v5 =	vld [tilespmem:s20+$0x1150]  }
0x677: {  	[tilespmem:s15+$0xFFFFFE60] =	vst v2;
	v2 =	vadd.f32 v7, v6;
	v6 =	vld [tilespmem:s9+$0x170]  }
0x678: {  	v7 =	vld [tilespmem:s20+$0xFFFFE060]  }
0x679: {  	v9 =	vld [tilespmem:s20+$0xFFFFF060];
	v1 =	vadd.f32 v2, v1;
	v2 =	vadd.f32 v8, v4  }
0x67a: {  	v4 =	vld [tilespmem:s20+$0x60]  }
0x67b: {  	v8 =	vld [tilespmem:s20+$0x1060];
	[tilespmem:s15+$0xFFFFFEE0] =	vst v1;
	v1 =	vadd.f32 v5, v3  }
0x67c: {  	v3 =	vld [tilespmem:s20+$0xFFFFE0E0]  }
0x67d: {  	v5 =	vld [tilespmem:s20+$0xFFFFF0E0];
	v1 =	vadd.f32 v1, v2  }
0x67e: {  	v2 =	vadd.f32 v9, v7;
	v7 =	vld [tilespmem:s20+$0xE0]  }
0x67f: {  	v9 =	vld [tilespmem:s20+$0x10E0];
	[tilespmem:s15+$0xFFFFFF60] =	vst v1  }
0x680: {  	v1 =	vadd.f32 v8, v4;
	v4 =	vld [tilespmem:s20+$0xFFFFE160]  }
0x681: {  	v8 =	vld [tilespmem:s20+$0xFFFFF160]  }
0x682: {  	v1 =	vadd.f32 v1, v2;
	v2 =	vadd.f32 v5, v3;
	v5 =	vld [tilespmem:s20+$0x160]  }
0x683: {  	v10 =	vld [tilespmem:s20+$0x1160]  }
0x684: {  	[tilespmem:s15+$0xFFFFFE70] =	vst v1;
	v1 =	vadd.f32 v9, v7;
	v7 =	vld [tilespmem:s9+$0x1170];
	s9 =	smov.u32 s20  }
0x685: {  	v9 =	vld [tilespmem:s20+$0xFFFFE070]  }
0x686: {  	v11 =	vld [tilespmem:s20+$0xFFFFF070];
	v2 =	vadd.f32 v1, v2;
	v8 =	vadd.f32 v8, v4  }
0x687: {  	v1 =	vld [tilespmem:s20+$0x70]  }
.Ltmp3:
0x688: {  	v3 =	vld [tilespmem:s20+$0x1070];
	[tilespmem:s15+$0xFFFFFEF0] =	vst v2;
	v5 =	vadd.f32 v10, v5;
	(pc) =	sbr.rel @p0 .LBB2_9-.Ltmp3, $4  }
0x689: {  	v2 =	vld [tilespmem:s20+$0xFFFFE0F0];
	v7 =	vadd.f32 v7, v6  }
0x68a: {  	v4 =	vld [tilespmem:s20+$0xFFFFF0F0];
	v8 =	vadd.f32 v5, v8  }
0x68b: {  	v6 =	vadd.f32 v11, v9;
	v5 =	vld [tilespmem:s20+$0xF0];
	v7 =	vadd.f32 v7, v0  }
0x68c: {  	s20 =	sadd.s32 $0x200, s20;
	v0 =	vld [tilespmem:s9+$0x10F0];
	[tilespmem:s15+$0xFFFFFF70] =	vst v8  }
0x68d: {  	v8 =	vld [tilespmem:s9+$0xFFFFE170]  }
0x68e: {  	v9 =	vld [tilespmem:s9+$0xFFFFF170]  }
0x68f: {  	v10 =	vld [tilespmem:s9+$0x170]  }
0x690: {  	v11 =	vld [tilespmem:s9+$0x1170]  }
0x691: {  	v1 =	vadd.f32 v3, v1;
	_ =	sdelay $0x1  }
0x692: {  	v1 =	vadd.f32 v1, v6  }
0x693: {  	s29 =	sadd.s32 $0x1, s29;
	v2 =	vadd.f32 v4, v2;
	v0 =	vadd.f32 v0, v5  }
0x694: {  	p0 =	sne.s32 s29, $0x23;
	v61 =	vadd.f32 v9, v8;
	v62 =	vadd.f32 v11, v10  }
.Ltmp4:
0x695: {  	[tilespmem:s6+$0xFFFFFF80] =	vst v7;
	v0 =	vadd.f32 v0, v2;
	(pc) =	sbr.rel @p0 .LBB2_2-.Ltmp4, $4  }
0x696: {  	[tilespmem:s15+$0xFFFFFE80] =	vst v1;
	v63 =	vadd.f32 v62, v61  }
0x697: {  	[tilespmem:s15+$0xFFFFFF00] =	vst v0  }
0x698: {  	s0 =	sadd.s32 s0, s8;
	[tilespmem:s15+$0xFFFFFF80] =	vst v63  }
0x699: {  	[hbm4b:s0+s3] =	stream.linear.scatter [tilespmem:s26], [sflag:$0x8], $0x1000, $0x38;
	[tilespmem:$0xC800] =	vst v63  }
0x69a: {  	_ =	swait.ge [sflag:s10], $0x400  }
0x69b: {  	[sflag:s10] =	ssyncset.done $0x0  }
0x69c: {  	s0 =	simm.s32 $0x5;
	[sflag:s10] =	ssyncadd.s32 $0xFFFFFC00  }
0x69d: {  	_ =	swait.ge [sflag:s0], $0x1000  }
0x69e: {  	[sflag:s0] =	ssyncset.done $0x0  }
0x69f: {  	s20 =	simm.s32 $0x6;
	[sflag:s0] =	ssyncadd.s32 $0xFFFFF000  }
0x6a0: {  	_ =	swait.ge [sflag:s20], $0x1000  }
0x6a1: {  	[sflag:s20] =	ssyncset.done $0x0  }
0x6a2: {  	s29 =	simm.s32 $0x7;
	[sflag:s20] =	ssyncadd.s32 $0xFFFFF000  }
0x6a3: {  	_ =	swait.ge [sflag:s29], $0x1000  }
0x6a4: {  	[sflag:s29] =	ssyncset.done $0x0  }
0x6a5: {  	s6 =	simm.s32 $0x8;
	[sflag:s29] =	ssyncadd.s32 $0xFFFFF000  }
0x6a6: {  	_ =	swait.ge [sflag:s6], $0x1000  }
0x6a7: {  	s9 =	rddreg [dreg:$0x6]  }
0x6a8: {  	s31 =	rddreg [dreg:$0x5];
	s9 =	sadd.s32 $0x1, s9  }
0x6a9: {  	p0 =	sne.s32 s9, s31  }
.Ltmp5:
0x6aa: {  	_ = 	snop;
	(pc) =	sbr.rel @p0 .LBB2_1-.Ltmp5, $3  }
0x6ab: {  	_ =	sdelay $0x1  }
0x6ac: {  	[sflag:s6] =	ssyncset.done $0x0  }
0x6ad: {  	[sflag:s6] =	ssyncadd.s32 $0xFFFFF000  }
0x6ae: {  	_ =	sfence.sel $0x180000  }
0x6af: {  	[bflag:$0x0] =	sbarrier.arrive $0xFFFF  }
0x6b0: {  	_ =	strace $0x90000047  }
0x6b1: {  	s0 =	stileid.u32;
	[bflag:$0x2] =	sbarrier.arrive $0xFFFF  }
0x6b2: {  	p0 =	sne.s32 s0, $0x0;
	s0 =	rddreg [dreg:$0x3]  }
0x6b3: {  	s0 =	sadd.s32 @!p0 $0x100000, s0  }
0x6b4: {  	[sflag:s0] =	ssyncadd.tile.s32 @!p0 $0x1;
	_ =	shalt  }
.Lfunc_end2:
_tile_overlayer_lowered:
.L_overlay_start_2:
0x6b5: {  	(tag) =	ssettag $0x2  }
0x6b6: {  	s0 =	rddreg [dreg:$0x0];
	s2 =	stileid.u32  }
0x6b7: {  	s1 =	rddreg [dreg:$0x1];
	p0 =	sne.s32 s2, $0x0  }
0x6b8: {  	s3 =	rddreg [dreg:$0x2];
	[bflag:$0x3] =	sbarrier.arrive $0xFFFF;
	s2 =	simm.s32 @!p0 $0x1C09  }
0x6b9: {  	[timem:s3], [sflag:s2] =	dma.local @!p0 [hbm:s0], s1  }
0x6ba: {  	s0 =	simm.s32 @!p0 $0x9  }
0x6bb: {  	_ =	swait.ge @!p0 [sflag:s0], s1  }
0x6bc: {  	s1 =	ssub.s32 @!p0 $0x0, s1;
	[sflag:s0] =	ssyncset.done @!p0 $0x0  }
0x6bd: {  	[sflag:s0] =	ssyncadd.s32 @!p0 s1  }
0x6be: {  	[bflag:$0x3] =	sbarrier.arrive $0xFFFF  }
0x6bf: {  	_ =	shalt  }

</sc_bundles>
